<compile_context>
chip_gen: v7x
topology: tpu7x:2x2x1
jax: 0.10.2.dev20260603
libtpu: 0.0.44.dev20260713+nightly
codegen_flags: <defaults>
</compile_context>

<pallas_src>
import functools

import jax
import jax.numpy as jnp
from jax import lax
from jax.experimental import pallas as pl
from jax.experimental.pallas import tpu as pltpu
from jax.experimental.pallas import tpu_sc as plsc

MOVIES = 1000000
BATCH = 16384
EMBED_DIM = 64
SUBLANES = 8
TILES = MOVIES // SUBLANES
NUM_CORES = 2
NUM_SUBCORES = 16
NUM_WORKERS = NUM_CORES * NUM_SUBCORES
ROWS_PER_WORKER = BATCH // NUM_WORKERS
LANES = 16
NUM_PASSES = 2
HALF = ROWS_PER_WORKER // NUM_PASSES
HGRP = HALF // LANES


def _body(a_hbm, b_hbm, emb_hbm, out_hbm,
          a_idx, b_idx, a_rows, b_rows, out_v, sem):
    wid = lax.axis_index("s") * NUM_CORES + lax.axis_index("c")
    base = wid * ROWS_PER_WORKER

    pltpu.sync_copy(a_hbm.at[pl.ds(base, ROWS_PER_WORKER)], a_idx)
    pltpu.sync_copy(b_hbm.at[pl.ds(base, ROWS_PER_WORKER)], b_idx)

    lane = lax.iota(jnp.int32, LANES)

    for p in range(NUM_PASSES):
        def fetch(i, carry):
            av = a_idx[pl.ds(p * HALF + i * LANES, LANES)]
            bv = b_idx[pl.ds(p * HALF + i * LANES, LANES)]
            aq = av // SUBLANES
            ar = av % SUBLANES
            bq = bv // SUBLANES
            br = bv % SUBLANES
            for j in range(LANES):
                q = 2 * i + j // SUBLANES
                r = j % SUBLANES
                pltpu.async_copy(emb_hbm.at[aq[j], ar[j]],
                                 a_rows.at[q, r], sem)
                pltpu.async_copy(emb_hbm.at[bq[j], br[j]],
                                 b_rows.at[q, r], sem)
            return carry

        lax.fori_loop(0, HALF // LANES, fetch, 0)
        pltpu.make_async_copy(emb_hbm.at[pl.ds(0, HALF // SUBLANES)],
                              a_rows, sem).wait()
        pltpu.make_async_copy(emb_hbm.at[pl.ds(0, HALF // SUBLANES)],
                              b_rows, sem).wait()

        def group(g, carry):
            sums = jnp.zeros((LANES,), jnp.float32)
            for r16 in range(LANES):
                row = g * LANES + r16
                q = row // SUBLANES
                r = row % SUBLANES
                acc = jnp.zeros((LANES,), jnp.float32)
                for k in range(EMBED_DIM // LANES):
                    sl = pl.ds(k * LANES, LANES)
                    acc = acc + a_rows[q, r, sl] * b_rows[q, r, sl]
                sums = jnp.where(lane == r16, jnp.sum(acc), sums)
            y = 1.0 / (1.0 + jnp.exp(-sums))
            out_v[pl.ds(p * HALF + g * LANES, LANES)] = y
            return carry

        lax.fori_loop(0, HGRP, group, 0)

    pltpu.sync_copy(out_v, out_hbm.at[pl.ds(base, ROWS_PER_WORKER)])


@jax.jit
def _cooc_dssm(a_nid, b_nid, nid_emb):
    emb3 = nid_emb.reshape(TILES, SUBLANES, EMBED_DIM)
    mesh = plsc.VectorSubcoreMesh(core_axis_name="c", subcore_axis_name="s")
    kern = functools.partial(
        pl.kernel,
        mesh=mesh,
        out_type=jax.ShapeDtypeStruct((BATCH,), jnp.float32),
        scratch_types=[
            pltpu.VMEM((ROWS_PER_WORKER,), jnp.int32),
            pltpu.VMEM((ROWS_PER_WORKER,), jnp.int32),
            pltpu.VMEM((HALF // SUBLANES, SUBLANES, EMBED_DIM), jnp.float32),
            pltpu.VMEM((HALF // SUBLANES, SUBLANES, EMBED_DIM), jnp.float32),
            pltpu.VMEM((ROWS_PER_WORKER,), jnp.float32),
            pltpu.SemaphoreType.DMA,
        ],
        compiler_params=pltpu.CompilerParams(
            needs_layout_passes=False, use_tc_tiling_on_sc=True),
    )(_body)
    return kern(a_nid, b_nid, emb3)


def kernel(a_nid, b_nid, nid_emb):
    return _cooc_dssm(a_nid.astype(jnp.int32), b_nid.astype(jnp.int32),
                      nid_emb)

# --- scband reference (transcript-rebuilt; emitter-appended) ---
"""Pipeline reference for scband-cooc-dssm-52501680226604 (READ-ONLY COPY).

The authoritative reference and input builder live on the scoring server;
editing this copy changes nothing except your own understanding.
"""

import jax, jax.numpy as jnp
import numpy as np

MOVIE_COUNT = 1000000
EMBED_DIM = 64
BATCH = 16384

def setup_inputs(seed: int = 0) -> dict:
    key = jax.random.key(seed)
    k1, k2, k3 = jax.random.split(key, 3)
    a_nid = jax.random.randint(k1, (BATCH,), 0, MOVIE_COUNT, dtype=jnp.int64) if jax.config.jax_enable_x64 else jax.random.randint(k1, (BATCH,), 0, MOVIE_COUNT, dtype=jnp.int32)
    b_nid = jax.random.randint(k2, (BATCH,), 0, MOVIE_COUNT, dtype=jnp.int64) if jax.config.jax_enable_x64 else jax.random.randint(k2, (BATCH,), 0, MOVIE_COUNT, dtype=jnp.int32)
    nid_emb = jax.random.normal(k3, (MOVIE_COUNT, EMBED_DIM), dtype=jnp.float32) * 0.02
    return {"a_nid": a_nid, "b_nid": b_nid, "nid_emb": nid_emb}

def reference(a_nid, b_nid, nid_emb):
    a_emb = jnp.take(nid_emb, a_nid, axis=0)
    b_emb = jnp.take(nid_emb, b_nid, axis=0)
    y = (a_emb * b_emb).sum(axis=1)
    y = jax.nn.sigmoid(y)
    return y

if __name__ == "__main__":
    import jax
    _d = setup_inputs()
    print(jax.jit(kernel)(*tuple(_d.values())))

</pallas_src>

<mosaic_0001>
#map = affine_map<(d0, d1) -> (0)>
#map1 = affine_map<(d0, d1) -> (0, 0, 0)>
module attributes {stable_mosaic.version = 14 : i64} {
  func.func @_body(%arg0: i32, %arg1: i32, %arg2: memref<16384xi32, #tpu.memory_space<hbm>>, %arg3: memref<16384xi32, #tpu.memory_space<hbm>>, %arg4: memref<125000x8x64xf32, #tpu.memory_space<hbm>>, %arg5: memref<16384xf32, #tpu.memory_space<hbm>>, %arg6: memref<512xi32, #tpu.memory_space<vmem>>, %arg7: memref<512xi32, #tpu.memory_space<vmem>>, %arg8: memref<32x8x64xf32, #tpu.memory_space<vmem>>, %arg9: memref<32x8x64xf32, #tpu.memory_space<vmem>>, %arg10: memref<512xf32, #tpu.memory_space<vmem>>, %arg11: memref<!tpu.dma_semaphore, #tpu.memory_space<semaphore_mem>>) attributes {dimension_semantics = [#tpu.dimension_semantics<core_parallel>, #tpu.dimension_semantics<subcore_parallel>], iteration_bounds = array<i64: 2, 16>, scalar_prefetch = 0 : i64, scratch_operands = 6 : i64, tpu.core_type = #tpu.core_type<sc_vector_subcore>, window_params = [{transform_indices = #map}, {transform_indices = #map}, {transform_indices = #map1}, {transform_indices = #map}]} {
    %mul3A = arith.constant 2 : i32
    %mul3A_0 = arith.muli %arg1, %mul3A : i32
    %add3A = arith.addi %mul3A_0, %arg0 : i32
    %mul3A_1 = arith.constant 512 : i32
    %mul3A_2 = arith.muli %add3A, %mul3A_1 : i32
    "tpu.region"() ({
      %run_scoped3A = tpu.sem_alloc : memref<!tpu.dma_semaphore, #tpu.memory_space<semaphore_mem>>
      %dma_start3A = tpu.memref_slice %arg2[%mul3A_2] : memref<16384xi32, #tpu.memory_space<hbm>> -> memref<512xi32, #tpu.memory_space<hbm>>
      %dma_start3A_57 = tpu.memref_slice %arg2[%mul3A_2] : memref<16384xi32, #tpu.memory_space<hbm>> -> memref<512xi32, #tpu.memory_space<hbm>>
      tpu.enqueue_dma source(%dma_start3A_57 : memref<512xi32, #tpu.memory_space<hbm>>) target(%arg6 : memref<512xi32, #tpu.memory_space<vmem>>) target_semaphore(%run_scoped3A : memref<!tpu.dma_semaphore, #tpu.memory_space<semaphore_mem>>)
      %dma_wait3A_58 = tpu.memref_slice %arg2[%mul3A_2] : memref<16384xi32, #tpu.memory_space<hbm>> -> memref<512xi32, #tpu.memory_space<hbm>>
      %dma_wait3A_59 = tpu.memref_slice %arg2[%mul3A_2] : memref<16384xi32, #tpu.memory_space<hbm>> -> memref<512xi32, #tpu.memory_space<hbm>>
      tpu.wait_dma2 semaphore(%run_scoped3A : memref<!tpu.dma_semaphore, #tpu.memory_space<semaphore_mem>>) src(%dma_wait3A_59 : memref<512xi32, #tpu.memory_space<hbm>>) dst(%arg6 : memref<512xi32, #tpu.memory_space<vmem>>)
      tpu.yield
    }) : () -> ()
    "tpu.region"() ({
      %run_scoped3A = tpu.sem_alloc : memref<!tpu.dma_semaphore, #tpu.memory_space<semaphore_mem>>
      %dma_start3A = tpu.memref_slice %arg3[%mul3A_2] : memref<16384xi32, #tpu.memory_space<hbm>> -> memref<512xi32, #tpu.memory_space<hbm>>
      %dma_start3A_57 = tpu.memref_slice %arg3[%mul3A_2] : memref<16384xi32, #tpu.memory_space<hbm>> -> memref<512xi32, #tpu.memory_space<hbm>>
      tpu.enqueue_dma source(%dma_start3A_57 : memref<512xi32, #tpu.memory_space<hbm>>) target(%arg7 : memref<512xi32, #tpu.memory_space<vmem>>) target_semaphore(%run_scoped3A : memref<!tpu.dma_semaphore, #tpu.memory_space<semaphore_mem>>)
      %dma_wait3A_58 = tpu.memref_slice %arg3[%mul3A_2] : memref<16384xi32, #tpu.memory_space<hbm>> -> memref<512xi32, #tpu.memory_space<hbm>>
      %dma_wait3A_59 = tpu.memref_slice %arg3[%mul3A_2] : memref<16384xi32, #tpu.memory_space<hbm>> -> memref<512xi32, #tpu.memory_space<hbm>>
      tpu.wait_dma2 semaphore(%run_scoped3A : memref<!tpu.dma_semaphore, #tpu.memory_space<semaphore_mem>>) src(%dma_wait3A_59 : memref<512xi32, #tpu.memory_space<hbm>>) dst(%arg7 : memref<512xi32, #tpu.memory_space<vmem>>)
      tpu.yield
    }) : () -> ()
    %iota3A = tpu.iota {dimensions = array<i32: 0>} : vector<16xi32>
    %scan3A = arith.constant 0 : i32
    %scan3A_3 = arith.constant 0 : i32
    %scan3A_4 = arith.constant 16 : i32
    %scan3A_5 = arith.addi %scan3A_3, %scan3A_4 : i32
    %scan3A_6 = arith.constant 1 : i32
    scf.for %scan3A_57 = %scan3A_3 to %scan3A_5 step %scan3A_6  : i32 {
      %mul3A_58 = arith.constant 16 : i32
      %mul3A_59 = arith.muli %scan3A_57, %mul3A_58 : i32
      %add3A_60 = arith.constant 0 : i32
      %add3A_61 = arith.addi %add3A_60, %mul3A_59 : i32
      %get3A = arith.index_cast %add3A_61 : i32 to index
      %get3A_62 = tpu.vector_load %arg6[%get3A] {strides = array<i32>} : memref<512xi32, #tpu.memory_space<vmem>>, vector<16xi32>,
      %mul3A_63 = arith.constant 16 : i32
      %mul3A_64 = arith.muli %scan3A_57, %mul3A_63 : i32
      %add3A_65 = arith.constant 0 : i32
      %add3A_66 = arith.addi %add3A_65, %mul3A_64 : i32
      %get3A_67 = arith.index_cast %add3A_66 : i32 to index
      %get3A_68 = tpu.vector_load %arg7[%get3A_67] {strides = array<i32>} : memref<512xi32, #tpu.memory_space<vmem>>, vector<16xi32>,
      %jit3A = arith.constant 8 : i32
      %div3A = vector.broadcast %jit3A : i32 to vector<16xi32>
      %div3A_69 = arith.divsi %get3A_62, %div3A : vector<16xi32>
      %sign3A = arith.constant 0 : i32
      %sign3A_70 = vector.broadcast %sign3A : i32 to vector<16xi32>
      %sign3A_71 = arith.cmpi sgt, %get3A_62, %sign3A_70 : vector<16xi32>
      %sign3A_72 = arith.extui %sign3A_71 : vector<16xi1> to vector<16xi32>
      %sign3A_73 = arith.constant 0 : i32
      %sign3A_74 = vector.broadcast %sign3A_73 : i32 to vector<16xi32>
      %sign3A_75 = arith.cmpi slt, %get3A_62, %sign3A_74 : vector<16xi32>
      %sign3A_76 = arith.extui %sign3A_75 : vector<16xi1> to vector<16xi32>
      %sign3A_77 = arith.subi %sign3A_72, %sign3A_76 : vector<16xi32>
      %sign3A_78 = arith.constant 0 : i32
      %sign3A_79 = arith.cmpi sgt, %jit3A, %sign3A_78 : i32
      %sign3A_80 = arith.extui %sign3A_79 : i1 to i32
      %sign3A_81 = arith.constant 0 : i32
      %sign3A_82 = arith.cmpi slt, %jit3A, %sign3A_81 : i32
      %sign3A_83 = arith.extui %sign3A_82 : i1 to i32
      %sign3A_84 = arith.subi %sign3A_80, %sign3A_83 : i32
      %ne3A = vector.broadcast %sign3A_84 : i32 to vector<16xi32>
      %ne3A_85 = arith.cmpi ne, %sign3A_77, %ne3A : vector<16xi32>
      %rem3A = vector.broadcast %jit3A : i32 to vector<16xi32>
      %rem3A_86 = arith.remsi %get3A_62, %rem3A : vector<16xi32>
      %ne3A_87 = arith.constant 0 : i32
      %ne3A_88 = vector.broadcast %ne3A_87 : i32 to vector<16xi32>
      %ne3A_89 = arith.cmpi ne, %rem3A_86, %ne3A_88 : vector<16xi32>
      %and3A = arith.andi %ne3A_85, %ne3A_89 : vector<16xi1>
      %sub3A = arith.constant 1 : i32
      %sub3A_90 = vector.broadcast %sub3A : i32 to vector<16xi32>
      %sub3A_91 = arith.subi %div3A_69, %sub3A_90 : vector<16xi32>
      %select_n3A = arith.select %and3A, %sub3A_91, %div3A_69 : vector<16xi1>, vector<16xi32>
      %jit3A_92 = arith.constant 8 : i32
      %eq3A = arith.constant 0 : i32
      %eq3A_93 = arith.cmpi eq, %jit3A_92, %eq3A : i32
      %jit3A_94 = arith.constant 1 : i32
      %select_n3A_95 = arith.select %eq3A_93, %jit3A_94, %jit3A_92 : i32
      %rem3A_96 = vector.broadcast %select_n3A_95 : i32 to vector<16xi32>
      %rem3A_97 = arith.remsi %get3A_62, %rem3A_96 : vector<16xi32>
      %ne3A_98 = arith.constant 0 : i32
      %ne3A_99 = vector.broadcast %ne3A_98 : i32 to vector<16xi32>
      %ne3A_100 = arith.cmpi ne, %rem3A_97, %ne3A_99 : vector<16xi32>
      %lt3A = arith.constant 0 : i32
      %lt3A_101 = vector.broadcast %lt3A : i32 to vector<16xi32>
      %lt3A_102 = arith.cmpi slt, %rem3A_97, %lt3A_101 : vector<16xi32>
      %lt3A_103 = arith.constant 0 : i32
      %lt3A_104 = arith.cmpi slt, %select_n3A_95, %lt3A_103 : i32
      %ne3A_105 = vector.broadcast %lt3A_104 : i1 to vector<16xi1>
      %ne3A_106 = vector.broadcast %ne3A_105 : vector<16xi1> to vector<16xi1>
      %ne3A_107 = arith.xori %lt3A_102, %ne3A_106 : vector<16xi1>
      %and3A_108 = arith.andi %ne3A_107, %ne3A_100 : vector<16xi1>
      %add3A_109 = vector.broadcast %select_n3A_95 : i32 to vector<16xi32>
      %add3A_110 = arith.addi %rem3A_97, %add3A_109 : vector<16xi32>
      %select_n3A_111 = arith.select %and3A_108, %add3A_110, %rem3A_97 : vector<16xi1>, vector<16xi32>
      %jit3A_112 = arith.constant 8 : i32
      %div3A_113 = vector.broadcast %jit3A_112 : i32 to vector<16xi32>
      %div3A_114 = arith.divsi %get3A_68, %div3A_113 : vector<16xi32>
      %sign3A_115 = arith.constant 0 : i32
      %sign3A_116 = vector.broadcast %sign3A_115 : i32 to vector<16xi32>
      %sign3A_117 = arith.cmpi sgt, %get3A_68, %sign3A_116 : vector<16xi32>
      %sign3A_118 = arith.extui %sign3A_117 : vector<16xi1> to vector<16xi32>
      %sign3A_119 = arith.constant 0 : i32
      %sign3A_120 = vector.broadcast %sign3A_119 : i32 to vector<16xi32>
      %sign3A_121 = arith.cmpi slt, %get3A_68, %sign3A_120 : vector<16xi32>
      %sign3A_122 = arith.extui %sign3A_121 : vector<16xi1> to vector<16xi32>
      %sign3A_123 = arith.subi %sign3A_118, %sign3A_122 : vector<16xi32>
      %sign3A_124 = arith.constant 0 : i32
      %sign3A_125 = arith.cmpi sgt, %jit3A_112, %sign3A_124 : i32
      %sign3A_126 = arith.extui %sign3A_125 : i1 to i32
      %sign3A_127 = arith.constant 0 : i32
      %sign3A_128 = arith.cmpi slt, %jit3A_112, %sign3A_127 : i32
      %sign3A_129 = arith.extui %sign3A_128 : i1 to i32
      %sign3A_130 = arith.subi %sign3A_126, %sign3A_129 : i32
      %ne3A_131 = vector.broadcast %sign3A_130 : i32 to vector<16xi32>
      %ne3A_132 = arith.cmpi ne, %sign3A_123, %ne3A_131 : vector<16xi32>
      %rem3A_133 = vector.broadcast %jit3A_112 : i32 to vector<16xi32>
      %rem3A_134 = arith.remsi %get3A_68, %rem3A_133 : vector<16xi32>
      %ne3A_135 = arith.constant 0 : i32
      %ne3A_136 = vector.broadcast %ne3A_135 : i32 to vector<16xi32>
      %ne3A_137 = arith.cmpi ne, %rem3A_134, %ne3A_136 : vector<16xi32>
      %and3A_138 = arith.andi %ne3A_132, %ne3A_137 : vector<16xi1>
      %sub3A_139 = arith.constant 1 : i32
      %sub3A_140 = vector.broadcast %sub3A_139 : i32 to vector<16xi32>
      %sub3A_141 = arith.subi %div3A_114, %sub3A_140 : vector<16xi32>
      %select_n3A_142 = arith.select %and3A_138, %sub3A_141, %div3A_114 : vector<16xi1>, vector<16xi32>
      %jit3A_143 = arith.constant 8 : i32
      %eq3A_144 = arith.constant 0 : i32
      %eq3A_145 = arith.cmpi eq, %jit3A_143, %eq3A_144 : i32
      %jit3A_146 = arith.constant 1 : i32
      %select_n3A_147 = arith.select %eq3A_145, %jit3A_146, %jit3A_143 : i32
      %rem3A_148 = vector.broadcast %select_n3A_147 : i32 to vector<16xi32>
      %rem3A_149 = arith.remsi %get3A_68, %rem3A_148 : vector<16xi32>
      %ne3A_150 = arith.constant 0 : i32
      %ne3A_151 = vector.broadcast %ne3A_150 : i32 to vector<16xi32>
      %ne3A_152 = arith.cmpi ne, %rem3A_149, %ne3A_151 : vector<16xi32>
      %lt3A_153 = arith.constant 0 : i32
      %lt3A_154 = vector.broadcast %lt3A_153 : i32 to vector<16xi32>
      %lt3A_155 = arith.cmpi slt, %rem3A_149, %lt3A_154 : vector<16xi32>
      %lt3A_156 = arith.constant 0 : i32
      %lt3A_157 = arith.cmpi slt, %select_n3A_147, %lt3A_156 : i32
      %ne3A_158 = vector.broadcast %lt3A_157 : i1 to vector<16xi1>
      %ne3A_159 = vector.broadcast %ne3A_158 : vector<16xi1> to vector<16xi1>
      %ne3A_160 = arith.xori %lt3A_155, %ne3A_159 : vector<16xi1>
      %and3A_161 = arith.andi %ne3A_160, %ne3A_152 : vector<16xi1>
      %add3A_162 = vector.broadcast %select_n3A_147 : i32 to vector<16xi32>
      %add3A_163 = arith.addi %rem3A_149, %add3A_162 : vector<16xi32>
      %select_n3A_164 = arith.select %and3A_161, %add3A_163, %rem3A_149 : vector<16xi1>, vector<16xi32>
      %mul3A_165 = arith.constant 2 : i32
      %mul3A_166 = arith.muli %mul3A_165, %scan3A_57 : i32
      %add3A_167 = arith.constant 0 : i32
      %add3A_168 = arith.addi %mul3A_166, %add3A_167 : i32
      %slice3A = vector.extract_strided_slice %select_n3A {offsets = [0], sizes = [1], strides = [1]} : vector<16xi32> to vector<1xi32>
      %squeeze3A = vector.extract %slice3A[0] : i32 from vector<1xi32>
      %slice3A_169 = vector.extract_strided_slice %select_n3A_111 {offsets = [0], sizes = [1], strides = [1]} : vector<16xi32> to vector<1xi32>
      %squeeze3A_170 = vector.extract %slice3A_169[0] : i32 from vector<1xi32>
      %dma_start3A = arith.constant 0 : i32
      %dma_start3A_171 = arith.constant 0 : i32
      %dma_start3A_172 = tpu.memref_slice %arg8[%add3A_168, %dma_start3A, %dma_start3A_171] : memref<32x8x64xf32, #tpu.memory_space<vmem>> -> memref<1x1x64xf32, #tpu.memory_space<vmem>>
      %dma_start3A_173 = tpu.memref_squeeze %dma_start3A_172 : memref<1x1x64xf32, #tpu.memory_space<vmem>> -> memref<64xf32, #tpu.memory_space<vmem>>
      %dma_start3A_174 = arith.constant 0 : i32
      %dma_start3A_175 = tpu.memref_slice %arg4[%squeeze3A, %squeeze3A_170, %dma_start3A_174] : memref<125000x8x64xf32, #tpu.memory_space<hbm>> -> memref<1x1x64xf32, #tpu.memory_space<hbm>>
      %dma_start3A_176 = tpu.memref_squeeze %dma_start3A_175 : memref<1x1x64xf32, #tpu.memory_space<hbm>> -> memref<64xf32, #tpu.memory_space<hbm>>
      %dma_start3A_177 = arith.constant 0 : i32
      %dma_start3A_178 = tpu.memref_slice %arg8[%add3A_168, %dma_start3A, %dma_start3A_177] : memref<32x8x64xf32, #tpu.memory_space<vmem>> -> memref<1x1x64xf32, #tpu.memory_space<vmem>>
      %dma_start3A_179 = tpu.memref_squeeze %dma_start3A_178 : memref<1x1x64xf32, #tpu.memory_space<vmem>> -> memref<64xf32, #tpu.memory_space<vmem>>
      %dma_start3A_180 = arith.constant 0 : i32
      %dma_start3A_181 = tpu.memref_slice %arg4[%squeeze3A, %squeeze3A_170, %dma_start3A_180] : memref<125000x8x64xf32, #tpu.memory_space<hbm>> -> memref<1x1x64xf32, #tpu.memory_space<hbm>>
      %dma_start3A_182 = tpu.memref_squeeze %dma_start3A_181 : memref<1x1x64xf32, #tpu.memory_space<hbm>> -> memref<64xf32, #tpu.memory_space<hbm>>
      tpu.enqueue_dma source(%dma_start3A_182 : memref<64xf32, #tpu.memory_space<hbm>>) target(%dma_start3A_179 : memref<64xf32, #tpu.memory_space<vmem>>) target_semaphore(%arg11 : memref<!tpu.dma_semaphore, #tpu.memory_space<semaphore_mem>>)
      %slice3A_183 = vector.extract_strided_slice %select_n3A_142 {offsets = [0], sizes = [1], strides = [1]} : vector<16xi32> to vector<1xi32>
      %squeeze3A_184 = vector.extract %slice3A_183[0] : i32 from vector<1xi32>
      %slice3A_185 = vector.extract_strided_slice %select_n3A_164 {offsets = [0], sizes = [1], strides = [1]} : vector<16xi32> to vector<1xi32>
      %squeeze3A_186 = vector.extract %slice3A_185[0] : i32 from vector<1xi32>
      %dma_start3A_187 = arith.constant 0 : i32
      %dma_start3A_188 = arith.constant 0 : i32
      %dma_start3A_189 = tpu.memref_slice %arg9[%add3A_168, %dma_start3A_187, %dma_start3A_188] : memref<32x8x64xf32, #tpu.memory_space<vmem>> -> memref<1x1x64xf32, #tpu.memory_space<vmem>>
      %dma_start3A_190 = tpu.memref_squeeze %dma_start3A_189 : memref<1x1x64xf32, #tpu.memory_space<vmem>> -> memref<64xf32, #tpu.memory_space<vmem>>
      %dma_start3A_191 = arith.constant 0 : i32
      %dma_start3A_192 = tpu.memref_slice %arg4[%squeeze3A_184, %squeeze3A_186, %dma_start3A_191] : memref<125000x8x64xf32, #tpu.memory_space<hbm>> -> memref<1x1x64xf32, #tpu.memory_space<hbm>>
      %dma_start3A_193 = tpu.memref_squeeze %dma_start3A_192 : memref<1x1x64xf32, #tpu.memory_space<hbm>> -> memref<64xf32, #tpu.memory_space<hbm>>
      %dma_start3A_194 = arith.constant 0 : i32
      %dma_start3A_195 = tpu.memref_slice %arg9[%add3A_168, %dma_start3A_187, %dma_start3A_194] : memref<32x8x64xf32, #tpu.memory_space<vmem>> -> memref<1x1x64xf32, #tpu.memory_space<vmem>>
      %dma_start3A_196 = tpu.memref_squeeze %dma_start3A_195 : memref<1x1x64xf32, #tpu.memory_space<vmem>> -> memref<64xf32, #tpu.memory_space<vmem>>
      %dma_start3A_197 = arith.constant 0 : i32
      %dma_start3A_198 = tpu.memref_slice %arg4[%squeeze3A_184, %squeeze3A_186, %dma_start3A_197] : memref<125000x8x64xf32, #tpu.memory_space<hbm>> -> memref<1x1x64xf32, #tpu.memory_space<hbm>>
      %dma_start3A_199 = tpu.memref_squeeze %dma_start3A_198 : memref<1x1x64xf32, #tpu.memory_space<hbm>> -> memref<64xf32, #tpu.memory_space<hbm>>
      tpu.enqueue_dma source(%dma_start3A_199 : memref<64xf32, #tpu.memory_space<hbm>>) target(%dma_start3A_196 : memref<64xf32, #tpu.memory_space<vmem>>) target_semaphore(%arg11 : memref<!tpu.dma_semaphore, #tpu.memory_space<semaphore_mem>>)
      %mul3A_200 = arith.constant 2 : i32
      %mul3A_201 = arith.muli %mul3A_200, %scan3A_57 : i32
      %add3A_202 = arith.constant 0 : i32
      %add3A_203 = arith.addi %mul3A_201, %add3A_202 : i32
      %slice3A_204 = vector.extract_strided_slice %select_n3A {offsets = [1], sizes = [1], strides = [1]} : vector<16xi32> to vector<1xi32>
      %squeeze3A_205 = vector.extract %slice3A_204[0] : i32 from vector<1xi32>
      %slice3A_206 = vector.extract_strided_slice %select_n3A_111 {offsets = [1], sizes = [1], strides = [1]} : vector<16xi32> to vector<1xi32>
      %squeeze3A_207 = vector.extract %slice3A_206[0] : i32 from vector<1xi32>
      %dma_start3A_208 = arith.constant 1 : i32
      %dma_start3A_209 = arith.constant 0 : i32
      %dma_start3A_210 = tpu.memref_slice %arg8[%add3A_203, %dma_start3A_208, %dma_start3A_209] : memref<32x8x64xf32, #tpu.memory_space<vmem>> -> memref<1x1x64xf32, #tpu.memory_space<vmem>>
      %dma_start3A_211 = tpu.memref_squeeze %dma_start3A_210 : memref<1x1x64xf32, #tpu.memory_space<vmem>> -> memref<64xf32, #tpu.memory_space<vmem>>
      %dma_start3A_212 = arith.constant 0 : i32
      %dma_start3A_213 = tpu.memref_slice %arg4[%squeeze3A_205, %squeeze3A_207, %dma_start3A_212] : memref<125000x8x64xf32, #tpu.memory_space<hbm>> -> memref<1x1x64xf32, #tpu.memory_space<hbm>>
      %dma_start3A_214 = tpu.memref_squeeze %dma_start3A_213 : memref<1x1x64xf32, #tpu.memory_space<hbm>> -> memref<64xf32, #tpu.memory_space<hbm>>
      %dma_start3A_215 = arith.constant 0 : i32
      %dma_start3A_216 = tpu.memref_slice %arg8[%add3A_203, %dma_start3A_208, %dma_start3A_215] : memref<32x8x64xf32, #tpu.memory_space<vmem>> -> memref<1x1x64xf32, #tpu.memory_space<vmem>>
      %dma_start3A_217 = tpu.memref_squeeze %dma_start3A_216 : memref<1x1x64xf32, #tpu.memory_space<vmem>> -> memref<64xf32, #tpu.memory_space<vmem>>
      %dma_start3A_218 = arith.constant 0 : i32
      %dma_start3A_219 = tpu.memref_slice %arg4[%squeeze3A_205, %squeeze3A_207, %dma_start3A_218] : memref<125000x8x64xf32, #tpu.memory_space<hbm>> -> memref<1x1x64xf32, #tpu.memory_space<hbm>>
      %dma_start3A_220 = tpu.memref_squeeze %dma_start3A_219 : memref<1x1x64xf32, #tpu.memory_space<hbm>> -> memref<64xf32, #tpu.memory_space<hbm>>
      tpu.enqueue_dma source(%dma_start3A_220 : memref<64xf32, #tpu.memory_space<hbm>>) target(%dma_start3A_217 : memref<64xf32, #tpu.memory_space<vmem>>) target_semaphore(%arg11 : memref<!tpu.dma_semaphore, #tpu.memory_space<semaphore_mem>>)
      %slice3A_221 = vector.extract_strided_slice %select_n3A_142 {offsets = [1], sizes = [1], strides = [1]} : vector<16xi32> to vector<1xi32>
      %squeeze3A_222 = vector.extract %slice3A_221[0] : i32 from vector<1xi32>
      %slice3A_223 = vector.extract_strided_slice %select_n3A_164 {offsets = [1], sizes = [1], strides = [1]} : vector<16xi32> to vector<1xi32>
      %squeeze3A_224 = vector.extract %slice3A_223[0] : i32 from vector<1xi32>
      %dma_start3A_225 = arith.constant 1 : i32
      %dma_start3A_226 = arith.constant 0 : i32
      %dma_start3A_227 = tpu.memref_slice %arg9[%add3A_203, %dma_start3A_225, %dma_start3A_226] : memref<32x8x64xf32, #tpu.memory_space<vmem>> -> memref<1x1x64xf32, #tpu.memory_space<vmem>>
      %dma_start3A_228 = tpu.memref_squeeze %dma_start3A_227 : memref<1x1x64xf32, #tpu.memory_space<vmem>> -> memref<64xf32, #tpu.memory_space<vmem>>
      %dma_start3A_229 = arith.constant 0 : i32
      %dma_start3A_230 = tpu.memref_slice %arg4[%squeeze3A_222, %squeeze3A_224, %dma_start3A_229] : memref<125000x8x64xf32, #tpu.memory_space<hbm>> -> memref<1x1x64xf32, #tpu.memory_space<hbm>>
      %dma_start3A_231 = tpu.memref_squeeze %dma_start3A_230 : memref<1x1x64xf32, #tpu.memory_space<hbm>> -> memref<64xf32, #tpu.memory_space<hbm>>
      %dma_start3A_232 = arith.constant 0 : i32
      %dma_start3A_233 = tpu.memref_slice %arg9[%add3A_203, %dma_start3A_225, %dma_start3A_232] : memref<32x8x64xf32, #tpu.memory_space<vmem>> -> memref<1x1x64xf32, #tpu.memory_space<vmem>>
      %dma_start3A_234 = tpu.memref_squeeze %dma_start3A_233 : memref<1x1x64xf32, #tpu.memory_space<vmem>> -> memref<64xf32, #tpu.memory_space<vmem>>
      %dma_start3A_235 = arith.constant 0 : i32
      %dma_start3A_236 = tpu.memref_slice %arg4[%squeeze3A_222, %squeeze3A_224, %dma_start3A_235] : memref<125000x8x64xf32, #tpu.memory_space<hbm>> -> memref<1x1x64xf32, #tpu.memory_space<hbm>>
      %dma_start3A_237 = tpu.memref_squeeze %dma_start3A_236 : memref<1x1x64xf32, #tpu.memory_space<hbm>> -> memref<64xf32, #tpu.memory_space<hbm>>
      tpu.enqueue_dma source(%dma_start3A_237 : memref<64xf32, #tpu.memory_space<hbm>>) target(%dma_start3A_234 : memref<64xf32, #tpu.memory_space<vmem>>) target_semaphore(%arg11 : memref<!tpu.dma_semaphore, #tpu.memory_space<semaphore_mem>>)
      %mul3A_238 = arith.constant 2 : i32
      %mul3A_239 = arith.muli %mul3A_238, %scan3A_57 : i32
      %add3A_240 = arith.constant 0 : i32
      %add3A_241 = arith.addi %mul3A_239, %add3A_240 : i32
      %slice3A_242 = vector.extract_strided_slice %select_n3A {offsets = [2], sizes = [1], strides = [1]} : vector<16xi32> to vector<1xi32>
      %squeeze3A_243 = vector.extract %slice3A_242[0] : i32 from vector<1xi32>
      %slice3A_244 = vector.extract_strided_slice %select_n3A_111 {offsets = [2], sizes = [1], strides = [1]} : vector<16xi32> to vector<1xi32>
      %squeeze3A_245 = vector.extract %slice3A_244[0] : i32 from vector<1xi32>
      %dma_start3A_246 = arith.constant 2 : i32
      %dma_start3A_247 = arith.constant 0 : i32
      %dma_start3A_248 = tpu.memref_slice %arg8[%add3A_241, %dma_start3A_246, %dma_start3A_247] : memref<32x8x64xf32, #tpu.memory_space<vmem>> -> memref<1x1x64xf32, #tpu.memory_space<vmem>>
      %dma_start3A_249 = tpu.memref_squeeze %dma_start3A_248 : memref<1x1x64xf32, #tpu.memory_space<vmem>> -> memref<64xf32, #tpu.memory_space<vmem>>
      %dma_start3A_250 = arith.constant 0 : i32
      %dma_start3A_251 = tpu.memref_slice %arg4[%squeeze3A_243, %squeeze3A_245, %dma_start3A_250] : memref<125000x8x64xf32, #tpu.memory_space<hbm>> -> memref<1x1x64xf32, #tpu.memory_space<hbm>>
      %dma_start3A_252 = tpu.memref_squeeze %dma_start3A_251 : memref<1x1x64xf32, #tpu.memory_space<hbm>> -> memref<64xf32, #tpu.memory_space<hbm>>
      %dma_start3A_253 = arith.constant 0 : i32
      %dma_start3A_254 = tpu.memref_slice %arg8[%add3A_241, %dma_start3A_246, %dma_start3A_253] : memref<32x8x64xf32, #tpu.memory_space<vmem>> -> memref<1x1x64xf32, #tpu.memory_space<vmem>>
      %dma_start3A_255 = tpu.memref_squeeze %dma_start3A_254 : memref<1x1x64xf32, #tpu.memory_space<vmem>> -> memref<64xf32, #tpu.memory_space<vmem>>
      %dma_start3A_256 = arith.constant 0 : i32
      %dma_start3A_257 = tpu.memref_slice %arg4[%squeeze3A_243, %squeeze3A_245, %dma_start3A_256] : memref<125000x8x64xf32, #tpu.memory_space<hbm>> -> memref<1x1x64xf32, #tpu.memory_space<hbm>>
      %dma_start3A_258 = tpu.memref_squeeze %dma_start3A_257 : memref<1x1x64xf32, #tpu.memory_space<hbm>> -> memref<64xf32, #tpu.memory_space<hbm>>
      tpu.enqueue_dma source(%dma_start3A_258 : memref<64xf32, #tpu.memory_space<hbm>>) target(%dma_start3A_255 : memref<64xf32, #tpu.memory_space<vmem>>) target_semaphore(%arg11 : memref<!tpu.dma_semaphore, #tpu.memory_space<semaphore_mem>>)
      %slice3A_259 = vector.extract_strided_slice %select_n3A_142 {offsets = [2], sizes = [1], strides = [1]} : vector<16xi32> to vector<1xi32>
      %squeeze3A_260 = vector.extract %slice3A_259[0] : i32 from vector<1xi32>
      %slice3A_261 = vector.extract_strided_slice %select_n3A_164 {offsets = [2], sizes = [1], strides = [1]} : vector<16xi32> to vector<1xi32>
      %squeeze3A_262 = vector.extract %slice3A_261[0] : i32 from vector<1xi32>
      %dma_start3A_263 = arith.constant 2 : i32
      %dma_start3A_264 = arith.constant 0 : i32
      %dma_start3A_265 = tpu.memref_slice %arg9[%add3A_241, %dma_start3A_263, %dma_start3A_264] : memref<32x8x64xf32, #tpu.memory_space<vmem>> -> memref<1x1x64xf32, #tpu.memory_space<vmem>>
      %dma_start3A_266 = tpu.memref_squeeze %dma_start3A_265 : memref<1x1x64xf32, #tpu.memory_space<vmem>> -> memref<64xf32, #tpu.memory_space<vmem>>
      %dma_start3A_267 = arith.constant 0 : i32
      %dma_start3A_268 = tpu.memref_slice %arg4[%squeeze3A_260, %squeeze3A_262, %dma_start3A_267] : memref<125000x8x64xf32, #tpu.memory_space<hbm>> -> memref<1x1x64xf32, #tpu.memory_space<hbm>>
      %dma_start3A_269 = tpu.memref_squeeze %dma_start3A_268 : memref<1x1x64xf32, #tpu.memory_space<hbm>> -> memref<64xf32, #tpu.memory_space<hbm>>
      %dma_start3A_270 = arith.constant 0 : i32
      %dma_start3A_271 = tpu.memref_slice %arg9[%add3A_241, %dma_start3A_263, %dma_start3A_270] : memref<32x8x64xf32, #tpu.memory_space<vmem>> -> memref<1x1x64xf32, #tpu.memory_space<vmem>>
      %dma_start3A_272 = tpu.memref_squeeze %dma_start3A_271 : memref<1x1x64xf32, #tpu.memory_space<vmem>> -> memref<64xf32, #tpu.memory_space<vmem>>
      %dma_start3A_273 = arith.constant 0 : i32
      %dma_start3A_274 = tpu.memref_slice %arg4[%squeeze3A_260, %squeeze3A_262, %dma_start3A_273] : memref<125000x8x64xf32, #tpu.memory_space<hbm>> -> memref<1x1x64xf32, #tpu.memory_space<hbm>>
      %dma_start3A_275 = tpu.memref_squeeze %dma_start3A_274 : memref<1x1x64xf32, #tpu.memory_space<hbm>> -> memref<64xf32, #tpu.memory_space<hbm>>
      tpu.enqueue_dma source(%dma_start3A_275 : memref<64xf32, #tpu.memory_space<hbm>>) target(%dma_start3A_272 : memref<64xf32, #tpu.memory_space<vmem>>) target_semaphore(%arg11 : memref<!tpu.dma_semaphore, #tpu.memory_space<semaphore_mem>>)
      %mul3A_276 = arith.constant 2 : i32
      %mul3A_277 = arith.muli %mul3A_276, %scan3A_57 : i32
      %add3A_278 = arith.constant 0 : i32
      %add3A_279 = arith.addi %mul3A_277, %add3A_278 : i32
      %slice3A_280 = vector.extract_strided_slice %select_n3A {offsets = [3], sizes = [1], strides = [1]} : vector<16xi32> to vector<1xi32>
      %squeeze3A_281 = vector.extract %slice3A_280[0] : i32 from vector<1xi32>
      %slice3A_282 = vector.extract_strided_slice %select_n3A_111 {offsets = [3], sizes = [1], strides = [1]} : vector<16xi32> to vector<1xi32>
      %squeeze3A_283 = vector.extract %slice3A_282[0] : i32 from vector<1xi32>
      %dma_start3A_284 = arith.constant 3 : i32
      %dma_start3A_285 = arith.constant 0 : i32
      %dma_start3A_286 = tpu.memref_slice %arg8[%add3A_279, %dma_start3A_284, %dma_start3A_285] : memref<32x8x64xf32, #tpu.memory_space<vmem>> -> memref<1x1x64xf32, #tpu.memory_space<vmem>>
      %dma_start3A_287 = tpu.memref_squeeze %dma_start3A_286 : memref<1x1x64xf32, #tpu.memory_space<vmem>> -> memref<64xf32, #tpu.memory_space<vmem>>
      %dma_start3A_288 = arith.constant 0 : i32
      %dma_start3A_289 = tpu.memref_slice %arg4[%squeeze3A_281, %squeeze3A_283, %dma_start3A_288] : memref<125000x8x64xf32, #tpu.memory_space<hbm>> -> memref<1x1x64xf32, #tpu.memory_space<hbm>>
      %dma_start3A_290 = tpu.memref_squeeze %dma_start3A_289 : memref<1x1x64xf32, #tpu.memory_space<hbm>> -> memref<64xf32, #tpu.memory_space<hbm>>
      %dma_start3A_291 = arith.constant 0 : i32
      %dma_start3A_292 = tpu.memref_slice %arg8[%add3A_279, %dma_start3A_284, %dma_start3A_291] : memref<32x8x64xf32, #tpu.memory_space<vmem>> -> memref<1x1x64xf32, #tpu.memory_space<vmem>>
      %dma_start3A_293 = tpu.memref_squeeze %dma_start3A_292 : memref<1x1x64xf32, #tpu.memory_space<vmem>> -> memref<64xf32, #tpu.memory_space<vmem>>
      %dma_start3A_294 = arith.constant 0 : i32
      %dma_start3A_295 = tpu.memref_slice %arg4[%squeeze3A_281, %squeeze3A_283, %dma_start3A_294] : memref<125000x8x64xf32, #tpu.memory_space<hbm>> -> memref<1x1x64xf32, #tpu.memory_space<hbm>>
      %dma_start3A_296 = tpu.memref_squeeze %dma_start3A_295 : memref<1x1x64xf32, #tpu.memory_space<hbm>> -> memref<64xf32, #tpu.memory_space<hbm>>
      tpu.enqueue_dma source(%dma_start3A_296 : memref<64xf32, #tpu.memory_space<hbm>>) target(%dma_start3A_293 : memref<64xf32, #tpu.memory_space<vmem>>) target_semaphore(%arg11 : memref<!tpu.dma_semaphore, #tpu.memory_space<semaphore_mem>>)
      %slice3A_297 = vector.extract_strided_slice %select_n3A_142 {offsets = [3], sizes = [1], strides = [1]} : vector<16xi32> to vector<1xi32>
      %squeeze3A_298 = vector.extract %slice3A_297[0] : i32 from vector<1xi32>
      %slice3A_299 = vector.extract_strided_slice %select_n3A_164 {offsets = [3], sizes = [1], strides = [1]} : vector<16xi32> to vector<1xi32>
      %squeeze3A_300 = vector.extract %slice3A_299[0] : i32 from vector<1xi32>
      %dma_start3A_301 = arith.constant 3 : i32
      %dma_start3A_302 = arith.constant 0 : i32
      %dma_start3A_303 = tpu.memref_slice %arg9[%add3A_279, %dma_start3A_301, %dma_start3A_302] : memref<32x8x64xf32, #tpu.memory_space<vmem>> -> memref<1x1x64xf32, #tpu.memory_space<vmem>>
      %dma_start3A_304 = tpu.memref_squeeze %dma_start3A_303 : memref<1x1x64xf32, #tpu.memory_space<vmem>> -> memref<64xf32, #tpu.memory_space<vmem>>
      %dma_start3A_305 = arith.constant 0 : i32
      %dma_start3A_306 = tpu.memref_slice %arg4[%squeeze3A_298, %squeeze3A_300, %dma_start3A_305] : memref<125000x8x64xf32, #tpu.memory_space<hbm>> -> memref<1x1x64xf32, #tpu.memory_space<hbm>>
      %dma_start3A_307 = tpu.memref_squeeze %dma_start3A_306 : memref<1x1x64xf32, #tpu.memory_space<hbm>> -> memref<64xf32, #tpu.memory_space<hbm>>
      %dma_start3A_308 = arith.constant 0 : i32
      %dma_start3A_309 = tpu.memref_slice %arg9[%add3A_279, %dma_start3A_301, %dma_start3A_308] : memref<32x8x64xf32, #tpu.memory_space<vmem>> -> memref<1x1x64xf32, #tpu.memory_space<vmem>>
      %dma_start3A_310 = tpu.memref_squeeze %dma_start3A_309 : memref<1x1x64xf32, #tpu.memory_space<vmem>> -> memref<64xf32, #tpu.memory_space<vmem>>
      %dma_start3A_311 = arith.constant 0 : i32
      %dma_start3A_312 = tpu.memref_slice %arg4[%squeeze3A_298, %squeeze3A_300, %dma_start3A_311] : memref<125000x8x64xf32, #tpu.memory_space<hbm>> -> memref<1x1x64xf32, #tpu.memory_space<hbm>>
      %dma_start3A_313 = tpu.memref_squeeze %dma_start3A_312 : memref<1x1x64xf32, #tpu.memory_space<hbm>> -> memref<64xf32, #tpu.memory_space<hbm>>
      tpu.enqueue_dma source(%dma_start3A_313 : memref<64xf32, #tpu.memory_space<hbm>>) target(%dma_start3A_310 : memref<64xf32, #tpu.memory_space<vmem>>) target_semaphore(%arg11 : memref<!tpu.dma_semaphore, #tpu.memory_space<semaphore_mem>>)
      %mul3A_314 = arith.constant 2 : i32
      %mul3A_315 = arith.muli %mul3A_314, %scan3A_57 : i32
      %add3A_316 = arith.constant 0 : i32
      %add3A_317 = arith.addi %mul3A_315, %add3A_316 : i32
      %slice3A_318 = vector.extract_strided_slice %select_n3A {offsets = [4], sizes = [1], strides = [1]} : vector<16xi32> to vector<1xi32>
      %squeeze3A_319 = vector.extract %slice3A_318[0] : i32 from vector<1xi32>
      %slice3A_320 = vector.extract_strided_slice %select_n3A_111 {offsets = [4], sizes = [1], strides = [1]} : vector<16xi32> to vector<1xi32>
      %squeeze3A_321 = vector.extract %slice3A_320[0] : i32 from vector<1xi32>
      %dma_start3A_322 = arith.constant 4 : i32
      %dma_start3A_323 = arith.constant 0 : i32
      %dma_start3A_324 = tpu.memref_slice %arg8[%add3A_317, %dma_start3A_322, %dma_start3A_323] : memref<32x8x64xf32, #tpu.memory_space<vmem>> -> memref<1x1x64xf32, #tpu.memory_space<vmem>>
      %dma_start3A_325 = tpu.memref_squeeze %dma_start3A_324 : memref<1x1x64xf32, #tpu.memory_space<vmem>> -> memref<64xf32, #tpu.memory_space<vmem>>
      %dma_start3A_326 = arith.constant 0 : i32
      %dma_start3A_327 = tpu.memref_slice %arg4[%squeeze3A_319, %squeeze3A_321, %dma_start3A_326] : memref<125000x8x64xf32, #tpu.memory_space<hbm>> -> memref<1x1x64xf32, #tpu.memory_space<hbm>>
      %dma_start3A_328 = tpu.memref_squeeze %dma_start3A_327 : memref<1x1x64xf32, #tpu.memory_space<hbm>> -> memref<64xf32, #tpu.memory_space<hbm>>
      %dma_start3A_329 = arith.constant 0 : i32
      %dma_start3A_330 = tpu.memref_slice %arg8[%add3A_317, %dma_start3A_322, %dma_start3A_329] : memref<32x8x64xf32, #tpu.memory_space<vmem>> -> memref<1x1x64xf32, #tpu.memory_space<vmem>>
      %dma_start3A_331 = tpu.memref_squeeze %dma_start3A_330 : memref<1x1x64xf32, #tpu.memory_space<vmem>> -> memref<64xf32, #tpu.memory_space<vmem>>
      %dma_start3A_332 = arith.constant 0 : i32
      %dma_start3A_333 = tpu.memref_slice %arg4[%squeeze3A_319, %squeeze3A_321, %dma_start3A_332] : memref<125000x8x64xf32, #tpu.memory_space<hbm>> -> memref<1x1x64xf32, #tpu.memory_space<hbm>>
      %dma_start3A_334 = tpu.memref_squeeze %dma_start3A_333 : memref<1x1x64xf32, #tpu.memory_space<hbm>> -> memref<64xf32, #tpu.memory_space<hbm>>
      tpu.enqueue_dma source(%dma_start3A_334 : memref<64xf32, #tpu.memory_space<hbm>>) target(%dma_start3A_331 : memref<64xf32, #tpu.memory_space<vmem>>) target_semaphore(%arg11 : memref<!tpu.dma_semaphore, #tpu.memory_space<semaphore_mem>>)
      %slice3A_335 = vector.extract_strided_slice %select_n3A_142 {offsets = [4], sizes = [1], strides = [1]} : vector<16xi32> to vector<1xi32>
      %squeeze3A_336 = vector.extract %slice3A_335[0] : i32 from vector<1xi32>
      %slice3A_337 = vector.extract_strided_slice %select_n3A_164 {offsets = [4], sizes = [1], strides = [1]} : vector<16xi32> to vector<1xi32>
      %squeeze3A_338 = vector.extract %slice3A_337[0] : i32 from vector<1xi32>
      %dma_start3A_339 = arith.constant 4 : i32
      %dma_start3A_340 = arith.constant 0 : i32
      %dma_start3A_341 = tpu.memref_slice %arg9[%add3A_317, %dma_start3A_339, %dma_start3A_340] : memref<32x8x64xf32, #tpu.memory_space<vmem>> -> memref<1x1x64xf32, #tpu.memory_space<vmem>>
      %dma_start3A_342 = tpu.memref_squeeze %dma_start3A_341 : memref<1x1x64xf32, #tpu.memory_space<vmem>> -> memref<64xf32, #tpu.memory_space<vmem>>
      %dma_start3A_343 = arith.constant 0 : i32
      %dma_start3A_344 = tpu.memref_slice %arg4[%squeeze3A_336, %squeeze3A_338, %dma_start3A_343] : memref<125000x8x64xf32, #tpu.memory_space<hbm>> -> memref<1x1x64xf32, #tpu.memory_space<hbm>>
      %dma_start3A_345 = tpu.memref_squeeze %dma_start3A_344 : memref<1x1x64xf32, #tpu.memory_space<hbm>> -> memref<64xf32, #tpu.memory_space<hbm>>
      %dma_start3A_346 = arith.constant 0 : i32
      %dma_start3A_347 = tpu.memref_slice %arg9[%add3A_317, %dma_start3A_339, %dma_start3A_346] : memref<32x8x64xf32, #tpu.memory_space<vmem>> -> memref<1x1x64xf32, #tpu.memory_space<vmem>>
      %dma_start3A_348 = tpu.memref_squeeze %dma_start3A_347 : memref<1x1x64xf32, #tpu.memory_space<vmem>> -> memref<64xf32, #tpu.memory_space<vmem>>
      %dma_start3A_349 = arith.constant 0 : i32
      %dma_start3A_350 = tpu.memref_slice %arg4[%squeeze3A_336, %squeeze3A_338, %dma_start3A_349] : memref<125000x8x64xf32, #tpu.memory_space<hbm>> -> memref<1x1x64xf32, #tpu.memory_space<hbm>>
      %dma_start3A_351 = tpu.memref_squeeze %dma_start3A_350 : memref<1x1x64xf32, #tpu.memory_space<hbm>> -> memref<64xf32, #tpu.memory_space<hbm>>
      tpu.enqueue_dma source(%dma_start3A_351 : memref<64xf32, #tpu.memory_space<hbm>>) target(%dma_start3A_348 : memref<64xf32, #tpu.memory_space<vmem>>) target_semaphore(%arg11 : memref<!tpu.dma_semaphore, #tpu.memory_space<semaphore_mem>>)
      %mul3A_352 = arith.constant 2 : i32
      %mul3A_353 = arith.muli %mul3A_352, %scan3A_57 : i32
      %add3A_354 = arith.constant 0 : i32
      %add3A_355 = arith.addi %mul3A_353, %add3A_354 : i32
      %slice3A_356 = vector.extract_strided_slice %select_n3A {offsets = [5], sizes = [1], strides = [1]} : vector<16xi32> to vector<1xi32>
      %squeeze3A_357 = vector.extract %slice3A_356[0] : i32 from vector<1xi32>
      %slice3A_358 = vector.extract_strided_slice %select_n3A_111 {offsets = [5], sizes = [1], strides = [1]} : vector<16xi32> to vector<1xi32>
      %squeeze3A_359 = vector.extract %slice3A_358[0] : i32 from vector<1xi32>
      %dma_start3A_360 = arith.constant 5 : i32
      %dma_start3A_361 = arith.constant 0 : i32
      %dma_start3A_362 = tpu.memref_slice %arg8[%add3A_355, %dma_start3A_360, %dma_start3A_361] : memref<32x8x64xf32, #tpu.memory_space<vmem>> -> memref<1x1x64xf32, #tpu.memory_space<vmem>>
      %dma_start3A_363 = tpu.memref_squeeze %dma_start3A_362 : memref<1x1x64xf32, #tpu.memory_space<vmem>> -> memref<64xf32, #tpu.memory_space<vmem>>
      %dma_start3A_364 = arith.constant 0 : i32
      %dma_start3A_365 = tpu.memref_slice %arg4[%squeeze3A_357, %squeeze3A_359, %dma_start3A_364] : memref<125000x8x64xf32, #tpu.memory_space<hbm>> -> memref<1x1x64xf32, #tpu.memory_space<hbm>>
      %dma_start3A_366 = tpu.memref_squeeze %dma_start3A_365 : memref<1x1x64xf32, #tpu.memory_space<hbm>> -> memref<64xf32, #tpu.memory_space<hbm>>
      %dma_start3A_367 = arith.constant 0 : i32
      %dma_start3A_368 = tpu.memref_slice %arg8[%add3A_355, %dma_start3A_360, %dma_start3A_367] : memref<32x8x64xf32, #tpu.memory_space<vmem>> -> memref<1x1x64xf32, #tpu.memory_space<vmem>>
      %dma_start3A_369 = tpu.memref_squeeze %dma_start3A_368 : memref<1x1x64xf32, #tpu.memory_space<vmem>> -> memref<64xf32, #tpu.memory_space<vmem>>
      %dma_start3A_370 = arith.constant 0 : i32
      %dma_start3A_371 = tpu.memref_slice %arg4[%squeeze3A_357, %squeeze3A_359, %dma_start3A_370] : memref<125000x8x64xf32, #tpu.memory_space<hbm>> -> memref<1x1x64xf32, #tpu.memory_space<hbm>>
      %dma_start3A_372 = tpu.memref_squeeze %dma_start3A_371 : memref<1x1x64xf32, #tpu.memory_space<hbm>> -> memref<64xf32, #tpu.memory_space<hbm>>
      tpu.enqueue_dma source(%dma_start3A_372 : memref<64xf32, #tpu.memory_space<hbm>>) target(%dma_start3A_369 : memref<64xf32, #tpu.memory_space<vmem>>) target_semaphore(%arg11 : memref<!tpu.dma_semaphore, #tpu.memory_space<semaphore_mem>>)
      %slice3A_373 = vector.extract_strided_slice %select_n3A_142 {offsets = [5], sizes = [1], strides = [1]} : vector<16xi32> to vector<1xi32>
      %squeeze3A_374 = vector.extract %slice3A_373[0] : i32 from vector<1xi32>
      %slice3A_375 = vector.extract_strided_slice %select_n3A_164 {offsets = [5], sizes = [1], strides = [1]} : vector<16xi32> to vector<1xi32>
      %squeeze3A_376 = vector.extract %slice3A_375[0] : i32 from vector<1xi32>
      %dma_start3A_377 = arith.constant 5 : i32
      %dma_start3A_378 = arith.constant 0 : i32
      %dma_start3A_379 = tpu.memref_slice %arg9[%add3A_355, %dma_start3A_377, %dma_start3A_378] : memref<32x8x64xf32, #tpu.memory_space<vmem>> -> memref<1x1x64xf32, #tpu.memory_space<vmem>>
      %dma_start3A_380 = tpu.memref_squeeze %dma_start3A_379 : memref<1x1x64xf32, #tpu.memory_space<vmem>> -> memref<64xf32, #tpu.memory_space<vmem>>
      %dma_start3A_381 = arith.constant 0 : i32
      %dma_start3A_382 = tpu.memref_slice %arg4[%squeeze3A_374, %squeeze3A_376, %dma_start3A_381] : memref<125000x8x64xf32, #tpu.memory_space<hbm>> -> memref<1x1x64xf32, #tpu.memory_space<hbm>>
      %dma_start3A_383 = tpu.memref_squeeze %dma_start3A_382 : memref<1x1x64xf32, #tpu.memory_space<hbm>> -> memref<64xf32, #tpu.memory_space<hbm>>
      %dma_start3A_384 = arith.constant 0 : i32
      %dma_start3A_385 = tpu.memref_slice %arg9[%add3A_355, %dma_start3A_377, %dma_start3A_384] : memref<32x8x64xf32, #tpu.memory_space<vmem>> -> memref<1x1x64xf32, #tpu.memory_space<vmem>>
      %dma_start3A_386 = tpu.memref_squeeze %dma_start3A_385 : memref<1x1x64xf32, #tpu.memory_space<vmem>> -> memref<64xf32, #tpu.memory_space<vmem>>
      %dma_start3A_387 = arith.constant 0 : i32
      %dma_start3A_388 = tpu.memref_slice %arg4[%squeeze3A_374, %squeeze3A_376, %dma_start3A_387] : memref<125000x8x64xf32, #tpu.memory_space<hbm>> -> memref<1x1x64xf32, #tpu.memory_space<hbm>>
      %dma_start3A_389 = tpu.memref_squeeze %dma_start3A_388 : memref<1x1x64xf32, #tpu.memory_space<hbm>> -> memref<64xf32, #tpu.memory_space<hbm>>
      tpu.enqueue_dma source(%dma_start3A_389 : memref<64xf32, #tpu.memory_space<hbm>>) target(%dma_start3A_386 : memref<64xf32, #tpu.memory_space<vmem>>) target_semaphore(%arg11 : memref<!tpu.dma_semaphore, #tpu.memory_space<semaphore_mem>>)
      %mul3A_390 = arith.constant 2 : i32
      %mul3A_391 = arith.muli %mul3A_390, %scan3A_57 : i32
      %add3A_392 = arith.constant 0 : i32
      %add3A_393 = arith.addi %mul3A_391, %add3A_392 : i32
      %slice3A_394 = vector.extract_strided_slice %select_n3A {offsets = [6], sizes = [1], strides = [1]} : vector<16xi32> to vector<1xi32>
      %squeeze3A_395 = vector.extract %slice3A_394[0] : i32 from vector<1xi32>
      %slice3A_396 = vector.extract_strided_slice %select_n3A_111 {offsets = [6], sizes = [1], strides = [1]} : vector<16xi32> to vector<1xi32>
      %squeeze3A_397 = vector.extract %slice3A_396[0] : i32 from vector<1xi32>
      %dma_start3A_398 = arith.constant 6 : i32
      %dma_start3A_399 = arith.constant 0 : i32
      %dma_start3A_400 = tpu.memref_slice %arg8[%add3A_393, %dma_start3A_398, %dma_start3A_399] : memref<32x8x64xf32, #tpu.memory_space<vmem>> -> memref<1x1x64xf32, #tpu.memory_space<vmem>>
      %dma_start3A_401 = tpu.memref_squeeze %dma_start3A_400 : memref<1x1x64xf32, #tpu.memory_space<vmem>> -> memref<64xf32, #tpu.memory_space<vmem>>
      %dma_start3A_402 = arith.constant 0 : i32
      %dma_start3A_403 = tpu.memref_slice %arg4[%squeeze3A_395, %squeeze3A_397, %dma_start3A_402] : memref<125000x8x64xf32, #tpu.memory_space<hbm>> -> memref<1x1x64xf32, #tpu.memory_space<hbm>>
      %dma_start3A_404 = tpu.memref_squeeze %dma_start3A_403 : memref<1x1x64xf32, #tpu.memory_space<hbm>> -> memref<64xf32, #tpu.memory_space<hbm>>
      %dma_start3A_405 = arith.constant 0 : i32
      %dma_start3A_406 = tpu.memref_slice %arg8[%add3A_393, %dma_start3A_398, %dma_start3A_405] : memref<32x8x64xf32, #tpu.memory_space<vmem>> -> memref<1x1x64xf32, #tpu.memory_space<vmem>>
      %dma_start3A_407 = tpu.memref_squeeze %dma_start3A_406 : memref<1x1x64xf32, #tpu.memory_space<vmem>> -> memref<64xf32, #tpu.memory_space<vmem>>
      %dma_start3A_408 = arith.constant 0 : i32
      %dma_start3A_409 = tpu.memref_slice %arg4[%squeeze3A_395, %squeeze3A_397, %dma_start3A_408] : memref<125000x8x64xf32, #tpu.memory_space<hbm>> -> memref<1x1x64xf32, #tpu.memory_space<hbm>>
      %dma_start3A_410 = tpu.memref_squeeze %dma_start3A_409 : memref<1x1x64xf32, #tpu.memory_space<hbm>> -> memref<64xf32, #tpu.memory_space<hbm>>
      tpu.enqueue_dma source(%dma_start3A_410 : memref<64xf32, #tpu.memory_space<hbm>>) target(%dma_start3A_407 : memref<64xf32, #tpu.memory_space<vmem>>) target_semaphore(%arg11 : memref<!tpu.dma_semaphore, #tpu.memory_space<semaphore_mem>>)
      %slice3A_411 = vector.extract_strided_slice %select_n3A_142 {offsets = [6], sizes = [1], strides = [1]} : vector<16xi32> to vector<1xi32>
      %squeeze3A_412 = vector.extract %slice3A_411[0] : i32 from vector<1xi32>
      %slice3A_413 = vector.extract_strided_slice %select_n3A_164 {offsets = [6], sizes = [1], strides = [1]} : vector<16xi32> to vector<1xi32>
      %squeeze3A_414 = vector.extract %slice3A_413[0] : i32 from vector<1xi32>
      %dma_start3A_415 = arith.constant 6 : i32
      %dma_start3A_416 = arith.constant 0 : i32
      %dma_start3A_417 = tpu.memref_slice %arg9[%add3A_393, %dma_start3A_415, %dma_start3A_416] : memref<32x8x64xf32, #tpu.memory_space<vmem>> -> memref<1x1x64xf32, #tpu.memory_space<vmem>>
      %dma_start3A_418 = tpu.memref_squeeze %dma_start3A_417 : memref<1x1x64xf32, #tpu.memory_space<vmem>> -> memref<64xf32, #tpu.memory_space<vmem>>
      %dma_start3A_419 = arith.constant 0 : i32
      %dma_start3A_420 = tpu.memref_slice %arg4[%squeeze3A_412, %squeeze3A_414, %dma_start3A_419] : memref<125000x8x64xf32, #tpu.memory_space<hbm>> -> memref<1x1x64xf32, #tpu.memory_space<hbm>>
      %dma_start3A_421 = tpu.memref_squeeze %dma_start3A_420 : memref<1x1x64xf32, #tpu.memory_space<hbm>> -> memref<64xf32, #tpu.memory_space<hbm>>
      %dma_start3A_422 = arith.constant 0 : i32
      %dma_start3A_423 = tpu.memref_slice %arg9[%add3A_393, %dma_start3A_415, %dma_start3A_422] : memref<32x8x64xf32, #tpu.memory_space<vmem>> -> memref<1x1x64xf32, #tpu.memory_space<vmem>>
      %dma_start3A_424 = tpu.memref_squeeze %dma_start3A_423 : memref<1x1x64xf32, #tpu.memory_space<vmem>> -> memref<64xf32, #tpu.memory_space<vmem>>
      %dma_start3A_425 = arith.constant 0 : i32
      %dma_start3A_426 = tpu.memref_slice %arg4[%squeeze3A_412, %squeeze3A_414, %dma_start3A_425] : memref<125000x8x64xf32, #tpu.memory_space<hbm>> -> memref<1x1x64xf32, #tpu.memory_space<hbm>>
      %dma_start3A_427 = tpu.memref_squeeze %dma_start3A_426 : memref<1x1x64xf32, #tpu.memory_space<hbm>> -> memref<64xf32, #tpu.memory_space<hbm>>
      tpu.enqueue_dma source(%dma_start3A_427 : memref<64xf32, #tpu.memory_space<hbm>>) target(%dma_start3A_424 : memref<64xf32, #tpu.memory_space<vmem>>) target_semaphore(%arg11 : memref<!tpu.dma_semaphore, #tpu.memory_space<semaphore_mem>>)
      %mul3A_428 = arith.constant 2 : i32
      %mul3A_429 = arith.muli %mul3A_428, %scan3A_57 : i32
      %add3A_430 = arith.constant 0 : i32
      %add3A_431 = arith.addi %mul3A_429, %add3A_430 : i32
      %slice3A_432 = vector.extract_strided_slice %select_n3A {offsets = [7], sizes = [1], strides = [1]} : vector<16xi32> to vector<1xi32>
      %squeeze3A_433 = vector.extract %slice3A_432[0] : i32 from vector<1xi32>
      %slice3A_434 = vector.extract_strided_slice %select_n3A_111 {offsets = [7], sizes = [1], strides = [1]} : vector<16xi32> to vector<1xi32>
      %squeeze3A_435 = vector.extract %slice3A_434[0] : i32 from vector<1xi32>
      %dma_start3A_436 = arith.constant 7 : i32
      %dma_start3A_437 = arith.constant 0 : i32
      %dma_start3A_438 = tpu.memref_slice %arg8[%add3A_431, %dma_start3A_436, %dma_start3A_437] : memref<32x8x64xf32, #tpu.memory_space<vmem>> -> memref<1x1x64xf32, #tpu.memory_space<vmem>>
      %dma_start3A_439 = tpu.memref_squeeze %dma_start3A_438 : memref<1x1x64xf32, #tpu.memory_space<vmem>> -> memref<64xf32, #tpu.memory_space<vmem>>
      %dma_start3A_440 = arith.constant 0 : i32
      %dma_start3A_441 = tpu.memref_slice %arg4[%squeeze3A_433, %squeeze3A_435, %dma_start3A_440] : memref<125000x8x64xf32, #tpu.memory_space<hbm>> -> memref<1x1x64xf32, #tpu.memory_space<hbm>>
      %dma_start3A_442 = tpu.memref_squeeze %dma_start3A_441 : memref<1x1x64xf32, #tpu.memory_space<hbm>> -> memref<64xf32, #tpu.memory_space<hbm>>
      %dma_start3A_443 = arith.constant 0 : i32
      %dma_start3A_444 = tpu.memref_slice %arg8[%add3A_431, %dma_start3A_436, %dma_start3A_443] : memref<32x8x64xf32, #tpu.memory_space<vmem>> -> memref<1x1x64xf32, #tpu.memory_space<vmem>>
      %dma_start3A_445 = tpu.memref_squeeze %dma_start3A_444 : memref<1x1x64xf32, #tpu.memory_space<vmem>> -> memref<64xf32, #tpu.memory_space<vmem>>
      %dma_start3A_446 = arith.constant 0 : i32
      %dma_start3A_447 = tpu.memref_slice %arg4[%squeeze3A_433, %squeeze3A_435, %dma_start3A_446] : memref<125000x8x64xf32, #tpu.memory_space<hbm>> -> memref<1x1x64xf32, #tpu.memory_space<hbm>>
      %dma_start3A_448 = tpu.memref_squeeze %dma_start3A_447 : memref<1x1x64xf32, #tpu.memory_space<hbm>> -> memref<64xf32, #tpu.memory_space<hbm>>
      tpu.enqueue_dma source(%dma_start3A_448 : memref<64xf32, #tpu.memory_space<hbm>>) target(%dma_start3A_445 : memref<64xf32, #tpu.memory_space<vmem>>) target_semaphore(%arg11 : memref<!tpu.dma_semaphore, #tpu.memory_space<semaphore_mem>>)
      %slice3A_449 = vector.extract_strided_slice %select_n3A_142 {offsets = [7], sizes = [1], strides = [1]} : vector<16xi32> to vector<1xi32>
      %squeeze3A_450 = vector.extract %slice3A_449[0] : i32 from vector<1xi32>
      %slice3A_451 = vector.extract_strided_slice %select_n3A_164 {offsets = [7], sizes = [1], strides = [1]} : vector<16xi32> to vector<1xi32>
      %squeeze3A_452 = vector.extract %slice3A_451[0] : i32 from vector<1xi32>
      %dma_start3A_453 = arith.constant 7 : i32
      %dma_start3A_454 = arith.constant 0 : i32
      %dma_start3A_455 = tpu.memref_slice %arg9[%add3A_431, %dma_start3A_453, %dma_start3A_454] : memref<32x8x64xf32, #tpu.memory_space<vmem>> -> memref<1x1x64xf32, #tpu.memory_space<vmem>>
      %dma_start3A_456 = tpu.memref_squeeze %dma_start3A_455 : memref<1x1x64xf32, #tpu.memory_space<vmem>> -> memref<64xf32, #tpu.memory_space<vmem>>
      %dma_start3A_457 = arith.constant 0 : i32
      %dma_start3A_458 = tpu.memref_slice %arg4[%squeeze3A_450, %squeeze3A_452, %dma_start3A_457] : memref<125000x8x64xf32, #tpu.memory_space<hbm>> -> memref<1x1x64xf32, #tpu.memory_space<hbm>>
      %dma_start3A_459 = tpu.memref_squeeze %dma_start3A_458 : memref<1x1x64xf32, #tpu.memory_space<hbm>> -> memref<64xf32, #tpu.memory_space<hbm>>
      %dma_start3A_460 = arith.constant 0 : i32
      %dma_start3A_461 = tpu.memref_slice %arg9[%add3A_431, %dma_start3A_453, %dma_start3A_460] : memref<32x8x64xf32, #tpu.memory_space<vmem>> -> memref<1x1x64xf32, #tpu.memory_space<vmem>>
      %dma_start3A_462 = tpu.memref_squeeze %dma_start3A_461 : memref<1x1x64xf32, #tpu.memory_space<vmem>> -> memref<64xf32, #tpu.memory_space<vmem>>
      %dma_start3A_463 = arith.constant 0 : i32
      %dma_start3A_464 = tpu.memref_slice %arg4[%squeeze3A_450, %squeeze3A_452, %dma_start3A_463] : memref<125000x8x64xf32, #tpu.memory_space<hbm>> -> memref<1x1x64xf32, #tpu.memory_space<hbm>>
      %dma_start3A_465 = tpu.memref_squeeze %dma_start3A_464 : memref<1x1x64xf32, #tpu.memory_space<hbm>> -> memref<64xf32, #tpu.memory_space<hbm>>
      tpu.enqueue_dma source(%dma_start3A_465 : memref<64xf32, #tpu.memory_space<hbm>>) target(%dma_start3A_462 : memref<64xf32, #tpu.memory_space<vmem>>) target_semaphore(%arg11 : memref<!tpu.dma_semaphore, #tpu.memory_space<semaphore_mem>>)
      %mul3A_466 = arith.constant 2 : i32
      %mul3A_467 = arith.muli %mul3A_466, %scan3A_57 : i32
      %add3A_468 = arith.constant 1 : i32
      %add3A_469 = arith.addi %mul3A_467, %add3A_468 : i32
      %slice3A_470 = vector.extract_strided_slice %select_n3A {offsets = [8], sizes = [1], strides = [1]} : vector<16xi32> to vector<1xi32>
      %squeeze3A_471 = vector.extract %slice3A_470[0] : i32 from vector<1xi32>
      %slice3A_472 = vector.extract_strided_slice %select_n3A_111 {offsets = [8], sizes = [1], strides = [1]} : vector<16xi32> to vector<1xi32>
      %squeeze3A_473 = vector.extract %slice3A_472[0] : i32 from vector<1xi32>
      %dma_start3A_474 = arith.constant 0 : i32
      %dma_start3A_475 = arith.constant 0 : i32
      %dma_start3A_476 = tpu.memref_slice %arg8[%add3A_469, %dma_start3A_474, %dma_start3A_475] : memref<32x8x64xf32, #tpu.memory_space<vmem>> -> memref<1x1x64xf32, #tpu.memory_space<vmem>>
      %dma_start3A_477 = tpu.memref_squeeze %dma_start3A_476 : memref<1x1x64xf32, #tpu.memory_space<vmem>> -> memref<64xf32, #tpu.memory_space<vmem>>
      %dma_start3A_478 = arith.constant 0 : i32
      %dma_start3A_479 = tpu.memref_slice %arg4[%squeeze3A_471, %squeeze3A_473, %dma_start3A_478] : memref<125000x8x64xf32, #tpu.memory_space<hbm>> -> memref<1x1x64xf32, #tpu.memory_space<hbm>>
      %dma_start3A_480 = tpu.memref_squeeze %dma_start3A_479 : memref<1x1x64xf32, #tpu.memory_space<hbm>> -> memref<64xf32, #tpu.memory_space<hbm>>
      %dma_start3A_481 = arith.constant 0 : i32
      %dma_start3A_482 = tpu.memref_slice %arg8[%add3A_469, %dma_start3A_474, %dma_start3A_481] : memref<32x8x64xf32, #tpu.memory_space<vmem>> -> memref<1x1x64xf32, #tpu.memory_space<vmem>>
      %dma_start3A_483 = tpu.memref_squeeze %dma_start3A_482 : memref<1x1x64xf32, #tpu.memory_space<vmem>> -> memref<64xf32, #tpu.memory_space<vmem>>
      %dma_start3A_484 = arith.constant 0 : i32
      %dma_start3A_485 = tpu.memref_slice %arg4[%squeeze3A_471, %squeeze3A_473, %dma_start3A_484] : memref<125000x8x64xf32, #tpu.memory_space<hbm>> -> memref<1x1x64xf32, #tpu.memory_space<hbm>>
      %dma_start3A_486 = tpu.memref_squeeze %dma_start3A_485 : memref<1x1x64xf32, #tpu.memory_space<hbm>> -> memref<64xf32, #tpu.memory_space<hbm>>
      tpu.enqueue_dma source(%dma_start3A_486 : memref<64xf32, #tpu.memory_space<hbm>>) target(%dma_start3A_483 : memref<64xf32, #tpu.memory_space<vmem>>) target_semaphore(%arg11 : memref<!tpu.dma_semaphore, #tpu.memory_space<semaphore_mem>>)
      %slice3A_487 = vector.extract_strided_slice %select_n3A_142 {offsets = [8], sizes = [1], strides = [1]} : vector<16xi32> to vector<1xi32>
      %squeeze3A_488 = vector.extract %slice3A_487[0] : i32 from vector<1xi32>
      %slice3A_489 = vector.extract_strided_slice %select_n3A_164 {offsets = [8], sizes = [1], strides = [1]} : vector<16xi32> to vector<1xi32>
      %squeeze3A_490 = vector.extract %slice3A_489[0] : i32 from vector<1xi32>
      %dma_start3A_491 = arith.constant 0 : i32
      %dma_start3A_492 = arith.constant 0 : i32
      %dma_start3A_493 = tpu.memref_slice %arg9[%add3A_469, %dma_start3A_491, %dma_start3A_492] : memref<32x8x64xf32, #tpu.memory_space<vmem>> -> memref<1x1x64xf32, #tpu.memory_space<vmem>>
      %dma_start3A_494 = tpu.memref_squeeze %dma_start3A_493 : memref<1x1x64xf32, #tpu.memory_space<vmem>> -> memref<64xf32, #tpu.memory_space<vmem>>
      %dma_start3A_495 = arith.constant 0 : i32
      %dma_start3A_496 = tpu.memref_slice %arg4[%squeeze3A_488, %squeeze3A_490, %dma_start3A_495] : memref<125000x8x64xf32, #tpu.memory_space<hbm>> -> memref<1x1x64xf32, #tpu.memory_space<hbm>>
      %dma_start3A_497 = tpu.memref_squeeze %dma_start3A_496 : memref<1x1x64xf32, #tpu.memory_space<hbm>> -> memref<64xf32, #tpu.memory_space<hbm>>
      %dma_start3A_498 = arith.constant 0 : i32
      %dma_start3A_499 = tpu.memref_slice %arg9[%add3A_469, %dma_start3A_491, %dma_start3A_498] : memref<32x8x64xf32, #tpu.memory_space<vmem>> -> memref<1x1x64xf32, #tpu.memory_space<vmem>>
      %dma_start3A_500 = tpu.memref_squeeze %dma_start3A_499 : memref<1x1x64xf32, #tpu.memory_space<vmem>> -> memref<64xf32, #tpu.memory_space<vmem>>
      %dma_start3A_501 = arith.constant 0 : i32
      %dma_start3A_502 = tpu.memref_slice %arg4[%squeeze3A_488, %squeeze3A_490, %dma_start3A_501] : memref<125000x8x64xf32, #tpu.memory_space<hbm>> -> memref<1x1x64xf32, #tpu.memory_space<hbm>>
      %dma_start3A_503 = tpu.memref_squeeze %dma_start3A_502 : memref<1x1x64xf32, #tpu.memory_space<hbm>> -> memref<64xf32, #tpu.memory_space<hbm>>
      tpu.enqueue_dma source(%dma_start3A_503 : memref<64xf32, #tpu.memory_space<hbm>>) target(%dma_start3A_500 : memref<64xf32, #tpu.memory_space<vmem>>) target_semaphore(%arg11 : memref<!tpu.dma_semaphore, #tpu.memory_space<semaphore_mem>>)
      %mul3A_504 = arith.constant 2 : i32
      %mul3A_505 = arith.muli %mul3A_504, %scan3A_57 : i32
      %add3A_506 = arith.constant 1 : i32
      %add3A_507 = arith.addi %mul3A_505, %add3A_506 : i32
      %slice3A_508 = vector.extract_strided_slice %select_n3A {offsets = [9], sizes = [1], strides = [1]} : vector<16xi32> to vector<1xi32>
      %squeeze3A_509 = vector.extract %slice3A_508[0] : i32 from vector<1xi32>
      %slice3A_510 = vector.extract_strided_slice %select_n3A_111 {offsets = [9], sizes = [1], strides = [1]} : vector<16xi32> to vector<1xi32>
      %squeeze3A_511 = vector.extract %slice3A_510[0] : i32 from vector<1xi32>
      %dma_start3A_512 = arith.constant 1 : i32
      %dma_start3A_513 = arith.constant 0 : i32
      %dma_start3A_514 = tpu.memref_slice %arg8[%add3A_507, %dma_start3A_512, %dma_start3A_513] : memref<32x8x64xf32, #tpu.memory_space<vmem>> -> memref<1x1x64xf32, #tpu.memory_space<vmem>>
      %dma_start3A_515 = tpu.memref_squeeze %dma_start3A_514 : memref<1x1x64xf32, #tpu.memory_space<vmem>> -> memref<64xf32, #tpu.memory_space<vmem>>
      %dma_start3A_516 = arith.constant 0 : i32
      %dma_start3A_517 = tpu.memref_slice %arg4[%squeeze3A_509, %squeeze3A_511, %dma_start3A_516] : memref<125000x8x64xf32, #tpu.memory_space<hbm>> -> memref<1x1x64xf32, #tpu.memory_space<hbm>>
      %dma_start3A_518 = tpu.memref_squeeze %dma_start3A_517 : memref<1x1x64xf32, #tpu.memory_space<hbm>> -> memref<64xf32, #tpu.memory_space<hbm>>
      %dma_start3A_519 = arith.constant 0 : i32
      %dma_start3A_520 = tpu.memref_slice %arg8[%add3A_507, %dma_start3A_512, %dma_start3A_519] : memref<32x8x64xf32, #tpu.memory_space<vmem>> -> memref<1x1x64xf32, #tpu.memory_space<vmem>>
      %dma_start3A_521 = tpu.memref_squeeze %dma_start3A_520 : memref<1x1x64xf32, #tpu.memory_space<vmem>> -> memref<64xf32, #tpu.memory_space<vmem>>
      %dma_start3A_522 = arith.constant 0 : i32
      %dma_start3A_523 = tpu.memref_slice %arg4[%squeeze3A_509, %squeeze3A_511, %dma_start3A_522] : memref<125000x8x64xf32, #tpu.memory_space<hbm>> -> memref<1x1x64xf32, #tpu.memory_space<hbm>>
      %dma_start3A_524 = tpu.memref_squeeze %dma_start3A_523 : memref<1x1x64xf32, #tpu.memory_space<hbm>> -> memref<64xf32, #tpu.memory_space<hbm>>
      tpu.enqueue_dma source(%dma_start3A_524 : memref<64xf32, #tpu.memory_space<hbm>>) target(%dma_start3A_521 : memref<64xf32, #tpu.memory_space<vmem>>) target_semaphore(%arg11 : memref<!tpu.dma_semaphore, #tpu.memory_space<semaphore_mem>>)
      %slice3A_525 = vector.extract_strided_slice %select_n3A_142 {offsets = [9], sizes = [1], strides = [1]} : vector<16xi32> to vector<1xi32>
      %squeeze3A_526 = vector.extract %slice3A_525[0] : i32 from vector<1xi32>
      %slice3A_527 = vector.extract_strided_slice %select_n3A_164 {offsets = [9], sizes = [1], strides = [1]} : vector<16xi32> to vector<1xi32>
      %squeeze3A_528 = vector.extract %slice3A_527[0] : i32 from vector<1xi32>
      %dma_start3A_529 = arith.constant 1 : i32
      %dma_start3A_530 = arith.constant 0 : i32
      %dma_start3A_531 = tpu.memref_slice %arg9[%add3A_507, %dma_start3A_529, %dma_start3A_530] : memref<32x8x64xf32, #tpu.memory_space<vmem>> -> memref<1x1x64xf32, #tpu.memory_space<vmem>>
      %dma_start3A_532 = tpu.memref_squeeze %dma_start3A_531 : memref<1x1x64xf32, #tpu.memory_space<vmem>> -> memref<64xf32, #tpu.memory_space<vmem>>
      %dma_start3A_533 = arith.constant 0 : i32
      %dma_start3A_534 = tpu.memref_slice %arg4[%squeeze3A_526, %squeeze3A_528, %dma_start3A_533] : memref<125000x8x64xf32, #tpu.memory_space<hbm>> -> memref<1x1x64xf32, #tpu.memory_space<hbm>>
      %dma_start3A_535 = tpu.memref_squeeze %dma_start3A_534 : memref<1x1x64xf32, #tpu.memory_space<hbm>> -> memref<64xf32, #tpu.memory_space<hbm>>
      %dma_start3A_536 = arith.constant 0 : i32
      %dma_start3A_537 = tpu.memref_slice %arg9[%add3A_507, %dma_start3A_529, %dma_start3A_536] : memref<32x8x64xf32, #tpu.memory_space<vmem>> -> memref<1x1x64xf32, #tpu.memory_space<vmem>>
      %dma_start3A_538 = tpu.memref_squeeze %dma_start3A_537 : memref<1x1x64xf32, #tpu.memory_space<vmem>> -> memref<64xf32, #tpu.memory_space<vmem>>
      %dma_start3A_539 = arith.constant 0 : i32
      %dma_start3A_540 = tpu.memref_slice %arg4[%squeeze3A_526, %squeeze3A_528, %dma_start3A_539] : memref<125000x8x64xf32, #tpu.memory_space<hbm>> -> memref<1x1x64xf32, #tpu.memory_space<hbm>>
      %dma_start3A_541 = tpu.memref_squeeze %dma_start3A_540 : memref<1x1x64xf32, #tpu.memory_space<hbm>> -> memref<64xf32, #tpu.memory_space<hbm>>
      tpu.enqueue_dma source(%dma_start3A_541 : memref<64xf32, #tpu.memory_space<hbm>>) target(%dma_start3A_538 : memref<64xf32, #tpu.memory_space<vmem>>) target_semaphore(%arg11 : memref<!tpu.dma_semaphore, #tpu.memory_space<semaphore_mem>>)
      %mul3A_542 = arith.constant 2 : i32
      %mul3A_543 = arith.muli %mul3A_542, %scan3A_57 : i32
      %add3A_544 = arith.constant 1 : i32
      %add3A_545 = arith.addi %mul3A_543, %add3A_544 : i32
      %slice3A_546 = vector.extract_strided_slice %select_n3A {offsets = [10], sizes = [1], strides = [1]} : vector<16xi32> to vector<1xi32>
      %squeeze3A_547 = vector.extract %slice3A_546[0] : i32 from vector<1xi32>
      %slice3A_548 = vector.extract_strided_slice %select_n3A_111 {offsets = [10], sizes = [1], strides = [1]} : vector<16xi32> to vector<1xi32>
      %squeeze3A_549 = vector.extract %slice3A_548[0] : i32 from vector<1xi32>
      %dma_start3A_550 = arith.constant 2 : i32
      %dma_start3A_551 = arith.constant 0 : i32
      %dma_start3A_552 = tpu.memref_slice %arg8[%add3A_545, %dma_start3A_550, %dma_start3A_551] : memref<32x8x64xf32, #tpu.memory_space<vmem>> -> memref<1x1x64xf32, #tpu.memory_space<vmem>>
      %dma_start3A_553 = tpu.memref_squeeze %dma_start3A_552 : memref<1x1x64xf32, #tpu.memory_space<vmem>> -> memref<64xf32, #tpu.memory_space<vmem>>
      %dma_start3A_554 = arith.constant 0 : i32
      %dma_start3A_555 = tpu.memref_slice %arg4[%squeeze3A_547, %squeeze3A_549, %dma_start3A_554] : memref<125000x8x64xf32, #tpu.memory_space<hbm>> -> memref<1x1x64xf32, #tpu.memory_space<hbm>>
      %dma_start3A_556 = tpu.memref_squeeze %dma_start3A_555 : memref<1x1x64xf32, #tpu.memory_space<hbm>> -> memref<64xf32, #tpu.memory_space<hbm>>
      %dma_start3A_557 = arith.constant 0 : i32
      %dma_start3A_558 = tpu.memref_slice %arg8[%add3A_545, %dma_start3A_550, %dma_start3A_557] : memref<32x8x64xf32, #tpu.memory_space<vmem>> -> memref<1x1x64xf32, #tpu.memory_space<vmem>>
      %dma_start3A_559 = tpu.memref_squeeze %dma_start3A_558 : memref<1x1x64xf32, #tpu.memory_space<vmem>> -> memref<64xf32, #tpu.memory_space<vmem>>
      %dma_start3A_560 = arith.constant 0 : i32
      %dma_start3A_561 = tpu.memref_slice %arg4[%squeeze3A_547, %squeeze3A_549, %dma_start3A_560] : memref<125000x8x64xf32, #tpu.memory_space<hbm>> -> memref<1x1x64xf32, #tpu.memory_space<hbm>>
      %dma_start3A_562 = tpu.memref_squeeze %dma_start3A_561 : memref<1x1x64xf32, #tpu.memory_space<hbm>> -> memref<64xf32, #tpu.memory_space<hbm>>
      tpu.enqueue_dma source(%dma_start3A_562 : memref<64xf32, #tpu.memory_space<hbm>>) target(%dma_start3A_559 : memref<64xf32, #tpu.memory_space<vmem>>) target_semaphore(%arg11 : memref<!tpu.dma_semaphore, #tpu.memory_space<semaphore_mem>>)
      %slice3A_563 = vector.extract_strided_slice %select_n3A_142 {offsets = [10], sizes = [1], strides = [1]} : vector<16xi32> to vector<1xi32>
      %squeeze3A_564 = vector.extract %slice3A_563[0] : i32 from vector<1xi32>
      %slice3A_565 = vector.extract_strided_slice %select_n3A_164 {offsets = [10], sizes = [1], strides = [1]} : vector<16xi32> to vector<1xi32>
      %squeeze3A_566 = vector.extract %slice3A_565[0] : i32 from vector<1xi32>
      %dma_start3A_567 = arith.constant 2 : i32
      %dma_start3A_568 = arith.constant 0 : i32
      %dma_start3A_569 = tpu.memref_slice %arg9[%add3A_545, %dma_start3A_567, %dma_start3A_568] : memref<32x8x64xf32, #tpu.memory_space<vmem>> -> memref<1x1x64xf32, #tpu.memory_space<vmem>>
      %dma_start3A_570 = tpu.memref_squeeze %dma_start3A_569 : memref<1x1x64xf32, #tpu.memory_space<vmem>> -> memref<64xf32, #tpu.memory_space<vmem>>
      %dma_start3A_571 = arith.constant 0 : i32
      %dma_start3A_572 = tpu.memref_slice %arg4[%squeeze3A_564, %squeeze3A_566, %dma_start3A_571] : memref<125000x8x64xf32, #tpu.memory_space<hbm>> -> memref<1x1x64xf32, #tpu.memory_space<hbm>>
      %dma_start3A_573 = tpu.memref_squeeze %dma_start3A_572 : memref<1x1x64xf32, #tpu.memory_space<hbm>> -> memref<64xf32, #tpu.memory_space<hbm>>
      %dma_start3A_574 = arith.constant 0 : i32
      %dma_start3A_575 = tpu.memref_slice %arg9[%add3A_545, %dma_start3A_567, %dma_start3A_574] : memref<32x8x64xf32, #tpu.memory_space<vmem>> -> memref<1x1x64xf32, #tpu.memory_space<vmem>>
      %dma_start3A_576 = tpu.memref_squeeze %dma_start3A_575 : memref<1x1x64xf32, #tpu.memory_space<vmem>> -> memref<64xf32, #tpu.memory_space<vmem>>
      %dma_start3A_577 = arith.constant 0 : i32
      %dma_start3A_578 = tpu.memref_slice %arg4[%squeeze3A_564, %squeeze3A_566, %dma_start3A_577] : memref<125000x8x64xf32, #tpu.memory_space<hbm>> -> memref<1x1x64xf32, #tpu.memory_space<hbm>>
      %dma_start3A_579 = tpu.memref_squeeze %dma_start3A_578 : memref<1x1x64xf32, #tpu.memory_space<hbm>> -> memref<64xf32, #tpu.memory_space<hbm>>
      tpu.enqueue_dma source(%dma_start3A_579 : memref<64xf32, #tpu.memory_space<hbm>>) target(%dma_start3A_576 : memref<64xf32, #tpu.memory_space<vmem>>) target_semaphore(%arg11 : memref<!tpu.dma_semaphore, #tpu.memory_space<semaphore_mem>>)
      %mul3A_580 = arith.constant 2 : i32
      %mul3A_581 = arith.muli %mul3A_580, %scan3A_57 : i32
      %add3A_582 = arith.constant 1 : i32
      %add3A_583 = arith.addi %mul3A_581, %add3A_582 : i32
      %slice3A_584 = vector.extract_strided_slice %select_n3A {offsets = [11], sizes = [1], strides = [1]} : vector<16xi32> to vector<1xi32>
      %squeeze3A_585 = vector.extract %slice3A_584[0] : i32 from vector<1xi32>
      %slice3A_586 = vector.extract_strided_slice %select_n3A_111 {offsets = [11], sizes = [1], strides = [1]} : vector<16xi32> to vector<1xi32>
      %squeeze3A_587 = vector.extract %slice3A_586[0] : i32 from vector<1xi32>
      %dma_start3A_588 = arith.constant 3 : i32
      %dma_start3A_589 = arith.constant 0 : i32
      %dma_start3A_590 = tpu.memref_slice %arg8[%add3A_583, %dma_start3A_588, %dma_start3A_589] : memref<32x8x64xf32, #tpu.memory_space<vmem>> -> memref<1x1x64xf32, #tpu.memory_space<vmem>>
      %dma_start3A_591 = tpu.memref_squeeze %dma_start3A_590 : memref<1x1x64xf32, #tpu.memory_space<vmem>> -> memref<64xf32, #tpu.memory_space<vmem>>
      %dma_start3A_592 = arith.constant 0 : i32
      %dma_start3A_593 = tpu.memref_slice %arg4[%squeeze3A_585, %squeeze3A_587, %dma_start3A_592] : memref<125000x8x64xf32, #tpu.memory_space<hbm>> -> memref<1x1x64xf32, #tpu.memory_space<hbm>>
      %dma_start3A_594 = tpu.memref_squeeze %dma_start3A_593 : memref<1x1x64xf32, #tpu.memory_space<hbm>> -> memref<64xf32, #tpu.memory_space<hbm>>
      %dma_start3A_595 = arith.constant 0 : i32
      %dma_start3A_596 = tpu.memref_slice %arg8[%add3A_583, %dma_start3A_588, %dma_start3A_595] : memref<32x8x64xf32, #tpu.memory_space<vmem>> -> memref<1x1x64xf32, #tpu.memory_space<vmem>>
      %dma_start3A_597 = tpu.memref_squeeze %dma_start3A_596 : memref<1x1x64xf32, #tpu.memory_space<vmem>> -> memref<64xf32, #tpu.memory_space<vmem>>
      %dma_start3A_598 = arith.constant 0 : i32
      %dma_start3A_599 = tpu.memref_slice %arg4[%squeeze3A_585, %squeeze3A_587, %dma_start3A_598] : memref<125000x8x64xf32, #tpu.memory_space<hbm>> -> memref<1x1x64xf32, #tpu.memory_space<hbm>>
      %dma_start3A_600 = tpu.memref_squeeze %dma_start3A_599 : memref<1x1x64xf32, #tpu.memory_space<hbm>> -> memref<64xf32, #tpu.memory_space<hbm>>
      tpu.enqueue_dma source(%dma_start3A_600 : memref<64xf32, #tpu.memory_space<hbm>>) target(%dma_start3A_597 : memref<64xf32, #tpu.memory_space<vmem>>) target_semaphore(%arg11 : memref<!tpu.dma_semaphore, #tpu.memory_space<semaphore_mem>>)
      %slice3A_601 = vector.extract_strided_slice %select_n3A_142 {offsets = [11], sizes = [1], strides = [1]} : vector<16xi32> to vector<1xi32>
      %squeeze3A_602 = vector.extract %slice3A_601[0] : i32 from vector<1xi32>
      %slice3A_603 = vector.extract_strided_slice %select_n3A_164 {offsets = [11], sizes = [1], strides = [1]} : vector<16xi32> to vector<1xi32>
      %squeeze3A_604 = vector.extract %slice3A_603[0] : i32 from vector<1xi32>
      %dma_start3A_605 = arith.constant 3 : i32
      %dma_start3A_606 = arith.constant 0 : i32
      %dma_start3A_607 = tpu.memref_slice %arg9[%add3A_583, %dma_start3A_605, %dma_start3A_606] : memref<32x8x64xf32, #tpu.memory_space<vmem>> -> memref<1x1x64xf32, #tpu.memory_space<vmem>>
      %dma_start3A_608 = tpu.memref_squeeze %dma_start3A_607 : memref<1x1x64xf32, #tpu.memory_space<vmem>> -> memref<64xf32, #tpu.memory_space<vmem>>
      %dma_start3A_609 = arith.constant 0 : i32
      %dma_start3A_610 = tpu.memref_slice %arg4[%squeeze3A_602, %squeeze3A_604, %dma_start3A_609] : memref<125000x8x64xf32, #tpu.memory_space<hbm>> -> memref<1x1x64xf32, #tpu.memory_space<hbm>>
      %dma_start3A_611 = tpu.memref_squeeze %dma_start3A_610 : memref<1x1x64xf32, #tpu.memory_space<hbm>> -> memref<64xf32, #tpu.memory_space<hbm>>
      %dma_start3A_612 = arith.constant 0 : i32
      %dma_start3A_613 = tpu.memref_slice %arg9[%add3A_583, %dma_start3A_605, %dma_start3A_612] : memref<32x8x64xf32, #tpu.memory_space<vmem>> -> memref<1x1x64xf32, #tpu.memory_space<vmem>>
      %dma_start3A_614 = tpu.memref_squeeze %dma_start3A_613 : memref<1x1x64xf32, #tpu.memory_space<vmem>> -> memref<64xf32, #tpu.memory_space<vmem>>
      %dma_start3A_615 = arith.constant 0 : i32
      %dma_start3A_616 = tpu.memref_slice %arg4[%squeeze3A_602, %squeeze3A_604, %dma_start3A_615] : memref<125000x8x64xf32, #tpu.memory_space<hbm>> -> memref<1x1x64xf32, #tpu.memory_space<hbm>>
      %dma_start3A_617 = tpu.memref_squeeze %dma_start3A_616 : memref<1x1x64xf32, #tpu.memory_space<hbm>> -> memref<64xf32, #tpu.memory_space<hbm>>
      tpu.enqueue_dma source(%dma_start3A_617 : memref<64xf32, #tpu.memory_space<hbm>>) target(%dma_start3A_614 : memref<64xf32, #tpu.memory_space<vmem>>) target_semaphore(%arg11 : memref<!tpu.dma_semaphore, #tpu.memory_space<semaphore_mem>>)
      %mul3A_618 = arith.constant 2 : i32
      %mul3A_619 = arith.muli %mul3A_618, %scan3A_57 : i32
      %add3A_620 = arith.constant 1 : i32
      %add3A_621 = arith.addi %mul3A_619, %add3A_620 : i32
      %slice3A_622 = vector.extract_strided_slice %select_n3A {offsets = [12], sizes = [1], strides = [1]} : vector<16xi32> to vector<1xi32>
      %squeeze3A_623 = vector.extract %slice3A_622[0] : i32 from vector<1xi32>
      %slice3A_624 = vector.extract_strided_slice %select_n3A_111 {offsets = [12], sizes = [1], strides = [1]} : vector<16xi32> to vector<1xi32>
      %squeeze3A_625 = vector.extract %slice3A_624[0] : i32 from vector<1xi32>
      %dma_start3A_626 = arith.constant 4 : i32
      %dma_start3A_627 = arith.constant 0 : i32
      %dma_start3A_628 = tpu.memref_slice %arg8[%add3A_621, %dma_start3A_626, %dma_start3A_627] : memref<32x8x64xf32, #tpu.memory_space<vmem>> -> memref<1x1x64xf32, #tpu.memory_space<vmem>>
      %dma_start3A_629 = tpu.memref_squeeze %dma_start3A_628 : memref<1x1x64xf32, #tpu.memory_space<vmem>> -> memref<64xf32, #tpu.memory_space<vmem>>
      %dma_start3A_630 = arith.constant 0 : i32
      %dma_start3A_631 = tpu.memref_slice %arg4[%squeeze3A_623, %squeeze3A_625, %dma_start3A_630] : memref<125000x8x64xf32, #tpu.memory_space<hbm>> -> memref<1x1x64xf32, #tpu.memory_space<hbm>>
      %dma_start3A_632 = tpu.memref_squeeze %dma_start3A_631 : memref<1x1x64xf32, #tpu.memory_space<hbm>> -> memref<64xf32, #tpu.memory_space<hbm>>
      %dma_start3A_633 = arith.constant 0 : i32
      %dma_start3A_634 = tpu.memref_slice %arg8[%add3A_621, %dma_start3A_626, %dma_start3A_633] : memref<32x8x64xf32, #tpu.memory_space<vmem>> -> memref<1x1x64xf32, #tpu.memory_space<vmem>>
      %dma_start3A_635 = tpu.memref_squeeze %dma_start3A_634 : memref<1x1x64xf32, #tpu.memory_space<vmem>> -> memref<64xf32, #tpu.memory_space<vmem>>
      %dma_start3A_636 = arith.constant 0 : i32
      %dma_start3A_637 = tpu.memref_slice %arg4[%squeeze3A_623, %squeeze3A_625, %dma_start3A_636] : memref<125000x8x64xf32, #tpu.memory_space<hbm>> -> memref<1x1x64xf32, #tpu.memory_space<hbm>>
      %dma_start3A_638 = tpu.memref_squeeze %dma_start3A_637 : memref<1x1x64xf32, #tpu.memory_space<hbm>> -> memref<64xf32, #tpu.memory_space<hbm>>
      tpu.enqueue_dma source(%dma_start3A_638 : memref<64xf32, #tpu.memory_space<hbm>>) target(%dma_start3A_635 : memref<64xf32, #tpu.memory_space<vmem>>) target_semaphore(%arg11 : memref<!tpu.dma_semaphore, #tpu.memory_space<semaphore_mem>>)
      %slice3A_639 = vector.extract_strided_slice %select_n3A_142 {offsets = [12], sizes = [1], strides = [1]} : vector<16xi32> to vector<1xi32>
      %squeeze3A_640 = vector.extract %slice3A_639[0] : i32 from vector<1xi32>
      %slice3A_641 = vector.extract_strided_slice %select_n3A_164 {offsets = [12], sizes = [1], strides = [1]} : vector<16xi32> to vector<1xi32>
      %squeeze3A_642 = vector.extract %slice3A_641[0] : i32 from vector<1xi32>
      %dma_start3A_643 = arith.constant 4 : i32
      %dma_start3A_644 = arith.constant 0 : i32
      %dma_start3A_645 = tpu.memref_slice %arg9[%add3A_621, %dma_start3A_643, %dma_start3A_644] : memref<32x8x64xf32, #tpu.memory_space<vmem>> -> memref<1x1x64xf32, #tpu.memory_space<vmem>>
      %dma_start3A_646 = tpu.memref_squeeze %dma_start3A_645 : memref<1x1x64xf32, #tpu.memory_space<vmem>> -> memref<64xf32, #tpu.memory_space<vmem>>
      %dma_start3A_647 = arith.constant 0 : i32
      %dma_start3A_648 = tpu.memref_slice %arg4[%squeeze3A_640, %squeeze3A_642, %dma_start3A_647] : memref<125000x8x64xf32, #tpu.memory_space<hbm>> -> memref<1x1x64xf32, #tpu.memory_space<hbm>>
      %dma_start3A_649 = tpu.memref_squeeze %dma_start3A_648 : memref<1x1x64xf32, #tpu.memory_space<hbm>> -> memref<64xf32, #tpu.memory_space<hbm>>
      %dma_start3A_650 = arith.constant 0 : i32
      %dma_start3A_651 = tpu.memref_slice %arg9[%add3A_621, %dma_start3A_643, %dma_start3A_650] : memref<32x8x64xf32, #tpu.memory_space<vmem>> -> memref<1x1x64xf32, #tpu.memory_space<vmem>>
      %dma_start3A_652 = tpu.memref_squeeze %dma_start3A_651 : memref<1x1x64xf32, #tpu.memory_space<vmem>> -> memref<64xf32, #tpu.memory_space<vmem>>
      %dma_start3A_653 = arith.constant 0 : i32
      %dma_start3A_654 = tpu.memref_slice %arg4[%squeeze3A_640, %squeeze3A_642, %dma_start3A_653] : memref<125000x8x64xf32, #tpu.memory_space<hbm>> -> memref<1x1x64xf32, #tpu.memory_space<hbm>>
      %dma_start3A_655 = tpu.memref_squeeze %dma_start3A_654 : memref<1x1x64xf32, #tpu.memory_space<hbm>> -> memref<64xf32, #tpu.memory_space<hbm>>
      tpu.enqueue_dma source(%dma_start3A_655 : memref<64xf32, #tpu.memory_space<hbm>>) target(%dma_start3A_652 : memref<64xf32, #tpu.memory_space<vmem>>) target_semaphore(%arg11 : memref<!tpu.dma_semaphore, #tpu.memory_space<semaphore_mem>>)
      %mul3A_656 = arith.constant 2 : i32
      %mul3A_657 = arith.muli %mul3A_656, %scan3A_57 : i32
      %add3A_658 = arith.constant 1 : i32
      %add3A_659 = arith.addi %mul3A_657, %add3A_658 : i32
      %slice3A_660 = vector.extract_strided_slice %select_n3A {offsets = [13], sizes = [1], strides = [1]} : vector<16xi32> to vector<1xi32>
      %squeeze3A_661 = vector.extract %slice3A_660[0] : i32 from vector<1xi32>
      %slice3A_662 = vector.extract_strided_slice %select_n3A_111 {offsets = [13], sizes = [1], strides = [1]} : vector<16xi32> to vector<1xi32>
      %squeeze3A_663 = vector.extract %slice3A_662[0] : i32 from vector<1xi32>
      %dma_start3A_664 = arith.constant 5 : i32
      %dma_start3A_665 = arith.constant 0 : i32
      %dma_start3A_666 = tpu.memref_slice %arg8[%add3A_659, %dma_start3A_664, %dma_start3A_665] : memref<32x8x64xf32, #tpu.memory_space<vmem>> -> memref<1x1x64xf32, #tpu.memory_space<vmem>>
      %dma_start3A_667 = tpu.memref_squeeze %dma_start3A_666 : memref<1x1x64xf32, #tpu.memory_space<vmem>> -> memref<64xf32, #tpu.memory_space<vmem>>
      %dma_start3A_668 = arith.constant 0 : i32
      %dma_start3A_669 = tpu.memref_slice %arg4[%squeeze3A_661, %squeeze3A_663, %dma_start3A_668] : memref<125000x8x64xf32, #tpu.memory_space<hbm>> -> memref<1x1x64xf32, #tpu.memory_space<hbm>>
      %dma_start3A_670 = tpu.memref_squeeze %dma_start3A_669 : memref<1x1x64xf32, #tpu.memory_space<hbm>> -> memref<64xf32, #tpu.memory_space<hbm>>
      %dma_start3A_671 = arith.constant 0 : i32
      %dma_start3A_672 = tpu.memref_slice %arg8[%add3A_659, %dma_start3A_664, %dma_start3A_671] : memref<32x8x64xf32, #tpu.memory_space<vmem>> -> memref<1x1x64xf32, #tpu.memory_space<vmem>>
      %dma_start3A_673 = tpu.memref_squeeze %dma_start3A_672 : memref<1x1x64xf32, #tpu.memory_space<vmem>> -> memref<64xf32, #tpu.memory_space<vmem>>
      %dma_start3A_674 = arith.constant 0 : i32
      %dma_start3A_675 = tpu.memref_slice %arg4[%squeeze3A_661, %squeeze3A_663, %dma_start3A_674] : memref<125000x8x64xf32, #tpu.memory_space<hbm>> -> memref<1x1x64xf32, #tpu.memory_space<hbm>>
      %dma_start3A_676 = tpu.memref_squeeze %dma_start3A_675 : memref<1x1x64xf32, #tpu.memory_space<hbm>> -> memref<64xf32, #tpu.memory_space<hbm>>
      tpu.enqueue_dma source(%dma_start3A_676 : memref<64xf32, #tpu.memory_space<hbm>>) target(%dma_start3A_673 : memref<64xf32, #tpu.memory_space<vmem>>) target_semaphore(%arg11 : memref<!tpu.dma_semaphore, #tpu.memory_space<semaphore_mem>>)
      %slice3A_677 = vector.extract_strided_slice %select_n3A_142 {offsets = [13], sizes = [1], strides = [1]} : vector<16xi32> to vector<1xi32>
      %squeeze3A_678 = vector.extract %slice3A_677[0] : i32 from vector<1xi32>
      %slice3A_679 = vector.extract_strided_slice %select_n3A_164 {offsets = [13], sizes = [1], strides = [1]} : vector<16xi32> to vector<1xi32>
      %squeeze3A_680 = vector.extract %slice3A_679[0] : i32 from vector<1xi32>
      %dma_start3A_681 = arith.constant 5 : i32
      %dma_start3A_682 = arith.constant 0 : i32
      %dma_start3A_683 = tpu.memref_slice %arg9[%add3A_659, %dma_start3A_681, %dma_start3A_682] : memref<32x8x64xf32, #tpu.memory_space<vmem>> -> memref<1x1x64xf32, #tpu.memory_space<vmem>>
      %dma_start3A_684 = tpu.memref_squeeze %dma_start3A_683 : memref<1x1x64xf32, #tpu.memory_space<vmem>> -> memref<64xf32, #tpu.memory_space<vmem>>
      %dma_start3A_685 = arith.constant 0 : i32
      %dma_start3A_686 = tpu.memref_slice %arg4[%squeeze3A_678, %squeeze3A_680, %dma_start3A_685] : memref<125000x8x64xf32, #tpu.memory_space<hbm>> -> memref<1x1x64xf32, #tpu.memory_space<hbm>>
      %dma_start3A_687 = tpu.memref_squeeze %dma_start3A_686 : memref<1x1x64xf32, #tpu.memory_space<hbm>> -> memref<64xf32, #tpu.memory_space<hbm>>
      %dma_start3A_688 = arith.constant 0 : i32
      %dma_start3A_689 = tpu.memref_slice %arg9[%add3A_659, %dma_start3A_681, %dma_start3A_688] : memref<32x8x64xf32, #tpu.memory_space<vmem>> -> memref<1x1x64xf32, #tpu.memory_space<vmem>>
      %dma_start3A_690 = tpu.memref_squeeze %dma_start3A_689 : memref<1x1x64xf32, #tpu.memory_space<vmem>> -> memref<64xf32, #tpu.memory_space<vmem>>
      %dma_start3A_691 = arith.constant 0 : i32
      %dma_start3A_692 = tpu.memref_slice %arg4[%squeeze3A_678, %squeeze3A_680, %dma_start3A_691] : memref<125000x8x64xf32, #tpu.memory_space<hbm>> -> memref<1x1x64xf32, #tpu.memory_space<hbm>>
      %dma_start3A_693 = tpu.memref_squeeze %dma_start3A_692 : memref<1x1x64xf32, #tpu.memory_space<hbm>> -> memref<64xf32, #tpu.memory_space<hbm>>
      tpu.enqueue_dma source(%dma_start3A_693 : memref<64xf32, #tpu.memory_space<hbm>>) target(%dma_start3A_690 : memref<64xf32, #tpu.memory_space<vmem>>) target_semaphore(%arg11 : memref<!tpu.dma_semaphore, #tpu.memory_space<semaphore_mem>>)
      %mul3A_694 = arith.constant 2 : i32
      %mul3A_695 = arith.muli %mul3A_694, %scan3A_57 : i32
      %add3A_696 = arith.constant 1 : i32
      %add3A_697 = arith.addi %mul3A_695, %add3A_696 : i32
      %slice3A_698 = vector.extract_strided_slice %select_n3A {offsets = [14], sizes = [1], strides = [1]} : vector<16xi32> to vector<1xi32>
      %squeeze3A_699 = vector.extract %slice3A_698[0] : i32 from vector<1xi32>
      %slice3A_700 = vector.extract_strided_slice %select_n3A_111 {offsets = [14], sizes = [1], strides = [1]} : vector<16xi32> to vector<1xi32>
      %squeeze3A_701 = vector.extract %slice3A_700[0] : i32 from vector<1xi32>
      %dma_start3A_702 = arith.constant 6 : i32
      %dma_start3A_703 = arith.constant 0 : i32
      %dma_start3A_704 = tpu.memref_slice %arg8[%add3A_697, %dma_start3A_702, %dma_start3A_703] : memref<32x8x64xf32, #tpu.memory_space<vmem>> -> memref<1x1x64xf32, #tpu.memory_space<vmem>>
      %dma_start3A_705 = tpu.memref_squeeze %dma_start3A_704 : memref<1x1x64xf32, #tpu.memory_space<vmem>> -> memref<64xf32, #tpu.memory_space<vmem>>
      %dma_start3A_706 = arith.constant 0 : i32
      %dma_start3A_707 = tpu.memref_slice %arg4[%squeeze3A_699, %squeeze3A_701, %dma_start3A_706] : memref<125000x8x64xf32, #tpu.memory_space<hbm>> -> memref<1x1x64xf32, #tpu.memory_space<hbm>>
      %dma_start3A_708 = tpu.memref_squeeze %dma_start3A_707 : memref<1x1x64xf32, #tpu.memory_space<hbm>> -> memref<64xf32, #tpu.memory_space<hbm>>
      %dma_start3A_709 = arith.constant 0 : i32
      %dma_start3A_710 = tpu.memref_slice %arg8[%add3A_697, %dma_start3A_702, %dma_start3A_709] : memref<32x8x64xf32, #tpu.memory_space<vmem>> -> memref<1x1x64xf32, #tpu.memory_space<vmem>>
      %dma_start3A_711 = tpu.memref_squeeze %dma_start3A_710 : memref<1x1x64xf32, #tpu.memory_space<vmem>> -> memref<64xf32, #tpu.memory_space<vmem>>
      %dma_start3A_712 = arith.constant 0 : i32
      %dma_start3A_713 = tpu.memref_slice %arg4[%squeeze3A_699, %squeeze3A_701, %dma_start3A_712] : memref<125000x8x64xf32, #tpu.memory_space<hbm>> -> memref<1x1x64xf32, #tpu.memory_space<hbm>>
      %dma_start3A_714 = tpu.memref_squeeze %dma_start3A_713 : memref<1x1x64xf32, #tpu.memory_space<hbm>> -> memref<64xf32, #tpu.memory_space<hbm>>
      tpu.enqueue_dma source(%dma_start3A_714 : memref<64xf32, #tpu.memory_space<hbm>>) target(%dma_start3A_711 : memref<64xf32, #tpu.memory_space<vmem>>) target_semaphore(%arg11 : memref<!tpu.dma_semaphore, #tpu.memory_space<semaphore_mem>>)
      %slice3A_715 = vector.extract_strided_slice %select_n3A_142 {offsets = [14], sizes = [1], strides = [1]} : vector<16xi32> to vector<1xi32>
      %squeeze3A_716 = vector.extract %slice3A_715[0] : i32 from vector<1xi32>
      %slice3A_717 = vector.extract_strided_slice %select_n3A_164 {offsets = [14], sizes = [1], strides = [1]} : vector<16xi32> to vector<1xi32>
      %squeeze3A_718 = vector.extract %slice3A_717[0] : i32 from vector<1xi32>
      %dma_start3A_719 = arith.constant 6 : i32
      %dma_start3A_720 = arith.constant 0 : i32
      %dma_start3A_721 = tpu.memref_slice %arg9[%add3A_697, %dma_start3A_719, %dma_start3A_720] : memref<32x8x64xf32, #tpu.memory_space<vmem>> -> memref<1x1x64xf32, #tpu.memory_space<vmem>>
      %dma_start3A_722 = tpu.memref_squeeze %dma_start3A_721 : memref<1x1x64xf32, #tpu.memory_space<vmem>> -> memref<64xf32, #tpu.memory_space<vmem>>
      %dma_start3A_723 = arith.constant 0 : i32
      %dma_start3A_724 = tpu.memref_slice %arg4[%squeeze3A_716, %squeeze3A_718, %dma_start3A_723] : memref<125000x8x64xf32, #tpu.memory_space<hbm>> -> memref<1x1x64xf32, #tpu.memory_space<hbm>>
      %dma_start3A_725 = tpu.memref_squeeze %dma_start3A_724 : memref<1x1x64xf32, #tpu.memory_space<hbm>> -> memref<64xf32, #tpu.memory_space<hbm>>
      %dma_start3A_726 = arith.constant 0 : i32
      %dma_start3A_727 = tpu.memref_slice %arg9[%add3A_697, %dma_start3A_719, %dma_start3A_726] : memref<32x8x64xf32, #tpu.memory_space<vmem>> -> memref<1x1x64xf32, #tpu.memory_space<vmem>>
      %dma_start3A_728 = tpu.memref_squeeze %dma_start3A_727 : memref<1x1x64xf32, #tpu.memory_space<vmem>> -> memref<64xf32, #tpu.memory_space<vmem>>
      %dma_start3A_729 = arith.constant 0 : i32
      %dma_start3A_730 = tpu.memref_slice %arg4[%squeeze3A_716, %squeeze3A_718, %dma_start3A_729] : memref<125000x8x64xf32, #tpu.memory_space<hbm>> -> memref<1x1x64xf32, #tpu.memory_space<hbm>>
      %dma_start3A_731 = tpu.memref_squeeze %dma_start3A_730 : memref<1x1x64xf32, #tpu.memory_space<hbm>> -> memref<64xf32, #tpu.memory_space<hbm>>
      tpu.enqueue_dma source(%dma_start3A_731 : memref<64xf32, #tpu.memory_space<hbm>>) target(%dma_start3A_728 : memref<64xf32, #tpu.memory_space<vmem>>) target_semaphore(%arg11 : memref<!tpu.dma_semaphore, #tpu.memory_space<semaphore_mem>>)
      %mul3A_732 = arith.constant 2 : i32
      %mul3A_733 = arith.muli %mul3A_732, %scan3A_57 : i32
      %add3A_734 = arith.constant 1 : i32
      %add3A_735 = arith.addi %mul3A_733, %add3A_734 : i32
      %slice3A_736 = vector.extract_strided_slice %select_n3A {offsets = [15], sizes = [1], strides = [1]} : vector<16xi32> to vector<1xi32>
      %squeeze3A_737 = vector.extract %slice3A_736[0] : i32 from vector<1xi32>
      %slice3A_738 = vector.extract_strided_slice %select_n3A_111 {offsets = [15], sizes = [1], strides = [1]} : vector<16xi32> to vector<1xi32>
      %squeeze3A_739 = vector.extract %slice3A_738[0] : i32 from vector<1xi32>
      %dma_start3A_740 = arith.constant 7 : i32
      %dma_start3A_741 = arith.constant 0 : i32
      %dma_start3A_742 = tpu.memref_slice %arg8[%add3A_735, %dma_start3A_740, %dma_start3A_741] : memref<32x8x64xf32, #tpu.memory_space<vmem>> -> memref<1x1x64xf32, #tpu.memory_space<vmem>>
      %dma_start3A_743 = tpu.memref_squeeze %dma_start3A_742 : memref<1x1x64xf32, #tpu.memory_space<vmem>> -> memref<64xf32, #tpu.memory_space<vmem>>
      %dma_start3A_744 = arith.constant 0 : i32
      %dma_start3A_745 = tpu.memref_slice %arg4[%squeeze3A_737, %squeeze3A_739, %dma_start3A_744] : memref<125000x8x64xf32, #tpu.memory_space<hbm>> -> memref<1x1x64xf32, #tpu.memory_space<hbm>>
      %dma_start3A_746 = tpu.memref_squeeze %dma_start3A_745 : memref<1x1x64xf32, #tpu.memory_space<hbm>> -> memref<64xf32, #tpu.memory_space<hbm>>
      %dma_start3A_747 = arith.constant 0 : i32
      %dma_start3A_748 = tpu.memref_slice %arg8[%add3A_735, %dma_start3A_740, %dma_start3A_747] : memref<32x8x64xf32, #tpu.memory_space<vmem>> -> memref<1x1x64xf32, #tpu.memory_space<vmem>>
      %dma_start3A_749 = tpu.memref_squeeze %dma_start3A_748 : memref<1x1x64xf32, #tpu.memory_space<vmem>> -> memref<64xf32, #tpu.memory_space<vmem>>
      %dma_start3A_750 = arith.constant 0 : i32
      %dma_start3A_751 = tpu.memref_slice %arg4[%squeeze3A_737, %squeeze3A_739, %dma_start3A_750] : memref<125000x8x64xf32, #tpu.memory_space<hbm>> -> memref<1x1x64xf32, #tpu.memory_space<hbm>>
      %dma_start3A_752 = tpu.memref_squeeze %dma_start3A_751 : memref<1x1x64xf32, #tpu.memory_space<hbm>> -> memref<64xf32, #tpu.memory_space<hbm>>
      tpu.enqueue_dma source(%dma_start3A_752 : memref<64xf32, #tpu.memory_space<hbm>>) target(%dma_start3A_749 : memref<64xf32, #tpu.memory_space<vmem>>) target_semaphore(%arg11 : memref<!tpu.dma_semaphore, #tpu.memory_space<semaphore_mem>>)
      %slice3A_753 = vector.extract_strided_slice %select_n3A_142 {offsets = [15], sizes = [1], strides = [1]} : vector<16xi32> to vector<1xi32>
      %squeeze3A_754 = vector.extract %slice3A_753[0] : i32 from vector<1xi32>
      %slice3A_755 = vector.extract_strided_slice %select_n3A_164 {offsets = [15], sizes = [1], strides = [1]} : vector<16xi32> to vector<1xi32>
      %squeeze3A_756 = vector.extract %slice3A_755[0] : i32 from vector<1xi32>
      %dma_start3A_757 = arith.constant 7 : i32
      %dma_start3A_758 = arith.constant 0 : i32
      %dma_start3A_759 = tpu.memref_slice %arg9[%add3A_735, %dma_start3A_757, %dma_start3A_758] : memref<32x8x64xf32, #tpu.memory_space<vmem>> -> memref<1x1x64xf32, #tpu.memory_space<vmem>>
      %dma_start3A_760 = tpu.memref_squeeze %dma_start3A_759 : memref<1x1x64xf32, #tpu.memory_space<vmem>> -> memref<64xf32, #tpu.memory_space<vmem>>
      %dma_start3A_761 = arith.constant 0 : i32
      %dma_start3A_762 = tpu.memref_slice %arg4[%squeeze3A_754, %squeeze3A_756, %dma_start3A_761] : memref<125000x8x64xf32, #tpu.memory_space<hbm>> -> memref<1x1x64xf32, #tpu.memory_space<hbm>>
      %dma_start3A_763 = tpu.memref_squeeze %dma_start3A_762 : memref<1x1x64xf32, #tpu.memory_space<hbm>> -> memref<64xf32, #tpu.memory_space<hbm>>
      %dma_start3A_764 = arith.constant 0 : i32
      %dma_start3A_765 = tpu.memref_slice %arg9[%add3A_735, %dma_start3A_757, %dma_start3A_764] : memref<32x8x64xf32, #tpu.memory_space<vmem>> -> memref<1x1x64xf32, #tpu.memory_space<vmem>>
      %dma_start3A_766 = tpu.memref_squeeze %dma_start3A_765 : memref<1x1x64xf32, #tpu.memory_space<vmem>> -> memref<64xf32, #tpu.memory_space<vmem>>
      %dma_start3A_767 = arith.constant 0 : i32
      %dma_start3A_768 = tpu.memref_slice %arg4[%squeeze3A_754, %squeeze3A_756, %dma_start3A_767] : memref<125000x8x64xf32, #tpu.memory_space<hbm>> -> memref<1x1x64xf32, #tpu.memory_space<hbm>>
      %dma_start3A_769 = tpu.memref_squeeze %dma_start3A_768 : memref<1x1x64xf32, #tpu.memory_space<hbm>> -> memref<64xf32, #tpu.memory_space<hbm>>
      tpu.enqueue_dma source(%dma_start3A_769 : memref<64xf32, #tpu.memory_space<hbm>>) target(%dma_start3A_766 : memref<64xf32, #tpu.memory_space<vmem>>) target_semaphore(%arg11 : memref<!tpu.dma_semaphore, #tpu.memory_space<semaphore_mem>>)
    }
    %scan3A_7 = arith.constant 16 : i32
    %dma_wait3A = arith.constant 0 : i32
    %dma_wait3A_8 = arith.constant 0 : i32
    %dma_wait3A_9 = arith.constant 0 : i32
    %dma_wait3A_10 = tpu.memref_slice %arg4[%dma_wait3A, %dma_wait3A_8, %dma_wait3A_9] : memref<125000x8x64xf32, #tpu.memory_space<hbm>> -> memref<32x8x64xf32, #tpu.memory_space<hbm>>
    %dma_wait3A_11 = arith.constant 0 : i32
    %dma_wait3A_12 = arith.constant 0 : i32
    %dma_wait3A_13 = arith.constant 0 : i32
    %dma_wait3A_14 = tpu.memref_slice %arg4[%dma_wait3A_11, %dma_wait3A_12, %dma_wait3A_13] : memref<125000x8x64xf32, #tpu.memory_space<hbm>> -> memref<32x8x64xf32, #tpu.memory_space<hbm>>
    tpu.wait_dma2 semaphore(%arg11 : memref<!tpu.dma_semaphore, #tpu.memory_space<semaphore_mem>>) src(%dma_wait3A_14 : memref<32x8x64xf32, #tpu.memory_space<hbm>>) dst(%arg8 : memref<32x8x64xf32, #tpu.memory_space<vmem>>)
    %dma_wait3A_15 = arith.constant 0 : i32
    %dma_wait3A_16 = arith.constant 0 : i32
    %dma_wait3A_17 = arith.constant 0 : i32
    %dma_wait3A_18 = tpu.memref_slice %arg4[%dma_wait3A_15, %dma_wait3A_16, %dma_wait3A_17] : memref<125000x8x64xf32, #tpu.memory_space<hbm>> -> memref<32x8x64xf32, #tpu.memory_space<hbm>>
    %dma_wait3A_19 = arith.constant 0 : i32
    %dma_wait3A_20 = arith.constant 0 : i32
    %dma_wait3A_21 = arith.constant 0 : i32
    %dma_wait3A_22 = tpu.memref_slice %arg4[%dma_wait3A_19, %dma_wait3A_20, %dma_wait3A_21] : memref<125000x8x64xf32, #tpu.memory_space<hbm>> -> memref<32x8x64xf32, #tpu.memory_space<hbm>>
    tpu.wait_dma2 semaphore(%arg11 : memref<!tpu.dma_semaphore, #tpu.memory_space<semaphore_mem>>) src(%dma_wait3A_22 : memref<32x8x64xf32, #tpu.memory_space<hbm>>) dst(%arg9 : memref<32x8x64xf32, #tpu.memory_space<vmem>>)
    %scan3A_23 = arith.constant 0 : i32
    %scan3A_24 = arith.constant 0 : i32
    %scan3A_25 = arith.constant 16 : i32
    %scan3A_26 = arith.addi %scan3A_24, %scan3A_25 : i32
    %scan3A_27 = arith.constant 1 : i32
    scf.for %scan3A_57 = %scan3A_24 to %scan3A_26 step %scan3A_27  : i32 {
      %broadcast_in_dim3A = arith.constant 0.000000e+00 : f32
      %broadcast_in_dim3A_58 = vector.broadcast %broadcast_in_dim3A : f32 to vector<16xf32>
      %mul3A_59 = arith.constant 16 : i32
      %mul3A_60 = arith.muli %scan3A_57, %mul3A_59 : i32
      %add3A_61 = arith.constant 0 : i32
      %add3A_62 = arith.addi %mul3A_60, %add3A_61 : i32
      %jit3A = arith.constant 8 : i32
      %div3A = arith.divsi %add3A_62, %jit3A : i32
      %sign3A = arith.constant 0 : i32
      %sign3A_63 = arith.cmpi sgt, %add3A_62, %sign3A : i32
      %sign3A_64 = arith.extui %sign3A_63 : i1 to i32
      %sign3A_65 = arith.constant 0 : i32
      %sign3A_66 = arith.cmpi slt, %add3A_62, %sign3A_65 : i32
      %sign3A_67 = arith.extui %sign3A_66 : i1 to i32
      %sign3A_68 = arith.subi %sign3A_64, %sign3A_67 : i32
      %sign3A_69 = arith.constant 0 : i32
      %sign3A_70 = arith.cmpi sgt, %jit3A, %sign3A_69 : i32
      %sign3A_71 = arith.extui %sign3A_70 : i1 to i32
      %sign3A_72 = arith.constant 0 : i32
      %sign3A_73 = arith.cmpi slt, %jit3A, %sign3A_72 : i32
      %sign3A_74 = arith.extui %sign3A_73 : i1 to i32
      %sign3A_75 = arith.subi %sign3A_71, %sign3A_74 : i32
      %ne3A = arith.cmpi ne, %sign3A_68, %sign3A_75 : i32
      %rem3A = arith.remsi %add3A_62, %jit3A : i32
      %ne3A_76 = arith.constant 0 : i32
      %ne3A_77 = arith.cmpi ne, %rem3A, %ne3A_76 : i32
      %and3A = arith.andi %ne3A, %ne3A_77 : i1
      %sub3A = arith.constant 1 : i32
      %sub3A_78 = arith.subi %div3A, %sub3A : i32
      %select_n3A = arith.select %and3A, %sub3A_78, %div3A : i32
      %jit3A_79 = arith.constant 8 : i32
      %eq3A = arith.constant 0 : i32
      %eq3A_80 = arith.cmpi eq, %jit3A_79, %eq3A : i32
      %jit3A_81 = arith.constant 1 : i32
      %select_n3A_82 = arith.select %eq3A_80, %jit3A_81, %jit3A_79 : i32
      %rem3A_83 = arith.remsi %add3A_62, %select_n3A_82 : i32
      %ne3A_84 = arith.constant 0 : i32
      %ne3A_85 = arith.cmpi ne, %rem3A_83, %ne3A_84 : i32
      %lt3A = arith.constant 0 : i32
      %lt3A_86 = arith.cmpi slt, %rem3A_83, %lt3A : i32
      %lt3A_87 = arith.constant 0 : i32
      %lt3A_88 = arith.cmpi slt, %select_n3A_82, %lt3A_87 : i32
      %ne3A_89 = arith.xori %lt3A_86, %lt3A_88 : i1
      %and3A_90 = arith.andi %ne3A_89, %ne3A_85 : i1
      %add3A_91 = arith.addi %rem3A_83, %select_n3A_82 : i32
      %select_n3A_92 = arith.select %and3A_90, %add3A_91, %rem3A_83 : i32
      %broadcast_in_dim3A_93 = arith.constant 0.000000e+00 : f32
      %broadcast_in_dim3A_94 = vector.broadcast %broadcast_in_dim3A_93 : f32 to vector<16xf32>
      %get3A = arith.index_cast %select_n3A : i32 to index
      %get3A_95 = arith.index_cast %select_n3A_92 : i32 to index
      %get3A_96 = arith.constant 0 : index
      %get3A_97 = tpu.vector_load %arg8[%get3A, %get3A_95, %get3A_96] {strides = array<i32>} : memref<32x8x64xf32, #tpu.memory_space<vmem>>, vector<16xf32>,
      %get3A_98 = arith.index_cast %select_n3A : i32 to index
      %get3A_99 = arith.index_cast %select_n3A_92 : i32 to index
      %get3A_100 = arith.constant 0 : index
      %get3A_101 = tpu.vector_load %arg9[%get3A_98, %get3A_99, %get3A_100] {strides = array<i32>} : memref<32x8x64xf32, #tpu.memory_space<vmem>>, vector<16xf32>,
      %mul3A_102 = arith.mulf %get3A_97, %get3A_101 : vector<16xf32>
      %add3A_103 = arith.addf %broadcast_in_dim3A_94, %mul3A_102 : vector<16xf32>
      %get3A_104 = arith.index_cast %select_n3A : i32 to index
      %get3A_105 = arith.index_cast %select_n3A_92 : i32 to index
      %get3A_106 = arith.constant 16 : index
      %get3A_107 = tpu.vector_load %arg8[%get3A_104, %get3A_105, %get3A_106] {strides = array<i32>} : memref<32x8x64xf32, #tpu.memory_space<vmem>>, vector<16xf32>,
      %get3A_108 = arith.index_cast %select_n3A : i32 to index
      %get3A_109 = arith.index_cast %select_n3A_92 : i32 to index
      %get3A_110 = arith.constant 16 : index
      %get3A_111 = tpu.vector_load %arg9[%get3A_108, %get3A_109, %get3A_110] {strides = array<i32>} : memref<32x8x64xf32, #tpu.memory_space<vmem>>, vector<16xf32>,
      %mul3A_112 = arith.mulf %get3A_107, %get3A_111 : vector<16xf32>
      %add3A_113 = arith.addf %add3A_103, %mul3A_112 : vector<16xf32>
      %get3A_114 = arith.index_cast %select_n3A : i32 to index
      %get3A_115 = arith.index_cast %select_n3A_92 : i32 to index
      %get3A_116 = arith.constant 32 : index
      %get3A_117 = tpu.vector_load %arg8[%get3A_114, %get3A_115, %get3A_116] {strides = array<i32>} : memref<32x8x64xf32, #tpu.memory_space<vmem>>, vector<16xf32>,
      %get3A_118 = arith.index_cast %select_n3A : i32 to index
      %get3A_119 = arith.index_cast %select_n3A_92 : i32 to index
      %get3A_120 = arith.constant 32 : index
      %get3A_121 = tpu.vector_load %arg9[%get3A_118, %get3A_119, %get3A_120] {strides = array<i32>} : memref<32x8x64xf32, #tpu.memory_space<vmem>>, vector<16xf32>,
      %mul3A_122 = arith.mulf %get3A_117, %get3A_121 : vector<16xf32>
      %add3A_123 = arith.addf %add3A_113, %mul3A_122 : vector<16xf32>
      %get3A_124 = arith.index_cast %select_n3A : i32 to index
      %get3A_125 = arith.index_cast %select_n3A_92 : i32 to index
      %get3A_126 = arith.constant 48 : index
      %get3A_127 = tpu.vector_load %arg8[%get3A_124, %get3A_125, %get3A_126] {strides = array<i32>} : memref<32x8x64xf32, #tpu.memory_space<vmem>>, vector<16xf32>,
      %get3A_128 = arith.index_cast %select_n3A : i32 to index
      %get3A_129 = arith.index_cast %select_n3A_92 : i32 to index
      %get3A_130 = arith.constant 48 : index
      %get3A_131 = tpu.vector_load %arg9[%get3A_128, %get3A_129, %get3A_130] {strides = array<i32>} : memref<32x8x64xf32, #tpu.memory_space<vmem>>, vector<16xf32>,
      %mul3A_132 = arith.mulf %get3A_127, %get3A_131 : vector<16xf32>
      %add3A_133 = arith.addf %add3A_123, %mul3A_132 : vector<16xf32>
      %eq3A_134 = arith.constant 0 : i32
      %eq3A_135 = vector.broadcast %eq3A_134 : i32 to vector<16xi32>
      %eq3A_136 = arith.cmpi eq, %iota3A, %eq3A_135 : vector<16xi32>
      %reduce_sum3A = arith.constant true
      %reduce_sum3A_137 = vector.broadcast %reduce_sum3A : i1 to vector<16xi1>
      %reduce_sum3A_138 = tpu.scan <sum>, %add3A_133 masked %reduce_sum3A_137 : vector<16xf32>, vector<16xi1> -> vector<16xf32>
      %reduce_sum3A_139 = vector.extract %reduce_sum3A_138[15] : f32 from vector<16xf32>
      %broadcast_in_dim3A_140 = vector.broadcast %reduce_sum3A_139 : f32 to vector<16xf32>
      %select_n3A_141 = arith.select %eq3A_136, %broadcast_in_dim3A_140, %broadcast_in_dim3A_58 : vector<16xi1>, vector<16xf32>
      %mul3A_142 = arith.constant 16 : i32
      %mul3A_143 = arith.muli %scan3A_57, %mul3A_142 : i32
      %add3A_144 = arith.constant 1 : i32
      %add3A_145 = arith.addi %mul3A_143, %add3A_144 : i32
      %jit3A_146 = arith.constant 8 : i32
      %div3A_147 = arith.divsi %add3A_145, %jit3A_146 : i32
      %sign3A_148 = arith.constant 0 : i32
      %sign3A_149 = arith.cmpi sgt, %add3A_145, %sign3A_148 : i32
      %sign3A_150 = arith.extui %sign3A_149 : i1 to i32
      %sign3A_151 = arith.constant 0 : i32
      %sign3A_152 = arith.cmpi slt, %add3A_145, %sign3A_151 : i32
      %sign3A_153 = arith.extui %sign3A_152 : i1 to i32
      %sign3A_154 = arith.subi %sign3A_150, %sign3A_153 : i32
      %sign3A_155 = arith.constant 0 : i32
      %sign3A_156 = arith.cmpi sgt, %jit3A_146, %sign3A_155 : i32
      %sign3A_157 = arith.extui %sign3A_156 : i1 to i32
      %sign3A_158 = arith.constant 0 : i32
      %sign3A_159 = arith.cmpi slt, %jit3A_146, %sign3A_158 : i32
      %sign3A_160 = arith.extui %sign3A_159 : i1 to i32
      %sign3A_161 = arith.subi %sign3A_157, %sign3A_160 : i32
      %ne3A_162 = arith.cmpi ne, %sign3A_154, %sign3A_161 : i32
      %rem3A_163 = arith.remsi %add3A_145, %jit3A_146 : i32
      %ne3A_164 = arith.constant 0 : i32
      %ne3A_165 = arith.cmpi ne, %rem3A_163, %ne3A_164 : i32
      %and3A_166 = arith.andi %ne3A_162, %ne3A_165 : i1
      %sub3A_167 = arith.constant 1 : i32
      %sub3A_168 = arith.subi %div3A_147, %sub3A_167 : i32
      %select_n3A_169 = arith.select %and3A_166, %sub3A_168, %div3A_147 : i32
      %jit3A_170 = arith.constant 8 : i32
      %eq3A_171 = arith.constant 0 : i32
      %eq3A_172 = arith.cmpi eq, %jit3A_170, %eq3A_171 : i32
      %jit3A_173 = arith.constant 1 : i32
      %select_n3A_174 = arith.select %eq3A_172, %jit3A_173, %jit3A_170 : i32
      %rem3A_175 = arith.remsi %add3A_145, %select_n3A_174 : i32
      %ne3A_176 = arith.constant 0 : i32
      %ne3A_177 = arith.cmpi ne, %rem3A_175, %ne3A_176 : i32
      %lt3A_178 = arith.constant 0 : i32
      %lt3A_179 = arith.cmpi slt, %rem3A_175, %lt3A_178 : i32
      %lt3A_180 = arith.constant 0 : i32
      %lt3A_181 = arith.cmpi slt, %select_n3A_174, %lt3A_180 : i32
      %ne3A_182 = arith.xori %lt3A_179, %lt3A_181 : i1
      %and3A_183 = arith.andi %ne3A_182, %ne3A_177 : i1
      %add3A_184 = arith.addi %rem3A_175, %select_n3A_174 : i32
      %select_n3A_185 = arith.select %and3A_183, %add3A_184, %rem3A_175 : i32
      %broadcast_in_dim3A_186 = arith.constant 0.000000e+00 : f32
      %broadcast_in_dim3A_187 = vector.broadcast %broadcast_in_dim3A_186 : f32 to vector<16xf32>
      %get3A_188 = arith.index_cast %select_n3A_169 : i32 to index
      %get3A_189 = arith.index_cast %select_n3A_185 : i32 to index
      %get3A_190 = arith.constant 0 : index
      %get3A_191 = tpu.vector_load %arg8[%get3A_188, %get3A_189, %get3A_190] {strides = array<i32>} : memref<32x8x64xf32, #tpu.memory_space<vmem>>, vector<16xf32>,
      %get3A_192 = arith.index_cast %select_n3A_169 : i32 to index
      %get3A_193 = arith.index_cast %select_n3A_185 : i32 to index
      %get3A_194 = arith.constant 0 : index
      %get3A_195 = tpu.vector_load %arg9[%get3A_192, %get3A_193, %get3A_194] {strides = array<i32>} : memref<32x8x64xf32, #tpu.memory_space<vmem>>, vector<16xf32>,
      %mul3A_196 = arith.mulf %get3A_191, %get3A_195 : vector<16xf32>
      %add3A_197 = arith.addf %broadcast_in_dim3A_187, %mul3A_196 : vector<16xf32>
      %get3A_198 = arith.index_cast %select_n3A_169 : i32 to index
      %get3A_199 = arith.index_cast %select_n3A_185 : i32 to index
      %get3A_200 = arith.constant 16 : index
      %get3A_201 = tpu.vector_load %arg8[%get3A_198, %get3A_199, %get3A_200] {strides = array<i32>} : memref<32x8x64xf32, #tpu.memory_space<vmem>>, vector<16xf32>,
      %get3A_202 = arith.index_cast %select_n3A_169 : i32 to index
      %get3A_203 = arith.index_cast %select_n3A_185 : i32 to index
      %get3A_204 = arith.constant 16 : index
      %get3A_205 = tpu.vector_load %arg9[%get3A_202, %get3A_203, %get3A_204] {strides = array<i32>} : memref<32x8x64xf32, #tpu.memory_space<vmem>>, vector<16xf32>,
      %mul3A_206 = arith.mulf %get3A_201, %get3A_205 : vector<16xf32>
      %add3A_207 = arith.addf %add3A_197, %mul3A_206 : vector<16xf32>
      %get3A_208 = arith.index_cast %select_n3A_169 : i32 to index
      %get3A_209 = arith.index_cast %select_n3A_185 : i32 to index
      %get3A_210 = arith.constant 32 : index
      %get3A_211 = tpu.vector_load %arg8[%get3A_208, %get3A_209, %get3A_210] {strides = array<i32>} : memref<32x8x64xf32, #tpu.memory_space<vmem>>, vector<16xf32>,
      %get3A_212 = arith.index_cast %select_n3A_169 : i32 to index
      %get3A_213 = arith.index_cast %select_n3A_185 : i32 to index
      %get3A_214 = arith.constant 32 : index
      %get3A_215 = tpu.vector_load %arg9[%get3A_212, %get3A_213, %get3A_214] {strides = array<i32>} : memref<32x8x64xf32, #tpu.memory_space<vmem>>, vector<16xf32>,
      %mul3A_216 = arith.mulf %get3A_211, %get3A_215 : vector<16xf32>
      %add3A_217 = arith.addf %add3A_207, %mul3A_216 : vector<16xf32>
      %get3A_218 = arith.index_cast %select_n3A_169 : i32 to index
      %get3A_219 = arith.index_cast %select_n3A_185 : i32 to index
      %get3A_220 = arith.constant 48 : index
      %get3A_221 = tpu.vector_load %arg8[%get3A_218, %get3A_219, %get3A_220] {strides = array<i32>} : memref<32x8x64xf32, #tpu.memory_space<vmem>>, vector<16xf32>,
      %get3A_222 = arith.index_cast %select_n3A_169 : i32 to index
      %get3A_223 = arith.index_cast %select_n3A_185 : i32 to index
      %get3A_224 = arith.constant 48 : index
      %get3A_225 = tpu.vector_load %arg9[%get3A_222, %get3A_223, %get3A_224] {strides = array<i32>} : memref<32x8x64xf32, #tpu.memory_space<vmem>>, vector<16xf32>,
      %mul3A_226 = arith.mulf %get3A_221, %get3A_225 : vector<16xf32>
      %add3A_227 = arith.addf %add3A_217, %mul3A_226 : vector<16xf32>
      %eq3A_228 = arith.constant 1 : i32
      %eq3A_229 = vector.broadcast %eq3A_228 : i32 to vector<16xi32>
      %eq3A_230 = arith.cmpi eq, %iota3A, %eq3A_229 : vector<16xi32>
      %reduce_sum3A_231 = arith.constant true
      %reduce_sum3A_232 = vector.broadcast %reduce_sum3A_231 : i1 to vector<16xi1>
      %reduce_sum3A_233 = tpu.scan <sum>, %add3A_227 masked %reduce_sum3A_232 : vector<16xf32>, vector<16xi1> -> vector<16xf32>
      %reduce_sum3A_234 = vector.extract %reduce_sum3A_233[15] : f32 from vector<16xf32>
      %broadcast_in_dim3A_235 = vector.broadcast %reduce_sum3A_234 : f32 to vector<16xf32>
      %select_n3A_236 = arith.select %eq3A_230, %broadcast_in_dim3A_235, %select_n3A_141 : vector<16xi1>, vector<16xf32>
      %mul3A_237 = arith.constant 16 : i32
      %mul3A_238 = arith.muli %scan3A_57, %mul3A_237 : i32
      %add3A_239 = arith.constant 2 : i32
      %add3A_240 = arith.addi %mul3A_238, %add3A_239 : i32
      %jit3A_241 = arith.constant 8 : i32
      %div3A_242 = arith.divsi %add3A_240, %jit3A_241 : i32
      %sign3A_243 = arith.constant 0 : i32
      %sign3A_244 = arith.cmpi sgt, %add3A_240, %sign3A_243 : i32
      %sign3A_245 = arith.extui %sign3A_244 : i1 to i32
      %sign3A_246 = arith.constant 0 : i32
      %sign3A_247 = arith.cmpi slt, %add3A_240, %sign3A_246 : i32
      %sign3A_248 = arith.extui %sign3A_247 : i1 to i32
      %sign3A_249 = arith.subi %sign3A_245, %sign3A_248 : i32
      %sign3A_250 = arith.constant 0 : i32
      %sign3A_251 = arith.cmpi sgt, %jit3A_241, %sign3A_250 : i32
      %sign3A_252 = arith.extui %sign3A_251 : i1 to i32
      %sign3A_253 = arith.constant 0 : i32
      %sign3A_254 = arith.cmpi slt, %jit3A_241, %sign3A_253 : i32
      %sign3A_255 = arith.extui %sign3A_254 : i1 to i32
      %sign3A_256 = arith.subi %sign3A_252, %sign3A_255 : i32
      %ne3A_257 = arith.cmpi ne, %sign3A_249, %sign3A_256 : i32
      %rem3A_258 = arith.remsi %add3A_240, %jit3A_241 : i32
      %ne3A_259 = arith.constant 0 : i32
      %ne3A_260 = arith.cmpi ne, %rem3A_258, %ne3A_259 : i32
      %and3A_261 = arith.andi %ne3A_257, %ne3A_260 : i1
      %sub3A_262 = arith.constant 1 : i32
      %sub3A_263 = arith.subi %div3A_242, %sub3A_262 : i32
      %select_n3A_264 = arith.select %and3A_261, %sub3A_263, %div3A_242 : i32
      %jit3A_265 = arith.constant 8 : i32
      %eq3A_266 = arith.constant 0 : i32
      %eq3A_267 = arith.cmpi eq, %jit3A_265, %eq3A_266 : i32
      %jit3A_268 = arith.constant 1 : i32
      %select_n3A_269 = arith.select %eq3A_267, %jit3A_268, %jit3A_265 : i32
      %rem3A_270 = arith.remsi %add3A_240, %select_n3A_269 : i32
      %ne3A_271 = arith.constant 0 : i32
      %ne3A_272 = arith.cmpi ne, %rem3A_270, %ne3A_271 : i32
      %lt3A_273 = arith.constant 0 : i32
      %lt3A_274 = arith.cmpi slt, %rem3A_270, %lt3A_273 : i32
      %lt3A_275 = arith.constant 0 : i32
      %lt3A_276 = arith.cmpi slt, %select_n3A_269, %lt3A_275 : i32
      %ne3A_277 = arith.xori %lt3A_274, %lt3A_276 : i1
      %and3A_278 = arith.andi %ne3A_277, %ne3A_272 : i1
      %add3A_279 = arith.addi %rem3A_270, %select_n3A_269 : i32
      %select_n3A_280 = arith.select %and3A_278, %add3A_279, %rem3A_270 : i32
      %broadcast_in_dim3A_281 = arith.constant 0.000000e+00 : f32
      %broadcast_in_dim3A_282 = vector.broadcast %broadcast_in_dim3A_281 : f32 to vector<16xf32>
      %get3A_283 = arith.index_cast %select_n3A_264 : i32 to index
      %get3A_284 = arith.index_cast %select_n3A_280 : i32 to index
      %get3A_285 = arith.constant 0 : index
      %get3A_286 = tpu.vector_load %arg8[%get3A_283, %get3A_284, %get3A_285] {strides = array<i32>} : memref<32x8x64xf32, #tpu.memory_space<vmem>>, vector<16xf32>,
      %get3A_287 = arith.index_cast %select_n3A_264 : i32 to index
      %get3A_288 = arith.index_cast %select_n3A_280 : i32 to index
      %get3A_289 = arith.constant 0 : index
      %get3A_290 = tpu.vector_load %arg9[%get3A_287, %get3A_288, %get3A_289] {strides = array<i32>} : memref<32x8x64xf32, #tpu.memory_space<vmem>>, vector<16xf32>,
      %mul3A_291 = arith.mulf %get3A_286, %get3A_290 : vector<16xf32>
      %add3A_292 = arith.addf %broadcast_in_dim3A_282, %mul3A_291 : vector<16xf32>
      %get3A_293 = arith.index_cast %select_n3A_264 : i32 to index
      %get3A_294 = arith.index_cast %select_n3A_280 : i32 to index
      %get3A_295 = arith.constant 16 : index
      %get3A_296 = tpu.vector_load %arg8[%get3A_293, %get3A_294, %get3A_295] {strides = array<i32>} : memref<32x8x64xf32, #tpu.memory_space<vmem>>, vector<16xf32>,
      %get3A_297 = arith.index_cast %select_n3A_264 : i32 to index
      %get3A_298 = arith.index_cast %select_n3A_280 : i32 to index
      %get3A_299 = arith.constant 16 : index
      %get3A_300 = tpu.vector_load %arg9[%get3A_297, %get3A_298, %get3A_299] {strides = array<i32>} : memref<32x8x64xf32, #tpu.memory_space<vmem>>, vector<16xf32>,
      %mul3A_301 = arith.mulf %get3A_296, %get3A_300 : vector<16xf32>
      %add3A_302 = arith.addf %add3A_292, %mul3A_301 : vector<16xf32>
      %get3A_303 = arith.index_cast %select_n3A_264 : i32 to index
      %get3A_304 = arith.index_cast %select_n3A_280 : i32 to index
      %get3A_305 = arith.constant 32 : index
      %get3A_306 = tpu.vector_load %arg8[%get3A_303, %get3A_304, %get3A_305] {strides = array<i32>} : memref<32x8x64xf32, #tpu.memory_space<vmem>>, vector<16xf32>,
      %get3A_307 = arith.index_cast %select_n3A_264 : i32 to index
      %get3A_308 = arith.index_cast %select_n3A_280 : i32 to index
      %get3A_309 = arith.constant 32 : index
      %get3A_310 = tpu.vector_load %arg9[%get3A_307, %get3A_308, %get3A_309] {strides = array<i32>} : memref<32x8x64xf32, #tpu.memory_space<vmem>>, vector<16xf32>,
      %mul3A_311 = arith.mulf %get3A_306, %get3A_310 : vector<16xf32>
      %add3A_312 = arith.addf %add3A_302, %mul3A_311 : vector<16xf32>
      %get3A_313 = arith.index_cast %select_n3A_264 : i32 to index
      %get3A_314 = arith.index_cast %select_n3A_280 : i32 to index
      %get3A_315 = arith.constant 48 : index
      %get3A_316 = tpu.vector_load %arg8[%get3A_313, %get3A_314, %get3A_315] {strides = array<i32>} : memref<32x8x64xf32, #tpu.memory_space<vmem>>, vector<16xf32>,
      %get3A_317 = arith.index_cast %select_n3A_264 : i32 to index
      %get3A_318 = arith.index_cast %select_n3A_280 : i32 to index
      %get3A_319 = arith.constant 48 : index
      %get3A_320 = tpu.vector_load %arg9[%get3A_317, %get3A_318, %get3A_319] {strides = array<i32>} : memref<32x8x64xf32, #tpu.memory_space<vmem>>, vector<16xf32>,
      %mul3A_321 = arith.mulf %get3A_316, %get3A_320 : vector<16xf32>
      %add3A_322 = arith.addf %add3A_312, %mul3A_321 : vector<16xf32>
      %eq3A_323 = arith.constant 2 : i32
      %eq3A_324 = vector.broadcast %eq3A_323 : i32 to vector<16xi32>
      %eq3A_325 = arith.cmpi eq, %iota3A, %eq3A_324 : vector<16xi32>
      %reduce_sum3A_326 = arith.constant true
      %reduce_sum3A_327 = vector.broadcast %reduce_sum3A_326 : i1 to vector<16xi1>
      %reduce_sum3A_328 = tpu.scan <sum>, %add3A_322 masked %reduce_sum3A_327 : vector<16xf32>, vector<16xi1> -> vector<16xf32>
      %reduce_sum3A_329 = vector.extract %reduce_sum3A_328[15] : f32 from vector<16xf32>
      %broadcast_in_dim3A_330 = vector.broadcast %reduce_sum3A_329 : f32 to vector<16xf32>
      %select_n3A_331 = arith.select %eq3A_325, %broadcast_in_dim3A_330, %select_n3A_236 : vector<16xi1>, vector<16xf32>
      %mul3A_332 = arith.constant 16 : i32
      %mul3A_333 = arith.muli %scan3A_57, %mul3A_332 : i32
      %add3A_334 = arith.constant 3 : i32
      %add3A_335 = arith.addi %mul3A_333, %add3A_334 : i32
      %jit3A_336 = arith.constant 8 : i32
      %div3A_337 = arith.divsi %add3A_335, %jit3A_336 : i32
      %sign3A_338 = arith.constant 0 : i32
      %sign3A_339 = arith.cmpi sgt, %add3A_335, %sign3A_338 : i32
      %sign3A_340 = arith.extui %sign3A_339 : i1 to i32
      %sign3A_341 = arith.constant 0 : i32
      %sign3A_342 = arith.cmpi slt, %add3A_335, %sign3A_341 : i32
      %sign3A_343 = arith.extui %sign3A_342 : i1 to i32
      %sign3A_344 = arith.subi %sign3A_340, %sign3A_343 : i32
      %sign3A_345 = arith.constant 0 : i32
      %sign3A_346 = arith.cmpi sgt, %jit3A_336, %sign3A_345 : i32
      %sign3A_347 = arith.extui %sign3A_346 : i1 to i32
      %sign3A_348 = arith.constant 0 : i32
      %sign3A_349 = arith.cmpi slt, %jit3A_336, %sign3A_348 : i32
      %sign3A_350 = arith.extui %sign3A_349 : i1 to i32
      %sign3A_351 = arith.subi %sign3A_347, %sign3A_350 : i32
      %ne3A_352 = arith.cmpi ne, %sign3A_344, %sign3A_351 : i32
      %rem3A_353 = arith.remsi %add3A_335, %jit3A_336 : i32
      %ne3A_354 = arith.constant 0 : i32
      %ne3A_355 = arith.cmpi ne, %rem3A_353, %ne3A_354 : i32
      %and3A_356 = arith.andi %ne3A_352, %ne3A_355 : i1
      %sub3A_357 = arith.constant 1 : i32
      %sub3A_358 = arith.subi %div3A_337, %sub3A_357 : i32
      %select_n3A_359 = arith.select %and3A_356, %sub3A_358, %div3A_337 : i32
      %jit3A_360 = arith.constant 8 : i32
      %eq3A_361 = arith.constant 0 : i32
      %eq3A_362 = arith.cmpi eq, %jit3A_360, %eq3A_361 : i32
      %jit3A_363 = arith.constant 1 : i32
      %select_n3A_364 = arith.select %eq3A_362, %jit3A_363, %jit3A_360 : i32
      %rem3A_365 = arith.remsi %add3A_335, %select_n3A_364 : i32
      %ne3A_366 = arith.constant 0 : i32
      %ne3A_367 = arith.cmpi ne, %rem3A_365, %ne3A_366 : i32
      %lt3A_368 = arith.constant 0 : i32
      %lt3A_369 = arith.cmpi slt, %rem3A_365, %lt3A_368 : i32
      %lt3A_370 = arith.constant 0 : i32
      %lt3A_371 = arith.cmpi slt, %select_n3A_364, %lt3A_370 : i32
      %ne3A_372 = arith.xori %lt3A_369, %lt3A_371 : i1
      %and3A_373 = arith.andi %ne3A_372, %ne3A_367 : i1
      %add3A_374 = arith.addi %rem3A_365, %select_n3A_364 : i32
      %select_n3A_375 = arith.select %and3A_373, %add3A_374, %rem3A_365 : i32
      %broadcast_in_dim3A_376 = arith.constant 0.000000e+00 : f32
      %broadcast_in_dim3A_377 = vector.broadcast %broadcast_in_dim3A_376 : f32 to vector<16xf32>
      %get3A_378 = arith.index_cast %select_n3A_359 : i32 to index
      %get3A_379 = arith.index_cast %select_n3A_375 : i32 to index
      %get3A_380 = arith.constant 0 : index
      %get3A_381 = tpu.vector_load %arg8[%get3A_378, %get3A_379, %get3A_380] {strides = array<i32>} : memref<32x8x64xf32, #tpu.memory_space<vmem>>, vector<16xf32>,
      %get3A_382 = arith.index_cast %select_n3A_359 : i32 to index
      %get3A_383 = arith.index_cast %select_n3A_375 : i32 to index
      %get3A_384 = arith.constant 0 : index
      %get3A_385 = tpu.vector_load %arg9[%get3A_382, %get3A_383, %get3A_384] {strides = array<i32>} : memref<32x8x64xf32, #tpu.memory_space<vmem>>, vector<16xf32>,
      %mul3A_386 = arith.mulf %get3A_381, %get3A_385 : vector<16xf32>
      %add3A_387 = arith.addf %broadcast_in_dim3A_377, %mul3A_386 : vector<16xf32>
      %get3A_388 = arith.index_cast %select_n3A_359 : i32 to index
      %get3A_389 = arith.index_cast %select_n3A_375 : i32 to index
      %get3A_390 = arith.constant 16 : index
      %get3A_391 = tpu.vector_load %arg8[%get3A_388, %get3A_389, %get3A_390] {strides = array<i32>} : memref<32x8x64xf32, #tpu.memory_space<vmem>>, vector<16xf32>,
      %get3A_392 = arith.index_cast %select_n3A_359 : i32 to index
      %get3A_393 = arith.index_cast %select_n3A_375 : i32 to index
      %get3A_394 = arith.constant 16 : index
      %get3A_395 = tpu.vector_load %arg9[%get3A_392, %get3A_393, %get3A_394] {strides = array<i32>} : memref<32x8x64xf32, #tpu.memory_space<vmem>>, vector<16xf32>,
      %mul3A_396 = arith.mulf %get3A_391, %get3A_395 : vector<16xf32>
      %add3A_397 = arith.addf %add3A_387, %mul3A_396 : vector<16xf32>
      %get3A_398 = arith.index_cast %select_n3A_359 : i32 to index
      %get3A_399 = arith.index_cast %select_n3A_375 : i32 to index
      %get3A_400 = arith.constant 32 : index
      %get3A_401 = tpu.vector_load %arg8[%get3A_398, %get3A_399, %get3A_400] {strides = array<i32>} : memref<32x8x64xf32, #tpu.memory_space<vmem>>, vector<16xf32>,
      %get3A_402 = arith.index_cast %select_n3A_359 : i32 to index
      %get3A_403 = arith.index_cast %select_n3A_375 : i32 to index
      %get3A_404 = arith.constant 32 : index
      %get3A_405 = tpu.vector_load %arg9[%get3A_402, %get3A_403, %get3A_404] {strides = array<i32>} : memref<32x8x64xf32, #tpu.memory_space<vmem>>, vector<16xf32>,
      %mul3A_406 = arith.mulf %get3A_401, %get3A_405 : vector<16xf32>
      %add3A_407 = arith.addf %add3A_397, %mul3A_406 : vector<16xf32>
      %get3A_408 = arith.index_cast %select_n3A_359 : i32 to index
      %get3A_409 = arith.index_cast %select_n3A_375 : i32 to index
      %get3A_410 = arith.constant 48 : index
      %get3A_411 = tpu.vector_load %arg8[%get3A_408, %get3A_409, %get3A_410] {strides = array<i32>} : memref<32x8x64xf32, #tpu.memory_space<vmem>>, vector<16xf32>,
      %get3A_412 = arith.index_cast %select_n3A_359 : i32 to index
      %get3A_413 = arith.index_cast %select_n3A_375 : i32 to index
      %get3A_414 = arith.constant 48 : index
      %get3A_415 = tpu.vector_load %arg9[%get3A_412, %get3A_413, %get3A_414] {strides = array<i32>} : memref<32x8x64xf32, #tpu.memory_space<vmem>>, vector<16xf32>,
      %mul3A_416 = arith.mulf %get3A_411, %get3A_415 : vector<16xf32>
      %add3A_417 = arith.addf %add3A_407, %mul3A_416 : vector<16xf32>
      %eq3A_418 = arith.constant 3 : i32
      %eq3A_419 = vector.broadcast %eq3A_418 : i32 to vector<16xi32>
      %eq3A_420 = arith.cmpi eq, %iota3A, %eq3A_419 : vector<16xi32>
      %reduce_sum3A_421 = arith.constant true
      %reduce_sum3A_422 = vector.broadcast %reduce_sum3A_421 : i1 to vector<16xi1>
      %reduce_sum3A_423 = tpu.scan <sum>, %add3A_417 masked %reduce_sum3A_422 : vector<16xf32>, vector<16xi1> -> vector<16xf32>
      %reduce_sum3A_424 = vector.extract %reduce_sum3A_423[15] : f32 from vector<16xf32>
      %broadcast_in_dim3A_425 = vector.broadcast %reduce_sum3A_424 : f32 to vector<16xf32>
      %select_n3A_426 = arith.select %eq3A_420, %broadcast_in_dim3A_425, %select_n3A_331 : vector<16xi1>, vector<16xf32>
      %mul3A_427 = arith.constant 16 : i32
      %mul3A_428 = arith.muli %scan3A_57, %mul3A_427 : i32
      %add3A_429 = arith.constant 4 : i32
      %add3A_430 = arith.addi %mul3A_428, %add3A_429 : i32
      %jit3A_431 = arith.constant 8 : i32
      %div3A_432 = arith.divsi %add3A_430, %jit3A_431 : i32
      %sign3A_433 = arith.constant 0 : i32
      %sign3A_434 = arith.cmpi sgt, %add3A_430, %sign3A_433 : i32
      %sign3A_435 = arith.extui %sign3A_434 : i1 to i32
      %sign3A_436 = arith.constant 0 : i32
      %sign3A_437 = arith.cmpi slt, %add3A_430, %sign3A_436 : i32
      %sign3A_438 = arith.extui %sign3A_437 : i1 to i32
      %sign3A_439 = arith.subi %sign3A_435, %sign3A_438 : i32
      %sign3A_440 = arith.constant 0 : i32
      %sign3A_441 = arith.cmpi sgt, %jit3A_431, %sign3A_440 : i32
      %sign3A_442 = arith.extui %sign3A_441 : i1 to i32
      %sign3A_443 = arith.constant 0 : i32
      %sign3A_444 = arith.cmpi slt, %jit3A_431, %sign3A_443 : i32
      %sign3A_445 = arith.extui %sign3A_444 : i1 to i32
      %sign3A_446 = arith.subi %sign3A_442, %sign3A_445 : i32
      %ne3A_447 = arith.cmpi ne, %sign3A_439, %sign3A_446 : i32
      %rem3A_448 = arith.remsi %add3A_430, %jit3A_431 : i32
      %ne3A_449 = arith.constant 0 : i32
      %ne3A_450 = arith.cmpi ne, %rem3A_448, %ne3A_449 : i32
      %and3A_451 = arith.andi %ne3A_447, %ne3A_450 : i1
      %sub3A_452 = arith.constant 1 : i32
      %sub3A_453 = arith.subi %div3A_432, %sub3A_452 : i32
      %select_n3A_454 = arith.select %and3A_451, %sub3A_453, %div3A_432 : i32
      %jit3A_455 = arith.constant 8 : i32
      %eq3A_456 = arith.constant 0 : i32
      %eq3A_457 = arith.cmpi eq, %jit3A_455, %eq3A_456 : i32
      %jit3A_458 = arith.constant 1 : i32
      %select_n3A_459 = arith.select %eq3A_457, %jit3A_458, %jit3A_455 : i32
      %rem3A_460 = arith.remsi %add3A_430, %select_n3A_459 : i32
      %ne3A_461 = arith.constant 0 : i32
      %ne3A_462 = arith.cmpi ne, %rem3A_460, %ne3A_461 : i32
      %lt3A_463 = arith.constant 0 : i32
      %lt3A_464 = arith.cmpi slt, %rem3A_460, %lt3A_463 : i32
      %lt3A_465 = arith.constant 0 : i32
      %lt3A_466 = arith.cmpi slt, %select_n3A_459, %lt3A_465 : i32
      %ne3A_467 = arith.xori %lt3A_464, %lt3A_466 : i1
      %and3A_468 = arith.andi %ne3A_467, %ne3A_462 : i1
      %add3A_469 = arith.addi %rem3A_460, %select_n3A_459 : i32
      %select_n3A_470 = arith.select %and3A_468, %add3A_469, %rem3A_460 : i32
      %broadcast_in_dim3A_471 = arith.constant 0.000000e+00 : f32
      %broadcast_in_dim3A_472 = vector.broadcast %broadcast_in_dim3A_471 : f32 to vector<16xf32>
      %get3A_473 = arith.index_cast %select_n3A_454 : i32 to index
      %get3A_474 = arith.index_cast %select_n3A_470 : i32 to index
      %get3A_475 = arith.constant 0 : index
      %get3A_476 = tpu.vector_load %arg8[%get3A_473, %get3A_474, %get3A_475] {strides = array<i32>} : memref<32x8x64xf32, #tpu.memory_space<vmem>>, vector<16xf32>,
      %get3A_477 = arith.index_cast %select_n3A_454 : i32 to index
      %get3A_478 = arith.index_cast %select_n3A_470 : i32 to index
      %get3A_479 = arith.constant 0 : index
      %get3A_480 = tpu.vector_load %arg9[%get3A_477, %get3A_478, %get3A_479] {strides = array<i32>} : memref<32x8x64xf32, #tpu.memory_space<vmem>>, vector<16xf32>,
      %mul3A_481 = arith.mulf %get3A_476, %get3A_480 : vector<16xf32>
      %add3A_482 = arith.addf %broadcast_in_dim3A_472, %mul3A_481 : vector<16xf32>
      %get3A_483 = arith.index_cast %select_n3A_454 : i32 to index
      %get3A_484 = arith.index_cast %select_n3A_470 : i32 to index
      %get3A_485 = arith.constant 16 : index
      %get3A_486 = tpu.vector_load %arg8[%get3A_483, %get3A_484, %get3A_485] {strides = array<i32>} : memref<32x8x64xf32, #tpu.memory_space<vmem>>, vector<16xf32>,
      %get3A_487 = arith.index_cast %select_n3A_454 : i32 to index
      %get3A_488 = arith.index_cast %select_n3A_470 : i32 to index
      %get3A_489 = arith.constant 16 : index
      %get3A_490 = tpu.vector_load %arg9[%get3A_487, %get3A_488, %get3A_489] {strides = array<i32>} : memref<32x8x64xf32, #tpu.memory_space<vmem>>, vector<16xf32>,
      %mul3A_491 = arith.mulf %get3A_486, %get3A_490 : vector<16xf32>
      %add3A_492 = arith.addf %add3A_482, %mul3A_491 : vector<16xf32>
      %get3A_493 = arith.index_cast %select_n3A_454 : i32 to index
      %get3A_494 = arith.index_cast %select_n3A_470 : i32 to index
      %get3A_495 = arith.constant 32 : index
      %get3A_496 = tpu.vector_load %arg8[%get3A_493, %get3A_494, %get3A_495] {strides = array<i32>} : memref<32x8x64xf32, #tpu.memory_space<vmem>>, vector<16xf32>,
      %get3A_497 = arith.index_cast %select_n3A_454 : i32 to index
      %get3A_498 = arith.index_cast %select_n3A_470 : i32 to index
      %get3A_499 = arith.constant 32 : index
      %get3A_500 = tpu.vector_load %arg9[%get3A_497, %get3A_498, %get3A_499] {strides = array<i32>} : memref<32x8x64xf32, #tpu.memory_space<vmem>>, vector<16xf32>,
      %mul3A_501 = arith.mulf %get3A_496, %get3A_500 : vector<16xf32>
      %add3A_502 = arith.addf %add3A_492, %mul3A_501 : vector<16xf32>
      %get3A_503 = arith.index_cast %select_n3A_454 : i32 to index
      %get3A_504 = arith.index_cast %select_n3A_470 : i32 to index
      %get3A_505 = arith.constant 48 : index
      %get3A_506 = tpu.vector_load %arg8[%get3A_503, %get3A_504, %get3A_505] {strides = array<i32>} : memref<32x8x64xf32, #tpu.memory_space<vmem>>, vector<16xf32>,
      %get3A_507 = arith.index_cast %select_n3A_454 : i32 to index
      %get3A_508 = arith.index_cast %select_n3A_470 : i32 to index
      %get3A_509 = arith.constant 48 : index
      %get3A_510 = tpu.vector_load %arg9[%get3A_507, %get3A_508, %get3A_509] {strides = array<i32>} : memref<32x8x64xf32, #tpu.memory_space<vmem>>, vector<16xf32>,
      %mul3A_511 = arith.mulf %get3A_506, %get3A_510 : vector<16xf32>
      %add3A_512 = arith.addf %add3A_502, %mul3A_511 : vector<16xf32>
      %eq3A_513 = arith.constant 4 : i32
      %eq3A_514 = vector.broadcast %eq3A_513 : i32 to vector<16xi32>
      %eq3A_515 = arith.cmpi eq, %iota3A, %eq3A_514 : vector<16xi32>
      %reduce_sum3A_516 = arith.constant true
      %reduce_sum3A_517 = vector.broadcast %reduce_sum3A_516 : i1 to vector<16xi1>
      %reduce_sum3A_518 = tpu.scan <sum>, %add3A_512 masked %reduce_sum3A_517 : vector<16xf32>, vector<16xi1> -> vector<16xf32>
      %reduce_sum3A_519 = vector.extract %reduce_sum3A_518[15] : f32 from vector<16xf32>
      %broadcast_in_dim3A_520 = vector.broadcast %reduce_sum3A_519 : f32 to vector<16xf32>
      %select_n3A_521 = arith.select %eq3A_515, %broadcast_in_dim3A_520, %select_n3A_426 : vector<16xi1>, vector<16xf32>
      %mul3A_522 = arith.constant 16 : i32
      %mul3A_523 = arith.muli %scan3A_57, %mul3A_522 : i32
      %add3A_524 = arith.constant 5 : i32
      %add3A_525 = arith.addi %mul3A_523, %add3A_524 : i32
      %jit3A_526 = arith.constant 8 : i32
      %div3A_527 = arith.divsi %add3A_525, %jit3A_526 : i32
      %sign3A_528 = arith.constant 0 : i32
      %sign3A_529 = arith.cmpi sgt, %add3A_525, %sign3A_528 : i32
      %sign3A_530 = arith.extui %sign3A_529 : i1 to i32
      %sign3A_531 = arith.constant 0 : i32
      %sign3A_532 = arith.cmpi slt, %add3A_525, %sign3A_531 : i32
      %sign3A_533 = arith.extui %sign3A_532 : i1 to i32
      %sign3A_534 = arith.subi %sign3A_530, %sign3A_533 : i32
      %sign3A_535 = arith.constant 0 : i32
      %sign3A_536 = arith.cmpi sgt, %jit3A_526, %sign3A_535 : i32
      %sign3A_537 = arith.extui %sign3A_536 : i1 to i32
      %sign3A_538 = arith.constant 0 : i32
      %sign3A_539 = arith.cmpi slt, %jit3A_526, %sign3A_538 : i32
      %sign3A_540 = arith.extui %sign3A_539 : i1 to i32
      %sign3A_541 = arith.subi %sign3A_537, %sign3A_540 : i32
      %ne3A_542 = arith.cmpi ne, %sign3A_534, %sign3A_541 : i32
      %rem3A_543 = arith.remsi %add3A_525, %jit3A_526 : i32
      %ne3A_544 = arith.constant 0 : i32
      %ne3A_545 = arith.cmpi ne, %rem3A_543, %ne3A_544 : i32
      %and3A_546 = arith.andi %ne3A_542, %ne3A_545 : i1
      %sub3A_547 = arith.constant 1 : i32
      %sub3A_548 = arith.subi %div3A_527, %sub3A_547 : i32
      %select_n3A_549 = arith.select %and3A_546, %sub3A_548, %div3A_527 : i32
      %jit3A_550 = arith.constant 8 : i32
      %eq3A_551 = arith.constant 0 : i32
      %eq3A_552 = arith.cmpi eq, %jit3A_550, %eq3A_551 : i32
      %jit3A_553 = arith.constant 1 : i32
      %select_n3A_554 = arith.select %eq3A_552, %jit3A_553, %jit3A_550 : i32
      %rem3A_555 = arith.remsi %add3A_525, %select_n3A_554 : i32
      %ne3A_556 = arith.constant 0 : i32
      %ne3A_557 = arith.cmpi ne, %rem3A_555, %ne3A_556 : i32
      %lt3A_558 = arith.constant 0 : i32
      %lt3A_559 = arith.cmpi slt, %rem3A_555, %lt3A_558 : i32
      %lt3A_560 = arith.constant 0 : i32
      %lt3A_561 = arith.cmpi slt, %select_n3A_554, %lt3A_560 : i32
      %ne3A_562 = arith.xori %lt3A_559, %lt3A_561 : i1
      %and3A_563 = arith.andi %ne3A_562, %ne3A_557 : i1
      %add3A_564 = arith.addi %rem3A_555, %select_n3A_554 : i32
      %select_n3A_565 = arith.select %and3A_563, %add3A_564, %rem3A_555 : i32
      %broadcast_in_dim3A_566 = arith.constant 0.000000e+00 : f32
      %broadcast_in_dim3A_567 = vector.broadcast %broadcast_in_dim3A_566 : f32 to vector<16xf32>
      %get3A_568 = arith.index_cast %select_n3A_549 : i32 to index
      %get3A_569 = arith.index_cast %select_n3A_565 : i32 to index
      %get3A_570 = arith.constant 0 : index
      %get3A_571 = tpu.vector_load %arg8[%get3A_568, %get3A_569, %get3A_570] {strides = array<i32>} : memref<32x8x64xf32, #tpu.memory_space<vmem>>, vector<16xf32>,
      %get3A_572 = arith.index_cast %select_n3A_549 : i32 to index
      %get3A_573 = arith.index_cast %select_n3A_565 : i32 to index
      %get3A_574 = arith.constant 0 : index
      %get3A_575 = tpu.vector_load %arg9[%get3A_572, %get3A_573, %get3A_574] {strides = array<i32>} : memref<32x8x64xf32, #tpu.memory_space<vmem>>, vector<16xf32>,
      %mul3A_576 = arith.mulf %get3A_571, %get3A_575 : vector<16xf32>
      %add3A_577 = arith.addf %broadcast_in_dim3A_567, %mul3A_576 : vector<16xf32>
      %get3A_578 = arith.index_cast %select_n3A_549 : i32 to index
      %get3A_579 = arith.index_cast %select_n3A_565 : i32 to index
      %get3A_580 = arith.constant 16 : index
      %get3A_581 = tpu.vector_load %arg8[%get3A_578, %get3A_579, %get3A_580] {strides = array<i32>} : memref<32x8x64xf32, #tpu.memory_space<vmem>>, vector<16xf32>,
      %get3A_582 = arith.index_cast %select_n3A_549 : i32 to index
      %get3A_583 = arith.index_cast %select_n3A_565 : i32 to index
      %get3A_584 = arith.constant 16 : index
      %get3A_585 = tpu.vector_load %arg9[%get3A_582, %get3A_583, %get3A_584] {strides = array<i32>} : memref<32x8x64xf32, #tpu.memory_space<vmem>>, vector<16xf32>,
      %mul3A_586 = arith.mulf %get3A_581, %get3A_585 : vector<16xf32>
      %add3A_587 = arith.addf %add3A_577, %mul3A_586 : vector<16xf32>
      %get3A_588 = arith.index_cast %select_n3A_549 : i32 to index
      %get3A_589 = arith.index_cast %select_n3A_565 : i32 to index
      %get3A_590 = arith.constant 32 : index
      %get3A_591 = tpu.vector_load %arg8[%get3A_588, %get3A_589, %get3A_590] {strides = array<i32>} : memref<32x8x64xf32, #tpu.memory_space<vmem>>, vector<16xf32>,
      %get3A_592 = arith.index_cast %select_n3A_549 : i32 to index
      %get3A_593 = arith.index_cast %select_n3A_565 : i32 to index
      %get3A_594 = arith.constant 32 : index
      %get3A_595 = tpu.vector_load %arg9[%get3A_592, %get3A_593, %get3A_594] {strides = array<i32>} : memref<32x8x64xf32, #tpu.memory_space<vmem>>, vector<16xf32>,
      %mul3A_596 = arith.mulf %get3A_591, %get3A_595 : vector<16xf32>
      %add3A_597 = arith.addf %add3A_587, %mul3A_596 : vector<16xf32>
      %get3A_598 = arith.index_cast %select_n3A_549 : i32 to index
      %get3A_599 = arith.index_cast %select_n3A_565 : i32 to index
      %get3A_600 = arith.constant 48 : index
      %get3A_601 = tpu.vector_load %arg8[%get3A_598, %get3A_599, %get3A_600] {strides = array<i32>} : memref<32x8x64xf32, #tpu.memory_space<vmem>>, vector<16xf32>,
      %get3A_602 = arith.index_cast %select_n3A_549 : i32 to index
      %get3A_603 = arith.index_cast %select_n3A_565 : i32 to index
      %get3A_604 = arith.constant 48 : index
      %get3A_605 = tpu.vector_load %arg9[%get3A_602, %get3A_603, %get3A_604] {strides = array<i32>} : memref<32x8x64xf32, #tpu.memory_space<vmem>>, vector<16xf32>,
      %mul3A_606 = arith.mulf %get3A_601, %get3A_605 : vector<16xf32>
      %add3A_607 = arith.addf %add3A_597, %mul3A_606 : vector<16xf32>
      %eq3A_608 = arith.constant 5 : i32
      %eq3A_609 = vector.broadcast %eq3A_608 : i32 to vector<16xi32>
      %eq3A_610 = arith.cmpi eq, %iota3A, %eq3A_609 : vector<16xi32>
      %reduce_sum3A_611 = arith.constant true
      %reduce_sum3A_612 = vector.broadcast %reduce_sum3A_611 : i1 to vector<16xi1>
      %reduce_sum3A_613 = tpu.scan <sum>, %add3A_607 masked %reduce_sum3A_612 : vector<16xf32>, vector<16xi1> -> vector<16xf32>
      %reduce_sum3A_614 = vector.extract %reduce_sum3A_613[15] : f32 from vector<16xf32>
      %broadcast_in_dim3A_615 = vector.broadcast %reduce_sum3A_614 : f32 to vector<16xf32>
      %select_n3A_616 = arith.select %eq3A_610, %broadcast_in_dim3A_615, %select_n3A_521 : vector<16xi1>, vector<16xf32>
      %mul3A_617 = arith.constant 16 : i32
      %mul3A_618 = arith.muli %scan3A_57, %mul3A_617 : i32
      %add3A_619 = arith.constant 6 : i32
      %add3A_620 = arith.addi %mul3A_618, %add3A_619 : i32
      %jit3A_621 = arith.constant 8 : i32
      %div3A_622 = arith.divsi %add3A_620, %jit3A_621 : i32
      %sign3A_623 = arith.constant 0 : i32
      %sign3A_624 = arith.cmpi sgt, %add3A_620, %sign3A_623 : i32
      %sign3A_625 = arith.extui %sign3A_624 : i1 to i32
      %sign3A_626 = arith.constant 0 : i32
      %sign3A_627 = arith.cmpi slt, %add3A_620, %sign3A_626 : i32
      %sign3A_628 = arith.extui %sign3A_627 : i1 to i32
      %sign3A_629 = arith.subi %sign3A_625, %sign3A_628 : i32
      %sign3A_630 = arith.constant 0 : i32
      %sign3A_631 = arith.cmpi sgt, %jit3A_621, %sign3A_630 : i32
      %sign3A_632 = arith.extui %sign3A_631 : i1 to i32
      %sign3A_633 = arith.constant 0 : i32
      %sign3A_634 = arith.cmpi slt, %jit3A_621, %sign3A_633 : i32
      %sign3A_635 = arith.extui %sign3A_634 : i1 to i32
      %sign3A_636 = arith.subi %sign3A_632, %sign3A_635 : i32
      %ne3A_637 = arith.cmpi ne, %sign3A_629, %sign3A_636 : i32
      %rem3A_638 = arith.remsi %add3A_620, %jit3A_621 : i32
      %ne3A_639 = arith.constant 0 : i32
      %ne3A_640 = arith.cmpi ne, %rem3A_638, %ne3A_639 : i32
      %and3A_641 = arith.andi %ne3A_637, %ne3A_640 : i1
      %sub3A_642 = arith.constant 1 : i32
      %sub3A_643 = arith.subi %div3A_622, %sub3A_642 : i32
      %select_n3A_644 = arith.select %and3A_641, %sub3A_643, %div3A_622 : i32
      %jit3A_645 = arith.constant 8 : i32
      %eq3A_646 = arith.constant 0 : i32
      %eq3A_647 = arith.cmpi eq, %jit3A_645, %eq3A_646 : i32
      %jit3A_648 = arith.constant 1 : i32
      %select_n3A_649 = arith.select %eq3A_647, %jit3A_648, %jit3A_645 : i32
      %rem3A_650 = arith.remsi %add3A_620, %select_n3A_649 : i32
      %ne3A_651 = arith.constant 0 : i32
      %ne3A_652 = arith.cmpi ne, %rem3A_650, %ne3A_651 : i32
      %lt3A_653 = arith.constant 0 : i32
      %lt3A_654 = arith.cmpi slt, %rem3A_650, %lt3A_653 : i32
      %lt3A_655 = arith.constant 0 : i32
      %lt3A_656 = arith.cmpi slt, %select_n3A_649, %lt3A_655 : i32
      %ne3A_657 = arith.xori %lt3A_654, %lt3A_656 : i1
      %and3A_658 = arith.andi %ne3A_657, %ne3A_652 : i1
      %add3A_659 = arith.addi %rem3A_650, %select_n3A_649 : i32
      %select_n3A_660 = arith.select %and3A_658, %add3A_659, %rem3A_650 : i32
      %broadcast_in_dim3A_661 = arith.constant 0.000000e+00 : f32
      %broadcast_in_dim3A_662 = vector.broadcast %broadcast_in_dim3A_661 : f32 to vector<16xf32>
      %get3A_663 = arith.index_cast %select_n3A_644 : i32 to index
      %get3A_664 = arith.index_cast %select_n3A_660 : i32 to index
      %get3A_665 = arith.constant 0 : index
      %get3A_666 = tpu.vector_load %arg8[%get3A_663, %get3A_664, %get3A_665] {strides = array<i32>} : memref<32x8x64xf32, #tpu.memory_space<vmem>>, vector<16xf32>,
      %get3A_667 = arith.index_cast %select_n3A_644 : i32 to index
      %get3A_668 = arith.index_cast %select_n3A_660 : i32 to index
      %get3A_669 = arith.constant 0 : index
      %get3A_670 = tpu.vector_load %arg9[%get3A_667, %get3A_668, %get3A_669] {strides = array<i32>} : memref<32x8x64xf32, #tpu.memory_space<vmem>>, vector<16xf32>,
      %mul3A_671 = arith.mulf %get3A_666, %get3A_670 : vector<16xf32>
      %add3A_672 = arith.addf %broadcast_in_dim3A_662, %mul3A_671 : vector<16xf32>
      %get3A_673 = arith.index_cast %select_n3A_644 : i32 to index
      %get3A_674 = arith.index_cast %select_n3A_660 : i32 to index
      %get3A_675 = arith.constant 16 : index
      %get3A_676 = tpu.vector_load %arg8[%get3A_673, %get3A_674, %get3A_675] {strides = array<i32>} : memref<32x8x64xf32, #tpu.memory_space<vmem>>, vector<16xf32>,
      %get3A_677 = arith.index_cast %select_n3A_644 : i32 to index
      %get3A_678 = arith.index_cast %select_n3A_660 : i32 to index
      %get3A_679 = arith.constant 16 : index
      %get3A_680 = tpu.vector_load %arg9[%get3A_677, %get3A_678, %get3A_679] {strides = array<i32>} : memref<32x8x64xf32, #tpu.memory_space<vmem>>, vector<16xf32>,
      %mul3A_681 = arith.mulf %get3A_676, %get3A_680 : vector<16xf32>
      %add3A_682 = arith.addf %add3A_672, %mul3A_681 : vector<16xf32>
      %get3A_683 = arith.index_cast %select_n3A_644 : i32 to index
      %get3A_684 = arith.index_cast %select_n3A_660 : i32 to index
      %get3A_685 = arith.constant 32 : index
      %get3A_686 = tpu.vector_load %arg8[%get3A_683, %get3A_684, %get3A_685] {strides = array<i32>} : memref<32x8x64xf32, #tpu.memory_space<vmem>>, vector<16xf32>,
      %get3A_687 = arith.index_cast %select_n3A_644 : i32 to index
      %get3A_688 = arith.index_cast %select_n3A_660 : i32 to index
      %get3A_689 = arith.constant 32 : index
      %get3A_690 = tpu.vector_load %arg9[%get3A_687, %get3A_688, %get3A_689] {strides = array<i32>} : memref<32x8x64xf32, #tpu.memory_space<vmem>>, vector<16xf32>,
      %mul3A_691 = arith.mulf %get3A_686, %get3A_690 : vector<16xf32>
      %add3A_692 = arith.addf %add3A_682, %mul3A_691 : vector<16xf32>
      %get3A_693 = arith.index_cast %select_n3A_644 : i32 to index
      %get3A_694 = arith.index_cast %select_n3A_660 : i32 to index
      %get3A_695 = arith.constant 48 : index
      %get3A_696 = tpu.vector_load %arg8[%get3A_693, %get3A_694, %get3A_695] {strides = array<i32>} : memref<32x8x64xf32, #tpu.memory_space<vmem>>, vector<16xf32>,
      %get3A_697 = arith.index_cast %select_n3A_644 : i32 to index
      %get3A_698 = arith.index_cast %select_n3A_660 : i32 to index
      %get3A_699 = arith.constant 48 : index
      %get3A_700 = tpu.vector_load %arg9[%get3A_697, %get3A_698, %get3A_699] {strides = array<i32>} : memref<32x8x64xf32, #tpu.memory_space<vmem>>, vector<16xf32>,
      %mul3A_701 = arith.mulf %get3A_696, %get3A_700 : vector<16xf32>
      %add3A_702 = arith.addf %add3A_692, %mul3A_701 : vector<16xf32>
      %eq3A_703 = arith.constant 6 : i32
      %eq3A_704 = vector.broadcast %eq3A_703 : i32 to vector<16xi32>
      %eq3A_705 = arith.cmpi eq, %iota3A, %eq3A_704 : vector<16xi32>
      %reduce_sum3A_706 = arith.constant true
      %reduce_sum3A_707 = vector.broadcast %reduce_sum3A_706 : i1 to vector<16xi1>
      %reduce_sum3A_708 = tpu.scan <sum>, %add3A_702 masked %reduce_sum3A_707 : vector<16xf32>, vector<16xi1> -> vector<16xf32>
      %reduce_sum3A_709 = vector.extract %reduce_sum3A_708[15] : f32 from vector<16xf32>
      %broadcast_in_dim3A_710 = vector.broadcast %reduce_sum3A_709 : f32 to vector<16xf32>
      %select_n3A_711 = arith.select %eq3A_705, %broadcast_in_dim3A_710, %select_n3A_616 : vector<16xi1>, vector<16xf32>
      %mul3A_712 = arith.constant 16 : i32
      %mul3A_713 = arith.muli %scan3A_57, %mul3A_712 : i32
      %add3A_714 = arith.constant 7 : i32
      %add3A_715 = arith.addi %mul3A_713, %add3A_714 : i32
      %jit3A_716 = arith.constant 8 : i32
      %div3A_717 = arith.divsi %add3A_715, %jit3A_716 : i32
      %sign3A_718 = arith.constant 0 : i32
      %sign3A_719 = arith.cmpi sgt, %add3A_715, %sign3A_718 : i32
      %sign3A_720 = arith.extui %sign3A_719 : i1 to i32
      %sign3A_721 = arith.constant 0 : i32
      %sign3A_722 = arith.cmpi slt, %add3A_715, %sign3A_721 : i32
      %sign3A_723 = arith.extui %sign3A_722 : i1 to i32
      %sign3A_724 = arith.subi %sign3A_720, %sign3A_723 : i32
      %sign3A_725 = arith.constant 0 : i32
      %sign3A_726 = arith.cmpi sgt, %jit3A_716, %sign3A_725 : i32
      %sign3A_727 = arith.extui %sign3A_726 : i1 to i32
      %sign3A_728 = arith.constant 0 : i32
      %sign3A_729 = arith.cmpi slt, %jit3A_716, %sign3A_728 : i32
      %sign3A_730 = arith.extui %sign3A_729 : i1 to i32
      %sign3A_731 = arith.subi %sign3A_727, %sign3A_730 : i32
      %ne3A_732 = arith.cmpi ne, %sign3A_724, %sign3A_731 : i32
      %rem3A_733 = arith.remsi %add3A_715, %jit3A_716 : i32
      %ne3A_734 = arith.constant 0 : i32
      %ne3A_735 = arith.cmpi ne, %rem3A_733, %ne3A_734 : i32
      %and3A_736 = arith.andi %ne3A_732, %ne3A_735 : i1
      %sub3A_737 = arith.constant 1 : i32
      %sub3A_738 = arith.subi %div3A_717, %sub3A_737 : i32
      %select_n3A_739 = arith.select %and3A_736, %sub3A_738, %div3A_717 : i32
      %jit3A_740 = arith.constant 8 : i32
      %eq3A_741 = arith.constant 0 : i32
      %eq3A_742 = arith.cmpi eq, %jit3A_740, %eq3A_741 : i32
      %jit3A_743 = arith.constant 1 : i32
      %select_n3A_744 = arith.select %eq3A_742, %jit3A_743, %jit3A_740 : i32
      %rem3A_745 = arith.remsi %add3A_715, %select_n3A_744 : i32
      %ne3A_746 = arith.constant 0 : i32
      %ne3A_747 = arith.cmpi ne, %rem3A_745, %ne3A_746 : i32
      %lt3A_748 = arith.constant 0 : i32
      %lt3A_749 = arith.cmpi slt, %rem3A_745, %lt3A_748 : i32
      %lt3A_750 = arith.constant 0 : i32
      %lt3A_751 = arith.cmpi slt, %select_n3A_744, %lt3A_750 : i32
      %ne3A_752 = arith.xori %lt3A_749, %lt3A_751 : i1
      %and3A_753 = arith.andi %ne3A_752, %ne3A_747 : i1
      %add3A_754 = arith.addi %rem3A_745, %select_n3A_744 : i32
      %select_n3A_755 = arith.select %and3A_753, %add3A_754, %rem3A_745 : i32
      %broadcast_in_dim3A_756 = arith.constant 0.000000e+00 : f32
      %broadcast_in_dim3A_757 = vector.broadcast %broadcast_in_dim3A_756 : f32 to vector<16xf32>
      %get3A_758 = arith.index_cast %select_n3A_739 : i32 to index
      %get3A_759 = arith.index_cast %select_n3A_755 : i32 to index
      %get3A_760 = arith.constant 0 : index
      %get3A_761 = tpu.vector_load %arg8[%get3A_758, %get3A_759, %get3A_760] {strides = array<i32>} : memref<32x8x64xf32, #tpu.memory_space<vmem>>, vector<16xf32>,
      %get3A_762 = arith.index_cast %select_n3A_739 : i32 to index
      %get3A_763 = arith.index_cast %select_n3A_755 : i32 to index
      %get3A_764 = arith.constant 0 : index
      %get3A_765 = tpu.vector_load %arg9[%get3A_762, %get3A_763, %get3A_764] {strides = array<i32>} : memref<32x8x64xf32, #tpu.memory_space<vmem>>, vector<16xf32>,
      %mul3A_766 = arith.mulf %get3A_761, %get3A_765 : vector<16xf32>
      %add3A_767 = arith.addf %broadcast_in_dim3A_757, %mul3A_766 : vector<16xf32>
      %get3A_768 = arith.index_cast %select_n3A_739 : i32 to index
      %get3A_769 = arith.index_cast %select_n3A_755 : i32 to index
      %get3A_770 = arith.constant 16 : index
      %get3A_771 = tpu.vector_load %arg8[%get3A_768, %get3A_769, %get3A_770] {strides = array<i32>} : memref<32x8x64xf32, #tpu.memory_space<vmem>>, vector<16xf32>,
      %get3A_772 = arith.index_cast %select_n3A_739 : i32 to index
      %get3A_773 = arith.index_cast %select_n3A_755 : i32 to index
      %get3A_774 = arith.constant 16 : index
      %get3A_775 = tpu.vector_load %arg9[%get3A_772, %get3A_773, %get3A_774] {strides = array<i32>} : memref<32x8x64xf32, #tpu.memory_space<vmem>>, vector<16xf32>,
      %mul3A_776 = arith.mulf %get3A_771, %get3A_775 : vector<16xf32>
      %add3A_777 = arith.addf %add3A_767, %mul3A_776 : vector<16xf32>
      %get3A_778 = arith.index_cast %select_n3A_739 : i32 to index
      %get3A_779 = arith.index_cast %select_n3A_755 : i32 to index
      %get3A_780 = arith.constant 32 : index
      %get3A_781 = tpu.vector_load %arg8[%get3A_778, %get3A_779, %get3A_780] {strides = array<i32>} : memref<32x8x64xf32, #tpu.memory_space<vmem>>, vector<16xf32>,
      %get3A_782 = arith.index_cast %select_n3A_739 : i32 to index
      %get3A_783 = arith.index_cast %select_n3A_755 : i32 to index
      %get3A_784 = arith.constant 32 : index
      %get3A_785 = tpu.vector_load %arg9[%get3A_782, %get3A_783, %get3A_784] {strides = array<i32>} : memref<32x8x64xf32, #tpu.memory_space<vmem>>, vector<16xf32>,
      %mul3A_786 = arith.mulf %get3A_781, %get3A_785 : vector<16xf32>
      %add3A_787 = arith.addf %add3A_777, %mul3A_786 : vector<16xf32>
      %get3A_788 = arith.index_cast %select_n3A_739 : i32 to index
      %get3A_789 = arith.index_cast %select_n3A_755 : i32 to index
      %get3A_790 = arith.constant 48 : index
      %get3A_791 = tpu.vector_load %arg8[%get3A_788, %get3A_789, %get3A_790] {strides = array<i32>} : memref<32x8x64xf32, #tpu.memory_space<vmem>>, vector<16xf32>,
      %get3A_792 = arith.index_cast %select_n3A_739 : i32 to index
      %get3A_793 = arith.index_cast %select_n3A_755 : i32 to index
      %get3A_794 = arith.constant 48 : index
      %get3A_795 = tpu.vector_load %arg9[%get3A_792, %get3A_793, %get3A_794] {strides = array<i32>} : memref<32x8x64xf32, #tpu.memory_space<vmem>>, vector<16xf32>,
      %mul3A_796 = arith.mulf %get3A_791, %get3A_795 : vector<16xf32>
      %add3A_797 = arith.addf %add3A_787, %mul3A_796 : vector<16xf32>
      %eq3A_798 = arith.constant 7 : i32
      %eq3A_799 = vector.broadcast %eq3A_798 : i32 to vector<16xi32>
      %eq3A_800 = arith.cmpi eq, %iota3A, %eq3A_799 : vector<16xi32>
      %reduce_sum3A_801 = arith.constant true
      %reduce_sum3A_802 = vector.broadcast %reduce_sum3A_801 : i1 to vector<16xi1>
      %reduce_sum3A_803 = tpu.scan <sum>, %add3A_797 masked %reduce_sum3A_802 : vector<16xf32>, vector<16xi1> -> vector<16xf32>
      %reduce_sum3A_804 = vector.extract %reduce_sum3A_803[15] : f32 from vector<16xf32>
      %broadcast_in_dim3A_805 = vector.broadcast %reduce_sum3A_804 : f32 to vector<16xf32>
      %select_n3A_806 = arith.select %eq3A_800, %broadcast_in_dim3A_805, %select_n3A_711 : vector<16xi1>, vector<16xf32>
      %mul3A_807 = arith.constant 16 : i32
      %mul3A_808 = arith.muli %scan3A_57, %mul3A_807 : i32
      %add3A_809 = arith.constant 8 : i32
      %add3A_810 = arith.addi %mul3A_808, %add3A_809 : i32
      %jit3A_811 = arith.constant 8 : i32
      %div3A_812 = arith.divsi %add3A_810, %jit3A_811 : i32
      %sign3A_813 = arith.constant 0 : i32
      %sign3A_814 = arith.cmpi sgt, %add3A_810, %sign3A_813 : i32
      %sign3A_815 = arith.extui %sign3A_814 : i1 to i32
      %sign3A_816 = arith.constant 0 : i32
      %sign3A_817 = arith.cmpi slt, %add3A_810, %sign3A_816 : i32
      %sign3A_818 = arith.extui %sign3A_817 : i1 to i32
      %sign3A_819 = arith.subi %sign3A_815, %sign3A_818 : i32
      %sign3A_820 = arith.constant 0 : i32
      %sign3A_821 = arith.cmpi sgt, %jit3A_811, %sign3A_820 : i32
      %sign3A_822 = arith.extui %sign3A_821 : i1 to i32
      %sign3A_823 = arith.constant 0 : i32
      %sign3A_824 = arith.cmpi slt, %jit3A_811, %sign3A_823 : i32
      %sign3A_825 = arith.extui %sign3A_824 : i1 to i32
      %sign3A_826 = arith.subi %sign3A_822, %sign3A_825 : i32
      %ne3A_827 = arith.cmpi ne, %sign3A_819, %sign3A_826 : i32
      %rem3A_828 = arith.remsi %add3A_810, %jit3A_811 : i32
      %ne3A_829 = arith.constant 0 : i32
      %ne3A_830 = arith.cmpi ne, %rem3A_828, %ne3A_829 : i32
      %and3A_831 = arith.andi %ne3A_827, %ne3A_830 : i1
      %sub3A_832 = arith.constant 1 : i32
      %sub3A_833 = arith.subi %div3A_812, %sub3A_832 : i32
      %select_n3A_834 = arith.select %and3A_831, %sub3A_833, %div3A_812 : i32
      %jit3A_835 = arith.constant 8 : i32
      %eq3A_836 = arith.constant 0 : i32
      %eq3A_837 = arith.cmpi eq, %jit3A_835, %eq3A_836 : i32
      %jit3A_838 = arith.constant 1 : i32
      %select_n3A_839 = arith.select %eq3A_837, %jit3A_838, %jit3A_835 : i32
      %rem3A_840 = arith.remsi %add3A_810, %select_n3A_839 : i32
      %ne3A_841 = arith.constant 0 : i32
      %ne3A_842 = arith.cmpi ne, %rem3A_840, %ne3A_841 : i32
      %lt3A_843 = arith.constant 0 : i32
      %lt3A_844 = arith.cmpi slt, %rem3A_840, %lt3A_843 : i32
      %lt3A_845 = arith.constant 0 : i32
      %lt3A_846 = arith.cmpi slt, %select_n3A_839, %lt3A_845 : i32
      %ne3A_847 = arith.xori %lt3A_844, %lt3A_846 : i1
      %and3A_848 = arith.andi %ne3A_847, %ne3A_842 : i1
      %add3A_849 = arith.addi %rem3A_840, %select_n3A_839 : i32
      %select_n3A_850 = arith.select %and3A_848, %add3A_849, %rem3A_840 : i32
      %broadcast_in_dim3A_851 = arith.constant 0.000000e+00 : f32
      %broadcast_in_dim3A_852 = vector.broadcast %broadcast_in_dim3A_851 : f32 to vector<16xf32>
      %get3A_853 = arith.index_cast %select_n3A_834 : i32 to index
      %get3A_854 = arith.index_cast %select_n3A_850 : i32 to index
      %get3A_855 = arith.constant 0 : index
      %get3A_856 = tpu.vector_load %arg8[%get3A_853, %get3A_854, %get3A_855] {strides = array<i32>} : memref<32x8x64xf32, #tpu.memory_space<vmem>>, vector<16xf32>,
      %get3A_857 = arith.index_cast %select_n3A_834 : i32 to index
      %get3A_858 = arith.index_cast %select_n3A_850 : i32 to index
      %get3A_859 = arith.constant 0 : index
      %get3A_860 = tpu.vector_load %arg9[%get3A_857, %get3A_858, %get3A_859] {strides = array<i32>} : memref<32x8x64xf32, #tpu.memory_space<vmem>>, vector<16xf32>,
      %mul3A_861 = arith.mulf %get3A_856, %get3A_860 : vector<16xf32>
      %add3A_862 = arith.addf %broadcast_in_dim3A_852, %mul3A_861 : vector<16xf32>
      %get3A_863 = arith.index_cast %select_n3A_834 : i32 to index
      %get3A_864 = arith.index_cast %select_n3A_850 : i32 to index
      %get3A_865 = arith.constant 16 : index
      %get3A_866 = tpu.vector_load %arg8[%get3A_863, %get3A_864, %get3A_865] {strides = array<i32>} : memref<32x8x64xf32, #tpu.memory_space<vmem>>, vector<16xf32>,
      %get3A_867 = arith.index_cast %select_n3A_834 : i32 to index
      %get3A_868 = arith.index_cast %select_n3A_850 : i32 to index
      %get3A_869 = arith.constant 16 : index
      %get3A_870 = tpu.vector_load %arg9[%get3A_867, %get3A_868, %get3A_869] {strides = array<i32>} : memref<32x8x64xf32, #tpu.memory_space<vmem>>, vector<16xf32>,
      %mul3A_871 = arith.mulf %get3A_866, %get3A_870 : vector<16xf32>
      %add3A_872 = arith.addf %add3A_862, %mul3A_871 : vector<16xf32>
      %get3A_873 = arith.index_cast %select_n3A_834 : i32 to index
      %get3A_874 = arith.index_cast %select_n3A_850 : i32 to index
      %get3A_875 = arith.constant 32 : index
      %get3A_876 = tpu.vector_load %arg8[%get3A_873, %get3A_874, %get3A_875] {strides = array<i32>} : memref<32x8x64xf32, #tpu.memory_space<vmem>>, vector<16xf32>,
      %get3A_877 = arith.index_cast %select_n3A_834 : i32 to index
      %get3A_878 = arith.index_cast %select_n3A_850 : i32 to index
      %get3A_879 = arith.constant 32 : index
      %get3A_880 = tpu.vector_load %arg9[%get3A_877, %get3A_878, %get3A_879] {strides = array<i32>} : memref<32x8x64xf32, #tpu.memory_space<vmem>>, vector<16xf32>,
      %mul3A_881 = arith.mulf %get3A_876, %get3A_880 : vector<16xf32>
      %add3A_882 = arith.addf %add3A_872, %mul3A_881 : vector<16xf32>
      %get3A_883 = arith.index_cast %select_n3A_834 : i32 to index
      %get3A_884 = arith.index_cast %select_n3A_850 : i32 to index
      %get3A_885 = arith.constant 48 : index
      %get3A_886 = tpu.vector_load %arg8[%get3A_883, %get3A_884, %get3A_885] {strides = array<i32>} : memref<32x8x64xf32, #tpu.memory_space<vmem>>, vector<16xf32>,
      %get3A_887 = arith.index_cast %select_n3A_834 : i32 to index
      %get3A_888 = arith.index_cast %select_n3A_850 : i32 to index
      %get3A_889 = arith.constant 48 : index
      %get3A_890 = tpu.vector_load %arg9[%get3A_887, %get3A_888, %get3A_889] {strides = array<i32>} : memref<32x8x64xf32, #tpu.memory_space<vmem>>, vector<16xf32>,
      %mul3A_891 = arith.mulf %get3A_886, %get3A_890 : vector<16xf32>
      %add3A_892 = arith.addf %add3A_882, %mul3A_891 : vector<16xf32>
      %eq3A_893 = arith.constant 8 : i32
      %eq3A_894 = vector.broadcast %eq3A_893 : i32 to vector<16xi32>
      %eq3A_895 = arith.cmpi eq, %iota3A, %eq3A_894 : vector<16xi32>
      %reduce_sum3A_896 = arith.constant true
      %reduce_sum3A_897 = vector.broadcast %reduce_sum3A_896 : i1 to vector<16xi1>
      %reduce_sum3A_898 = tpu.scan <sum>, %add3A_892 masked %reduce_sum3A_897 : vector<16xf32>, vector<16xi1> -> vector<16xf32>
      %reduce_sum3A_899 = vector.extract %reduce_sum3A_898[15] : f32 from vector<16xf32>
      %broadcast_in_dim3A_900 = vector.broadcast %reduce_sum3A_899 : f32 to vector<16xf32>
      %select_n3A_901 = arith.select %eq3A_895, %broadcast_in_dim3A_900, %select_n3A_806 : vector<16xi1>, vector<16xf32>
      %mul3A_902 = arith.constant 16 : i32
      %mul3A_903 = arith.muli %scan3A_57, %mul3A_902 : i32
      %add3A_904 = arith.constant 9 : i32
      %add3A_905 = arith.addi %mul3A_903, %add3A_904 : i32
      %jit3A_906 = arith.constant 8 : i32
      %div3A_907 = arith.divsi %add3A_905, %jit3A_906 : i32
      %sign3A_908 = arith.constant 0 : i32
      %sign3A_909 = arith.cmpi sgt, %add3A_905, %sign3A_908 : i32
      %sign3A_910 = arith.extui %sign3A_909 : i1 to i32
      %sign3A_911 = arith.constant 0 : i32
      %sign3A_912 = arith.cmpi slt, %add3A_905, %sign3A_911 : i32
      %sign3A_913 = arith.extui %sign3A_912 : i1 to i32
      %sign3A_914 = arith.subi %sign3A_910, %sign3A_913 : i32
      %sign3A_915 = arith.constant 0 : i32
      %sign3A_916 = arith.cmpi sgt, %jit3A_906, %sign3A_915 : i32
      %sign3A_917 = arith.extui %sign3A_916 : i1 to i32
      %sign3A_918 = arith.constant 0 : i32
      %sign3A_919 = arith.cmpi slt, %jit3A_906, %sign3A_918 : i32
      %sign3A_920 = arith.extui %sign3A_919 : i1 to i32
      %sign3A_921 = arith.subi %sign3A_917, %sign3A_920 : i32
      %ne3A_922 = arith.cmpi ne, %sign3A_914, %sign3A_921 : i32
      %rem3A_923 = arith.remsi %add3A_905, %jit3A_906 : i32
      %ne3A_924 = arith.constant 0 : i32
      %ne3A_925 = arith.cmpi ne, %rem3A_923, %ne3A_924 : i32
      %and3A_926 = arith.andi %ne3A_922, %ne3A_925 : i1
      %sub3A_927 = arith.constant 1 : i32
      %sub3A_928 = arith.subi %div3A_907, %sub3A_927 : i32
      %select_n3A_929 = arith.select %and3A_926, %sub3A_928, %div3A_907 : i32
      %jit3A_930 = arith.constant 8 : i32
      %eq3A_931 = arith.constant 0 : i32
      %eq3A_932 = arith.cmpi eq, %jit3A_930, %eq3A_931 : i32
      %jit3A_933 = arith.constant 1 : i32
      %select_n3A_934 = arith.select %eq3A_932, %jit3A_933, %jit3A_930 : i32
      %rem3A_935 = arith.remsi %add3A_905, %select_n3A_934 : i32
      %ne3A_936 = arith.constant 0 : i32
      %ne3A_937 = arith.cmpi ne, %rem3A_935, %ne3A_936 : i32
      %lt3A_938 = arith.constant 0 : i32
      %lt3A_939 = arith.cmpi slt, %rem3A_935, %lt3A_938 : i32
      %lt3A_940 = arith.constant 0 : i32
      %lt3A_941 = arith.cmpi slt, %select_n3A_934, %lt3A_940 : i32
      %ne3A_942 = arith.xori %lt3A_939, %lt3A_941 : i1
      %and3A_943 = arith.andi %ne3A_942, %ne3A_937 : i1
      %add3A_944 = arith.addi %rem3A_935, %select_n3A_934 : i32
      %select_n3A_945 = arith.select %and3A_943, %add3A_944, %rem3A_935 : i32
      %broadcast_in_dim3A_946 = arith.constant 0.000000e+00 : f32
      %broadcast_in_dim3A_947 = vector.broadcast %broadcast_in_dim3A_946 : f32 to vector<16xf32>
      %get3A_948 = arith.index_cast %select_n3A_929 : i32 to index
      %get3A_949 = arith.index_cast %select_n3A_945 : i32 to index
      %get3A_950 = arith.constant 0 : index
      %get3A_951 = tpu.vector_load %arg8[%get3A_948, %get3A_949, %get3A_950] {strides = array<i32>} : memref<32x8x64xf32, #tpu.memory_space<vmem>>, vector<16xf32>,
      %get3A_952 = arith.index_cast %select_n3A_929 : i32 to index
      %get3A_953 = arith.index_cast %select_n3A_945 : i32 to index
      %get3A_954 = arith.constant 0 : index
      %get3A_955 = tpu.vector_load %arg9[%get3A_952, %get3A_953, %get3A_954] {strides = array<i32>} : memref<32x8x64xf32, #tpu.memory_space<vmem>>, vector<16xf32>,
      %mul3A_956 = arith.mulf %get3A_951, %get3A_955 : vector<16xf32>
      %add3A_957 = arith.addf %broadcast_in_dim3A_947, %mul3A_956 : vector<16xf32>
      %get3A_958 = arith.index_cast %select_n3A_929 : i32 to index
      %get3A_959 = arith.index_cast %select_n3A_945 : i32 to index
      %get3A_960 = arith.constant 16 : index
      %get3A_961 = tpu.vector_load %arg8[%get3A_958, %get3A_959, %get3A_960] {strides = array<i32>} : memref<32x8x64xf32, #tpu.memory_space<vmem>>, vector<16xf32>,
      %get3A_962 = arith.index_cast %select_n3A_929 : i32 to index
      %get3A_963 = arith.index_cast %select_n3A_945 : i32 to index
      %get3A_964 = arith.constant 16 : index
      %get3A_965 = tpu.vector_load %arg9[%get3A_962, %get3A_963, %get3A_964] {strides = array<i32>} : memref<32x8x64xf32, #tpu.memory_space<vmem>>, vector<16xf32>,
      %mul3A_966 = arith.mulf %get3A_961, %get3A_965 : vector<16xf32>
      %add3A_967 = arith.addf %add3A_957, %mul3A_966 : vector<16xf32>
      %get3A_968 = arith.index_cast %select_n3A_929 : i32 to index
      %get3A_969 = arith.index_cast %select_n3A_945 : i32 to index
      %get3A_970 = arith.constant 32 : index
      %get3A_971 = tpu.vector_load %arg8[%get3A_968, %get3A_969, %get3A_970] {strides = array<i32>} : memref<32x8x64xf32, #tpu.memory_space<vmem>>, vector<16xf32>,
      %get3A_972 = arith.index_cast %select_n3A_929 : i32 to index
      %get3A_973 = arith.index_cast %select_n3A_945 : i32 to index
      %get3A_974 = arith.constant 32 : index
      %get3A_975 = tpu.vector_load %arg9[%get3A_972, %get3A_973, %get3A_974] {strides = array<i32>} : memref<32x8x64xf32, #tpu.memory_space<vmem>>, vector<16xf32>,
      %mul3A_976 = arith.mulf %get3A_971, %get3A_975 : vector<16xf32>
      %add3A_977 = arith.addf %add3A_967, %mul3A_976 : vector<16xf32>
      %get3A_978 = arith.index_cast %select_n3A_929 : i32 to index
      %get3A_979 = arith.index_cast %select_n3A_945 : i32 to index
      %get3A_980 = arith.constant 48 : index
      %get3A_981 = tpu.vector_load %arg8[%get3A_978, %get3A_979, %get3A_980] {strides = array<i32>} : memref<32x8x64xf32, #tpu.memory_space<vmem>>, vector<16xf32>,
      %get3A_982 = arith.index_cast %select_n3A_929 : i32 to index
      %get3A_983 = arith.index_cast %select_n3A_945 : i32 to index
      %get3A_984 = arith.constant 48 : index
      %get3A_985 = tpu.vector_load %arg9[%get3A_982, %get3A_983, %get3A_984] {strides = array<i32>} : memref<32x8x64xf32, #tpu.memory_space<vmem>>, vector<16xf32>,
      %mul3A_986 = arith.mulf %get3A_981, %get3A_985 : vector<16xf32>
      %add3A_987 = arith.addf %add3A_977, %mul3A_986 : vector<16xf32>
      %eq3A_988 = arith.constant 9 : i32
      %eq3A_989 = vector.broadcast %eq3A_988 : i32 to vector<16xi32>
      %eq3A_990 = arith.cmpi eq, %iota3A, %eq3A_989 : vector<16xi32>
      %reduce_sum3A_991 = arith.constant true
      %reduce_sum3A_992 = vector.broadcast %reduce_sum3A_991 : i1 to vector<16xi1>
      %reduce_sum3A_993 = tpu.scan <sum>, %add3A_987 masked %reduce_sum3A_992 : vector<16xf32>, vector<16xi1> -> vector<16xf32>
      %reduce_sum3A_994 = vector.extract %reduce_sum3A_993[15] : f32 from vector<16xf32>
      %broadcast_in_dim3A_995 = vector.broadcast %reduce_sum3A_994 : f32 to vector<16xf32>
      %select_n3A_996 = arith.select %eq3A_990, %broadcast_in_dim3A_995, %select_n3A_901 : vector<16xi1>, vector<16xf32>
      %mul3A_997 = arith.constant 16 : i32
      %mul3A_998 = arith.muli %scan3A_57, %mul3A_997 : i32
      %add3A_999 = arith.constant 10 : i32
      %add3A_1000 = arith.addi %mul3A_998, %add3A_999 : i32
      %jit3A_1001 = arith.constant 8 : i32
      %div3A_1002 = arith.divsi %add3A_1000, %jit3A_1001 : i32
      %sign3A_1003 = arith.constant 0 : i32
      %sign3A_1004 = arith.cmpi sgt, %add3A_1000, %sign3A_1003 : i32
      %sign3A_1005 = arith.extui %sign3A_1004 : i1 to i32
      %sign3A_1006 = arith.constant 0 : i32
      %sign3A_1007 = arith.cmpi slt, %add3A_1000, %sign3A_1006 : i32
      %sign3A_1008 = arith.extui %sign3A_1007 : i1 to i32
      %sign3A_1009 = arith.subi %sign3A_1005, %sign3A_1008 : i32
      %sign3A_1010 = arith.constant 0 : i32
      %sign3A_1011 = arith.cmpi sgt, %jit3A_1001, %sign3A_1010 : i32
      %sign3A_1012 = arith.extui %sign3A_1011 : i1 to i32
      %sign3A_1013 = arith.constant 0 : i32
      %sign3A_1014 = arith.cmpi slt, %jit3A_1001, %sign3A_1013 : i32
      %sign3A_1015 = arith.extui %sign3A_1014 : i1 to i32
      %sign3A_1016 = arith.subi %sign3A_1012, %sign3A_1015 : i32
      %ne3A_1017 = arith.cmpi ne, %sign3A_1009, %sign3A_1016 : i32
      %rem3A_1018 = arith.remsi %add3A_1000, %jit3A_1001 : i32
      %ne3A_1019 = arith.constant 0 : i32
      %ne3A_1020 = arith.cmpi ne, %rem3A_1018, %ne3A_1019 : i32
      %and3A_1021 = arith.andi %ne3A_1017, %ne3A_1020 : i1
      %sub3A_1022 = arith.constant 1 : i32
      %sub3A_1023 = arith.subi %div3A_1002, %sub3A_1022 : i32
      %select_n3A_1024 = arith.select %and3A_1021, %sub3A_1023, %div3A_1002 : i32
      %jit3A_1025 = arith.constant 8 : i32
      %eq3A_1026 = arith.constant 0 : i32
      %eq3A_1027 = arith.cmpi eq, %jit3A_1025, %eq3A_1026 : i32
      %jit3A_1028 = arith.constant 1 : i32
      %select_n3A_1029 = arith.select %eq3A_1027, %jit3A_1028, %jit3A_1025 : i32
      %rem3A_1030 = arith.remsi %add3A_1000, %select_n3A_1029 : i32
      %ne3A_1031 = arith.constant 0 : i32
      %ne3A_1032 = arith.cmpi ne, %rem3A_1030, %ne3A_1031 : i32
      %lt3A_1033 = arith.constant 0 : i32
      %lt3A_1034 = arith.cmpi slt, %rem3A_1030, %lt3A_1033 : i32
      %lt3A_1035 = arith.constant 0 : i32
      %lt3A_1036 = arith.cmpi slt, %select_n3A_1029, %lt3A_1035 : i32
      %ne3A_1037 = arith.xori %lt3A_1034, %lt3A_1036 : i1
      %and3A_1038 = arith.andi %ne3A_1037, %ne3A_1032 : i1
      %add3A_1039 = arith.addi %rem3A_1030, %select_n3A_1029 : i32
      %select_n3A_1040 = arith.select %and3A_1038, %add3A_1039, %rem3A_1030 : i32
      %broadcast_in_dim3A_1041 = arith.constant 0.000000e+00 : f32
      %broadcast_in_dim3A_1042 = vector.broadcast %broadcast_in_dim3A_1041 : f32 to vector<16xf32>
      %get3A_1043 = arith.index_cast %select_n3A_1024 : i32 to index
      %get3A_1044 = arith.index_cast %select_n3A_1040 : i32 to index
      %get3A_1045 = arith.constant 0 : index
      %get3A_1046 = tpu.vector_load %arg8[%get3A_1043, %get3A_1044, %get3A_1045] {strides = array<i32>} : memref<32x8x64xf32, #tpu.memory_space<vmem>>, vector<16xf32>,
      %get3A_1047 = arith.index_cast %select_n3A_1024 : i32 to index
      %get3A_1048 = arith.index_cast %select_n3A_1040 : i32 to index
      %get3A_1049 = arith.constant 0 : index
      %get3A_1050 = tpu.vector_load %arg9[%get3A_1047, %get3A_1048, %get3A_1049] {strides = array<i32>} : memref<32x8x64xf32, #tpu.memory_space<vmem>>, vector<16xf32>,
      %mul3A_1051 = arith.mulf %get3A_1046, %get3A_1050 : vector<16xf32>
      %add3A_1052 = arith.addf %broadcast_in_dim3A_1042, %mul3A_1051 : vector<16xf32>
      %get3A_1053 = arith.index_cast %select_n3A_1024 : i32 to index
      %get3A_1054 = arith.index_cast %select_n3A_1040 : i32 to index
      %get3A_1055 = arith.constant 16 : index
      %get3A_1056 = tpu.vector_load %arg8[%get3A_1053, %get3A_1054, %get3A_1055] {strides = array<i32>} : memref<32x8x64xf32, #tpu.memory_space<vmem>>, vector<16xf32>,
      %get3A_1057 = arith.index_cast %select_n3A_1024 : i32 to index
      %get3A_1058 = arith.index_cast %select_n3A_1040 : i32 to index
      %get3A_1059 = arith.constant 16 : index
      %get3A_1060 = tpu.vector_load %arg9[%get3A_1057, %get3A_1058, %get3A_1059] {strides = array<i32>} : memref<32x8x64xf32, #tpu.memory_space<vmem>>, vector<16xf32>,
      %mul3A_1061 = arith.mulf %get3A_1056, %get3A_1060 : vector<16xf32>
      %add3A_1062 = arith.addf %add3A_1052, %mul3A_1061 : vector<16xf32>
      %get3A_1063 = arith.index_cast %select_n3A_1024 : i32 to index
      %get3A_1064 = arith.index_cast %select_n3A_1040 : i32 to index
      %get3A_1065 = arith.constant 32 : index
      %get3A_1066 = tpu.vector_load %arg8[%get3A_1063, %get3A_1064, %get3A_1065] {strides = array<i32>} : memref<32x8x64xf32, #tpu.memory_space<vmem>>, vector<16xf32>,
      %get3A_1067 = arith.index_cast %select_n3A_1024 : i32 to index
      %get3A_1068 = arith.index_cast %select_n3A_1040 : i32 to index
      %get3A_1069 = arith.constant 32 : index
      %get3A_1070 = tpu.vector_load %arg9[%get3A_1067, %get3A_1068, %get3A_1069] {strides = array<i32>} : memref<32x8x64xf32, #tpu.memory_space<vmem>>, vector<16xf32>,
      %mul3A_1071 = arith.mulf %get3A_1066, %get3A_1070 : vector<16xf32>
      %add3A_1072 = arith.addf %add3A_1062, %mul3A_1071 : vector<16xf32>
      %get3A_1073 = arith.index_cast %select_n3A_1024 : i32 to index
      %get3A_1074 = arith.index_cast %select_n3A_1040 : i32 to index
      %get3A_1075 = arith.constant 48 : index
      %get3A_1076 = tpu.vector_load %arg8[%get3A_1073, %get3A_1074, %get3A_1075] {strides = array<i32>} : memref<32x8x64xf32, #tpu.memory_space<vmem>>, vector<16xf32>,
      %get3A_1077 = arith.index_cast %select_n3A_1024 : i32 to index
      %get3A_1078 = arith.index_cast %select_n3A_1040 : i32 to index
      %get3A_1079 = arith.constant 48 : index
      %get3A_1080 = tpu.vector_load %arg9[%get3A_1077, %get3A_1078, %get3A_1079] {strides = array<i32>} : memref<32x8x64xf32, #tpu.memory_space<vmem>>, vector<16xf32>,
      %mul3A_1081 = arith.mulf %get3A_1076, %get3A_1080 : vector<16xf32>
      %add3A_1082 = arith.addf %add3A_1072, %mul3A_1081 : vector<16xf32>
      %eq3A_1083 = arith.constant 10 : i32
      %eq3A_1084 = vector.broadcast %eq3A_1083 : i32 to vector<16xi32>
      %eq3A_1085 = arith.cmpi eq, %iota3A, %eq3A_1084 : vector<16xi32>
      %reduce_sum3A_1086 = arith.constant true
      %reduce_sum3A_1087 = vector.broadcast %reduce_sum3A_1086 : i1 to vector<16xi1>
      %reduce_sum3A_1088 = tpu.scan <sum>, %add3A_1082 masked %reduce_sum3A_1087 : vector<16xf32>, vector<16xi1> -> vector<16xf32>
      %reduce_sum3A_1089 = vector.extract %reduce_sum3A_1088[15] : f32 from vector<16xf32>
      %broadcast_in_dim3A_1090 = vector.broadcast %reduce_sum3A_1089 : f32 to vector<16xf32>
      %select_n3A_1091 = arith.select %eq3A_1085, %broadcast_in_dim3A_1090, %select_n3A_996 : vector<16xi1>, vector<16xf32>
      %mul3A_1092 = arith.constant 16 : i32
      %mul3A_1093 = arith.muli %scan3A_57, %mul3A_1092 : i32
      %add3A_1094 = arith.constant 11 : i32
      %add3A_1095 = arith.addi %mul3A_1093, %add3A_1094 : i32
      %jit3A_1096 = arith.constant 8 : i32
      %div3A_1097 = arith.divsi %add3A_1095, %jit3A_1096 : i32
      %sign3A_1098 = arith.constant 0 : i32
      %sign3A_1099 = arith.cmpi sgt, %add3A_1095, %sign3A_1098 : i32
      %sign3A_1100 = arith.extui %sign3A_1099 : i1 to i32
      %sign3A_1101 = arith.constant 0 : i32
      %sign3A_1102 = arith.cmpi slt, %add3A_1095, %sign3A_1101 : i32
      %sign3A_1103 = arith.extui %sign3A_1102 : i1 to i32
      %sign3A_1104 = arith.subi %sign3A_1100, %sign3A_1103 : i32
      %sign3A_1105 = arith.constant 0 : i32
      %sign3A_1106 = arith.cmpi sgt, %jit3A_1096, %sign3A_1105 : i32
      %sign3A_1107 = arith.extui %sign3A_1106 : i1 to i32
      %sign3A_1108 = arith.constant 0 : i32
      %sign3A_1109 = arith.cmpi slt, %jit3A_1096, %sign3A_1108 : i32
      %sign3A_1110 = arith.extui %sign3A_1109 : i1 to i32
      %sign3A_1111 = arith.subi %sign3A_1107, %sign3A_1110 : i32
      %ne3A_1112 = arith.cmpi ne, %sign3A_1104, %sign3A_1111 : i32
      %rem3A_1113 = arith.remsi %add3A_1095, %jit3A_1096 : i32
      %ne3A_1114 = arith.constant 0 : i32
      %ne3A_1115 = arith.cmpi ne, %rem3A_1113, %ne3A_1114 : i32
      %and3A_1116 = arith.andi %ne3A_1112, %ne3A_1115 : i1
      %sub3A_1117 = arith.constant 1 : i32
      %sub3A_1118 = arith.subi %div3A_1097, %sub3A_1117 : i32
      %select_n3A_1119 = arith.select %and3A_1116, %sub3A_1118, %div3A_1097 : i32
      %jit3A_1120 = arith.constant 8 : i32
      %eq3A_1121 = arith.constant 0 : i32
      %eq3A_1122 = arith.cmpi eq, %jit3A_1120, %eq3A_1121 : i32
      %jit3A_1123 = arith.constant 1 : i32
      %select_n3A_1124 = arith.select %eq3A_1122, %jit3A_1123, %jit3A_1120 : i32
      %rem3A_1125 = arith.remsi %add3A_1095, %select_n3A_1124 : i32
      %ne3A_1126 = arith.constant 0 : i32
      %ne3A_1127 = arith.cmpi ne, %rem3A_1125, %ne3A_1126 : i32
      %lt3A_1128 = arith.constant 0 : i32
      %lt3A_1129 = arith.cmpi slt, %rem3A_1125, %lt3A_1128 : i32
      %lt3A_1130 = arith.constant 0 : i32
      %lt3A_1131 = arith.cmpi slt, %select_n3A_1124, %lt3A_1130 : i32
      %ne3A_1132 = arith.xori %lt3A_1129, %lt3A_1131 : i1
      %and3A_1133 = arith.andi %ne3A_1132, %ne3A_1127 : i1
      %add3A_1134 = arith.addi %rem3A_1125, %select_n3A_1124 : i32
      %select_n3A_1135 = arith.select %and3A_1133, %add3A_1134, %rem3A_1125 : i32
      %broadcast_in_dim3A_1136 = arith.constant 0.000000e+00 : f32
      %broadcast_in_dim3A_1137 = vector.broadcast %broadcast_in_dim3A_1136 : f32 to vector<16xf32>
      %get3A_1138 = arith.index_cast %select_n3A_1119 : i32 to index
      %get3A_1139 = arith.index_cast %select_n3A_1135 : i32 to index
      %get3A_1140 = arith.constant 0 : index
      %get3A_1141 = tpu.vector_load %arg8[%get3A_1138, %get3A_1139, %get3A_1140] {strides = array<i32>} : memref<32x8x64xf32, #tpu.memory_space<vmem>>, vector<16xf32>,
      %get3A_1142 = arith.index_cast %select_n3A_1119 : i32 to index
      %get3A_1143 = arith.index_cast %select_n3A_1135 : i32 to index
      %get3A_1144 = arith.constant 0 : index
      %get3A_1145 = tpu.vector_load %arg9[%get3A_1142, %get3A_1143, %get3A_1144] {strides = array<i32>} : memref<32x8x64xf32, #tpu.memory_space<vmem>>, vector<16xf32>,
      %mul3A_1146 = arith.mulf %get3A_1141, %get3A_1145 : vector<16xf32>
      %add3A_1147 = arith.addf %broadcast_in_dim3A_1137, %mul3A_1146 : vector<16xf32>
      %get3A_1148 = arith.index_cast %select_n3A_1119 : i32 to index
      %get3A_1149 = arith.index_cast %select_n3A_1135 : i32 to index
      %get3A_1150 = arith.constant 16 : index
      %get3A_1151 = tpu.vector_load %arg8[%get3A_1148, %get3A_1149, %get3A_1150] {strides = array<i32>} : memref<32x8x64xf32, #tpu.memory_space<vmem>>, vector<16xf32>,
      %get3A_1152 = arith.index_cast %select_n3A_1119 : i32 to index
      %get3A_1153 = arith.index_cast %select_n3A_1135 : i32 to index
      %get3A_1154 = arith.constant 16 : index
      %get3A_1155 = tpu.vector_load %arg9[%get3A_1152, %get3A_1153, %get3A_1154] {strides = array<i32>} : memref<32x8x64xf32, #tpu.memory_space<vmem>>, vector<16xf32>,
      %mul3A_1156 = arith.mulf %get3A_1151, %get3A_1155 : vector<16xf32>
      %add3A_1157 = arith.addf %add3A_1147, %mul3A_1156 : vector<16xf32>
      %get3A_1158 = arith.index_cast %select_n3A_1119 : i32 to index
      %get3A_1159 = arith.index_cast %select_n3A_1135 : i32 to index
      %get3A_1160 = arith.constant 32 : index
      %get3A_1161 = tpu.vector_load %arg8[%get3A_1158, %get3A_1159, %get3A_1160] {strides = array<i32>} : memref<32x8x64xf32, #tpu.memory_space<vmem>>, vector<16xf32>,
      %get3A_1162 = arith.index_cast %select_n3A_1119 : i32 to index
      %get3A_1163 = arith.index_cast %select_n3A_1135 : i32 to index
      %get3A_1164 = arith.constant 32 : index
      %get3A_1165 = tpu.vector_load %arg9[%get3A_1162, %get3A_1163, %get3A_1164] {strides = array<i32>} : memref<32x8x64xf32, #tpu.memory_space<vmem>>, vector<16xf32>,
      %mul3A_1166 = arith.mulf %get3A_1161, %get3A_1165 : vector<16xf32>
      %add3A_1167 = arith.addf %add3A_1157, %mul3A_1166 : vector<16xf32>
      %get3A_1168 = arith.index_cast %select_n3A_1119 : i32 to index
      %get3A_1169 = arith.index_cast %select_n3A_1135 : i32 to index
      %get3A_1170 = arith.constant 48 : index
      %get3A_1171 = tpu.vector_load %arg8[%get3A_1168, %get3A_1169, %get3A_1170] {strides = array<i32>} : memref<32x8x64xf32, #tpu.memory_space<vmem>>, vector<16xf32>,
      %get3A_1172 = arith.index_cast %select_n3A_1119 : i32 to index
      %get3A_1173 = arith.index_cast %select_n3A_1135 : i32 to index
      %get3A_1174 = arith.constant 48 : index
      %get3A_1175 = tpu.vector_load %arg9[%get3A_1172, %get3A_1173, %get3A_1174] {strides = array<i32>} : memref<32x8x64xf32, #tpu.memory_space<vmem>>, vector<16xf32>,
      %mul3A_1176 = arith.mulf %get3A_1171, %get3A_1175 : vector<16xf32>
      %add3A_1177 = arith.addf %add3A_1167, %mul3A_1176 : vector<16xf32>
      %eq3A_1178 = arith.constant 11 : i32
      %eq3A_1179 = vector.broadcast %eq3A_1178 : i32 to vector<16xi32>
      %eq3A_1180 = arith.cmpi eq, %iota3A, %eq3A_1179 : vector<16xi32>
      %reduce_sum3A_1181 = arith.constant true
      %reduce_sum3A_1182 = vector.broadcast %reduce_sum3A_1181 : i1 to vector<16xi1>
      %reduce_sum3A_1183 = tpu.scan <sum>, %add3A_1177 masked %reduce_sum3A_1182 : vector<16xf32>, vector<16xi1> -> vector<16xf32>
      %reduce_sum3A_1184 = vector.extract %reduce_sum3A_1183[15] : f32 from vector<16xf32>
      %broadcast_in_dim3A_1185 = vector.broadcast %reduce_sum3A_1184 : f32 to vector<16xf32>
      %select_n3A_1186 = arith.select %eq3A_1180, %broadcast_in_dim3A_1185, %select_n3A_1091 : vector<16xi1>, vector<16xf32>
      %mul3A_1187 = arith.constant 16 : i32
      %mul3A_1188 = arith.muli %scan3A_57, %mul3A_1187 : i32
      %add3A_1189 = arith.constant 12 : i32
      %add3A_1190 = arith.addi %mul3A_1188, %add3A_1189 : i32
      %jit3A_1191 = arith.constant 8 : i32
      %div3A_1192 = arith.divsi %add3A_1190, %jit3A_1191 : i32
      %sign3A_1193 = arith.constant 0 : i32
      %sign3A_1194 = arith.cmpi sgt, %add3A_1190, %sign3A_1193 : i32
      %sign3A_1195 = arith.extui %sign3A_1194 : i1 to i32
      %sign3A_1196 = arith.constant 0 : i32
      %sign3A_1197 = arith.cmpi slt, %add3A_1190, %sign3A_1196 : i32
      %sign3A_1198 = arith.extui %sign3A_1197 : i1 to i32
      %sign3A_1199 = arith.subi %sign3A_1195, %sign3A_1198 : i32
      %sign3A_1200 = arith.constant 0 : i32
      %sign3A_1201 = arith.cmpi sgt, %jit3A_1191, %sign3A_1200 : i32
      %sign3A_1202 = arith.extui %sign3A_1201 : i1 to i32
      %sign3A_1203 = arith.constant 0 : i32
      %sign3A_1204 = arith.cmpi slt, %jit3A_1191, %sign3A_1203 : i32
      %sign3A_1205 = arith.extui %sign3A_1204 : i1 to i32
      %sign3A_1206 = arith.subi %sign3A_1202, %sign3A_1205 : i32
      %ne3A_1207 = arith.cmpi ne, %sign3A_1199, %sign3A_1206 : i32
      %rem3A_1208 = arith.remsi %add3A_1190, %jit3A_1191 : i32
      %ne3A_1209 = arith.constant 0 : i32
      %ne3A_1210 = arith.cmpi ne, %rem3A_1208, %ne3A_1209 : i32
      %and3A_1211 = arith.andi %ne3A_1207, %ne3A_1210 : i1
      %sub3A_1212 = arith.constant 1 : i32
      %sub3A_1213 = arith.subi %div3A_1192, %sub3A_1212 : i32
      %select_n3A_1214 = arith.select %and3A_1211, %sub3A_1213, %div3A_1192 : i32
      %jit3A_1215 = arith.constant 8 : i32
      %eq3A_1216 = arith.constant 0 : i32
      %eq3A_1217 = arith.cmpi eq, %jit3A_1215, %eq3A_1216 : i32
      %jit3A_1218 = arith.constant 1 : i32
      %select_n3A_1219 = arith.select %eq3A_1217, %jit3A_1218, %jit3A_1215 : i32
      %rem3A_1220 = arith.remsi %add3A_1190, %select_n3A_1219 : i32
      %ne3A_1221 = arith.constant 0 : i32
      %ne3A_1222 = arith.cmpi ne, %rem3A_1220, %ne3A_1221 : i32
      %lt3A_1223 = arith.constant 0 : i32
      %lt3A_1224 = arith.cmpi slt, %rem3A_1220, %lt3A_1223 : i32
      %lt3A_1225 = arith.constant 0 : i32
      %lt3A_1226 = arith.cmpi slt, %select_n3A_1219, %lt3A_1225 : i32
      %ne3A_1227 = arith.xori %lt3A_1224, %lt3A_1226 : i1
      %and3A_1228 = arith.andi %ne3A_1227, %ne3A_1222 : i1
      %add3A_1229 = arith.addi %rem3A_1220, %select_n3A_1219 : i32
      %select_n3A_1230 = arith.select %and3A_1228, %add3A_1229, %rem3A_1220 : i32
      %broadcast_in_dim3A_1231 = arith.constant 0.000000e+00 : f32
      %broadcast_in_dim3A_1232 = vector.broadcast %broadcast_in_dim3A_1231 : f32 to vector<16xf32>
      %get3A_1233 = arith.index_cast %select_n3A_1214 : i32 to index
      %get3A_1234 = arith.index_cast %select_n3A_1230 : i32 to index
      %get3A_1235 = arith.constant 0 : index
      %get3A_1236 = tpu.vector_load %arg8[%get3A_1233, %get3A_1234, %get3A_1235] {strides = array<i32>} : memref<32x8x64xf32, #tpu.memory_space<vmem>>, vector<16xf32>,
      %get3A_1237 = arith.index_cast %select_n3A_1214 : i32 to index
      %get3A_1238 = arith.index_cast %select_n3A_1230 : i32 to index
      %get3A_1239 = arith.constant 0 : index
      %get3A_1240 = tpu.vector_load %arg9[%get3A_1237, %get3A_1238, %get3A_1239] {strides = array<i32>} : memref<32x8x64xf32, #tpu.memory_space<vmem>>, vector<16xf32>,
      %mul3A_1241 = arith.mulf %get3A_1236, %get3A_1240 : vector<16xf32>
      %add3A_1242 = arith.addf %broadcast_in_dim3A_1232, %mul3A_1241 : vector<16xf32>
      %get3A_1243 = arith.index_cast %select_n3A_1214 : i32 to index
      %get3A_1244 = arith.index_cast %select_n3A_1230 : i32 to index
      %get3A_1245 = arith.constant 16 : index
      %get3A_1246 = tpu.vector_load %arg8[%get3A_1243, %get3A_1244, %get3A_1245] {strides = array<i32>} : memref<32x8x64xf32, #tpu.memory_space<vmem>>, vector<16xf32>,
      %get3A_1247 = arith.index_cast %select_n3A_1214 : i32 to index
      %get3A_1248 = arith.index_cast %select_n3A_1230 : i32 to index
      %get3A_1249 = arith.constant 16 : index
      %get3A_1250 = tpu.vector_load %arg9[%get3A_1247, %get3A_1248, %get3A_1249] {strides = array<i32>} : memref<32x8x64xf32, #tpu.memory_space<vmem>>, vector<16xf32>,
      %mul3A_1251 = arith.mulf %get3A_1246, %get3A_1250 : vector<16xf32>
      %add3A_1252 = arith.addf %add3A_1242, %mul3A_1251 : vector<16xf32>
      %get3A_1253 = arith.index_cast %select_n3A_1214 : i32 to index
      %get3A_1254 = arith.index_cast %select_n3A_1230 : i32 to index
      %get3A_1255 = arith.constant 32 : index
      %get3A_1256 = tpu.vector_load %arg8[%get3A_1253, %get3A_1254, %get3A_1255] {strides = array<i32>} : memref<32x8x64xf32, #tpu.memory_space<vmem>>, vector<16xf32>,
      %get3A_1257 = arith.index_cast %select_n3A_1214 : i32 to index
      %get3A_1258 = arith.index_cast %select_n3A_1230 : i32 to index
      %get3A_1259 = arith.constant 32 : index
      %get3A_1260 = tpu.vector_load %arg9[%get3A_1257, %get3A_1258, %get3A_1259] {strides = array<i32>} : memref<32x8x64xf32, #tpu.memory_space<vmem>>, vector<16xf32>,
      %mul3A_1261 = arith.mulf %get3A_1256, %get3A_1260 : vector<16xf32>
      %add3A_1262 = arith.addf %add3A_1252, %mul3A_1261 : vector<16xf32>
      %get3A_1263 = arith.index_cast %select_n3A_1214 : i32 to index
      %get3A_1264 = arith.index_cast %select_n3A_1230 : i32 to index
      %get3A_1265 = arith.constant 48 : index
      %get3A_1266 = tpu.vector_load %arg8[%get3A_1263, %get3A_1264, %get3A_1265] {strides = array<i32>} : memref<32x8x64xf32, #tpu.memory_space<vmem>>, vector<16xf32>,
      %get3A_1267 = arith.index_cast %select_n3A_1214 : i32 to index
      %get3A_1268 = arith.index_cast %select_n3A_1230 : i32 to index
      %get3A_1269 = arith.constant 48 : index
      %get3A_1270 = tpu.vector_load %arg9[%get3A_1267, %get3A_1268, %get3A_1269] {strides = array<i32>} : memref<32x8x64xf32, #tpu.memory_space<vmem>>, vector<16xf32>,
      %mul3A_1271 = arith.mulf %get3A_1266, %get3A_1270 : vector<16xf32>
      %add3A_1272 = arith.addf %add3A_1262, %mul3A_1271 : vector<16xf32>
      %eq3A_1273 = arith.constant 12 : i32
      %eq3A_1274 = vector.broadcast %eq3A_1273 : i32 to vector<16xi32>
      %eq3A_1275 = arith.cmpi eq, %iota3A, %eq3A_1274 : vector<16xi32>
      %reduce_sum3A_1276 = arith.constant true
      %reduce_sum3A_1277 = vector.broadcast %reduce_sum3A_1276 : i1 to vector<16xi1>
      %reduce_sum3A_1278 = tpu.scan <sum>, %add3A_1272 masked %reduce_sum3A_1277 : vector<16xf32>, vector<16xi1> -> vector<16xf32>
      %reduce_sum3A_1279 = vector.extract %reduce_sum3A_1278[15] : f32 from vector<16xf32>
      %broadcast_in_dim3A_1280 = vector.broadcast %reduce_sum3A_1279 : f32 to vector<16xf32>
      %select_n3A_1281 = arith.select %eq3A_1275, %broadcast_in_dim3A_1280, %select_n3A_1186 : vector<16xi1>, vector<16xf32>
      %mul3A_1282 = arith.constant 16 : i32
      %mul3A_1283 = arith.muli %scan3A_57, %mul3A_1282 : i32
      %add3A_1284 = arith.constant 13 : i32
      %add3A_1285 = arith.addi %mul3A_1283, %add3A_1284 : i32
      %jit3A_1286 = arith.constant 8 : i32
      %div3A_1287 = arith.divsi %add3A_1285, %jit3A_1286 : i32
      %sign3A_1288 = arith.constant 0 : i32
      %sign3A_1289 = arith.cmpi sgt, %add3A_1285, %sign3A_1288 : i32
      %sign3A_1290 = arith.extui %sign3A_1289 : i1 to i32
      %sign3A_1291 = arith.constant 0 : i32
      %sign3A_1292 = arith.cmpi slt, %add3A_1285, %sign3A_1291 : i32
      %sign3A_1293 = arith.extui %sign3A_1292 : i1 to i32
      %sign3A_1294 = arith.subi %sign3A_1290, %sign3A_1293 : i32
      %sign3A_1295 = arith.constant 0 : i32
      %sign3A_1296 = arith.cmpi sgt, %jit3A_1286, %sign3A_1295 : i32
      %sign3A_1297 = arith.extui %sign3A_1296 : i1 to i32
      %sign3A_1298 = arith.constant 0 : i32
      %sign3A_1299 = arith.cmpi slt, %jit3A_1286, %sign3A_1298 : i32
      %sign3A_1300 = arith.extui %sign3A_1299 : i1 to i32
      %sign3A_1301 = arith.subi %sign3A_1297, %sign3A_1300 : i32
      %ne3A_1302 = arith.cmpi ne, %sign3A_1294, %sign3A_1301 : i32
      %rem3A_1303 = arith.remsi %add3A_1285, %jit3A_1286 : i32
      %ne3A_1304 = arith.constant 0 : i32
      %ne3A_1305 = arith.cmpi ne, %rem3A_1303, %ne3A_1304 : i32
      %and3A_1306 = arith.andi %ne3A_1302, %ne3A_1305 : i1
      %sub3A_1307 = arith.constant 1 : i32
      %sub3A_1308 = arith.subi %div3A_1287, %sub3A_1307 : i32
      %select_n3A_1309 = arith.select %and3A_1306, %sub3A_1308, %div3A_1287 : i32
      %jit3A_1310 = arith.constant 8 : i32
      %eq3A_1311 = arith.constant 0 : i32
      %eq3A_1312 = arith.cmpi eq, %jit3A_1310, %eq3A_1311 : i32
      %jit3A_1313 = arith.constant 1 : i32
      %select_n3A_1314 = arith.select %eq3A_1312, %jit3A_1313, %jit3A_1310 : i32
      %rem3A_1315 = arith.remsi %add3A_1285, %select_n3A_1314 : i32
      %ne3A_1316 = arith.constant 0 : i32
      %ne3A_1317 = arith.cmpi ne, %rem3A_1315, %ne3A_1316 : i32
      %lt3A_1318 = arith.constant 0 : i32
      %lt3A_1319 = arith.cmpi slt, %rem3A_1315, %lt3A_1318 : i32
      %lt3A_1320 = arith.constant 0 : i32
      %lt3A_1321 = arith.cmpi slt, %select_n3A_1314, %lt3A_1320 : i32
      %ne3A_1322 = arith.xori %lt3A_1319, %lt3A_1321 : i1
      %and3A_1323 = arith.andi %ne3A_1322, %ne3A_1317 : i1
      %add3A_1324 = arith.addi %rem3A_1315, %select_n3A_1314 : i32
      %select_n3A_1325 = arith.select %and3A_1323, %add3A_1324, %rem3A_1315 : i32
      %broadcast_in_dim3A_1326 = arith.constant 0.000000e+00 : f32
      %broadcast_in_dim3A_1327 = vector.broadcast %broadcast_in_dim3A_1326 : f32 to vector<16xf32>
      %get3A_1328 = arith.index_cast %select_n3A_1309 : i32 to index
      %get3A_1329 = arith.index_cast %select_n3A_1325 : i32 to index
      %get3A_1330 = arith.constant 0 : index
      %get3A_1331 = tpu.vector_load %arg8[%get3A_1328, %get3A_1329, %get3A_1330] {strides = array<i32>} : memref<32x8x64xf32, #tpu.memory_space<vmem>>, vector<16xf32>,
      %get3A_1332 = arith.index_cast %select_n3A_1309 : i32 to index
      %get3A_1333 = arith.index_cast %select_n3A_1325 : i32 to index
      %get3A_1334 = arith.constant 0 : index
      %get3A_1335 = tpu.vector_load %arg9[%get3A_1332, %get3A_1333, %get3A_1334] {strides = array<i32>} : memref<32x8x64xf32, #tpu.memory_space<vmem>>, vector<16xf32>,
      %mul3A_1336 = arith.mulf %get3A_1331, %get3A_1335 : vector<16xf32>
      %add3A_1337 = arith.addf %broadcast_in_dim3A_1327, %mul3A_1336 : vector<16xf32>
      %get3A_1338 = arith.index_cast %select_n3A_1309 : i32 to index
      %get3A_1339 = arith.index_cast %select_n3A_1325 : i32 to index
      %get3A_1340 = arith.constant 16 : index
      %get3A_1341 = tpu.vector_load %arg8[%get3A_1338, %get3A_1339, %get3A_1340] {strides = array<i32>} : memref<32x8x64xf32, #tpu.memory_space<vmem>>, vector<16xf32>,
      %get3A_1342 = arith.index_cast %select_n3A_1309 : i32 to index
      %get3A_1343 = arith.index_cast %select_n3A_1325 : i32 to index
      %get3A_1344 = arith.constant 16 : index
      %get3A_1345 = tpu.vector_load %arg9[%get3A_1342, %get3A_1343, %get3A_1344] {strides = array<i32>} : memref<32x8x64xf32, #tpu.memory_space<vmem>>, vector<16xf32>,
      %mul3A_1346 = arith.mulf %get3A_1341, %get3A_1345 : vector<16xf32>
      %add3A_1347 = arith.addf %add3A_1337, %mul3A_1346 : vector<16xf32>
      %get3A_1348 = arith.index_cast %select_n3A_1309 : i32 to index
      %get3A_1349 = arith.index_cast %select_n3A_1325 : i32 to index
      %get3A_1350 = arith.constant 32 : index
      %get3A_1351 = tpu.vector_load %arg8[%get3A_1348, %get3A_1349, %get3A_1350] {strides = array<i32>} : memref<32x8x64xf32, #tpu.memory_space<vmem>>, vector<16xf32>,
      %get3A_1352 = arith.index_cast %select_n3A_1309 : i32 to index
      %get3A_1353 = arith.index_cast %select_n3A_1325 : i32 to index
      %get3A_1354 = arith.constant 32 : index
      %get3A_1355 = tpu.vector_load %arg9[%get3A_1352, %get3A_1353, %get3A_1354] {strides = array<i32>} : memref<32x8x64xf32, #tpu.memory_space<vmem>>, vector<16xf32>,
      %mul3A_1356 = arith.mulf %get3A_1351, %get3A_1355 : vector<16xf32>
      %add3A_1357 = arith.addf %add3A_1347, %mul3A_1356 : vector<16xf32>
      %get3A_1358 = arith.index_cast %select_n3A_1309 : i32 to index
      %get3A_1359 = arith.index_cast %select_n3A_1325 : i32 to index
      %get3A_1360 = arith.constant 48 : index
      %get3A_1361 = tpu.vector_load %arg8[%get3A_1358, %get3A_1359, %get3A_1360] {strides = array<i32>} : memref<32x8x64xf32, #tpu.memory_space<vmem>>, vector<16xf32>,
      %get3A_1362 = arith.index_cast %select_n3A_1309 : i32 to index
      %get3A_1363 = arith.index_cast %select_n3A_1325 : i32 to index
      %get3A_1364 = arith.constant 48 : index
      %get3A_1365 = tpu.vector_load %arg9[%get3A_1362, %get3A_1363, %get3A_1364] {strides = array<i32>} : memref<32x8x64xf32, #tpu.memory_space<vmem>>, vector<16xf32>,
      %mul3A_1366 = arith.mulf %get3A_1361, %get3A_1365 : vector<16xf32>
      %add3A_1367 = arith.addf %add3A_1357, %mul3A_1366 : vector<16xf32>
      %eq3A_1368 = arith.constant 13 : i32
      %eq3A_1369 = vector.broadcast %eq3A_1368 : i32 to vector<16xi32>
      %eq3A_1370 = arith.cmpi eq, %iota3A, %eq3A_1369 : vector<16xi32>
      %reduce_sum3A_1371 = arith.constant true
      %reduce_sum3A_1372 = vector.broadcast %reduce_sum3A_1371 : i1 to vector<16xi1>
      %reduce_sum3A_1373 = tpu.scan <sum>, %add3A_1367 masked %reduce_sum3A_1372 : vector<16xf32>, vector<16xi1> -> vector<16xf32>
      %reduce_sum3A_1374 = vector.extract %reduce_sum3A_1373[15] : f32 from vector<16xf32>
      %broadcast_in_dim3A_1375 = vector.broadcast %reduce_sum3A_1374 : f32 to vector<16xf32>
      %select_n3A_1376 = arith.select %eq3A_1370, %broadcast_in_dim3A_1375, %select_n3A_1281 : vector<16xi1>, vector<16xf32>
      %mul3A_1377 = arith.constant 16 : i32
      %mul3A_1378 = arith.muli %scan3A_57, %mul3A_1377 : i32
      %add3A_1379 = arith.constant 14 : i32
      %add3A_1380 = arith.addi %mul3A_1378, %add3A_1379 : i32
      %jit3A_1381 = arith.constant 8 : i32
      %div3A_1382 = arith.divsi %add3A_1380, %jit3A_1381 : i32
      %sign3A_1383 = arith.constant 0 : i32
      %sign3A_1384 = arith.cmpi sgt, %add3A_1380, %sign3A_1383 : i32
      %sign3A_1385 = arith.extui %sign3A_1384 : i1 to i32
      %sign3A_1386 = arith.constant 0 : i32
      %sign3A_1387 = arith.cmpi slt, %add3A_1380, %sign3A_1386 : i32
      %sign3A_1388 = arith.extui %sign3A_1387 : i1 to i32
      %sign3A_1389 = arith.subi %sign3A_1385, %sign3A_1388 : i32
      %sign3A_1390 = arith.constant 0 : i32
      %sign3A_1391 = arith.cmpi sgt, %jit3A_1381, %sign3A_1390 : i32
      %sign3A_1392 = arith.extui %sign3A_1391 : i1 to i32
      %sign3A_1393 = arith.constant 0 : i32
      %sign3A_1394 = arith.cmpi slt, %jit3A_1381, %sign3A_1393 : i32
      %sign3A_1395 = arith.extui %sign3A_1394 : i1 to i32
      %sign3A_1396 = arith.subi %sign3A_1392, %sign3A_1395 : i32
      %ne3A_1397 = arith.cmpi ne, %sign3A_1389, %sign3A_1396 : i32
      %rem3A_1398 = arith.remsi %add3A_1380, %jit3A_1381 : i32
      %ne3A_1399 = arith.constant 0 : i32
      %ne3A_1400 = arith.cmpi ne, %rem3A_1398, %ne3A_1399 : i32
      %and3A_1401 = arith.andi %ne3A_1397, %ne3A_1400 : i1
      %sub3A_1402 = arith.constant 1 : i32
      %sub3A_1403 = arith.subi %div3A_1382, %sub3A_1402 : i32
      %select_n3A_1404 = arith.select %and3A_1401, %sub3A_1403, %div3A_1382 : i32
      %jit3A_1405 = arith.constant 8 : i32
      %eq3A_1406 = arith.constant 0 : i32
      %eq3A_1407 = arith.cmpi eq, %jit3A_1405, %eq3A_1406 : i32
      %jit3A_1408 = arith.constant 1 : i32
      %select_n3A_1409 = arith.select %eq3A_1407, %jit3A_1408, %jit3A_1405 : i32
      %rem3A_1410 = arith.remsi %add3A_1380, %select_n3A_1409 : i32
      %ne3A_1411 = arith.constant 0 : i32
      %ne3A_1412 = arith.cmpi ne, %rem3A_1410, %ne3A_1411 : i32
      %lt3A_1413 = arith.constant 0 : i32
      %lt3A_1414 = arith.cmpi slt, %rem3A_1410, %lt3A_1413 : i32
      %lt3A_1415 = arith.constant 0 : i32
      %lt3A_1416 = arith.cmpi slt, %select_n3A_1409, %lt3A_1415 : i32
      %ne3A_1417 = arith.xori %lt3A_1414, %lt3A_1416 : i1
      %and3A_1418 = arith.andi %ne3A_1417, %ne3A_1412 : i1
      %add3A_1419 = arith.addi %rem3A_1410, %select_n3A_1409 : i32
      %select_n3A_1420 = arith.select %and3A_1418, %add3A_1419, %rem3A_1410 : i32
      %broadcast_in_dim3A_1421 = arith.constant 0.000000e+00 : f32
      %broadcast_in_dim3A_1422 = vector.broadcast %broadcast_in_dim3A_1421 : f32 to vector<16xf32>
      %get3A_1423 = arith.index_cast %select_n3A_1404 : i32 to index
      %get3A_1424 = arith.index_cast %select_n3A_1420 : i32 to index
      %get3A_1425 = arith.constant 0 : index
      %get3A_1426 = tpu.vector_load %arg8[%get3A_1423, %get3A_1424, %get3A_1425] {strides = array<i32>} : memref<32x8x64xf32, #tpu.memory_space<vmem>>, vector<16xf32>,
      %get3A_1427 = arith.index_cast %select_n3A_1404 : i32 to index
      %get3A_1428 = arith.index_cast %select_n3A_1420 : i32 to index
      %get3A_1429 = arith.constant 0 : index
      %get3A_1430 = tpu.vector_load %arg9[%get3A_1427, %get3A_1428, %get3A_1429] {strides = array<i32>} : memref<32x8x64xf32, #tpu.memory_space<vmem>>, vector<16xf32>,
      %mul3A_1431 = arith.mulf %get3A_1426, %get3A_1430 : vector<16xf32>
      %add3A_1432 = arith.addf %broadcast_in_dim3A_1422, %mul3A_1431 : vector<16xf32>
      %get3A_1433 = arith.index_cast %select_n3A_1404 : i32 to index
      %get3A_1434 = arith.index_cast %select_n3A_1420 : i32 to index
      %get3A_1435 = arith.constant 16 : index
      %get3A_1436 = tpu.vector_load %arg8[%get3A_1433, %get3A_1434, %get3A_1435] {strides = array<i32>} : memref<32x8x64xf32, #tpu.memory_space<vmem>>, vector<16xf32>,
      %get3A_1437 = arith.index_cast %select_n3A_1404 : i32 to index
      %get3A_1438 = arith.index_cast %select_n3A_1420 : i32 to index
      %get3A_1439 = arith.constant 16 : index
      %get3A_1440 = tpu.vector_load %arg9[%get3A_1437, %get3A_1438, %get3A_1439] {strides = array<i32>} : memref<32x8x64xf32, #tpu.memory_space<vmem>>, vector<16xf32>,
      %mul3A_1441 = arith.mulf %get3A_1436, %get3A_1440 : vector<16xf32>
      %add3A_1442 = arith.addf %add3A_1432, %mul3A_1441 : vector<16xf32>
      %get3A_1443 = arith.index_cast %select_n3A_1404 : i32 to index
      %get3A_1444 = arith.index_cast %select_n3A_1420 : i32 to index
      %get3A_1445 = arith.constant 32 : index
      %get3A_1446 = tpu.vector_load %arg8[%get3A_1443, %get3A_1444, %get3A_1445] {strides = array<i32>} : memref<32x8x64xf32, #tpu.memory_space<vmem>>, vector<16xf32>,
      %get3A_1447 = arith.index_cast %select_n3A_1404 : i32 to index
      %get3A_1448 = arith.index_cast %select_n3A_1420 : i32 to index
      %get3A_1449 = arith.constant 32 : index
      %get3A_1450 = tpu.vector_load %arg9[%get3A_1447, %get3A_1448, %get3A_1449] {strides = array<i32>} : memref<32x8x64xf32, #tpu.memory_space<vmem>>, vector<16xf32>,
      %mul3A_1451 = arith.mulf %get3A_1446, %get3A_1450 : vector<16xf32>
      %add3A_1452 = arith.addf %add3A_1442, %mul3A_1451 : vector<16xf32>
      %get3A_1453 = arith.index_cast %select_n3A_1404 : i32 to index
      %get3A_1454 = arith.index_cast %select_n3A_1420 : i32 to index
      %get3A_1455 = arith.constant 48 : index
      %get3A_1456 = tpu.vector_load %arg8[%get3A_1453, %get3A_1454, %get3A_1455] {strides = array<i32>} : memref<32x8x64xf32, #tpu.memory_space<vmem>>, vector<16xf32>,
      %get3A_1457 = arith.index_cast %select_n3A_1404 : i32 to index
      %get3A_1458 = arith.index_cast %select_n3A_1420 : i32 to index
      %get3A_1459 = arith.constant 48 : index
      %get3A_1460 = tpu.vector_load %arg9[%get3A_1457, %get3A_1458, %get3A_1459] {strides = array<i32>} : memref<32x8x64xf32, #tpu.memory_space<vmem>>, vector<16xf32>,
      %mul3A_1461 = arith.mulf %get3A_1456, %get3A_1460 : vector<16xf32>
      %add3A_1462 = arith.addf %add3A_1452, %mul3A_1461 : vector<16xf32>
      %eq3A_1463 = arith.constant 14 : i32
      %eq3A_1464 = vector.broadcast %eq3A_1463 : i32 to vector<16xi32>
      %eq3A_1465 = arith.cmpi eq, %iota3A, %eq3A_1464 : vector<16xi32>
      %reduce_sum3A_1466 = arith.constant true
      %reduce_sum3A_1467 = vector.broadcast %reduce_sum3A_1466 : i1 to vector<16xi1>
      %reduce_sum3A_1468 = tpu.scan <sum>, %add3A_1462 masked %reduce_sum3A_1467 : vector<16xf32>, vector<16xi1> -> vector<16xf32>
      %reduce_sum3A_1469 = vector.extract %reduce_sum3A_1468[15] : f32 from vector<16xf32>
      %broadcast_in_dim3A_1470 = vector.broadcast %reduce_sum3A_1469 : f32 to vector<16xf32>
      %select_n3A_1471 = arith.select %eq3A_1465, %broadcast_in_dim3A_1470, %select_n3A_1376 : vector<16xi1>, vector<16xf32>
      %mul3A_1472 = arith.constant 16 : i32
      %mul3A_1473 = arith.muli %scan3A_57, %mul3A_1472 : i32
      %add3A_1474 = arith.constant 15 : i32
      %add3A_1475 = arith.addi %mul3A_1473, %add3A_1474 : i32
      %jit3A_1476 = arith.constant 8 : i32
      %div3A_1477 = arith.divsi %add3A_1475, %jit3A_1476 : i32
      %sign3A_1478 = arith.constant 0 : i32
      %sign3A_1479 = arith.cmpi sgt, %add3A_1475, %sign3A_1478 : i32
      %sign3A_1480 = arith.extui %sign3A_1479 : i1 to i32
      %sign3A_1481 = arith.constant 0 : i32
      %sign3A_1482 = arith.cmpi slt, %add3A_1475, %sign3A_1481 : i32
      %sign3A_1483 = arith.extui %sign3A_1482 : i1 to i32
      %sign3A_1484 = arith.subi %sign3A_1480, %sign3A_1483 : i32
      %sign3A_1485 = arith.constant 0 : i32
      %sign3A_1486 = arith.cmpi sgt, %jit3A_1476, %sign3A_1485 : i32
      %sign3A_1487 = arith.extui %sign3A_1486 : i1 to i32
      %sign3A_1488 = arith.constant 0 : i32
      %sign3A_1489 = arith.cmpi slt, %jit3A_1476, %sign3A_1488 : i32
      %sign3A_1490 = arith.extui %sign3A_1489 : i1 to i32
      %sign3A_1491 = arith.subi %sign3A_1487, %sign3A_1490 : i32
      %ne3A_1492 = arith.cmpi ne, %sign3A_1484, %sign3A_1491 : i32
      %rem3A_1493 = arith.remsi %add3A_1475, %jit3A_1476 : i32
      %ne3A_1494 = arith.constant 0 : i32
      %ne3A_1495 = arith.cmpi ne, %rem3A_1493, %ne3A_1494 : i32
      %and3A_1496 = arith.andi %ne3A_1492, %ne3A_1495 : i1
      %sub3A_1497 = arith.constant 1 : i32
      %sub3A_1498 = arith.subi %div3A_1477, %sub3A_1497 : i32
      %select_n3A_1499 = arith.select %and3A_1496, %sub3A_1498, %div3A_1477 : i32
      %jit3A_1500 = arith.constant 8 : i32
      %eq3A_1501 = arith.constant 0 : i32
      %eq3A_1502 = arith.cmpi eq, %jit3A_1500, %eq3A_1501 : i32
      %jit3A_1503 = arith.constant 1 : i32
      %select_n3A_1504 = arith.select %eq3A_1502, %jit3A_1503, %jit3A_1500 : i32
      %rem3A_1505 = arith.remsi %add3A_1475, %select_n3A_1504 : i32
      %ne3A_1506 = arith.constant 0 : i32
      %ne3A_1507 = arith.cmpi ne, %rem3A_1505, %ne3A_1506 : i32
      %lt3A_1508 = arith.constant 0 : i32
      %lt3A_1509 = arith.cmpi slt, %rem3A_1505, %lt3A_1508 : i32
      %lt3A_1510 = arith.constant 0 : i32
      %lt3A_1511 = arith.cmpi slt, %select_n3A_1504, %lt3A_1510 : i32
      %ne3A_1512 = arith.xori %lt3A_1509, %lt3A_1511 : i1
      %and3A_1513 = arith.andi %ne3A_1512, %ne3A_1507 : i1
      %add3A_1514 = arith.addi %rem3A_1505, %select_n3A_1504 : i32
      %select_n3A_1515 = arith.select %and3A_1513, %add3A_1514, %rem3A_1505 : i32
      %broadcast_in_dim3A_1516 = arith.constant 0.000000e+00 : f32
      %broadcast_in_dim3A_1517 = vector.broadcast %broadcast_in_dim3A_1516 : f32 to vector<16xf32>
      %get3A_1518 = arith.index_cast %select_n3A_1499 : i32 to index
      %get3A_1519 = arith.index_cast %select_n3A_1515 : i32 to index
      %get3A_1520 = arith.constant 0 : index
      %get3A_1521 = tpu.vector_load %arg8[%get3A_1518, %get3A_1519, %get3A_1520] {strides = array<i32>} : memref<32x8x64xf32, #tpu.memory_space<vmem>>, vector<16xf32>,
      %get3A_1522 = arith.index_cast %select_n3A_1499 : i32 to index
      %get3A_1523 = arith.index_cast %select_n3A_1515 : i32 to index
      %get3A_1524 = arith.constant 0 : index
      %get3A_1525 = tpu.vector_load %arg9[%get3A_1522, %get3A_1523, %get3A_1524] {strides = array<i32>} : memref<32x8x64xf32, #tpu.memory_space<vmem>>, vector<16xf32>,
      %mul3A_1526 = arith.mulf %get3A_1521, %get3A_1525 : vector<16xf32>
      %add3A_1527 = arith.addf %broadcast_in_dim3A_1517, %mul3A_1526 : vector<16xf32>
      %get3A_1528 = arith.index_cast %select_n3A_1499 : i32 to index
      %get3A_1529 = arith.index_cast %select_n3A_1515 : i32 to index
      %get3A_1530 = arith.constant 16 : index
      %get3A_1531 = tpu.vector_load %arg8[%get3A_1528, %get3A_1529, %get3A_1530] {strides = array<i32>} : memref<32x8x64xf32, #tpu.memory_space<vmem>>, vector<16xf32>,
      %get3A_1532 = arith.index_cast %select_n3A_1499 : i32 to index
      %get3A_1533 = arith.index_cast %select_n3A_1515 : i32 to index
      %get3A_1534 = arith.constant 16 : index
      %get3A_1535 = tpu.vector_load %arg9[%get3A_1532, %get3A_1533, %get3A_1534] {strides = array<i32>} : memref<32x8x64xf32, #tpu.memory_space<vmem>>, vector<16xf32>,
      %mul3A_1536 = arith.mulf %get3A_1531, %get3A_1535 : vector<16xf32>
      %add3A_1537 = arith.addf %add3A_1527, %mul3A_1536 : vector<16xf32>
      %get3A_1538 = arith.index_cast %select_n3A_1499 : i32 to index
      %get3A_1539 = arith.index_cast %select_n3A_1515 : i32 to index
      %get3A_1540 = arith.constant 32 : index
      %get3A_1541 = tpu.vector_load %arg8[%get3A_1538, %get3A_1539, %get3A_1540] {strides = array<i32>} : memref<32x8x64xf32, #tpu.memory_space<vmem>>, vector<16xf32>,
      %get3A_1542 = arith.index_cast %select_n3A_1499 : i32 to index
      %get3A_1543 = arith.index_cast %select_n3A_1515 : i32 to index
      %get3A_1544 = arith.constant 32 : index
      %get3A_1545 = tpu.vector_load %arg9[%get3A_1542, %get3A_1543, %get3A_1544] {strides = array<i32>} : memref<32x8x64xf32, #tpu.memory_space<vmem>>, vector<16xf32>,
      %mul3A_1546 = arith.mulf %get3A_1541, %get3A_1545 : vector<16xf32>
      %add3A_1547 = arith.addf %add3A_1537, %mul3A_1546 : vector<16xf32>
      %get3A_1548 = arith.index_cast %select_n3A_1499 : i32 to index
      %get3A_1549 = arith.index_cast %select_n3A_1515 : i32 to index
      %get3A_1550 = arith.constant 48 : index
      %get3A_1551 = tpu.vector_load %arg8[%get3A_1548, %get3A_1549, %get3A_1550] {strides = array<i32>} : memref<32x8x64xf32, #tpu.memory_space<vmem>>, vector<16xf32>,
      %get3A_1552 = arith.index_cast %select_n3A_1499 : i32 to index
      %get3A_1553 = arith.index_cast %select_n3A_1515 : i32 to index
      %get3A_1554 = arith.constant 48 : index
      %get3A_1555 = tpu.vector_load %arg9[%get3A_1552, %get3A_1553, %get3A_1554] {strides = array<i32>} : memref<32x8x64xf32, #tpu.memory_space<vmem>>, vector<16xf32>,
      %mul3A_1556 = arith.mulf %get3A_1551, %get3A_1555 : vector<16xf32>
      %add3A_1557 = arith.addf %add3A_1547, %mul3A_1556 : vector<16xf32>
      %eq3A_1558 = arith.constant 15 : i32
      %eq3A_1559 = vector.broadcast %eq3A_1558 : i32 to vector<16xi32>
      %eq3A_1560 = arith.cmpi eq, %iota3A, %eq3A_1559 : vector<16xi32>
      %reduce_sum3A_1561 = arith.constant true
      %reduce_sum3A_1562 = vector.broadcast %reduce_sum3A_1561 : i1 to vector<16xi1>
      %reduce_sum3A_1563 = tpu.scan <sum>, %add3A_1557 masked %reduce_sum3A_1562 : vector<16xf32>, vector<16xi1> -> vector<16xf32>
      %reduce_sum3A_1564 = vector.extract %reduce_sum3A_1563[15] : f32 from vector<16xf32>
      %broadcast_in_dim3A_1565 = vector.broadcast %reduce_sum3A_1564 : f32 to vector<16xf32>
      %select_n3A_1566 = arith.select %eq3A_1560, %broadcast_in_dim3A_1565, %select_n3A_1471 : vector<16xi1>, vector<16xf32>
      %neg3A = arith.constant 0.000000e+00 : f32
      %neg3A_1567 = vector.broadcast %neg3A : f32 to vector<16xf32>
      %neg3A_1568 = arith.subf %neg3A_1567, %select_n3A_1566 : vector<16xf32>
      %exp3A = math.exp %neg3A_1568 : vector<16xf32>
      %add3A_1569 = arith.constant 1.000000e+00 : f32
      %add3A_1570 = vector.broadcast %add3A_1569 : f32 to vector<16xf32>
      %add3A_1571 = arith.addf %add3A_1570, %exp3A : vector<16xf32>
      %div3A_1572 = arith.constant 1.000000e+00 : f32
      %div3A_1573 = vector.broadcast %div3A_1572 : f32 to vector<16xf32>
      %div3A_1574 = arith.divf %div3A_1573, %add3A_1571 : vector<16xf32>
      %mul3A_1575 = arith.constant 16 : i32
      %mul3A_1576 = arith.muli %scan3A_57, %mul3A_1575 : i32
      %add3A_1577 = arith.constant 0 : i32
      %add3A_1578 = arith.addi %add3A_1577, %mul3A_1576 : i32
      %swap3A = arith.index_cast %add3A_1578 : i32 to index
      %swap3A_1579 = tpu.vector_load %arg10[%swap3A] {strides = array<i32>} : memref<512xf32, #tpu.memory_space<vmem>>, vector<16xf32>,
      tpu.vector_store %arg10[%swap3A], %div3A_1574 {strides = array<i32>} : memref<512xf32, #tpu.memory_space<vmem>>, vector<16xf32>,
    }
    %scan3A_28 = arith.constant 16 : i32
    %scan3A_29 = arith.constant 0 : i32
    %scan3A_30 = arith.constant 0 : i32
    %scan3A_31 = arith.constant 16 : i32
    %scan3A_32 = arith.addi %scan3A_30, %scan3A_31 : i32
    %scan3A_33 = arith.constant 1 : i32
    scf.for %scan3A_57 = %scan3A_30 to %scan3A_32 step %scan3A_33  : i32 {
      %mul3A_58 = arith.constant 16 : i32
      %mul3A_59 = arith.muli %scan3A_57, %mul3A_58 : i32
      %add3A_60 = arith.constant 256 : i32
      %add3A_61 = arith.addi %add3A_60, %mul3A_59 : i32
      %get3A = arith.index_cast %add3A_61 : i32 to index
      %get3A_62 = tpu.vector_load %arg6[%get3A] {strides = array<i32>} : memref<512xi32, #tpu.memory_space<vmem>>, vector<16xi32>,
      %mul3A_63 = arith.constant 16 : i32
      %mul3A_64 = arith.muli %scan3A_57, %mul3A_63 : i32
      %add3A_65 = arith.constant 256 : i32
      %add3A_66 = arith.addi %add3A_65, %mul3A_64 : i32
      %get3A_67 = arith.index_cast %add3A_66 : i32 to index
      %get3A_68 = tpu.vector_load %arg7[%get3A_67] {strides = array<i32>} : memref<512xi32, #tpu.memory_space<vmem>>, vector<16xi32>,
      %jit3A = arith.constant 8 : i32
      %div3A = vector.broadcast %jit3A : i32 to vector<16xi32>
      %div3A_69 = arith.divsi %get3A_62, %div3A : vector<16xi32>
      %sign3A = arith.constant 0 : i32
      %sign3A_70 = vector.broadcast %sign3A : i32 to vector<16xi32>
      %sign3A_71 = arith.cmpi sgt, %get3A_62, %sign3A_70 : vector<16xi32>
      %sign3A_72 = arith.extui %sign3A_71 : vector<16xi1> to vector<16xi32>
      %sign3A_73 = arith.constant 0 : i32
      %sign3A_74 = vector.broadcast %sign3A_73 : i32 to vector<16xi32>
      %sign3A_75 = arith.cmpi slt, %get3A_62, %sign3A_74 : vector<16xi32>
      %sign3A_76 = arith.extui %sign3A_75 : vector<16xi1> to vector<16xi32>
      %sign3A_77 = arith.subi %sign3A_72, %sign3A_76 : vector<16xi32>
      %sign3A_78 = arith.constant 0 : i32
      %sign3A_79 = arith.cmpi sgt, %jit3A, %sign3A_78 : i32
      %sign3A_80 = arith.extui %sign3A_79 : i1 to i32
      %sign3A_81 = arith.constant 0 : i32
      %sign3A_82 = arith.cmpi slt, %jit3A, %sign3A_81 : i32
      %sign3A_83 = arith.extui %sign3A_82 : i1 to i32
      %sign3A_84 = arith.subi %sign3A_80, %sign3A_83 : i32
      %ne3A = vector.broadcast %sign3A_84 : i32 to vector<16xi32>
      %ne3A_85 = arith.cmpi ne, %sign3A_77, %ne3A : vector<16xi32>
      %rem3A = vector.broadcast %jit3A : i32 to vector<16xi32>
      %rem3A_86 = arith.remsi %get3A_62, %rem3A : vector<16xi32>
      %ne3A_87 = arith.constant 0 : i32
      %ne3A_88 = vector.broadcast %ne3A_87 : i32 to vector<16xi32>
      %ne3A_89 = arith.cmpi ne, %rem3A_86, %ne3A_88 : vector<16xi32>
      %and3A = arith.andi %ne3A_85, %ne3A_89 : vector<16xi1>
      %sub3A = arith.constant 1 : i32
      %sub3A_90 = vector.broadcast %sub3A : i32 to vector<16xi32>
      %sub3A_91 = arith.subi %div3A_69, %sub3A_90 : vector<16xi32>
      %select_n3A = arith.select %and3A, %sub3A_91, %div3A_69 : vector<16xi1>, vector<16xi32>
      %jit3A_92 = arith.constant 8 : i32
      %eq3A = arith.constant 0 : i32
      %eq3A_93 = arith.cmpi eq, %jit3A_92, %eq3A : i32
      %jit3A_94 = arith.constant 1 : i32
      %select_n3A_95 = arith.select %eq3A_93, %jit3A_94, %jit3A_92 : i32
      %rem3A_96 = vector.broadcast %select_n3A_95 : i32 to vector<16xi32>
      %rem3A_97 = arith.remsi %get3A_62, %rem3A_96 : vector<16xi32>
      %ne3A_98 = arith.constant 0 : i32
      %ne3A_99 = vector.broadcast %ne3A_98 : i32 to vector<16xi32>
      %ne3A_100 = arith.cmpi ne, %rem3A_97, %ne3A_99 : vector<16xi32>
      %lt3A = arith.constant 0 : i32
      %lt3A_101 = vector.broadcast %lt3A : i32 to vector<16xi32>
      %lt3A_102 = arith.cmpi slt, %rem3A_97, %lt3A_101 : vector<16xi32>
      %lt3A_103 = arith.constant 0 : i32
      %lt3A_104 = arith.cmpi slt, %select_n3A_95, %lt3A_103 : i32
      %ne3A_105 = vector.broadcast %lt3A_104 : i1 to vector<16xi1>
      %ne3A_106 = vector.broadcast %ne3A_105 : vector<16xi1> to vector<16xi1>
      %ne3A_107 = arith.xori %lt3A_102, %ne3A_106 : vector<16xi1>
      %and3A_108 = arith.andi %ne3A_107, %ne3A_100 : vector<16xi1>
      %add3A_109 = vector.broadcast %select_n3A_95 : i32 to vector<16xi32>
      %add3A_110 = arith.addi %rem3A_97, %add3A_109 : vector<16xi32>
      %select_n3A_111 = arith.select %and3A_108, %add3A_110, %rem3A_97 : vector<16xi1>, vector<16xi32>
      %jit3A_112 = arith.constant 8 : i32
      %div3A_113 = vector.broadcast %jit3A_112 : i32 to vector<16xi32>
      %div3A_114 = arith.divsi %get3A_68, %div3A_113 : vector<16xi32>
      %sign3A_115 = arith.constant 0 : i32
      %sign3A_116 = vector.broadcast %sign3A_115 : i32 to vector<16xi32>
      %sign3A_117 = arith.cmpi sgt, %get3A_68, %sign3A_116 : vector<16xi32>
      %sign3A_118 = arith.extui %sign3A_117 : vector<16xi1> to vector<16xi32>
      %sign3A_119 = arith.constant 0 : i32
      %sign3A_120 = vector.broadcast %sign3A_119 : i32 to vector<16xi32>
      %sign3A_121 = arith.cmpi slt, %get3A_68, %sign3A_120 : vector<16xi32>
      %sign3A_122 = arith.extui %sign3A_121 : vector<16xi1> to vector<16xi32>
      %sign3A_123 = arith.subi %sign3A_118, %sign3A_122 : vector<16xi32>
      %sign3A_124 = arith.constant 0 : i32
      %sign3A_125 = arith.cmpi sgt, %jit3A_112, %sign3A_124 : i32
      %sign3A_126 = arith.extui %sign3A_125 : i1 to i32
      %sign3A_127 = arith.constant 0 : i32
      %sign3A_128 = arith.cmpi slt, %jit3A_112, %sign3A_127 : i32
      %sign3A_129 = arith.extui %sign3A_128 : i1 to i32
      %sign3A_130 = arith.subi %sign3A_126, %sign3A_129 : i32
      %ne3A_131 = vector.broadcast %sign3A_130 : i32 to vector<16xi32>
      %ne3A_132 = arith.cmpi ne, %sign3A_123, %ne3A_131 : vector<16xi32>
      %rem3A_133 = vector.broadcast %jit3A_112 : i32 to vector<16xi32>
      %rem3A_134 = arith.remsi %get3A_68, %rem3A_133 : vector<16xi32>
      %ne3A_135 = arith.constant 0 : i32
      %ne3A_136 = vector.broadcast %ne3A_135 : i32 to vector<16xi32>
      %ne3A_137 = arith.cmpi ne, %rem3A_134, %ne3A_136 : vector<16xi32>
      %and3A_138 = arith.andi %ne3A_132, %ne3A_137 : vector<16xi1>
      %sub3A_139 = arith.constant 1 : i32
      %sub3A_140 = vector.broadcast %sub3A_139 : i32 to vector<16xi32>
      %sub3A_141 = arith.subi %div3A_114, %sub3A_140 : vector<16xi32>
      %select_n3A_142 = arith.select %and3A_138, %sub3A_141, %div3A_114 : vector<16xi1>, vector<16xi32>
      %jit3A_143 = arith.constant 8 : i32
      %eq3A_144 = arith.constant 0 : i32
      %eq3A_145 = arith.cmpi eq, %jit3A_143, %eq3A_144 : i32
      %jit3A_146 = arith.constant 1 : i32
      %select_n3A_147 = arith.select %eq3A_145, %jit3A_146, %jit3A_143 : i32
      %rem3A_148 = vector.broadcast %select_n3A_147 : i32 to vector<16xi32>
      %rem3A_149 = arith.remsi %get3A_68, %rem3A_148 : vector<16xi32>
      %ne3A_150 = arith.constant 0 : i32
      %ne3A_151 = vector.broadcast %ne3A_150 : i32 to vector<16xi32>
      %ne3A_152 = arith.cmpi ne, %rem3A_149, %ne3A_151 : vector<16xi32>
      %lt3A_153 = arith.constant 0 : i32
      %lt3A_154 = vector.broadcast %lt3A_153 : i32 to vector<16xi32>
      %lt3A_155 = arith.cmpi slt, %rem3A_149, %lt3A_154 : vector<16xi32>
      %lt3A_156 = arith.constant 0 : i32
      %lt3A_157 = arith.cmpi slt, %select_n3A_147, %lt3A_156 : i32
      %ne3A_158 = vector.broadcast %lt3A_157 : i1 to vector<16xi1>
      %ne3A_159 = vector.broadcast %ne3A_158 : vector<16xi1> to vector<16xi1>
      %ne3A_160 = arith.xori %lt3A_155, %ne3A_159 : vector<16xi1>
      %and3A_161 = arith.andi %ne3A_160, %ne3A_152 : vector<16xi1>
      %add3A_162 = vector.broadcast %select_n3A_147 : i32 to vector<16xi32>
      %add3A_163 = arith.addi %rem3A_149, %add3A_162 : vector<16xi32>
      %select_n3A_164 = arith.select %and3A_161, %add3A_163, %rem3A_149 : vector<16xi1>, vector<16xi32>
      %mul3A_165 = arith.constant 2 : i32
      %mul3A_166 = arith.muli %mul3A_165, %scan3A_57 : i32
      %add3A_167 = arith.constant 0 : i32
      %add3A_168 = arith.addi %mul3A_166, %add3A_167 : i32
      %slice3A = vector.extract_strided_slice %select_n3A {offsets = [0], sizes = [1], strides = [1]} : vector<16xi32> to vector<1xi32>
      %squeeze3A = vector.extract %slice3A[0] : i32 from vector<1xi32>
      %slice3A_169 = vector.extract_strided_slice %select_n3A_111 {offsets = [0], sizes = [1], strides = [1]} : vector<16xi32> to vector<1xi32>
      %squeeze3A_170 = vector.extract %slice3A_169[0] : i32 from vector<1xi32>
      %dma_start3A = arith.constant 0 : i32
      %dma_start3A_171 = arith.constant 0 : i32
      %dma_start3A_172 = tpu.memref_slice %arg8[%add3A_168, %dma_start3A, %dma_start3A_171] : memref<32x8x64xf32, #tpu.memory_space<vmem>> -> memref<1x1x64xf32, #tpu.memory_space<vmem>>
      %dma_start3A_173 = tpu.memref_squeeze %dma_start3A_172 : memref<1x1x64xf32, #tpu.memory_space<vmem>> -> memref<64xf32, #tpu.memory_space<vmem>>
      %dma_start3A_174 = arith.constant 0 : i32
      %dma_start3A_175 = tpu.memref_slice %arg4[%squeeze3A, %squeeze3A_170, %dma_start3A_174] : memref<125000x8x64xf32, #tpu.memory_space<hbm>> -> memref<1x1x64xf32, #tpu.memory_space<hbm>>
      %dma_start3A_176 = tpu.memref_squeeze %dma_start3A_175 : memref<1x1x64xf32, #tpu.memory_space<hbm>> -> memref<64xf32, #tpu.memory_space<hbm>>
      %dma_start3A_177 = arith.constant 0 : i32
      %dma_start3A_178 = tpu.memref_slice %arg8[%add3A_168, %dma_start3A, %dma_start3A_177] : memref<32x8x64xf32, #tpu.memory_space<vmem>> -> memref<1x1x64xf32, #tpu.memory_space<vmem>>
      %dma_start3A_179 = tpu.memref_squeeze %dma_start3A_178 : memref<1x1x64xf32, #tpu.memory_space<vmem>> -> memref<64xf32, #tpu.memory_space<vmem>>
      %dma_start3A_180 = arith.constant 0 : i32
      %dma_start3A_181 = tpu.memref_slice %arg4[%squeeze3A, %squeeze3A_170, %dma_start3A_180] : memref<125000x8x64xf32, #tpu.memory_space<hbm>> -> memref<1x1x64xf32, #tpu.memory_space<hbm>>
      %dma_start3A_182 = tpu.memref_squeeze %dma_start3A_181 : memref<1x1x64xf32, #tpu.memory_space<hbm>> -> memref<64xf32, #tpu.memory_space<hbm>>
      tpu.enqueue_dma source(%dma_start3A_182 : memref<64xf32, #tpu.memory_space<hbm>>) target(%dma_start3A_179 : memref<64xf32, #tpu.memory_space<vmem>>) target_semaphore(%arg11 : memref<!tpu.dma_semaphore, #tpu.memory_space<semaphore_mem>>)
      %slice3A_183 = vector.extract_strided_slice %select_n3A_142 {offsets = [0], sizes = [1], strides = [1]} : vector<16xi32> to vector<1xi32>
      %squeeze3A_184 = vector.extract %slice3A_183[0] : i32 from vector<1xi32>
      %slice3A_185 = vector.extract_strided_slice %select_n3A_164 {offsets = [0], sizes = [1], strides = [1]} : vector<16xi32> to vector<1xi32>
      %squeeze3A_186 = vector.extract %slice3A_185[0] : i32 from vector<1xi32>
      %dma_start3A_187 = arith.constant 0 : i32
      %dma_start3A_188 = arith.constant 0 : i32
      %dma_start3A_189 = tpu.memref_slice %arg9[%add3A_168, %dma_start3A_187, %dma_start3A_188] : memref<32x8x64xf32, #tpu.memory_space<vmem>> -> memref<1x1x64xf32, #tpu.memory_space<vmem>>
      %dma_start3A_190 = tpu.memref_squeeze %dma_start3A_189 : memref<1x1x64xf32, #tpu.memory_space<vmem>> -> memref<64xf32, #tpu.memory_space<vmem>>
      %dma_start3A_191 = arith.constant 0 : i32
      %dma_start3A_192 = tpu.memref_slice %arg4[%squeeze3A_184, %squeeze3A_186, %dma_start3A_191] : memref<125000x8x64xf32, #tpu.memory_space<hbm>> -> memref<1x1x64xf32, #tpu.memory_space<hbm>>
      %dma_start3A_193 = tpu.memref_squeeze %dma_start3A_192 : memref<1x1x64xf32, #tpu.memory_space<hbm>> -> memref<64xf32, #tpu.memory_space<hbm>>
      %dma_start3A_194 = arith.constant 0 : i32
      %dma_start3A_195 = tpu.memref_slice %arg9[%add3A_168, %dma_start3A_187, %dma_start3A_194] : memref<32x8x64xf32, #tpu.memory_space<vmem>> -> memref<1x1x64xf32, #tpu.memory_space<vmem>>
      %dma_start3A_196 = tpu.memref_squeeze %dma_start3A_195 : memref<1x1x64xf32, #tpu.memory_space<vmem>> -> memref<64xf32, #tpu.memory_space<vmem>>
      %dma_start3A_197 = arith.constant 0 : i32
      %dma_start3A_198 = tpu.memref_slice %arg4[%squeeze3A_184, %squeeze3A_186, %dma_start3A_197] : memref<125000x8x64xf32, #tpu.memory_space<hbm>> -> memref<1x1x64xf32, #tpu.memory_space<hbm>>
      %dma_start3A_199 = tpu.memref_squeeze %dma_start3A_198 : memref<1x1x64xf32, #tpu.memory_space<hbm>> -> memref<64xf32, #tpu.memory_space<hbm>>
      tpu.enqueue_dma source(%dma_start3A_199 : memref<64xf32, #tpu.memory_space<hbm>>) target(%dma_start3A_196 : memref<64xf32, #tpu.memory_space<vmem>>) target_semaphore(%arg11 : memref<!tpu.dma_semaphore, #tpu.memory_space<semaphore_mem>>)
      %mul3A_200 = arith.constant 2 : i32
      %mul3A_201 = arith.muli %mul3A_200, %scan3A_57 : i32
      %add3A_202 = arith.constant 0 : i32
      %add3A_203 = arith.addi %mul3A_201, %add3A_202 : i32
      %slice3A_204 = vector.extract_strided_slice %select_n3A {offsets = [1], sizes = [1], strides = [1]} : vector<16xi32> to vector<1xi32>
      %squeeze3A_205 = vector.extract %slice3A_204[0] : i32 from vector<1xi32>
      %slice3A_206 = vector.extract_strided_slice %select_n3A_111 {offsets = [1], sizes = [1], strides = [1]} : vector<16xi32> to vector<1xi32>
      %squeeze3A_207 = vector.extract %slice3A_206[0] : i32 from vector<1xi32>
      %dma_start3A_208 = arith.constant 1 : i32
      %dma_start3A_209 = arith.constant 0 : i32
      %dma_start3A_210 = tpu.memref_slice %arg8[%add3A_203, %dma_start3A_208, %dma_start3A_209] : memref<32x8x64xf32, #tpu.memory_space<vmem>> -> memref<1x1x64xf32, #tpu.memory_space<vmem>>
      %dma_start3A_211 = tpu.memref_squeeze %dma_start3A_210 : memref<1x1x64xf32, #tpu.memory_space<vmem>> -> memref<64xf32, #tpu.memory_space<vmem>>
      %dma_start3A_212 = arith.constant 0 : i32
      %dma_start3A_213 = tpu.memref_slice %arg4[%squeeze3A_205, %squeeze3A_207, %dma_start3A_212] : memref<125000x8x64xf32, #tpu.memory_space<hbm>> -> memref<1x1x64xf32, #tpu.memory_space<hbm>>
      %dma_start3A_214 = tpu.memref_squeeze %dma_start3A_213 : memref<1x1x64xf32, #tpu.memory_space<hbm>> -> memref<64xf32, #tpu.memory_space<hbm>>
      %dma_start3A_215 = arith.constant 0 : i32
      %dma_start3A_216 = tpu.memref_slice %arg8[%add3A_203, %dma_start3A_208, %dma_start3A_215] : memref<32x8x64xf32, #tpu.memory_space<vmem>> -> memref<1x1x64xf32, #tpu.memory_space<vmem>>
      %dma_start3A_217 = tpu.memref_squeeze %dma_start3A_216 : memref<1x1x64xf32, #tpu.memory_space<vmem>> -> memref<64xf32, #tpu.memory_space<vmem>>
      %dma_start3A_218 = arith.constant 0 : i32
      %dma_start3A_219 = tpu.memref_slice %arg4[%squeeze3A_205, %squeeze3A_207, %dma_start3A_218] : memref<125000x8x64xf32, #tpu.memory_space<hbm>> -> memref<1x1x64xf32, #tpu.memory_space<hbm>>
      %dma_start3A_220 = tpu.memref_squeeze %dma_start3A_219 : memref<1x1x64xf32, #tpu.memory_space<hbm>> -> memref<64xf32, #tpu.memory_space<hbm>>
      tpu.enqueue_dma source(%dma_start3A_220 : memref<64xf32, #tpu.memory_space<hbm>>) target(%dma_start3A_217 : memref<64xf32, #tpu.memory_space<vmem>>) target_semaphore(%arg11 : memref<!tpu.dma_semaphore, #tpu.memory_space<semaphore_mem>>)
      %slice3A_221 = vector.extract_strided_slice %select_n3A_142 {offsets = [1], sizes = [1], strides = [1]} : vector<16xi32> to vector<1xi32>
      %squeeze3A_222 = vector.extract %slice3A_221[0] : i32 from vector<1xi32>
      %slice3A_223 = vector.extract_strided_slice %select_n3A_164 {offsets = [1], sizes = [1], strides = [1]} : vector<16xi32> to vector<1xi32>
      %squeeze3A_224 = vector.extract %slice3A_223[0] : i32 from vector<1xi32>
      %dma_start3A_225 = arith.constant 1 : i32
      %dma_start3A_226 = arith.constant 0 : i32
      %dma_start3A_227 = tpu.memref_slice %arg9[%add3A_203, %dma_start3A_225, %dma_start3A_226] : memref<32x8x64xf32, #tpu.memory_space<vmem>> -> memref<1x1x64xf32, #tpu.memory_space<vmem>>
      %dma_start3A_228 = tpu.memref_squeeze %dma_start3A_227 : memref<1x1x64xf32, #tpu.memory_space<vmem>> -> memref<64xf32, #tpu.memory_space<vmem>>
      %dma_start3A_229 = arith.constant 0 : i32
      %dma_start3A_230 = tpu.memref_slice %arg4[%squeeze3A_222, %squeeze3A_224, %dma_start3A_229] : memref<125000x8x64xf32, #tpu.memory_space<hbm>> -> memref<1x1x64xf32, #tpu.memory_space<hbm>>
      %dma_start3A_231 = tpu.memref_squeeze %dma_start3A_230 : memref<1x1x64xf32, #tpu.memory_space<hbm>> -> memref<64xf32, #tpu.memory_space<hbm>>
      %dma_start3A_232 = arith.constant 0 : i32
      %dma_start3A_233 = tpu.memref_slice %arg9[%add3A_203, %dma_start3A_225, %dma_start3A_232] : memref<32x8x64xf32, #tpu.memory_space<vmem>> -> memref<1x1x64xf32, #tpu.memory_space<vmem>>
      %dma_start3A_234 = tpu.memref_squeeze %dma_start3A_233 : memref<1x1x64xf32, #tpu.memory_space<vmem>> -> memref<64xf32, #tpu.memory_space<vmem>>
      %dma_start3A_235 = arith.constant 0 : i32
      %dma_start3A_236 = tpu.memref_slice %arg4[%squeeze3A_222, %squeeze3A_224, %dma_start3A_235] : memref<125000x8x64xf32, #tpu.memory_space<hbm>> -> memref<1x1x64xf32, #tpu.memory_space<hbm>>
      %dma_start3A_237 = tpu.memref_squeeze %dma_start3A_236 : memref<1x1x64xf32, #tpu.memory_space<hbm>> -> memref<64xf32, #tpu.memory_space<hbm>>
      tpu.enqueue_dma source(%dma_start3A_237 : memref<64xf32, #tpu.memory_space<hbm>>) target(%dma_start3A_234 : memref<64xf32, #tpu.memory_space<vmem>>) target_semaphore(%arg11 : memref<!tpu.dma_semaphore, #tpu.memory_space<semaphore_mem>>)
      %mul3A_238 = arith.constant 2 : i32
      %mul3A_239 = arith.muli %mul3A_238, %scan3A_57 : i32
      %add3A_240 = arith.constant 0 : i32
      %add3A_241 = arith.addi %mul3A_239, %add3A_240 : i32
      %slice3A_242 = vector.extract_strided_slice %select_n3A {offsets = [2], sizes = [1], strides = [1]} : vector<16xi32> to vector<1xi32>
      %squeeze3A_243 = vector.extract %slice3A_242[0] : i32 from vector<1xi32>
      %slice3A_244 = vector.extract_strided_slice %select_n3A_111 {offsets = [2], sizes = [1], strides = [1]} : vector<16xi32> to vector<1xi32>
      %squeeze3A_245 = vector.extract %slice3A_244[0] : i32 from vector<1xi32>
      %dma_start3A_246 = arith.constant 2 : i32
      %dma_start3A_247 = arith.constant 0 : i32
      %dma_start3A_248 = tpu.memref_slice %arg8[%add3A_241, %dma_start3A_246, %dma_start3A_247] : memref<32x8x64xf32, #tpu.memory_space<vmem>> -> memref<1x1x64xf32, #tpu.memory_space<vmem>>
      %dma_start3A_249 = tpu.memref_squeeze %dma_start3A_248 : memref<1x1x64xf32, #tpu.memory_space<vmem>> -> memref<64xf32, #tpu.memory_space<vmem>>
      %dma_start3A_250 = arith.constant 0 : i32
      %dma_start3A_251 = tpu.memref_slice %arg4[%squeeze3A_243, %squeeze3A_245, %dma_start3A_250] : memref<125000x8x64xf32, #tpu.memory_space<hbm>> -> memref<1x1x64xf32, #tpu.memory_space<hbm>>
      %dma_start3A_252 = tpu.memref_squeeze %dma_start3A_251 : memref<1x1x64xf32, #tpu.memory_space<hbm>> -> memref<64xf32, #tpu.memory_space<hbm>>
      %dma_start3A_253 = arith.constant 0 : i32
      %dma_start3A_254 = tpu.memref_slice %arg8[%add3A_241, %dma_start3A_246, %dma_start3A_253] : memref<32x8x64xf32, #tpu.memory_space<vmem>> -> memref<1x1x64xf32, #tpu.memory_space<vmem>>
      %dma_start3A_255 = tpu.memref_squeeze %dma_start3A_254 : memref<1x1x64xf32, #tpu.memory_space<vmem>> -> memref<64xf32, #tpu.memory_space<vmem>>
      %dma_start3A_256 = arith.constant 0 : i32
      %dma_start3A_257 = tpu.memref_slice %arg4[%squeeze3A_243, %squeeze3A_245, %dma_start3A_256] : memref<125000x8x64xf32, #tpu.memory_space<hbm>> -> memref<1x1x64xf32, #tpu.memory_space<hbm>>
      %dma_start3A_258 = tpu.memref_squeeze %dma_start3A_257 : memref<1x1x64xf32, #tpu.memory_space<hbm>> -> memref<64xf32, #tpu.memory_space<hbm>>
      tpu.enqueue_dma source(%dma_start3A_258 : memref<64xf32, #tpu.memory_space<hbm>>) target(%dma_start3A_255 : memref<64xf32, #tpu.memory_space<vmem>>) target_semaphore(%arg11 : memref<!tpu.dma_semaphore, #tpu.memory_space<semaphore_mem>>)
      %slice3A_259 = vector.extract_strided_slice %select_n3A_142 {offsets = [2], sizes = [1], strides = [1]} : vector<16xi32> to vector<1xi32>
      %squeeze3A_260 = vector.extract %slice3A_259[0] : i32 from vector<1xi32>
      %slice3A_261 = vector.extract_strided_slice %select_n3A_164 {offsets = [2], sizes = [1], strides = [1]} : vector<16xi32> to vector<1xi32>
      %squeeze3A_262 = vector.extract %slice3A_261[0] : i32 from vector<1xi32>
      %dma_start3A_263 = arith.constant 2 : i32
      %dma_start3A_264 = arith.constant 0 : i32
      %dma_start3A_265 = tpu.memref_slice %arg9[%add3A_241, %dma_start3A_263, %dma_start3A_264] : memref<32x8x64xf32, #tpu.memory_space<vmem>> -> memref<1x1x64xf32, #tpu.memory_space<vmem>>
      %dma_start3A_266 = tpu.memref_squeeze %dma_start3A_265 : memref<1x1x64xf32, #tpu.memory_space<vmem>> -> memref<64xf32, #tpu.memory_space<vmem>>
      %dma_start3A_267 = arith.constant 0 : i32
      %dma_start3A_268 = tpu.memref_slice %arg4[%squeeze3A_260, %squeeze3A_262, %dma_start3A_267] : memref<125000x8x64xf32, #tpu.memory_space<hbm>> -> memref<1x1x64xf32, #tpu.memory_space<hbm>>
      %dma_start3A_269 = tpu.memref_squeeze %dma_start3A_268 : memref<1x1x64xf32, #tpu.memory_space<hbm>> -> memref<64xf32, #tpu.memory_space<hbm>>
      %dma_start3A_270 = arith.constant 0 : i32
      %dma_start3A_271 = tpu.memref_slice %arg9[%add3A_241, %dma_start3A_263, %dma_start3A_270] : memref<32x8x64xf32, #tpu.memory_space<vmem>> -> memref<1x1x64xf32, #tpu.memory_space<vmem>>
      %dma_start3A_272 = tpu.memref_squeeze %dma_start3A_271 : memref<1x1x64xf32, #tpu.memory_space<vmem>> -> memref<64xf32, #tpu.memory_space<vmem>>
      %dma_start3A_273 = arith.constant 0 : i32
      %dma_start3A_274 = tpu.memref_slice %arg4[%squeeze3A_260, %squeeze3A_262, %dma_start3A_273] : memref<125000x8x64xf32, #tpu.memory_space<hbm>> -> memref<1x1x64xf32, #tpu.memory_space<hbm>>
      %dma_start3A_275 = tpu.memref_squeeze %dma_start3A_274 : memref<1x1x64xf32, #tpu.memory_space<hbm>> -> memref<64xf32, #tpu.memory_space<hbm>>
      tpu.enqueue_dma source(%dma_start3A_275 : memref<64xf32, #tpu.memory_space<hbm>>) target(%dma_start3A_272 : memref<64xf32, #tpu.memory_space<vmem>>) target_semaphore(%arg11 : memref<!tpu.dma_semaphore, #tpu.memory_space<semaphore_mem>>)
      %mul3A_276 = arith.constant 2 : i32
      %mul3A_277 = arith.muli %mul3A_276, %scan3A_57 : i32
      %add3A_278 = arith.constant 0 : i32
      %add3A_279 = arith.addi %mul3A_277, %add3A_278 : i32
      %slice3A_280 = vector.extract_strided_slice %select_n3A {offsets = [3], sizes = [1], strides = [1]} : vector<16xi32> to vector<1xi32>
      %squeeze3A_281 = vector.extract %slice3A_280[0] : i32 from vector<1xi32>
      %slice3A_282 = vector.extract_strided_slice %select_n3A_111 {offsets = [3], sizes = [1], strides = [1]} : vector<16xi32> to vector<1xi32>
      %squeeze3A_283 = vector.extract %slice3A_282[0] : i32 from vector<1xi32>
      %dma_start3A_284 = arith.constant 3 : i32
      %dma_start3A_285 = arith.constant 0 : i32
      %dma_start3A_286 = tpu.memref_slice %arg8[%add3A_279, %dma_start3A_284, %dma_start3A_285] : memref<32x8x64xf32, #tpu.memory_space<vmem>> -> memref<1x1x64xf32, #tpu.memory_space<vmem>>
      %dma_start3A_287 = tpu.memref_squeeze %dma_start3A_286 : memref<1x1x64xf32, #tpu.memory_space<vmem>> -> memref<64xf32, #tpu.memory_space<vmem>>
      %dma_start3A_288 = arith.constant 0 : i32
      %dma_start3A_289 = tpu.memref_slice %arg4[%squeeze3A_281, %squeeze3A_283, %dma_start3A_288] : memref<125000x8x64xf32, #tpu.memory_space<hbm>> -> memref<1x1x64xf32, #tpu.memory_space<hbm>>
      %dma_start3A_290 = tpu.memref_squeeze %dma_start3A_289 : memref<1x1x64xf32, #tpu.memory_space<hbm>> -> memref<64xf32, #tpu.memory_space<hbm>>
      %dma_start3A_291 = arith.constant 0 : i32
      %dma_start3A_292 = tpu.memref_slice %arg8[%add3A_279, %dma_start3A_284, %dma_start3A_291] : memref<32x8x64xf32, #tpu.memory_space<vmem>> -> memref<1x1x64xf32, #tpu.memory_space<vmem>>
      %dma_start3A_293 = tpu.memref_squeeze %dma_start3A_292 : memref<1x1x64xf32, #tpu.memory_space<vmem>> -> memref<64xf32, #tpu.memory_space<vmem>>
      %dma_start3A_294 = arith.constant 0 : i32
      %dma_start3A_295 = tpu.memref_slice %arg4[%squeeze3A_281, %squeeze3A_283, %dma_start3A_294] : memref<125000x8x64xf32, #tpu.memory_space<hbm>> -> memref<1x1x64xf32, #tpu.memory_space<hbm>>
      %dma_start3A_296 = tpu.memref_squeeze %dma_start3A_295 : memref<1x1x64xf32, #tpu.memory_space<hbm>> -> memref<64xf32, #tpu.memory_space<hbm>>
      tpu.enqueue_dma source(%dma_start3A_296 : memref<64xf32, #tpu.memory_space<hbm>>) target(%dma_start3A_293 : memref<64xf32, #tpu.memory_space<vmem>>) target_semaphore(%arg11 : memref<!tpu.dma_semaphore, #tpu.memory_space<semaphore_mem>>)
      %slice3A_297 = vector.extract_strided_slice %select_n3A_142 {offsets = [3], sizes = [1], strides = [1]} : vector<16xi32> to vector<1xi32>
      %squeeze3A_298 = vector.extract %slice3A_297[0] : i32 from vector<1xi32>
      %slice3A_299 = vector.extract_strided_slice %select_n3A_164 {offsets = [3], sizes = [1], strides = [1]} : vector<16xi32> to vector<1xi32>
      %squeeze3A_300 = vector.extract %slice3A_299[0] : i32 from vector<1xi32>
      %dma_start3A_301 = arith.constant 3 : i32
      %dma_start3A_302 = arith.constant 0 : i32
      %dma_start3A_303 = tpu.memref_slice %arg9[%add3A_279, %dma_start3A_301, %dma_start3A_302] : memref<32x8x64xf32, #tpu.memory_space<vmem>> -> memref<1x1x64xf32, #tpu.memory_space<vmem>>
      %dma_start3A_304 = tpu.memref_squeeze %dma_start3A_303 : memref<1x1x64xf32, #tpu.memory_space<vmem>> -> memref<64xf32, #tpu.memory_space<vmem>>
      %dma_start3A_305 = arith.constant 0 : i32
      %dma_start3A_306 = tpu.memref_slice %arg4[%squeeze3A_298, %squeeze3A_300, %dma_start3A_305] : memref<125000x8x64xf32, #tpu.memory_space<hbm>> -> memref<1x1x64xf32, #tpu.memory_space<hbm>>
      %dma_start3A_307 = tpu.memref_squeeze %dma_start3A_306 : memref<1x1x64xf32, #tpu.memory_space<hbm>> -> memref<64xf32, #tpu.memory_space<hbm>>
      %dma_start3A_308 = arith.constant 0 : i32
      %dma_start3A_309 = tpu.memref_slice %arg9[%add3A_279, %dma_start3A_301, %dma_start3A_308] : memref<32x8x64xf32, #tpu.memory_space<vmem>> -> memref<1x1x64xf32, #tpu.memory_space<vmem>>
      %dma_start3A_310 = tpu.memref_squeeze %dma_start3A_309 : memref<1x1x64xf32, #tpu.memory_space<vmem>> -> memref<64xf32, #tpu.memory_space<vmem>>
      %dma_start3A_311 = arith.constant 0 : i32
      %dma_start3A_312 = tpu.memref_slice %arg4[%squeeze3A_298, %squeeze3A_300, %dma_start3A_311] : memref<125000x8x64xf32, #tpu.memory_space<hbm>> -> memref<1x1x64xf32, #tpu.memory_space<hbm>>
      %dma_start3A_313 = tpu.memref_squeeze %dma_start3A_312 : memref<1x1x64xf32, #tpu.memory_space<hbm>> -> memref<64xf32, #tpu.memory_space<hbm>>
      tpu.enqueue_dma source(%dma_start3A_313 : memref<64xf32, #tpu.memory_space<hbm>>) target(%dma_start3A_310 : memref<64xf32, #tpu.memory_space<vmem>>) target_semaphore(%arg11 : memref<!tpu.dma_semaphore, #tpu.memory_space<semaphore_mem>>)
      %mul3A_314 = arith.constant 2 : i32
      %mul3A_315 = arith.muli %mul3A_314, %scan3A_57 : i32
      %add3A_316 = arith.constant 0 : i32
      %add3A_317 = arith.addi %mul3A_315, %add3A_316 : i32
      %slice3A_318 = vector.extract_strided_slice %select_n3A {offsets = [4], sizes = [1], strides = [1]} : vector<16xi32> to vector<1xi32>
      %squeeze3A_319 = vector.extract %slice3A_318[0] : i32 from vector<1xi32>
      %slice3A_320 = vector.extract_strided_slice %select_n3A_111 {offsets = [4], sizes = [1], strides = [1]} : vector<16xi32> to vector<1xi32>
      %squeeze3A_321 = vector.extract %slice3A_320[0] : i32 from vector<1xi32>
      %dma_start3A_322 = arith.constant 4 : i32
      %dma_start3A_323 = arith.constant 0 : i32
      %dma_start3A_324 = tpu.memref_slice %arg8[%add3A_317, %dma_start3A_322, %dma_start3A_323] : memref<32x8x64xf32, #tpu.memory_space<vmem>> -> memref<1x1x64xf32, #tpu.memory_space<vmem>>
      %dma_start3A_325 = tpu.memref_squeeze %dma_start3A_324 : memref<1x1x64xf32, #tpu.memory_space<vmem>> -> memref<64xf32, #tpu.memory_space<vmem>>
      %dma_start3A_326 = arith.constant 0 : i32
      %dma_start3A_327 = tpu.memref_slice %arg4[%squeeze3A_319, %squeeze3A_321, %dma_start3A_326] : memref<125000x8x64xf32, #tpu.memory_space<hbm>> -> memref<1x1x64xf32, #tpu.memory_space<hbm>>
      %dma_start3A_328 = tpu.memref_squeeze %dma_start3A_327 : memref<1x1x64xf32, #tpu.memory_space<hbm>> -> memref<64xf32, #tpu.memory_space<hbm>>
      %dma_start3A_329 = arith.constant 0 : i32
      %dma_start3A_330 = tpu.memref_slice %arg8[%add3A_317, %dma_start3A_322, %dma_start3A_329] : memref<32x8x64xf32, #tpu.memory_space<vmem>> -> memref<1x1x64xf32, #tpu.memory_space<vmem>>
      %dma_start3A_331 = tpu.memref_squeeze %dma_start3A_330 : memref<1x1x64xf32, #tpu.memory_space<vmem>> -> memref<64xf32, #tpu.memory_space<vmem>>
      %dma_start3A_332 = arith.constant 0 : i32
      %dma_start3A_333 = tpu.memref_slice %arg4[%squeeze3A_319, %squeeze3A_321, %dma_start3A_332] : memref<125000x8x64xf32, #tpu.memory_space<hbm>> -> memref<1x1x64xf32, #tpu.memory_space<hbm>>
      %dma_start3A_334 = tpu.memref_squeeze %dma_start3A_333 : memref<1x1x64xf32, #tpu.memory_space<hbm>> -> memref<64xf32, #tpu.memory_space<hbm>>
      tpu.enqueue_dma source(%dma_start3A_334 : memref<64xf32, #tpu.memory_space<hbm>>) target(%dma_start3A_331 : memref<64xf32, #tpu.memory_space<vmem>>) target_semaphore(%arg11 : memref<!tpu.dma_semaphore, #tpu.memory_space<semaphore_mem>>)
      %slice3A_335 = vector.extract_strided_slice %select_n3A_142 {offsets = [4], sizes = [1], strides = [1]} : vector<16xi32> to vector<1xi32>
      %squeeze3A_336 = vector.extract %slice3A_335[0] : i32 from vector<1xi32>
      %slice3A_337 = vector.extract_strided_slice %select_n3A_164 {offsets = [4], sizes = [1], strides = [1]} : vector<16xi32> to vector<1xi32>
      %squeeze3A_338 = vector.extract %slice3A_337[0] : i32 from vector<1xi32>
      %dma_start3A_339 = arith.constant 4 : i32
      %dma_start3A_340 = arith.constant 0 : i32
      %dma_start3A_341 = tpu.memref_slice %arg9[%add3A_317, %dma_start3A_339, %dma_start3A_340] : memref<32x8x64xf32, #tpu.memory_space<vmem>> -> memref<1x1x64xf32, #tpu.memory_space<vmem>>
      %dma_start3A_342 = tpu.memref_squeeze %dma_start3A_341 : memref<1x1x64xf32, #tpu.memory_space<vmem>> -> memref<64xf32, #tpu.memory_space<vmem>>
      %dma_start3A_343 = arith.constant 0 : i32
      %dma_start3A_344 = tpu.memref_slice %arg4[%squeeze3A_336, %squeeze3A_338, %dma_start3A_343] : memref<125000x8x64xf32, #tpu.memory_space<hbm>> -> memref<1x1x64xf32, #tpu.memory_space<hbm>>
      %dma_start3A_345 = tpu.memref_squeeze %dma_start3A_344 : memref<1x1x64xf32, #tpu.memory_space<hbm>> -> memref<64xf32, #tpu.memory_space<hbm>>
      %dma_start3A_346 = arith.constant 0 : i32
      %dma_start3A_347 = tpu.memref_slice %arg9[%add3A_317, %dma_start3A_339, %dma_start3A_346] : memref<32x8x64xf32, #tpu.memory_space<vmem>> -> memref<1x1x64xf32, #tpu.memory_space<vmem>>
      %dma_start3A_348 = tpu.memref_squeeze %dma_start3A_347 : memref<1x1x64xf32, #tpu.memory_space<vmem>> -> memref<64xf32, #tpu.memory_space<vmem>>
      %dma_start3A_349 = arith.constant 0 : i32
      %dma_start3A_350 = tpu.memref_slice %arg4[%squeeze3A_336, %squeeze3A_338, %dma_start3A_349] : memref<125000x8x64xf32, #tpu.memory_space<hbm>> -> memref<1x1x64xf32, #tpu.memory_space<hbm>>
      %dma_start3A_351 = tpu.memref_squeeze %dma_start3A_350 : memref<1x1x64xf32, #tpu.memory_space<hbm>> -> memref<64xf32, #tpu.memory_space<hbm>>
      tpu.enqueue_dma source(%dma_start3A_351 : memref<64xf32, #tpu.memory_space<hbm>>) target(%dma_start3A_348 : memref<64xf32, #tpu.memory_space<vmem>>) target_semaphore(%arg11 : memref<!tpu.dma_semaphore, #tpu.memory_space<semaphore_mem>>)
      %mul3A_352 = arith.constant 2 : i32
      %mul3A_353 = arith.muli %mul3A_352, %scan3A_57 : i32
      %add3A_354 = arith.constant 0 : i32
      %add3A_355 = arith.addi %mul3A_353, %add3A_354 : i32
      %slice3A_356 = vector.extract_strided_slice %select_n3A {offsets = [5], sizes = [1], strides = [1]} : vector<16xi32> to vector<1xi32>
      %squeeze3A_357 = vector.extract %slice3A_356[0] : i32 from vector<1xi32>
      %slice3A_358 = vector.extract_strided_slice %select_n3A_111 {offsets = [5], sizes = [1], strides = [1]} : vector<16xi32> to vector<1xi32>
      %squeeze3A_359 = vector.extract %slice3A_358[0] : i32 from vector<1xi32>
      %dma_start3A_360 = arith.constant 5 : i32
      %dma_start3A_361 = arith.constant 0 : i32
      %dma_start3A_362 = tpu.memref_slice %arg8[%add3A_355, %dma_start3A_360, %dma_start3A_361] : memref<32x8x64xf32, #tpu.memory_space<vmem>> -> memref<1x1x64xf32, #tpu.memory_space<vmem>>
      %dma_start3A_363 = tpu.memref_squeeze %dma_start3A_362 : memref<1x1x64xf32, #tpu.memory_space<vmem>> -> memref<64xf32, #tpu.memory_space<vmem>>
      %dma_start3A_364 = arith.constant 0 : i32
      %dma_start3A_365 = tpu.memref_slice %arg4[%squeeze3A_357, %squeeze3A_359, %dma_start3A_364] : memref<125000x8x64xf32, #tpu.memory_space<hbm>> -> memref<1x1x64xf32, #tpu.memory_space<hbm>>
      %dma_start3A_366 = tpu.memref_squeeze %dma_start3A_365 : memref<1x1x64xf32, #tpu.memory_space<hbm>> -> memref<64xf32, #tpu.memory_space<hbm>>
      %dma_start3A_367 = arith.constant 0 : i32
      %dma_start3A_368 = tpu.memref_slice %arg8[%add3A_355, %dma_start3A_360, %dma_start3A_367] : memref<32x8x64xf32, #tpu.memory_space<vmem>> -> memref<1x1x64xf32, #tpu.memory_space<vmem>>
      %dma_start3A_369 = tpu.memref_squeeze %dma_start3A_368 : memref<1x1x64xf32, #tpu.memory_space<vmem>> -> memref<64xf32, #tpu.memory_space<vmem>>
      %dma_start3A_370 = arith.constant 0 : i32
      %dma_start3A_371 = tpu.memref_slice %arg4[%squeeze3A_357, %squeeze3A_359, %dma_start3A_370] : memref<125000x8x64xf32, #tpu.memory_space<hbm>> -> memref<1x1x64xf32, #tpu.memory_space<hbm>>
      %dma_start3A_372 = tpu.memref_squeeze %dma_start3A_371 : memref<1x1x64xf32, #tpu.memory_space<hbm>> -> memref<64xf32, #tpu.memory_space<hbm>>
      tpu.enqueue_dma source(%dma_start3A_372 : memref<64xf32, #tpu.memory_space<hbm>>) target(%dma_start3A_369 : memref<64xf32, #tpu.memory_space<vmem>>) target_semaphore(%arg11 : memref<!tpu.dma_semaphore, #tpu.memory_space<semaphore_mem>>)
      %slice3A_373 = vector.extract_strided_slice %select_n3A_142 {offsets = [5], sizes = [1], strides = [1]} : vector<16xi32> to vector<1xi32>
      %squeeze3A_374 = vector.extract %slice3A_373[0] : i32 from vector<1xi32>
      %slice3A_375 = vector.extract_strided_slice %select_n3A_164 {offsets = [5], sizes = [1], strides = [1]} : vector<16xi32> to vector<1xi32>
      %squeeze3A_376 = vector.extract %slice3A_375[0] : i32 from vector<1xi32>
      %dma_start3A_377 = arith.constant 5 : i32
      %dma_start3A_378 = arith.constant 0 : i32
      %dma_start3A_379 = tpu.memref_slice %arg9[%add3A_355, %dma_start3A_377, %dma_start3A_378] : memref<32x8x64xf32, #tpu.memory_space<vmem>> -> memref<1x1x64xf32, #tpu.memory_space<vmem>>
      %dma_start3A_380 = tpu.memref_squeeze %dma_start3A_379 : memref<1x1x64xf32, #tpu.memory_space<vmem>> -> memref<64xf32, #tpu.memory_space<vmem>>
      %dma_start3A_381 = arith.constant 0 : i32
      %dma_start3A_382 = tpu.memref_slice %arg4[%squeeze3A_374, %squeeze3A_376, %dma_start3A_381] : memref<125000x8x64xf32, #tpu.memory_space<hbm>> -> memref<1x1x64xf32, #tpu.memory_space<hbm>>
      %dma_start3A_383 = tpu.memref_squeeze %dma_start3A_382 : memref<1x1x64xf32, #tpu.memory_space<hbm>> -> memref<64xf32, #tpu.memory_space<hbm>>
      %dma_start3A_384 = arith.constant 0 : i32
      %dma_start3A_385 = tpu.memref_slice %arg9[%add3A_355, %dma_start3A_377, %dma_start3A_384] : memref<32x8x64xf32, #tpu.memory_space<vmem>> -> memref<1x1x64xf32, #tpu.memory_space<vmem>>
      %dma_start3A_386 = tpu.memref_squeeze %dma_start3A_385 : memref<1x1x64xf32, #tpu.memory_space<vmem>> -> memref<64xf32, #tpu.memory_space<vmem>>
      %dma_start3A_387 = arith.constant 0 : i32
      %dma_start3A_388 = tpu.memref_slice %arg4[%squeeze3A_374, %squeeze3A_376, %dma_start3A_387] : memref<125000x8x64xf32, #tpu.memory_space<hbm>> -> memref<1x1x64xf32, #tpu.memory_space<hbm>>
      %dma_start3A_389 = tpu.memref_squeeze %dma_start3A_388 : memref<1x1x64xf32, #tpu.memory_space<hbm>> -> memref<64xf32, #tpu.memory_space<hbm>>
      tpu.enqueue_dma source(%dma_start3A_389 : memref<64xf32, #tpu.memory_space<hbm>>) target(%dma_start3A_386 : memref<64xf32, #tpu.memory_space<vmem>>) target_semaphore(%arg11 : memref<!tpu.dma_semaphore, #tpu.memory_space<semaphore_mem>>)
      %mul3A_390 = arith.constant 2 : i32
      %mul3A_391 = arith.muli %mul3A_390, %scan3A_57 : i32
      %add3A_392 = arith.constant 0 : i32
      %add3A_393 = arith.addi %mul3A_391, %add3A_392 : i32
      %slice3A_394 = vector.extract_strided_slice %select_n3A {offsets = [6], sizes = [1], strides = [1]} : vector<16xi32> to vector<1xi32>
      %squeeze3A_395 = vector.extract %slice3A_394[0] : i32 from vector<1xi32>
      %slice3A_396 = vector.extract_strided_slice %select_n3A_111 {offsets = [6], sizes = [1], strides = [1]} : vector<16xi32> to vector<1xi32>
      %squeeze3A_397 = vector.extract %slice3A_396[0] : i32 from vector<1xi32>
      %dma_start3A_398 = arith.constant 6 : i32
      %dma_start3A_399 = arith.constant 0 : i32
      %dma_start3A_400 = tpu.memref_slice %arg8[%add3A_393, %dma_start3A_398, %dma_start3A_399] : memref<32x8x64xf32, #tpu.memory_space<vmem>> -> memref<1x1x64xf32, #tpu.memory_space<vmem>>
      %dma_start3A_401 = tpu.memref_squeeze %dma_start3A_400 : memref<1x1x64xf32, #tpu.memory_space<vmem>> -> memref<64xf32, #tpu.memory_space<vmem>>
      %dma_start3A_402 = arith.constant 0 : i32
      %dma_start3A_403 = tpu.memref_slice %arg4[%squeeze3A_395, %squeeze3A_397, %dma_start3A_402] : memref<125000x8x64xf32, #tpu.memory_space<hbm>> -> memref<1x1x64xf32, #tpu.memory_space<hbm>>
      %dma_start3A_404 = tpu.memref_squeeze %dma_start3A_403 : memref<1x1x64xf32, #tpu.memory_space<hbm>> -> memref<64xf32, #tpu.memory_space<hbm>>
      %dma_start3A_405 = arith.constant 0 : i32
      %dma_start3A_406 = tpu.memref_slice %arg8[%add3A_393, %dma_start3A_398, %dma_start3A_405] : memref<32x8x64xf32, #tpu.memory_space<vmem>> -> memref<1x1x64xf32, #tpu.memory_space<vmem>>
      %dma_start3A_407 = tpu.memref_squeeze %dma_start3A_406 : memref<1x1x64xf32, #tpu.memory_space<vmem>> -> memref<64xf32, #tpu.memory_space<vmem>>
      %dma_start3A_408 = arith.constant 0 : i32
      %dma_start3A_409 = tpu.memref_slice %arg4[%squeeze3A_395, %squeeze3A_397, %dma_start3A_408] : memref<125000x8x64xf32, #tpu.memory_space<hbm>> -> memref<1x1x64xf32, #tpu.memory_space<hbm>>
      %dma_start3A_410 = tpu.memref_squeeze %dma_start3A_409 : memref<1x1x64xf32, #tpu.memory_space<hbm>> -> memref<64xf32, #tpu.memory_space<hbm>>
      tpu.enqueue_dma source(%dma_start3A_410 : memref<64xf32, #tpu.memory_space<hbm>>) target(%dma_start3A_407 : memref<64xf32, #tpu.memory_space<vmem>>) target_semaphore(%arg11 : memref<!tpu.dma_semaphore, #tpu.memory_space<semaphore_mem>>)
      %slice3A_411 = vector.extract_strided_slice %select_n3A_142 {offsets = [6], sizes = [1], strides = [1]} : vector<16xi32> to vector<1xi32>
      %squeeze3A_412 = vector.extract %slice3A_411[0] : i32 from vector<1xi32>
      %slice3A_413 = vector.extract_strided_slice %select_n3A_164 {offsets = [6], sizes = [1], strides = [1]} : vector<16xi32> to vector<1xi32>
      %squeeze3A_414 = vector.extract %slice3A_413[0] : i32 from vector<1xi32>
      %dma_start3A_415 = arith.constant 6 : i32
      %dma_start3A_416 = arith.constant 0 : i32
      %dma_start3A_417 = tpu.memref_slice %arg9[%add3A_393, %dma_start3A_415, %dma_start3A_416] : memref<32x8x64xf32, #tpu.memory_space<vmem>> -> memref<1x1x64xf32, #tpu.memory_space<vmem>>
      %dma_start3A_418 = tpu.memref_squeeze %dma_start3A_417 : memref<1x1x64xf32, #tpu.memory_space<vmem>> -> memref<64xf32, #tpu.memory_space<vmem>>
      %dma_start3A_419 = arith.constant 0 : i32
      %dma_start3A_420 = tpu.memref_slice %arg4[%squeeze3A_412, %squeeze3A_414, %dma_start3A_419] : memref<125000x8x64xf32, #tpu.memory_space<hbm>> -> memref<1x1x64xf32, #tpu.memory_space<hbm>>
      %dma_start3A_421 = tpu.memref_squeeze %dma_start3A_420 : memref<1x1x64xf32, #tpu.memory_space<hbm>> -> memref<64xf32, #tpu.memory_space<hbm>>
      %dma_start3A_422 = arith.constant 0 : i32
      %dma_start3A_423 = tpu.memref_slice %arg9[%add3A_393, %dma_start3A_415, %dma_start3A_422] : memref<32x8x64xf32, #tpu.memory_space<vmem>> -> memref<1x1x64xf32, #tpu.memory_space<vmem>>
      %dma_start3A_424 = tpu.memref_squeeze %dma_start3A_423 : memref<1x1x64xf32, #tpu.memory_space<vmem>> -> memref<64xf32, #tpu.memory_space<vmem>>
      %dma_start3A_425 = arith.constant 0 : i32
      %dma_start3A_426 = tpu.memref_slice %arg4[%squeeze3A_412, %squeeze3A_414, %dma_start3A_425] : memref<125000x8x64xf32, #tpu.memory_space<hbm>> -> memref<1x1x64xf32, #tpu.memory_space<hbm>>
      %dma_start3A_427 = tpu.memref_squeeze %dma_start3A_426 : memref<1x1x64xf32, #tpu.memory_space<hbm>> -> memref<64xf32, #tpu.memory_space<hbm>>
      tpu.enqueue_dma source(%dma_start3A_427 : memref<64xf32, #tpu.memory_space<hbm>>) target(%dma_start3A_424 : memref<64xf32, #tpu.memory_space<vmem>>) target_semaphore(%arg11 : memref<!tpu.dma_semaphore, #tpu.memory_space<semaphore_mem>>)
      %mul3A_428 = arith.constant 2 : i32
      %mul3A_429 = arith.muli %mul3A_428, %scan3A_57 : i32
      %add3A_430 = arith.constant 0 : i32
      %add3A_431 = arith.addi %mul3A_429, %add3A_430 : i32
      %slice3A_432 = vector.extract_strided_slice %select_n3A {offsets = [7], sizes = [1], strides = [1]} : vector<16xi32> to vector<1xi32>
      %squeeze3A_433 = vector.extract %slice3A_432[0] : i32 from vector<1xi32>
      %slice3A_434 = vector.extract_strided_slice %select_n3A_111 {offsets = [7], sizes = [1], strides = [1]} : vector<16xi32> to vector<1xi32>
      %squeeze3A_435 = vector.extract %slice3A_434[0] : i32 from vector<1xi32>
      %dma_start3A_436 = arith.constant 7 : i32
      %dma_start3A_437 = arith.constant 0 : i32
      %dma_start3A_438 = tpu.memref_slice %arg8[%add3A_431, %dma_start3A_436, %dma_start3A_437] : memref<32x8x64xf32, #tpu.memory_space<vmem>> -> memref<1x1x64xf32, #tpu.memory_space<vmem>>
      %dma_start3A_439 = tpu.memref_squeeze %dma_start3A_438 : memref<1x1x64xf32, #tpu.memory_space<vmem>> -> memref<64xf32, #tpu.memory_space<vmem>>
      %dma_start3A_440 = arith.constant 0 : i32
      %dma_start3A_441 = tpu.memref_slice %arg4[%squeeze3A_433, %squeeze3A_435, %dma_start3A_440] : memref<125000x8x64xf32, #tpu.memory_space<hbm>> -> memref<1x1x64xf32, #tpu.memory_space<hbm>>
      %dma_start3A_442 = tpu.memref_squeeze %dma_start3A_441 : memref<1x1x64xf32, #tpu.memory_space<hbm>> -> memref<64xf32, #tpu.memory_space<hbm>>
      %dma_start3A_443 = arith.constant 0 : i32
      %dma_start3A_444 = tpu.memref_slice %arg8[%add3A_431, %dma_start3A_436, %dma_start3A_443] : memref<32x8x64xf32, #tpu.memory_space<vmem>> -> memref<1x1x64xf32, #tpu.memory_space<vmem>>
      %dma_start3A_445 = tpu.memref_squeeze %dma_start3A_444 : memref<1x1x64xf32, #tpu.memory_space<vmem>> -> memref<64xf32, #tpu.memory_space<vmem>>
      %dma_start3A_446 = arith.constant 0 : i32
      %dma_start3A_447 = tpu.memref_slice %arg4[%squeeze3A_433, %squeeze3A_435, %dma_start3A_446] : memref<125000x8x64xf32, #tpu.memory_space<hbm>> -> memref<1x1x64xf32, #tpu.memory_space<hbm>>
      %dma_start3A_448 = tpu.memref_squeeze %dma_start3A_447 : memref<1x1x64xf32, #tpu.memory_space<hbm>> -> memref<64xf32, #tpu.memory_space<hbm>>
      tpu.enqueue_dma source(%dma_start3A_448 : memref<64xf32, #tpu.memory_space<hbm>>) target(%dma_start3A_445 : memref<64xf32, #tpu.memory_space<vmem>>) target_semaphore(%arg11 : memref<!tpu.dma_semaphore, #tpu.memory_space<semaphore_mem>>)
      %slice3A_449 = vector.extract_strided_slice %select_n3A_142 {offsets = [7], sizes = [1], strides = [1]} : vector<16xi32> to vector<1xi32>
      %squeeze3A_450 = vector.extract %slice3A_449[0] : i32 from vector<1xi32>
      %slice3A_451 = vector.extract_strided_slice %select_n3A_164 {offsets = [7], sizes = [1], strides = [1]} : vector<16xi32> to vector<1xi32>
      %squeeze3A_452 = vector.extract %slice3A_451[0] : i32 from vector<1xi32>
      %dma_start3A_453 = arith.constant 7 : i32
      %dma_start3A_454 = arith.constant 0 : i32
      %dma_start3A_455 = tpu.memref_slice %arg9[%add3A_431, %dma_start3A_453, %dma_start3A_454] : memref<32x8x64xf32, #tpu.memory_space<vmem>> -> memref<1x1x64xf32, #tpu.memory_space<vmem>>
      %dma_start3A_456 = tpu.memref_squeeze %dma_start3A_455 : memref<1x1x64xf32, #tpu.memory_space<vmem>> -> memref<64xf32, #tpu.memory_space<vmem>>
      %dma_start3A_457 = arith.constant 0 : i32
      %dma_start3A_458 = tpu.memref_slice %arg4[%squeeze3A_450, %squeeze3A_452, %dma_start3A_457] : memref<125000x8x64xf32, #tpu.memory_space<hbm>> -> memref<1x1x64xf32, #tpu.memory_space<hbm>>
      %dma_start3A_459 = tpu.memref_squeeze %dma_start3A_458 : memref<1x1x64xf32, #tpu.memory_space<hbm>> -> memref<64xf32, #tpu.memory_space<hbm>>
      %dma_start3A_460 = arith.constant 0 : i32
      %dma_start3A_461 = tpu.memref_slice %arg9[%add3A_431, %dma_start3A_453, %dma_start3A_460] : memref<32x8x64xf32, #tpu.memory_space<vmem>> -> memref<1x1x64xf32, #tpu.memory_space<vmem>>
      %dma_start3A_462 = tpu.memref_squeeze %dma_start3A_461 : memref<1x1x64xf32, #tpu.memory_space<vmem>> -> memref<64xf32, #tpu.memory_space<vmem>>
      %dma_start3A_463 = arith.constant 0 : i32
      %dma_start3A_464 = tpu.memref_slice %arg4[%squeeze3A_450, %squeeze3A_452, %dma_start3A_463] : memref<125000x8x64xf32, #tpu.memory_space<hbm>> -> memref<1x1x64xf32, #tpu.memory_space<hbm>>
      %dma_start3A_465 = tpu.memref_squeeze %dma_start3A_464 : memref<1x1x64xf32, #tpu.memory_space<hbm>> -> memref<64xf32, #tpu.memory_space<hbm>>
      tpu.enqueue_dma source(%dma_start3A_465 : memref<64xf32, #tpu.memory_space<hbm>>) target(%dma_start3A_462 : memref<64xf32, #tpu.memory_space<vmem>>) target_semaphore(%arg11 : memref<!tpu.dma_semaphore, #tpu.memory_space<semaphore_mem>>)
      %mul3A_466 = arith.constant 2 : i32
      %mul3A_467 = arith.muli %mul3A_466, %scan3A_57 : i32
      %add3A_468 = arith.constant 1 : i32
      %add3A_469 = arith.addi %mul3A_467, %add3A_468 : i32
      %slice3A_470 = vector.extract_strided_slice %select_n3A {offsets = [8], sizes = [1], strides = [1]} : vector<16xi32> to vector<1xi32>
      %squeeze3A_471 = vector.extract %slice3A_470[0] : i32 from vector<1xi32>
      %slice3A_472 = vector.extract_strided_slice %select_n3A_111 {offsets = [8], sizes = [1], strides = [1]} : vector<16xi32> to vector<1xi32>
      %squeeze3A_473 = vector.extract %slice3A_472[0] : i32 from vector<1xi32>
      %dma_start3A_474 = arith.constant 0 : i32
      %dma_start3A_475 = arith.constant 0 : i32
      %dma_start3A_476 = tpu.memref_slice %arg8[%add3A_469, %dma_start3A_474, %dma_start3A_475] : memref<32x8x64xf32, #tpu.memory_space<vmem>> -> memref<1x1x64xf32, #tpu.memory_space<vmem>>
      %dma_start3A_477 = tpu.memref_squeeze %dma_start3A_476 : memref<1x1x64xf32, #tpu.memory_space<vmem>> -> memref<64xf32, #tpu.memory_space<vmem>>
      %dma_start3A_478 = arith.constant 0 : i32
      %dma_start3A_479 = tpu.memref_slice %arg4[%squeeze3A_471, %squeeze3A_473, %dma_start3A_478] : memref<125000x8x64xf32, #tpu.memory_space<hbm>> -> memref<1x1x64xf32, #tpu.memory_space<hbm>>
      %dma_start3A_480 = tpu.memref_squeeze %dma_start3A_479 : memref<1x1x64xf32, #tpu.memory_space<hbm>> -> memref<64xf32, #tpu.memory_space<hbm>>
      %dma_start3A_481 = arith.constant 0 : i32
      %dma_start3A_482 = tpu.memref_slice %arg8[%add3A_469, %dma_start3A_474, %dma_start3A_481] : memref<32x8x64xf32, #tpu.memory_space<vmem>> -> memref<1x1x64xf32, #tpu.memory_space<vmem>>
      %dma_start3A_483 = tpu.memref_squeeze %dma_start3A_482 : memref<1x1x64xf32, #tpu.memory_space<vmem>> -> memref<64xf32, #tpu.memory_space<vmem>>
      %dma_start3A_484 = arith.constant 0 : i32
      %dma_start3A_485 = tpu.memref_slice %arg4[%squeeze3A_471, %squeeze3A_473, %dma_start3A_484] : memref<125000x8x64xf32, #tpu.memory_space<hbm>> -> memref<1x1x64xf32, #tpu.memory_space<hbm>>
      %dma_start3A_486 = tpu.memref_squeeze %dma_start3A_485 : memref<1x1x64xf32, #tpu.memory_space<hbm>> -> memref<64xf32, #tpu.memory_space<hbm>>
      tpu.enqueue_dma source(%dma_start3A_486 : memref<64xf32, #tpu.memory_space<hbm>>) target(%dma_start3A_483 : memref<64xf32, #tpu.memory_space<vmem>>) target_semaphore(%arg11 : memref<!tpu.dma_semaphore, #tpu.memory_space<semaphore_mem>>)
      %slice3A_487 = vector.extract_strided_slice %select_n3A_142 {offsets = [8], sizes = [1], strides = [1]} : vector<16xi32> to vector<1xi32>
      %squeeze3A_488 = vector.extract %slice3A_487[0] : i32 from vector<1xi32>
      %slice3A_489 = vector.extract_strided_slice %select_n3A_164 {offsets = [8], sizes = [1], strides = [1]} : vector<16xi32> to vector<1xi32>
      %squeeze3A_490 = vector.extract %slice3A_489[0] : i32 from vector<1xi32>
      %dma_start3A_491 = arith.constant 0 : i32
      %dma_start3A_492 = arith.constant 0 : i32
      %dma_start3A_493 = tpu.memref_slice %arg9[%add3A_469, %dma_start3A_491, %dma_start3A_492] : memref<32x8x64xf32, #tpu.memory_space<vmem>> -> memref<1x1x64xf32, #tpu.memory_space<vmem>>
      %dma_start3A_494 = tpu.memref_squeeze %dma_start3A_493 : memref<1x1x64xf32, #tpu.memory_space<vmem>> -> memref<64xf32, #tpu.memory_space<vmem>>
      %dma_start3A_495 = arith.constant 0 : i32
      %dma_start3A_496 = tpu.memref_slice %arg4[%squeeze3A_488, %squeeze3A_490, %dma_start3A_495] : memref<125000x8x64xf32, #tpu.memory_space<hbm>> -> memref<1x1x64xf32, #tpu.memory_space<hbm>>
      %dma_start3A_497 = tpu.memref_squeeze %dma_start3A_496 : memref<1x1x64xf32, #tpu.memory_space<hbm>> -> memref<64xf32, #tpu.memory_space<hbm>>
      %dma_start3A_498 = arith.constant 0 : i32
      %dma_start3A_499 = tpu.memref_slice %arg9[%add3A_469, %dma_start3A_491, %dma_start3A_498] : memref<32x8x64xf32, #tpu.memory_space<vmem>> -> memref<1x1x64xf32, #tpu.memory_space<vmem>>
      %dma_start3A_500 = tpu.memref_squeeze %dma_start3A_499 : memref<1x1x64xf32, #tpu.memory_space<vmem>> -> memref<64xf32, #tpu.memory_space<vmem>>
      %dma_start3A_501 = arith.constant 0 : i32
      %dma_start3A_502 = tpu.memref_slice %arg4[%squeeze3A_488, %squeeze3A_490, %dma_start3A_501] : memref<125000x8x64xf32, #tpu.memory_space<hbm>> -> memref<1x1x64xf32, #tpu.memory_space<hbm>>
      %dma_start3A_503 = tpu.memref_squeeze %dma_start3A_502 : memref<1x1x64xf32, #tpu.memory_space<hbm>> -> memref<64xf32, #tpu.memory_space<hbm>>
      tpu.enqueue_dma source(%dma_start3A_503 : memref<64xf32, #tpu.memory_space<hbm>>) target(%dma_start3A_500 : memref<64xf32, #tpu.memory_space<vmem>>) target_semaphore(%arg11 : memref<!tpu.dma_semaphore, #tpu.memory_space<semaphore_mem>>)
      %mul3A_504 = arith.constant 2 : i32
      %mul3A_505 = arith.muli %mul3A_504, %scan3A_57 : i32
      %add3A_506 = arith.constant 1 : i32
      %add3A_507 = arith.addi %mul3A_505, %add3A_506 : i32
      %slice3A_508 = vector.extract_strided_slice %select_n3A {offsets = [9], sizes = [1], strides = [1]} : vector<16xi32> to vector<1xi32>
      %squeeze3A_509 = vector.extract %slice3A_508[0] : i32 from vector<1xi32>
      %slice3A_510 = vector.extract_strided_slice %select_n3A_111 {offsets = [9], sizes = [1], strides = [1]} : vector<16xi32> to vector<1xi32>
      %squeeze3A_511 = vector.extract %slice3A_510[0] : i32 from vector<1xi32>
      %dma_start3A_512 = arith.constant 1 : i32
      %dma_start3A_513 = arith.constant 0 : i32
      %dma_start3A_514 = tpu.memref_slice %arg8[%add3A_507, %dma_start3A_512, %dma_start3A_513] : memref<32x8x64xf32, #tpu.memory_space<vmem>> -> memref<1x1x64xf32, #tpu.memory_space<vmem>>
      %dma_start3A_515 = tpu.memref_squeeze %dma_start3A_514 : memref<1x1x64xf32, #tpu.memory_space<vmem>> -> memref<64xf32, #tpu.memory_space<vmem>>
      %dma_start3A_516 = arith.constant 0 : i32
      %dma_start3A_517 = tpu.memref_slice %arg4[%squeeze3A_509, %squeeze3A_511, %dma_start3A_516] : memref<125000x8x64xf32, #tpu.memory_space<hbm>> -> memref<1x1x64xf32, #tpu.memory_space<hbm>>
      %dma_start3A_518 = tpu.memref_squeeze %dma_start3A_517 : memref<1x1x64xf32, #tpu.memory_space<hbm>> -> memref<64xf32, #tpu.memory_space<hbm>>
      %dma_start3A_519 = arith.constant 0 : i32
      %dma_start3A_520 = tpu.memref_slice %arg8[%add3A_507, %dma_start3A_512, %dma_start3A_519] : memref<32x8x64xf32, #tpu.memory_space<vmem>> -> memref<1x1x64xf32, #tpu.memory_space<vmem>>
      %dma_start3A_521 = tpu.memref_squeeze %dma_start3A_520 : memref<1x1x64xf32, #tpu.memory_space<vmem>> -> memref<64xf32, #tpu.memory_space<vmem>>
      %dma_start3A_522 = arith.constant 0 : i32
      %dma_start3A_523 = tpu.memref_slice %arg4[%squeeze3A_509, %squeeze3A_511, %dma_start3A_522] : memref<125000x8x64xf32, #tpu.memory_space<hbm>> -> memref<1x1x64xf32, #tpu.memory_space<hbm>>
      %dma_start3A_524 = tpu.memref_squeeze %dma_start3A_523 : memref<1x1x64xf32, #tpu.memory_space<hbm>> -> memref<64xf32, #tpu.memory_space<hbm>>
      tpu.enqueue_dma source(%dma_start3A_524 : memref<64xf32, #tpu.memory_space<hbm>>) target(%dma_start3A_521 : memref<64xf32, #tpu.memory_space<vmem>>) target_semaphore(%arg11 : memref<!tpu.dma_semaphore, #tpu.memory_space<semaphore_mem>>)
      %slice3A_525 = vector.extract_strided_slice %select_n3A_142 {offsets = [9], sizes = [1], strides = [1]} : vector<16xi32> to vector<1xi32>
      %squeeze3A_526 = vector.extract %slice3A_525[0] : i32 from vector<1xi32>
      %slice3A_527 = vector.extract_strided_slice %select_n3A_164 {offsets = [9], sizes = [1], strides = [1]} : vector<16xi32> to vector<1xi32>
      %squeeze3A_528 = vector.extract %slice3A_527[0] : i32 from vector<1xi32>
      %dma_start3A_529 = arith.constant 1 : i32
      %dma_start3A_530 = arith.constant 0 : i32
      %dma_start3A_531 = tpu.memref_slice %arg9[%add3A_507, %dma_start3A_529, %dma_start3A_530] : memref<32x8x64xf32, #tpu.memory_space<vmem>> -> memref<1x1x64xf32, #tpu.memory_space<vmem>>
      %dma_start3A_532 = tpu.memref_squeeze %dma_start3A_531 : memref<1x1x64xf32, #tpu.memory_space<vmem>> -> memref<64xf32, #tpu.memory_space<vmem>>
      %dma_start3A_533 = arith.constant 0 : i32
      %dma_start3A_534 = tpu.memref_slice %arg4[%squeeze3A_526, %squeeze3A_528, %dma_start3A_533] : memref<125000x8x64xf32, #tpu.memory_space<hbm>> -> memref<1x1x64xf32, #tpu.memory_space<hbm>>
      %dma_start3A_535 = tpu.memref_squeeze %dma_start3A_534 : memref<1x1x64xf32, #tpu.memory_space<hbm>> -> memref<64xf32, #tpu.memory_space<hbm>>
      %dma_start3A_536 = arith.constant 0 : i32
      %dma_start3A_537 = tpu.memref_slice %arg9[%add3A_507, %dma_start3A_529, %dma_start3A_536] : memref<32x8x64xf32, #tpu.memory_space<vmem>> -> memref<1x1x64xf32, #tpu.memory_space<vmem>>
      %dma_start3A_538 = tpu.memref_squeeze %dma_start3A_537 : memref<1x1x64xf32, #tpu.memory_space<vmem>> -> memref<64xf32, #tpu.memory_space<vmem>>
      %dma_start3A_539 = arith.constant 0 : i32
      %dma_start3A_540 = tpu.memref_slice %arg4[%squeeze3A_526, %squeeze3A_528, %dma_start3A_539] : memref<125000x8x64xf32, #tpu.memory_space<hbm>> -> memref<1x1x64xf32, #tpu.memory_space<hbm>>
      %dma_start3A_541 = tpu.memref_squeeze %dma_start3A_540 : memref<1x1x64xf32, #tpu.memory_space<hbm>> -> memref<64xf32, #tpu.memory_space<hbm>>
      tpu.enqueue_dma source(%dma_start3A_541 : memref<64xf32, #tpu.memory_space<hbm>>) target(%dma_start3A_538 : memref<64xf32, #tpu.memory_space<vmem>>) target_semaphore(%arg11 : memref<!tpu.dma_semaphore, #tpu.memory_space<semaphore_mem>>)
      %mul3A_542 = arith.constant 2 : i32
      %mul3A_543 = arith.muli %mul3A_542, %scan3A_57 : i32
      %add3A_544 = arith.constant 1 : i32
      %add3A_545 = arith.addi %mul3A_543, %add3A_544 : i32
      %slice3A_546 = vector.extract_strided_slice %select_n3A {offsets = [10], sizes = [1], strides = [1]} : vector<16xi32> to vector<1xi32>
      %squeeze3A_547 = vector.extract %slice3A_546[0] : i32 from vector<1xi32>
      %slice3A_548 = vector.extract_strided_slice %select_n3A_111 {offsets = [10], sizes = [1], strides = [1]} : vector<16xi32> to vector<1xi32>
      %squeeze3A_549 = vector.extract %slice3A_548[0] : i32 from vector<1xi32>
      %dma_start3A_550 = arith.constant 2 : i32
      %dma_start3A_551 = arith.constant 0 : i32
      %dma_start3A_552 = tpu.memref_slice %arg8[%add3A_545, %dma_start3A_550, %dma_start3A_551] : memref<32x8x64xf32, #tpu.memory_space<vmem>> -> memref<1x1x64xf32, #tpu.memory_space<vmem>>
      %dma_start3A_553 = tpu.memref_squeeze %dma_start3A_552 : memref<1x1x64xf32, #tpu.memory_space<vmem>> -> memref<64xf32, #tpu.memory_space<vmem>>
      %dma_start3A_554 = arith.constant 0 : i32
      %dma_start3A_555 = tpu.memref_slice %arg4[%squeeze3A_547, %squeeze3A_549, %dma_start3A_554] : memref<125000x8x64xf32, #tpu.memory_space<hbm>> -> memref<1x1x64xf32, #tpu.memory_space<hbm>>
      %dma_start3A_556 = tpu.memref_squeeze %dma_start3A_555 : memref<1x1x64xf32, #tpu.memory_space<hbm>> -> memref<64xf32, #tpu.memory_space<hbm>>
      %dma_start3A_557 = arith.constant 0 : i32
      %dma_start3A_558 = tpu.memref_slice %arg8[%add3A_545, %dma_start3A_550, %dma_start3A_557] : memref<32x8x64xf32, #tpu.memory_space<vmem>> -> memref<1x1x64xf32, #tpu.memory_space<vmem>>
      %dma_start3A_559 = tpu.memref_squeeze %dma_start3A_558 : memref<1x1x64xf32, #tpu.memory_space<vmem>> -> memref<64xf32, #tpu.memory_space<vmem>>
      %dma_start3A_560 = arith.constant 0 : i32
      %dma_start3A_561 = tpu.memref_slice %arg4[%squeeze3A_547, %squeeze3A_549, %dma_start3A_560] : memref<125000x8x64xf32, #tpu.memory_space<hbm>> -> memref<1x1x64xf32, #tpu.memory_space<hbm>>
      %dma_start3A_562 = tpu.memref_squeeze %dma_start3A_561 : memref<1x1x64xf32, #tpu.memory_space<hbm>> -> memref<64xf32, #tpu.memory_space<hbm>>
      tpu.enqueue_dma source(%dma_start3A_562 : memref<64xf32, #tpu.memory_space<hbm>>) target(%dma_start3A_559 : memref<64xf32, #tpu.memory_space<vmem>>) target_semaphore(%arg11 : memref<!tpu.dma_semaphore, #tpu.memory_space<semaphore_mem>>)
      %slice3A_563 = vector.extract_strided_slice %select_n3A_142 {offsets = [10], sizes = [1], strides = [1]} : vector<16xi32> to vector<1xi32>
      %squeeze3A_564 = vector.extract %slice3A_563[0] : i32 from vector<1xi32>
      %slice3A_565 = vector.extract_strided_slice %select_n3A_164 {offsets = [10], sizes = [1], strides = [1]} : vector<16xi32> to vector<1xi32>
      %squeeze3A_566 = vector.extract %slice3A_565[0] : i32 from vector<1xi32>
      %dma_start3A_567 = arith.constant 2 : i32
      %dma_start3A_568 = arith.constant 0 : i32
      %dma_start3A_569 = tpu.memref_slice %arg9[%add3A_545, %dma_start3A_567, %dma_start3A_568] : memref<32x8x64xf32, #tpu.memory_space<vmem>> -> memref<1x1x64xf32, #tpu.memory_space<vmem>>
      %dma_start3A_570 = tpu.memref_squeeze %dma_start3A_569 : memref<1x1x64xf32, #tpu.memory_space<vmem>> -> memref<64xf32, #tpu.memory_space<vmem>>
      %dma_start3A_571 = arith.constant 0 : i32
      %dma_start3A_572 = tpu.memref_slice %arg4[%squeeze3A_564, %squeeze3A_566, %dma_start3A_571] : memref<125000x8x64xf32, #tpu.memory_space<hbm>> -> memref<1x1x64xf32, #tpu.memory_space<hbm>>
      %dma_start3A_573 = tpu.memref_squeeze %dma_start3A_572 : memref<1x1x64xf32, #tpu.memory_space<hbm>> -> memref<64xf32, #tpu.memory_space<hbm>>
      %dma_start3A_574 = arith.constant 0 : i32
      %dma_start3A_575 = tpu.memref_slice %arg9[%add3A_545, %dma_start3A_567, %dma_start3A_574] : memref<32x8x64xf32, #tpu.memory_space<vmem>> -> memref<1x1x64xf32, #tpu.memory_space<vmem>>
      %dma_start3A_576 = tpu.memref_squeeze %dma_start3A_575 : memref<1x1x64xf32, #tpu.memory_space<vmem>> -> memref<64xf32, #tpu.memory_space<vmem>>
      %dma_start3A_577 = arith.constant 0 : i32
      %dma_start3A_578 = tpu.memref_slice %arg4[%squeeze3A_564, %squeeze3A_566, %dma_start3A_577] : memref<125000x8x64xf32, #tpu.memory_space<hbm>> -> memref<1x1x64xf32, #tpu.memory_space<hbm>>
      %dma_start3A_579 = tpu.memref_squeeze %dma_start3A_578 : memref<1x1x64xf32, #tpu.memory_space<hbm>> -> memref<64xf32, #tpu.memory_space<hbm>>
      tpu.enqueue_dma source(%dma_start3A_579 : memref<64xf32, #tpu.memory_space<hbm>>) target(%dma_start3A_576 : memref<64xf32, #tpu.memory_space<vmem>>) target_semaphore(%arg11 : memref<!tpu.dma_semaphore, #tpu.memory_space<semaphore_mem>>)
      %mul3A_580 = arith.constant 2 : i32
      %mul3A_581 = arith.muli %mul3A_580, %scan3A_57 : i32
      %add3A_582 = arith.constant 1 : i32
      %add3A_583 = arith.addi %mul3A_581, %add3A_582 : i32
      %slice3A_584 = vector.extract_strided_slice %select_n3A {offsets = [11], sizes = [1], strides = [1]} : vector<16xi32> to vector<1xi32>
      %squeeze3A_585 = vector.extract %slice3A_584[0] : i32 from vector<1xi32>
      %slice3A_586 = vector.extract_strided_slice %select_n3A_111 {offsets = [11], sizes = [1], strides = [1]} : vector<16xi32> to vector<1xi32>
      %squeeze3A_587 = vector.extract %slice3A_586[0] : i32 from vector<1xi32>
      %dma_start3A_588 = arith.constant 3 : i32
      %dma_start3A_589 = arith.constant 0 : i32
      %dma_start3A_590 = tpu.memref_slice %arg8[%add3A_583, %dma_start3A_588, %dma_start3A_589] : memref<32x8x64xf32, #tpu.memory_space<vmem>> -> memref<1x1x64xf32, #tpu.memory_space<vmem>>
      %dma_start3A_591 = tpu.memref_squeeze %dma_start3A_590 : memref<1x1x64xf32, #tpu.memory_space<vmem>> -> memref<64xf32, #tpu.memory_space<vmem>>
      %dma_start3A_592 = arith.constant 0 : i32
      %dma_start3A_593 = tpu.memref_slice %arg4[%squeeze3A_585, %squeeze3A_587, %dma_start3A_592] : memref<125000x8x64xf32, #tpu.memory_space<hbm>> -> memref<1x1x64xf32, #tpu.memory_space<hbm>>
      %dma_start3A_594 = tpu.memref_squeeze %dma_start3A_593 : memref<1x1x64xf32, #tpu.memory_space<hbm>> -> memref<64xf32, #tpu.memory_space<hbm>>
      %dma_start3A_595 = arith.constant 0 : i32
      %dma_start3A_596 = tpu.memref_slice %arg8[%add3A_583, %dma_start3A_588, %dma_start3A_595] : memref<32x8x64xf32, #tpu.memory_space<vmem>> -> memref<1x1x64xf32, #tpu.memory_space<vmem>>
      %dma_start3A_597 = tpu.memref_squeeze %dma_start3A_596 : memref<1x1x64xf32, #tpu.memory_space<vmem>> -> memref<64xf32, #tpu.memory_space<vmem>>
      %dma_start3A_598 = arith.constant 0 : i32
      %dma_start3A_599 = tpu.memref_slice %arg4[%squeeze3A_585, %squeeze3A_587, %dma_start3A_598] : memref<125000x8x64xf32, #tpu.memory_space<hbm>> -> memref<1x1x64xf32, #tpu.memory_space<hbm>>
      %dma_start3A_600 = tpu.memref_squeeze %dma_start3A_599 : memref<1x1x64xf32, #tpu.memory_space<hbm>> -> memref<64xf32, #tpu.memory_space<hbm>>
      tpu.enqueue_dma source(%dma_start3A_600 : memref<64xf32, #tpu.memory_space<hbm>>) target(%dma_start3A_597 : memref<64xf32, #tpu.memory_space<vmem>>) target_semaphore(%arg11 : memref<!tpu.dma_semaphore, #tpu.memory_space<semaphore_mem>>)
      %slice3A_601 = vector.extract_strided_slice %select_n3A_142 {offsets = [11], sizes = [1], strides = [1]} : vector<16xi32> to vector<1xi32>
      %squeeze3A_602 = vector.extract %slice3A_601[0] : i32 from vector<1xi32>
      %slice3A_603 = vector.extract_strided_slice %select_n3A_164 {offsets = [11], sizes = [1], strides = [1]} : vector<16xi32> to vector<1xi32>
      %squeeze3A_604 = vector.extract %slice3A_603[0] : i32 from vector<1xi32>
      %dma_start3A_605 = arith.constant 3 : i32
      %dma_start3A_606 = arith.constant 0 : i32
      %dma_start3A_607 = tpu.memref_slice %arg9[%add3A_583, %dma_start3A_605, %dma_start3A_606] : memref<32x8x64xf32, #tpu.memory_space<vmem>> -> memref<1x1x64xf32, #tpu.memory_space<vmem>>
      %dma_start3A_608 = tpu.memref_squeeze %dma_start3A_607 : memref<1x1x64xf32, #tpu.memory_space<vmem>> -> memref<64xf32, #tpu.memory_space<vmem>>
      %dma_start3A_609 = arith.constant 0 : i32
      %dma_start3A_610 = tpu.memref_slice %arg4[%squeeze3A_602, %squeeze3A_604, %dma_start3A_609] : memref<125000x8x64xf32, #tpu.memory_space<hbm>> -> memref<1x1x64xf32, #tpu.memory_space<hbm>>
      %dma_start3A_611 = tpu.memref_squeeze %dma_start3A_610 : memref<1x1x64xf32, #tpu.memory_space<hbm>> -> memref<64xf32, #tpu.memory_space<hbm>>
      %dma_start3A_612 = arith.constant 0 : i32
      %dma_start3A_613 = tpu.memref_slice %arg9[%add3A_583, %dma_start3A_605, %dma_start3A_612] : memref<32x8x64xf32, #tpu.memory_space<vmem>> -> memref<1x1x64xf32, #tpu.memory_space<vmem>>
      %dma_start3A_614 = tpu.memref_squeeze %dma_start3A_613 : memref<1x1x64xf32, #tpu.memory_space<vmem>> -> memref<64xf32, #tpu.memory_space<vmem>>
      %dma_start3A_615 = arith.constant 0 : i32
      %dma_start3A_616 = tpu.memref_slice %arg4[%squeeze3A_602, %squeeze3A_604, %dma_start3A_615] : memref<125000x8x64xf32, #tpu.memory_space<hbm>> -> memref<1x1x64xf32, #tpu.memory_space<hbm>>
      %dma_start3A_617 = tpu.memref_squeeze %dma_start3A_616 : memref<1x1x64xf32, #tpu.memory_space<hbm>> -> memref<64xf32, #tpu.memory_space<hbm>>
      tpu.enqueue_dma source(%dma_start3A_617 : memref<64xf32, #tpu.memory_space<hbm>>) target(%dma_start3A_614 : memref<64xf32, #tpu.memory_space<vmem>>) target_semaphore(%arg11 : memref<!tpu.dma_semaphore, #tpu.memory_space<semaphore_mem>>)
      %mul3A_618 = arith.constant 2 : i32
      %mul3A_619 = arith.muli %mul3A_618, %scan3A_57 : i32
      %add3A_620 = arith.constant 1 : i32
      %add3A_621 = arith.addi %mul3A_619, %add3A_620 : i32
      %slice3A_622 = vector.extract_strided_slice %select_n3A {offsets = [12], sizes = [1], strides = [1]} : vector<16xi32> to vector<1xi32>
      %squeeze3A_623 = vector.extract %slice3A_622[0] : i32 from vector<1xi32>
      %slice3A_624 = vector.extract_strided_slice %select_n3A_111 {offsets = [12], sizes = [1], strides = [1]} : vector<16xi32> to vector<1xi32>
      %squeeze3A_625 = vector.extract %slice3A_624[0] : i32 from vector<1xi32>
      %dma_start3A_626 = arith.constant 4 : i32
      %dma_start3A_627 = arith.constant 0 : i32
      %dma_start3A_628 = tpu.memref_slice %arg8[%add3A_621, %dma_start3A_626, %dma_start3A_627] : memref<32x8x64xf32, #tpu.memory_space<vmem>> -> memref<1x1x64xf32, #tpu.memory_space<vmem>>
      %dma_start3A_629 = tpu.memref_squeeze %dma_start3A_628 : memref<1x1x64xf32, #tpu.memory_space<vmem>> -> memref<64xf32, #tpu.memory_space<vmem>>
      %dma_start3A_630 = arith.constant 0 : i32
      %dma_start3A_631 = tpu.memref_slice %arg4[%squeeze3A_623, %squeeze3A_625, %dma_start3A_630] : memref<125000x8x64xf32, #tpu.memory_space<hbm>> -> memref<1x1x64xf32, #tpu.memory_space<hbm>>
      %dma_start3A_632 = tpu.memref_squeeze %dma_start3A_631 : memref<1x1x64xf32, #tpu.memory_space<hbm>> -> memref<64xf32, #tpu.memory_space<hbm>>
      %dma_start3A_633 = arith.constant 0 : i32
      %dma_start3A_634 = tpu.memref_slice %arg8[%add3A_621, %dma_start3A_626, %dma_start3A_633] : memref<32x8x64xf32, #tpu.memory_space<vmem>> -> memref<1x1x64xf32, #tpu.memory_space<vmem>>
      %dma_start3A_635 = tpu.memref_squeeze %dma_start3A_634 : memref<1x1x64xf32, #tpu.memory_space<vmem>> -> memref<64xf32, #tpu.memory_space<vmem>>
      %dma_start3A_636 = arith.constant 0 : i32
      %dma_start3A_637 = tpu.memref_slice %arg4[%squeeze3A_623, %squeeze3A_625, %dma_start3A_636] : memref<125000x8x64xf32, #tpu.memory_space<hbm>> -> memref<1x1x64xf32, #tpu.memory_space<hbm>>
      %dma_start3A_638 = tpu.memref_squeeze %dma_start3A_637 : memref<1x1x64xf32, #tpu.memory_space<hbm>> -> memref<64xf32, #tpu.memory_space<hbm>>
      tpu.enqueue_dma source(%dma_start3A_638 : memref<64xf32, #tpu.memory_space<hbm>>) target(%dma_start3A_635 : memref<64xf32, #tpu.memory_space<vmem>>) target_semaphore(%arg11 : memref<!tpu.dma_semaphore, #tpu.memory_space<semaphore_mem>>)
      %slice3A_639 = vector.extract_strided_slice %select_n3A_142 {offsets = [12], sizes = [1], strides = [1]} : vector<16xi32> to vector<1xi32>
      %squeeze3A_640 = vector.extract %slice3A_639[0] : i32 from vector<1xi32>
      %slice3A_641 = vector.extract_strided_slice %select_n3A_164 {offsets = [12], sizes = [1], strides = [1]} : vector<16xi32> to vector<1xi32>
      %squeeze3A_642 = vector.extract %slice3A_641[0] : i32 from vector<1xi32>
      %dma_start3A_643 = arith.constant 4 : i32
      %dma_start3A_644 = arith.constant 0 : i32
      %dma_start3A_645 = tpu.memref_slice %arg9[%add3A_621, %dma_start3A_643, %dma_start3A_644] : memref<32x8x64xf32, #tpu.memory_space<vmem>> -> memref<1x1x64xf32, #tpu.memory_space<vmem>>
      %dma_start3A_646 = tpu.memref_squeeze %dma_start3A_645 : memref<1x1x64xf32, #tpu.memory_space<vmem>> -> memref<64xf32, #tpu.memory_space<vmem>>
      %dma_start3A_647 = arith.constant 0 : i32
      %dma_start3A_648 = tpu.memref_slice %arg4[%squeeze3A_640, %squeeze3A_642, %dma_start3A_647] : memref<125000x8x64xf32, #tpu.memory_space<hbm>> -> memref<1x1x64xf32, #tpu.memory_space<hbm>>
      %dma_start3A_649 = tpu.memref_squeeze %dma_start3A_648 : memref<1x1x64xf32, #tpu.memory_space<hbm>> -> memref<64xf32, #tpu.memory_space<hbm>>
      %dma_start3A_650 = arith.constant 0 : i32
      %dma_start3A_651 = tpu.memref_slice %arg9[%add3A_621, %dma_start3A_643, %dma_start3A_650] : memref<32x8x64xf32, #tpu.memory_space<vmem>> -> memref<1x1x64xf32, #tpu.memory_space<vmem>>
      %dma_start3A_652 = tpu.memref_squeeze %dma_start3A_651 : memref<1x1x64xf32, #tpu.memory_space<vmem>> -> memref<64xf32, #tpu.memory_space<vmem>>
      %dma_start3A_653 = arith.constant 0 : i32
      %dma_start3A_654 = tpu.memref_slice %arg4[%squeeze3A_640, %squeeze3A_642, %dma_start3A_653] : memref<125000x8x64xf32, #tpu.memory_space<hbm>> -> memref<1x1x64xf32, #tpu.memory_space<hbm>>
      %dma_start3A_655 = tpu.memref_squeeze %dma_start3A_654 : memref<1x1x64xf32, #tpu.memory_space<hbm>> -> memref<64xf32, #tpu.memory_space<hbm>>
      tpu.enqueue_dma source(%dma_start3A_655 : memref<64xf32, #tpu.memory_space<hbm>>) target(%dma_start3A_652 : memref<64xf32, #tpu.memory_space<vmem>>) target_semaphore(%arg11 : memref<!tpu.dma_semaphore, #tpu.memory_space<semaphore_mem>>)
      %mul3A_656 = arith.constant 2 : i32
      %mul3A_657 = arith.muli %mul3A_656, %scan3A_57 : i32
      %add3A_658 = arith.constant 1 : i32
      %add3A_659 = arith.addi %mul3A_657, %add3A_658 : i32
      %slice3A_660 = vector.extract_strided_slice %select_n3A {offsets = [13], sizes = [1], strides = [1]} : vector<16xi32> to vector<1xi32>
      %squeeze3A_661 = vector.extract %slice3A_660[0] : i32 from vector<1xi32>
      %slice3A_662 = vector.extract_strided_slice %select_n3A_111 {offsets = [13], sizes = [1], strides = [1]} : vector<16xi32> to vector<1xi32>
      %squeeze3A_663 = vector.extract %slice3A_662[0] : i32 from vector<1xi32>
      %dma_start3A_664 = arith.constant 5 : i32
      %dma_start3A_665 = arith.constant 0 : i32
      %dma_start3A_666 = tpu.memref_slice %arg8[%add3A_659, %dma_start3A_664, %dma_start3A_665] : memref<32x8x64xf32, #tpu.memory_space<vmem>> -> memref<1x1x64xf32, #tpu.memory_space<vmem>>
      %dma_start3A_667 = tpu.memref_squeeze %dma_start3A_666 : memref<1x1x64xf32, #tpu.memory_space<vmem>> -> memref<64xf32, #tpu.memory_space<vmem>>
      %dma_start3A_668 = arith.constant 0 : i32
      %dma_start3A_669 = tpu.memref_slice %arg4[%squeeze3A_661, %squeeze3A_663, %dma_start3A_668] : memref<125000x8x64xf32, #tpu.memory_space<hbm>> -> memref<1x1x64xf32, #tpu.memory_space<hbm>>
      %dma_start3A_670 = tpu.memref_squeeze %dma_start3A_669 : memref<1x1x64xf32, #tpu.memory_space<hbm>> -> memref<64xf32, #tpu.memory_space<hbm>>
      %dma_start3A_671 = arith.constant 0 : i32
      %dma_start3A_672 = tpu.memref_slice %arg8[%add3A_659, %dma_start3A_664, %dma_start3A_671] : memref<32x8x64xf32, #tpu.memory_space<vmem>> -> memref<1x1x64xf32, #tpu.memory_space<vmem>>
      %dma_start3A_673 = tpu.memref_squeeze %dma_start3A_672 : memref<1x1x64xf32, #tpu.memory_space<vmem>> -> memref<64xf32, #tpu.memory_space<vmem>>
      %dma_start3A_674 = arith.constant 0 : i32
      %dma_start3A_675 = tpu.memref_slice %arg4[%squeeze3A_661, %squeeze3A_663, %dma_start3A_674] : memref<125000x8x64xf32, #tpu.memory_space<hbm>> -> memref<1x1x64xf32, #tpu.memory_space<hbm>>
      %dma_start3A_676 = tpu.memref_squeeze %dma_start3A_675 : memref<1x1x64xf32, #tpu.memory_space<hbm>> -> memref<64xf32, #tpu.memory_space<hbm>>
      tpu.enqueue_dma source(%dma_start3A_676 : memref<64xf32, #tpu.memory_space<hbm>>) target(%dma_start3A_673 : memref<64xf32, #tpu.memory_space<vmem>>) target_semaphore(%arg11 : memref<!tpu.dma_semaphore, #tpu.memory_space<semaphore_mem>>)
      %slice3A_677 = vector.extract_strided_slice %select_n3A_142 {offsets = [13], sizes = [1], strides = [1]} : vector<16xi32> to vector<1xi32>
      %squeeze3A_678 = vector.extract %slice3A_677[0] : i32 from vector<1xi32>
      %slice3A_679 = vector.extract_strided_slice %select_n3A_164 {offsets = [13], sizes = [1], strides = [1]} : vector<16xi32> to vector<1xi32>
      %squeeze3A_680 = vector.extract %slice3A_679[0] : i32 from vector<1xi32>
      %dma_start3A_681 = arith.constant 5 : i32
      %dma_start3A_682 = arith.constant 0 : i32
      %dma_start3A_683 = tpu.memref_slice %arg9[%add3A_659, %dma_start3A_681, %dma_start3A_682] : memref<32x8x64xf32, #tpu.memory_space<vmem>> -> memref<1x1x64xf32, #tpu.memory_space<vmem>>
      %dma_start3A_684 = tpu.memref_squeeze %dma_start3A_683 : memref<1x1x64xf32, #tpu.memory_space<vmem>> -> memref<64xf32, #tpu.memory_space<vmem>>
      %dma_start3A_685 = arith.constant 0 : i32
      %dma_start3A_686 = tpu.memref_slice %arg4[%squeeze3A_678, %squeeze3A_680, %dma_start3A_685] : memref<125000x8x64xf32, #tpu.memory_space<hbm>> -> memref<1x1x64xf32, #tpu.memory_space<hbm>>
      %dma_start3A_687 = tpu.memref_squeeze %dma_start3A_686 : memref<1x1x64xf32, #tpu.memory_space<hbm>> -> memref<64xf32, #tpu.memory_space<hbm>>
      %dma_start3A_688 = arith.constant 0 : i32
      %dma_start3A_689 = tpu.memref_slice %arg9[%add3A_659, %dma_start3A_681, %dma_start3A_688] : memref<32x8x64xf32, #tpu.memory_space<vmem>> -> memref<1x1x64xf32, #tpu.memory_space<vmem>>
      %dma_start3A_690 = tpu.memref_squeeze %dma_start3A_689 : memref<1x1x64xf32, #tpu.memory_space<vmem>> -> memref<64xf32, #tpu.memory_space<vmem>>
      %dma_start3A_691 = arith.constant 0 : i32
      %dma_start3A_692 = tpu.memref_slice %arg4[%squeeze3A_678, %squeeze3A_680, %dma_start3A_691] : memref<125000x8x64xf32, #tpu.memory_space<hbm>> -> memref<1x1x64xf32, #tpu.memory_space<hbm>>
      %dma_start3A_693 = tpu.memref_squeeze %dma_start3A_692 : memref<1x1x64xf32, #tpu.memory_space<hbm>> -> memref<64xf32, #tpu.memory_space<hbm>>
      tpu.enqueue_dma source(%dma_start3A_693 : memref<64xf32, #tpu.memory_space<hbm>>) target(%dma_start3A_690 : memref<64xf32, #tpu.memory_space<vmem>>) target_semaphore(%arg11 : memref<!tpu.dma_semaphore, #tpu.memory_space<semaphore_mem>>)
      %mul3A_694 = arith.constant 2 : i32
      %mul3A_695 = arith.muli %mul3A_694, %scan3A_57 : i32
      %add3A_696 = arith.constant 1 : i32
      %add3A_697 = arith.addi %mul3A_695, %add3A_696 : i32
      %slice3A_698 = vector.extract_strided_slice %select_n3A {offsets = [14], sizes = [1], strides = [1]} : vector<16xi32> to vector<1xi32>
      %squeeze3A_699 = vector.extract %slice3A_698[0] : i32 from vector<1xi32>
      %slice3A_700 = vector.extract_strided_slice %select_n3A_111 {offsets = [14], sizes = [1], strides = [1]} : vector<16xi32> to vector<1xi32>
      %squeeze3A_701 = vector.extract %slice3A_700[0] : i32 from vector<1xi32>
      %dma_start3A_702 = arith.constant 6 : i32
      %dma_start3A_703 = arith.constant 0 : i32
      %dma_start3A_704 = tpu.memref_slice %arg8[%add3A_697, %dma_start3A_702, %dma_start3A_703] : memref<32x8x64xf32, #tpu.memory_space<vmem>> -> memref<1x1x64xf32, #tpu.memory_space<vmem>>
      %dma_start3A_705 = tpu.memref_squeeze %dma_start3A_704 : memref<1x1x64xf32, #tpu.memory_space<vmem>> -> memref<64xf32, #tpu.memory_space<vmem>>
      %dma_start3A_706 = arith.constant 0 : i32
      %dma_start3A_707 = tpu.memref_slice %arg4[%squeeze3A_699, %squeeze3A_701, %dma_start3A_706] : memref<125000x8x64xf32, #tpu.memory_space<hbm>> -> memref<1x1x64xf32, #tpu.memory_space<hbm>>
      %dma_start3A_708 = tpu.memref_squeeze %dma_start3A_707 : memref<1x1x64xf32, #tpu.memory_space<hbm>> -> memref<64xf32, #tpu.memory_space<hbm>>
      %dma_start3A_709 = arith.constant 0 : i32
      %dma_start3A_710 = tpu.memref_slice %arg8[%add3A_697, %dma_start3A_702, %dma_start3A_709] : memref<32x8x64xf32, #tpu.memory_space<vmem>> -> memref<1x1x64xf32, #tpu.memory_space<vmem>>
      %dma_start3A_711 = tpu.memref_squeeze %dma_start3A_710 : memref<1x1x64xf32, #tpu.memory_space<vmem>> -> memref<64xf32, #tpu.memory_space<vmem>>
      %dma_start3A_712 = arith.constant 0 : i32
      %dma_start3A_713 = tpu.memref_slice %arg4[%squeeze3A_699, %squeeze3A_701, %dma_start3A_712] : memref<125000x8x64xf32, #tpu.memory_space<hbm>> -> memref<1x1x64xf32, #tpu.memory_space<hbm>>
      %dma_start3A_714 = tpu.memref_squeeze %dma_start3A_713 : memref<1x1x64xf32, #tpu.memory_space<hbm>> -> memref<64xf32, #tpu.memory_space<hbm>>
      tpu.enqueue_dma source(%dma_start3A_714 : memref<64xf32, #tpu.memory_space<hbm>>) target(%dma_start3A_711 : memref<64xf32, #tpu.memory_space<vmem>>) target_semaphore(%arg11 : memref<!tpu.dma_semaphore, #tpu.memory_space<semaphore_mem>>)
      %slice3A_715 = vector.extract_strided_slice %select_n3A_142 {offsets = [14], sizes = [1], strides = [1]} : vector<16xi32> to vector<1xi32>
      %squeeze3A_716 = vector.extract %slice3A_715[0] : i32 from vector<1xi32>
      %slice3A_717 = vector.extract_strided_slice %select_n3A_164 {offsets = [14], sizes = [1], strides = [1]} : vector<16xi32> to vector<1xi32>
      %squeeze3A_718 = vector.extract %slice3A_717[0] : i32 from vector<1xi32>
      %dma_start3A_719 = arith.constant 6 : i32
      %dma_start3A_720 = arith.constant 0 : i32
      %dma_start3A_721 = tpu.memref_slice %arg9[%add3A_697, %dma_start3A_719, %dma_start3A_720] : memref<32x8x64xf32, #tpu.memory_space<vmem>> -> memref<1x1x64xf32, #tpu.memory_space<vmem>>
      %dma_start3A_722 = tpu.memref_squeeze %dma_start3A_721 : memref<1x1x64xf32, #tpu.memory_space<vmem>> -> memref<64xf32, #tpu.memory_space<vmem>>
      %dma_start3A_723 = arith.constant 0 : i32
      %dma_start3A_724 = tpu.memref_slice %arg4[%squeeze3A_716, %squeeze3A_718, %dma_start3A_723] : memref<125000x8x64xf32, #tpu.memory_space<hbm>> -> memref<1x1x64xf32, #tpu.memory_space<hbm>>
      %dma_start3A_725 = tpu.memref_squeeze %dma_start3A_724 : memref<1x1x64xf32, #tpu.memory_space<hbm>> -> memref<64xf32, #tpu.memory_space<hbm>>
      %dma_start3A_726 = arith.constant 0 : i32
      %dma_start3A_727 = tpu.memref_slice %arg9[%add3A_697, %dma_start3A_719, %dma_start3A_726] : memref<32x8x64xf32, #tpu.memory_space<vmem>> -> memref<1x1x64xf32, #tpu.memory_space<vmem>>
      %dma_start3A_728 = tpu.memref_squeeze %dma_start3A_727 : memref<1x1x64xf32, #tpu.memory_space<vmem>> -> memref<64xf32, #tpu.memory_space<vmem>>
      %dma_start3A_729 = arith.constant 0 : i32
      %dma_start3A_730 = tpu.memref_slice %arg4[%squeeze3A_716, %squeeze3A_718, %dma_start3A_729] : memref<125000x8x64xf32, #tpu.memory_space<hbm>> -> memref<1x1x64xf32, #tpu.memory_space<hbm>>
      %dma_start3A_731 = tpu.memref_squeeze %dma_start3A_730 : memref<1x1x64xf32, #tpu.memory_space<hbm>> -> memref<64xf32, #tpu.memory_space<hbm>>
      tpu.enqueue_dma source(%dma_start3A_731 : memref<64xf32, #tpu.memory_space<hbm>>) target(%dma_start3A_728 : memref<64xf32, #tpu.memory_space<vmem>>) target_semaphore(%arg11 : memref<!tpu.dma_semaphore, #tpu.memory_space<semaphore_mem>>)
      %mul3A_732 = arith.constant 2 : i32
      %mul3A_733 = arith.muli %mul3A_732, %scan3A_57 : i32
      %add3A_734 = arith.constant 1 : i32
      %add3A_735 = arith.addi %mul3A_733, %add3A_734 : i32
      %slice3A_736 = vector.extract_strided_slice %select_n3A {offsets = [15], sizes = [1], strides = [1]} : vector<16xi32> to vector<1xi32>
      %squeeze3A_737 = vector.extract %slice3A_736[0] : i32 from vector<1xi32>
      %slice3A_738 = vector.extract_strided_slice %select_n3A_111 {offsets = [15], sizes = [1], strides = [1]} : vector<16xi32> to vector<1xi32>
      %squeeze3A_739 = vector.extract %slice3A_738[0] : i32 from vector<1xi32>
      %dma_start3A_740 = arith.constant 7 : i32
      %dma_start3A_741 = arith.constant 0 : i32
      %dma_start3A_742 = tpu.memref_slice %arg8[%add3A_735, %dma_start3A_740, %dma_start3A_741] : memref<32x8x64xf32, #tpu.memory_space<vmem>> -> memref<1x1x64xf32, #tpu.memory_space<vmem>>
      %dma_start3A_743 = tpu.memref_squeeze %dma_start3A_742 : memref<1x1x64xf32, #tpu.memory_space<vmem>> -> memref<64xf32, #tpu.memory_space<vmem>>
      %dma_start3A_744 = arith.constant 0 : i32
      %dma_start3A_745 = tpu.memref_slice %arg4[%squeeze3A_737, %squeeze3A_739, %dma_start3A_744] : memref<125000x8x64xf32, #tpu.memory_space<hbm>> -> memref<1x1x64xf32, #tpu.memory_space<hbm>>
      %dma_start3A_746 = tpu.memref_squeeze %dma_start3A_745 : memref<1x1x64xf32, #tpu.memory_space<hbm>> -> memref<64xf32, #tpu.memory_space<hbm>>
      %dma_start3A_747 = arith.constant 0 : i32
      %dma_start3A_748 = tpu.memref_slice %arg8[%add3A_735, %dma_start3A_740, %dma_start3A_747] : memref<32x8x64xf32, #tpu.memory_space<vmem>> -> memref<1x1x64xf32, #tpu.memory_space<vmem>>
      %dma_start3A_749 = tpu.memref_squeeze %dma_start3A_748 : memref<1x1x64xf32, #tpu.memory_space<vmem>> -> memref<64xf32, #tpu.memory_space<vmem>>
      %dma_start3A_750 = arith.constant 0 : i32
      %dma_start3A_751 = tpu.memref_slice %arg4[%squeeze3A_737, %squeeze3A_739, %dma_start3A_750] : memref<125000x8x64xf32, #tpu.memory_space<hbm>> -> memref<1x1x64xf32, #tpu.memory_space<hbm>>
      %dma_start3A_752 = tpu.memref_squeeze %dma_start3A_751 : memref<1x1x64xf32, #tpu.memory_space<hbm>> -> memref<64xf32, #tpu.memory_space<hbm>>
      tpu.enqueue_dma source(%dma_start3A_752 : memref<64xf32, #tpu.memory_space<hbm>>) target(%dma_start3A_749 : memref<64xf32, #tpu.memory_space<vmem>>) target_semaphore(%arg11 : memref<!tpu.dma_semaphore, #tpu.memory_space<semaphore_mem>>)
      %slice3A_753 = vector.extract_strided_slice %select_n3A_142 {offsets = [15], sizes = [1], strides = [1]} : vector<16xi32> to vector<1xi32>
      %squeeze3A_754 = vector.extract %slice3A_753[0] : i32 from vector<1xi32>
      %slice3A_755 = vector.extract_strided_slice %select_n3A_164 {offsets = [15], sizes = [1], strides = [1]} : vector<16xi32> to vector<1xi32>
      %squeeze3A_756 = vector.extract %slice3A_755[0] : i32 from vector<1xi32>
      %dma_start3A_757 = arith.constant 7 : i32
      %dma_start3A_758 = arith.constant 0 : i32
      %dma_start3A_759 = tpu.memref_slice %arg9[%add3A_735, %dma_start3A_757, %dma_start3A_758] : memref<32x8x64xf32, #tpu.memory_space<vmem>> -> memref<1x1x64xf32, #tpu.memory_space<vmem>>
      %dma_start3A_760 = tpu.memref_squeeze %dma_start3A_759 : memref<1x1x64xf32, #tpu.memory_space<vmem>> -> memref<64xf32, #tpu.memory_space<vmem>>
      %dma_start3A_761 = arith.constant 0 : i32
      %dma_start3A_762 = tpu.memref_slice %arg4[%squeeze3A_754, %squeeze3A_756, %dma_start3A_761] : memref<125000x8x64xf32, #tpu.memory_space<hbm>> -> memref<1x1x64xf32, #tpu.memory_space<hbm>>
      %dma_start3A_763 = tpu.memref_squeeze %dma_start3A_762 : memref<1x1x64xf32, #tpu.memory_space<hbm>> -> memref<64xf32, #tpu.memory_space<hbm>>
      %dma_start3A_764 = arith.constant 0 : i32
      %dma_start3A_765 = tpu.memref_slice %arg9[%add3A_735, %dma_start3A_757, %dma_start3A_764] : memref<32x8x64xf32, #tpu.memory_space<vmem>> -> memref<1x1x64xf32, #tpu.memory_space<vmem>>
      %dma_start3A_766 = tpu.memref_squeeze %dma_start3A_765 : memref<1x1x64xf32, #tpu.memory_space<vmem>> -> memref<64xf32, #tpu.memory_space<vmem>>
      %dma_start3A_767 = arith.constant 0 : i32
      %dma_start3A_768 = tpu.memref_slice %arg4[%squeeze3A_754, %squeeze3A_756, %dma_start3A_767] : memref<125000x8x64xf32, #tpu.memory_space<hbm>> -> memref<1x1x64xf32, #tpu.memory_space<hbm>>
      %dma_start3A_769 = tpu.memref_squeeze %dma_start3A_768 : memref<1x1x64xf32, #tpu.memory_space<hbm>> -> memref<64xf32, #tpu.memory_space<hbm>>
      tpu.enqueue_dma source(%dma_start3A_769 : memref<64xf32, #tpu.memory_space<hbm>>) target(%dma_start3A_766 : memref<64xf32, #tpu.memory_space<vmem>>) target_semaphore(%arg11 : memref<!tpu.dma_semaphore, #tpu.memory_space<semaphore_mem>>)
    }
    %scan3A_34 = arith.constant 16 : i32
    %dma_wait3A_35 = arith.constant 0 : i32
    %dma_wait3A_36 = arith.constant 0 : i32
    %dma_wait3A_37 = arith.constant 0 : i32
    %dma_wait3A_38 = tpu.memref_slice %arg4[%dma_wait3A_35, %dma_wait3A_36, %dma_wait3A_37] : memref<125000x8x64xf32, #tpu.memory_space<hbm>> -> memref<32x8x64xf32, #tpu.memory_space<hbm>>
    %dma_wait3A_39 = arith.constant 0 : i32
    %dma_wait3A_40 = arith.constant 0 : i32
    %dma_wait3A_41 = arith.constant 0 : i32
    %dma_wait3A_42 = tpu.memref_slice %arg4[%dma_wait3A_39, %dma_wait3A_40, %dma_wait3A_41] : memref<125000x8x64xf32, #tpu.memory_space<hbm>> -> memref<32x8x64xf32, #tpu.memory_space<hbm>>
    tpu.wait_dma2 semaphore(%arg11 : memref<!tpu.dma_semaphore, #tpu.memory_space<semaphore_mem>>) src(%dma_wait3A_42 : memref<32x8x64xf32, #tpu.memory_space<hbm>>) dst(%arg8 : memref<32x8x64xf32, #tpu.memory_space<vmem>>)
    %dma_wait3A_43 = arith.constant 0 : i32
    %dma_wait3A_44 = arith.constant 0 : i32
    %dma_wait3A_45 = arith.constant 0 : i32
    %dma_wait3A_46 = tpu.memref_slice %arg4[%dma_wait3A_43, %dma_wait3A_44, %dma_wait3A_45] : memref<125000x8x64xf32, #tpu.memory_space<hbm>> -> memref<32x8x64xf32, #tpu.memory_space<hbm>>
    %dma_wait3A_47 = arith.constant 0 : i32
    %dma_wait3A_48 = arith.constant 0 : i32
    %dma_wait3A_49 = arith.constant 0 : i32
    %dma_wait3A_50 = tpu.memref_slice %arg4[%dma_wait3A_47, %dma_wait3A_48, %dma_wait3A_49] : memref<125000x8x64xf32, #tpu.memory_space<hbm>> -> memref<32x8x64xf32, #tpu.memory_space<hbm>>
    tpu.wait_dma2 semaphore(%arg11 : memref<!tpu.dma_semaphore, #tpu.memory_space<semaphore_mem>>) src(%dma_wait3A_50 : memref<32x8x64xf32, #tpu.memory_space<hbm>>) dst(%arg9 : memref<32x8x64xf32, #tpu.memory_space<vmem>>)
    %scan3A_51 = arith.constant 0 : i32
    %scan3A_52 = arith.constant 0 : i32
    %scan3A_53 = arith.constant 16 : i32
    %scan3A_54 = arith.addi %scan3A_52, %scan3A_53 : i32
    %scan3A_55 = arith.constant 1 : i32
    scf.for %scan3A_57 = %scan3A_52 to %scan3A_54 step %scan3A_55  : i32 {
      %broadcast_in_dim3A = arith.constant 0.000000e+00 : f32
      %broadcast_in_dim3A_58 = vector.broadcast %broadcast_in_dim3A : f32 to vector<16xf32>
      %mul3A_59 = arith.constant 16 : i32
      %mul3A_60 = arith.muli %scan3A_57, %mul3A_59 : i32
      %add3A_61 = arith.constant 0 : i32
      %add3A_62 = arith.addi %mul3A_60, %add3A_61 : i32
      %jit3A = arith.constant 8 : i32
      %div3A = arith.divsi %add3A_62, %jit3A : i32
      %sign3A = arith.constant 0 : i32
      %sign3A_63 = arith.cmpi sgt, %add3A_62, %sign3A : i32
      %sign3A_64 = arith.extui %sign3A_63 : i1 to i32
      %sign3A_65 = arith.constant 0 : i32
      %sign3A_66 = arith.cmpi slt, %add3A_62, %sign3A_65 : i32
      %sign3A_67 = arith.extui %sign3A_66 : i1 to i32
      %sign3A_68 = arith.subi %sign3A_64, %sign3A_67 : i32
      %sign3A_69 = arith.constant 0 : i32
      %sign3A_70 = arith.cmpi sgt, %jit3A, %sign3A_69 : i32
      %sign3A_71 = arith.extui %sign3A_70 : i1 to i32
      %sign3A_72 = arith.constant 0 : i32
      %sign3A_73 = arith.cmpi slt, %jit3A, %sign3A_72 : i32
      %sign3A_74 = arith.extui %sign3A_73 : i1 to i32
      %sign3A_75 = arith.subi %sign3A_71, %sign3A_74 : i32
      %ne3A = arith.cmpi ne, %sign3A_68, %sign3A_75 : i32
      %rem3A = arith.remsi %add3A_62, %jit3A : i32
      %ne3A_76 = arith.constant 0 : i32
      %ne3A_77 = arith.cmpi ne, %rem3A, %ne3A_76 : i32
      %and3A = arith.andi %ne3A, %ne3A_77 : i1
      %sub3A = arith.constant 1 : i32
      %sub3A_78 = arith.subi %div3A, %sub3A : i32
      %select_n3A = arith.select %and3A, %sub3A_78, %div3A : i32
      %jit3A_79 = arith.constant 8 : i32
      %eq3A = arith.constant 0 : i32
      %eq3A_80 = arith.cmpi eq, %jit3A_79, %eq3A : i32
      %jit3A_81 = arith.constant 1 : i32
      %select_n3A_82 = arith.select %eq3A_80, %jit3A_81, %jit3A_79 : i32
      %rem3A_83 = arith.remsi %add3A_62, %select_n3A_82 : i32
      %ne3A_84 = arith.constant 0 : i32
      %ne3A_85 = arith.cmpi ne, %rem3A_83, %ne3A_84 : i32
      %lt3A = arith.constant 0 : i32
      %lt3A_86 = arith.cmpi slt, %rem3A_83, %lt3A : i32
      %lt3A_87 = arith.constant 0 : i32
      %lt3A_88 = arith.cmpi slt, %select_n3A_82, %lt3A_87 : i32
      %ne3A_89 = arith.xori %lt3A_86, %lt3A_88 : i1
      %and3A_90 = arith.andi %ne3A_89, %ne3A_85 : i1
      %add3A_91 = arith.addi %rem3A_83, %select_n3A_82 : i32
      %select_n3A_92 = arith.select %and3A_90, %add3A_91, %rem3A_83 : i32
      %broadcast_in_dim3A_93 = arith.constant 0.000000e+00 : f32
      %broadcast_in_dim3A_94 = vector.broadcast %broadcast_in_dim3A_93 : f32 to vector<16xf32>
      %get3A = arith.index_cast %select_n3A : i32 to index
      %get3A_95 = arith.index_cast %select_n3A_92 : i32 to index
      %get3A_96 = arith.constant 0 : index
      %get3A_97 = tpu.vector_load %arg8[%get3A, %get3A_95, %get3A_96] {strides = array<i32>} : memref<32x8x64xf32, #tpu.memory_space<vmem>>, vector<16xf32>,
      %get3A_98 = arith.index_cast %select_n3A : i32 to index
      %get3A_99 = arith.index_cast %select_n3A_92 : i32 to index
      %get3A_100 = arith.constant 0 : index
      %get3A_101 = tpu.vector_load %arg9[%get3A_98, %get3A_99, %get3A_100] {strides = array<i32>} : memref<32x8x64xf32, #tpu.memory_space<vmem>>, vector<16xf32>,
      %mul3A_102 = arith.mulf %get3A_97, %get3A_101 : vector<16xf32>
      %add3A_103 = arith.addf %broadcast_in_dim3A_94, %mul3A_102 : vector<16xf32>
      %get3A_104 = arith.index_cast %select_n3A : i32 to index
      %get3A_105 = arith.index_cast %select_n3A_92 : i32 to index
      %get3A_106 = arith.constant 16 : index
      %get3A_107 = tpu.vector_load %arg8[%get3A_104, %get3A_105, %get3A_106] {strides = array<i32>} : memref<32x8x64xf32, #tpu.memory_space<vmem>>, vector<16xf32>,
      %get3A_108 = arith.index_cast %select_n3A : i32 to index
      %get3A_109 = arith.index_cast %select_n3A_92 : i32 to index
      %get3A_110 = arith.constant 16 : index
      %get3A_111 = tpu.vector_load %arg9[%get3A_108, %get3A_109, %get3A_110] {strides = array<i32>} : memref<32x8x64xf32, #tpu.memory_space<vmem>>, vector<16xf32>,
      %mul3A_112 = arith.mulf %get3A_107, %get3A_111 : vector<16xf32>
      %add3A_113 = arith.addf %add3A_103, %mul3A_112 : vector<16xf32>
      %get3A_114 = arith.index_cast %select_n3A : i32 to index
      %get3A_115 = arith.index_cast %select_n3A_92 : i32 to index
      %get3A_116 = arith.constant 32 : index
      %get3A_117 = tpu.vector_load %arg8[%get3A_114, %get3A_115, %get3A_116] {strides = array<i32>} : memref<32x8x64xf32, #tpu.memory_space<vmem>>, vector<16xf32>,
      %get3A_118 = arith.index_cast %select_n3A : i32 to index
      %get3A_119 = arith.index_cast %select_n3A_92 : i32 to index
      %get3A_120 = arith.constant 32 : index
      %get3A_121 = tpu.vector_load %arg9[%get3A_118, %get3A_119, %get3A_120] {strides = array<i32>} : memref<32x8x64xf32, #tpu.memory_space<vmem>>, vector<16xf32>,
      %mul3A_122 = arith.mulf %get3A_117, %get3A_121 : vector<16xf32>
      %add3A_123 = arith.addf %add3A_113, %mul3A_122 : vector<16xf32>
      %get3A_124 = arith.index_cast %select_n3A : i32 to index
      %get3A_125 = arith.index_cast %select_n3A_92 : i32 to index
      %get3A_126 = arith.constant 48 : index
      %get3A_127 = tpu.vector_load %arg8[%get3A_124, %get3A_125, %get3A_126] {strides = array<i32>} : memref<32x8x64xf32, #tpu.memory_space<vmem>>, vector<16xf32>,
      %get3A_128 = arith.index_cast %select_n3A : i32 to index
      %get3A_129 = arith.index_cast %select_n3A_92 : i32 to index
      %get3A_130 = arith.constant 48 : index
      %get3A_131 = tpu.vector_load %arg9[%get3A_128, %get3A_129, %get3A_130] {strides = array<i32>} : memref<32x8x64xf32, #tpu.memory_space<vmem>>, vector<16xf32>,
      %mul3A_132 = arith.mulf %get3A_127, %get3A_131 : vector<16xf32>
      %add3A_133 = arith.addf %add3A_123, %mul3A_132 : vector<16xf32>
      %eq3A_134 = arith.constant 0 : i32
      %eq3A_135 = vector.broadcast %eq3A_134 : i32 to vector<16xi32>
      %eq3A_136 = arith.cmpi eq, %iota3A, %eq3A_135 : vector<16xi32>
      %reduce_sum3A = arith.constant true
      %reduce_sum3A_137 = vector.broadcast %reduce_sum3A : i1 to vector<16xi1>
      %reduce_sum3A_138 = tpu.scan <sum>, %add3A_133 masked %reduce_sum3A_137 : vector<16xf32>, vector<16xi1> -> vector<16xf32>
      %reduce_sum3A_139 = vector.extract %reduce_sum3A_138[15] : f32 from vector<16xf32>
      %broadcast_in_dim3A_140 = vector.broadcast %reduce_sum3A_139 : f32 to vector<16xf32>
      %select_n3A_141 = arith.select %eq3A_136, %broadcast_in_dim3A_140, %broadcast_in_dim3A_58 : vector<16xi1>, vector<16xf32>
      %mul3A_142 = arith.constant 16 : i32
      %mul3A_143 = arith.muli %scan3A_57, %mul3A_142 : i32
      %add3A_144 = arith.constant 1 : i32
      %add3A_145 = arith.addi %mul3A_143, %add3A_144 : i32
      %jit3A_146 = arith.constant 8 : i32
      %div3A_147 = arith.divsi %add3A_145, %jit3A_146 : i32
      %sign3A_148 = arith.constant 0 : i32
      %sign3A_149 = arith.cmpi sgt, %add3A_145, %sign3A_148 : i32
      %sign3A_150 = arith.extui %sign3A_149 : i1 to i32
      %sign3A_151 = arith.constant 0 : i32
      %sign3A_152 = arith.cmpi slt, %add3A_145, %sign3A_151 : i32
      %sign3A_153 = arith.extui %sign3A_152 : i1 to i32
      %sign3A_154 = arith.subi %sign3A_150, %sign3A_153 : i32
      %sign3A_155 = arith.constant 0 : i32
      %sign3A_156 = arith.cmpi sgt, %jit3A_146, %sign3A_155 : i32
      %sign3A_157 = arith.extui %sign3A_156 : i1 to i32
      %sign3A_158 = arith.constant 0 : i32
      %sign3A_159 = arith.cmpi slt, %jit3A_146, %sign3A_158 : i32
      %sign3A_160 = arith.extui %sign3A_159 : i1 to i32
      %sign3A_161 = arith.subi %sign3A_157, %sign3A_160 : i32
      %ne3A_162 = arith.cmpi ne, %sign3A_154, %sign3A_161 : i32
      %rem3A_163 = arith.remsi %add3A_145, %jit3A_146 : i32
      %ne3A_164 = arith.constant 0 : i32
      %ne3A_165 = arith.cmpi ne, %rem3A_163, %ne3A_164 : i32
      %and3A_166 = arith.andi %ne3A_162, %ne3A_165 : i1
      %sub3A_167 = arith.constant 1 : i32
      %sub3A_168 = arith.subi %div3A_147, %sub3A_167 : i32
      %select_n3A_169 = arith.select %and3A_166, %sub3A_168, %div3A_147 : i32
      %jit3A_170 = arith.constant 8 : i32
      %eq3A_171 = arith.constant 0 : i32
      %eq3A_172 = arith.cmpi eq, %jit3A_170, %eq3A_171 : i32
      %jit3A_173 = arith.constant 1 : i32
      %select_n3A_174 = arith.select %eq3A_172, %jit3A_173, %jit3A_170 : i32
      %rem3A_175 = arith.remsi %add3A_145, %select_n3A_174 : i32
      %ne3A_176 = arith.constant 0 : i32
      %ne3A_177 = arith.cmpi ne, %rem3A_175, %ne3A_176 : i32
      %lt3A_178 = arith.constant 0 : i32
      %lt3A_179 = arith.cmpi slt, %rem3A_175, %lt3A_178 : i32
      %lt3A_180 = arith.constant 0 : i32
      %lt3A_181 = arith.cmpi slt, %select_n3A_174, %lt3A_180 : i32
      %ne3A_182 = arith.xori %lt3A_179, %lt3A_181 : i1
      %and3A_183 = arith.andi %ne3A_182, %ne3A_177 : i1
      %add3A_184 = arith.addi %rem3A_175, %select_n3A_174 : i32
      %select_n3A_185 = arith.select %and3A_183, %add3A_184, %rem3A_175 : i32
      %broadcast_in_dim3A_186 = arith.constant 0.000000e+00 : f32
      %broadcast_in_dim3A_187 = vector.broadcast %broadcast_in_dim3A_186 : f32 to vector<16xf32>
      %get3A_188 = arith.index_cast %select_n3A_169 : i32 to index
      %get3A_189 = arith.index_cast %select_n3A_185 : i32 to index
      %get3A_190 = arith.constant 0 : index
      %get3A_191 = tpu.vector_load %arg8[%get3A_188, %get3A_189, %get3A_190] {strides = array<i32>} : memref<32x8x64xf32, #tpu.memory_space<vmem>>, vector<16xf32>,
      %get3A_192 = arith.index_cast %select_n3A_169 : i32 to index
      %get3A_193 = arith.index_cast %select_n3A_185 : i32 to index
      %get3A_194 = arith.constant 0 : index
      %get3A_195 = tpu.vector_load %arg9[%get3A_192, %get3A_193, %get3A_194] {strides = array<i32>} : memref<32x8x64xf32, #tpu.memory_space<vmem>>, vector<16xf32>,
      %mul3A_196 = arith.mulf %get3A_191, %get3A_195 : vector<16xf32>
      %add3A_197 = arith.addf %broadcast_in_dim3A_187, %mul3A_196 : vector<16xf32>
      %get3A_198 = arith.index_cast %select_n3A_169 : i32 to index
      %get3A_199 = arith.index_cast %select_n3A_185 : i32 to index
      %get3A_200 = arith.constant 16 : index
      %get3A_201 = tpu.vector_load %arg8[%get3A_198, %get3A_199, %get3A_200] {strides = array<i32>} : memref<32x8x64xf32, #tpu.memory_space<vmem>>, vector<16xf32>,
      %get3A_202 = arith.index_cast %select_n3A_169 : i32 to index
      %get3A_203 = arith.index_cast %select_n3A_185 : i32 to index
      %get3A_204 = arith.constant 16 : index
      %get3A_205 = tpu.vector_load %arg9[%get3A_202, %get3A_203, %get3A_204] {strides = array<i32>} : memref<32x8x64xf32, #tpu.memory_space<vmem>>, vector<16xf32>,
      %mul3A_206 = arith.mulf %get3A_201, %get3A_205 : vector<16xf32>
      %add3A_207 = arith.addf %add3A_197, %mul3A_206 : vector<16xf32>
      %get3A_208 = arith.index_cast %select_n3A_169 : i32 to index
      %get3A_209 = arith.index_cast %select_n3A_185 : i32 to index
      %get3A_210 = arith.constant 32 : index
      %get3A_211 = tpu.vector_load %arg8[%get3A_208, %get3A_209, %get3A_210] {strides = array<i32>} : memref<32x8x64xf32, #tpu.memory_space<vmem>>, vector<16xf32>,
      %get3A_212 = arith.index_cast %select_n3A_169 : i32 to index
      %get3A_213 = arith.index_cast %select_n3A_185 : i32 to index
      %get3A_214 = arith.constant 32 : index
      %get3A_215 = tpu.vector_load %arg9[%get3A_212, %get3A_213, %get3A_214] {strides = array<i32>} : memref<32x8x64xf32, #tpu.memory_space<vmem>>, vector<16xf32>,
      %mul3A_216 = arith.mulf %get3A_211, %get3A_215 : vector<16xf32>
      %add3A_217 = arith.addf %add3A_207, %mul3A_216 : vector<16xf32>
      %get3A_218 = arith.index_cast %select_n3A_169 : i32 to index
      %get3A_219 = arith.index_cast %select_n3A_185 : i32 to index
      %get3A_220 = arith.constant 48 : index
      %get3A_221 = tpu.vector_load %arg8[%get3A_218, %get3A_219, %get3A_220] {strides = array<i32>} : memref<32x8x64xf32, #tpu.memory_space<vmem>>, vector<16xf32>,
      %get3A_222 = arith.index_cast %select_n3A_169 : i32 to index
      %get3A_223 = arith.index_cast %select_n3A_185 : i32 to index
      %get3A_224 = arith.constant 48 : index
      %get3A_225 = tpu.vector_load %arg9[%get3A_222, %get3A_223, %get3A_224] {strides = array<i32>} : memref<32x8x64xf32, #tpu.memory_space<vmem>>, vector<16xf32>,
      %mul3A_226 = arith.mulf %get3A_221, %get3A_225 : vector<16xf32>
      %add3A_227 = arith.addf %add3A_217, %mul3A_226 : vector<16xf32>
      %eq3A_228 = arith.constant 1 : i32
      %eq3A_229 = vector.broadcast %eq3A_228 : i32 to vector<16xi32>
      %eq3A_230 = arith.cmpi eq, %iota3A, %eq3A_229 : vector<16xi32>
      %reduce_sum3A_231 = arith.constant true
      %reduce_sum3A_232 = vector.broadcast %reduce_sum3A_231 : i1 to vector<16xi1>
      %reduce_sum3A_233 = tpu.scan <sum>, %add3A_227 masked %reduce_sum3A_232 : vector<16xf32>, vector<16xi1> -> vector<16xf32>
      %reduce_sum3A_234 = vector.extract %reduce_sum3A_233[15] : f32 from vector<16xf32>
      %broadcast_in_dim3A_235 = vector.broadcast %reduce_sum3A_234 : f32 to vector<16xf32>
      %select_n3A_236 = arith.select %eq3A_230, %broadcast_in_dim3A_235, %select_n3A_141 : vector<16xi1>, vector<16xf32>
      %mul3A_237 = arith.constant 16 : i32
      %mul3A_238 = arith.muli %scan3A_57, %mul3A_237 : i32
      %add3A_239 = arith.constant 2 : i32
      %add3A_240 = arith.addi %mul3A_238, %add3A_239 : i32
      %jit3A_241 = arith.constant 8 : i32
      %div3A_242 = arith.divsi %add3A_240, %jit3A_241 : i32
      %sign3A_243 = arith.constant 0 : i32
      %sign3A_244 = arith.cmpi sgt, %add3A_240, %sign3A_243 : i32
      %sign3A_245 = arith.extui %sign3A_244 : i1 to i32
      %sign3A_246 = arith.constant 0 : i32
      %sign3A_247 = arith.cmpi slt, %add3A_240, %sign3A_246 : i32
      %sign3A_248 = arith.extui %sign3A_247 : i1 to i32
      %sign3A_249 = arith.subi %sign3A_245, %sign3A_248 : i32
      %sign3A_250 = arith.constant 0 : i32
      %sign3A_251 = arith.cmpi sgt, %jit3A_241, %sign3A_250 : i32
      %sign3A_252 = arith.extui %sign3A_251 : i1 to i32
      %sign3A_253 = arith.constant 0 : i32
      %sign3A_254 = arith.cmpi slt, %jit3A_241, %sign3A_253 : i32
      %sign3A_255 = arith.extui %sign3A_254 : i1 to i32
      %sign3A_256 = arith.subi %sign3A_252, %sign3A_255 : i32
      %ne3A_257 = arith.cmpi ne, %sign3A_249, %sign3A_256 : i32
      %rem3A_258 = arith.remsi %add3A_240, %jit3A_241 : i32
      %ne3A_259 = arith.constant 0 : i32
      %ne3A_260 = arith.cmpi ne, %rem3A_258, %ne3A_259 : i32
      %and3A_261 = arith.andi %ne3A_257, %ne3A_260 : i1
      %sub3A_262 = arith.constant 1 : i32
      %sub3A_263 = arith.subi %div3A_242, %sub3A_262 : i32
      %select_n3A_264 = arith.select %and3A_261, %sub3A_263, %div3A_242 : i32
      %jit3A_265 = arith.constant 8 : i32
      %eq3A_266 = arith.constant 0 : i32
      %eq3A_267 = arith.cmpi eq, %jit3A_265, %eq3A_266 : i32
      %jit3A_268 = arith.constant 1 : i32
      %select_n3A_269 = arith.select %eq3A_267, %jit3A_268, %jit3A_265 : i32
      %rem3A_270 = arith.remsi %add3A_240, %select_n3A_269 : i32
      %ne3A_271 = arith.constant 0 : i32
      %ne3A_272 = arith.cmpi ne, %rem3A_270, %ne3A_271 : i32
      %lt3A_273 = arith.constant 0 : i32
      %lt3A_274 = arith.cmpi slt, %rem3A_270, %lt3A_273 : i32
      %lt3A_275 = arith.constant 0 : i32
      %lt3A_276 = arith.cmpi slt, %select_n3A_269, %lt3A_275 : i32
      %ne3A_277 = arith.xori %lt3A_274, %lt3A_276 : i1
      %and3A_278 = arith.andi %ne3A_277, %ne3A_272 : i1
      %add3A_279 = arith.addi %rem3A_270, %select_n3A_269 : i32
      %select_n3A_280 = arith.select %and3A_278, %add3A_279, %rem3A_270 : i32
      %broadcast_in_dim3A_281 = arith.constant 0.000000e+00 : f32
      %broadcast_in_dim3A_282 = vector.broadcast %broadcast_in_dim3A_281 : f32 to vector<16xf32>
      %get3A_283 = arith.index_cast %select_n3A_264 : i32 to index
      %get3A_284 = arith.index_cast %select_n3A_280 : i32 to index
      %get3A_285 = arith.constant 0 : index
      %get3A_286 = tpu.vector_load %arg8[%get3A_283, %get3A_284, %get3A_285] {strides = array<i32>} : memref<32x8x64xf32, #tpu.memory_space<vmem>>, vector<16xf32>,
      %get3A_287 = arith.index_cast %select_n3A_264 : i32 to index
      %get3A_288 = arith.index_cast %select_n3A_280 : i32 to index
      %get3A_289 = arith.constant 0 : index
      %get3A_290 = tpu.vector_load %arg9[%get3A_287, %get3A_288, %get3A_289] {strides = array<i32>} : memref<32x8x64xf32, #tpu.memory_space<vmem>>, vector<16xf32>,
      %mul3A_291 = arith.mulf %get3A_286, %get3A_290 : vector<16xf32>
      %add3A_292 = arith.addf %broadcast_in_dim3A_282, %mul3A_291 : vector<16xf32>
      %get3A_293 = arith.index_cast %select_n3A_264 : i32 to index
      %get3A_294 = arith.index_cast %select_n3A_280 : i32 to index
      %get3A_295 = arith.constant 16 : index
      %get3A_296 = tpu.vector_load %arg8[%get3A_293, %get3A_294, %get3A_295] {strides = array<i32>} : memref<32x8x64xf32, #tpu.memory_space<vmem>>, vector<16xf32>,
      %get3A_297 = arith.index_cast %select_n3A_264 : i32 to index
      %get3A_298 = arith.index_cast %select_n3A_280 : i32 to index
      %get3A_299 = arith.constant 16 : index
      %get3A_300 = tpu.vector_load %arg9[%get3A_297, %get3A_298, %get3A_299] {strides = array<i32>} : memref<32x8x64xf32, #tpu.memory_space<vmem>>, vector<16xf32>,
      %mul3A_301 = arith.mulf %get3A_296, %get3A_300 : vector<16xf32>
      %add3A_302 = arith.addf %add3A_292, %mul3A_301 : vector<16xf32>
      %get3A_303 = arith.index_cast %select_n3A_264 : i32 to index
      %get3A_304 = arith.index_cast %select_n3A_280 : i32 to index
      %get3A_305 = arith.constant 32 : index
      %get3A_306 = tpu.vector_load %arg8[%get3A_303, %get3A_304, %get3A_305] {strides = array<i32>} : memref<32x8x64xf32, #tpu.memory_space<vmem>>, vector<16xf32>,
      %get3A_307 = arith.index_cast %select_n3A_264 : i32 to index
      %get3A_308 = arith.index_cast %select_n3A_280 : i32 to index
      %get3A_309 = arith.constant 32 : index
      %get3A_310 = tpu.vector_load %arg9[%get3A_307, %get3A_308, %get3A_309] {strides = array<i32>} : memref<32x8x64xf32, #tpu.memory_space<vmem>>, vector<16xf32>,
      %mul3A_311 = arith.mulf %get3A_306, %get3A_310 : vector<16xf32>
      %add3A_312 = arith.addf %add3A_302, %mul3A_311 : vector<16xf32>
      %get3A_313 = arith.index_cast %select_n3A_264 : i32 to index
      %get3A_314 = arith.index_cast %select_n3A_280 : i32 to index
      %get3A_315 = arith.constant 48 : index
      %get3A_316 = tpu.vector_load %arg8[%get3A_313, %get3A_314, %get3A_315] {strides = array<i32>} : memref<32x8x64xf32, #tpu.memory_space<vmem>>, vector<16xf32>,
      %get3A_317 = arith.index_cast %select_n3A_264 : i32 to index
      %get3A_318 = arith.index_cast %select_n3A_280 : i32 to index
      %get3A_319 = arith.constant 48 : index
      %get3A_320 = tpu.vector_load %arg9[%get3A_317, %get3A_318, %get3A_319] {strides = array<i32>} : memref<32x8x64xf32, #tpu.memory_space<vmem>>, vector<16xf32>,
      %mul3A_321 = arith.mulf %get3A_316, %get3A_320 : vector<16xf32>
      %add3A_322 = arith.addf %add3A_312, %mul3A_321 : vector<16xf32>
      %eq3A_323 = arith.constant 2 : i32
      %eq3A_324 = vector.broadcast %eq3A_323 : i32 to vector<16xi32>
      %eq3A_325 = arith.cmpi eq, %iota3A, %eq3A_324 : vector<16xi32>
      %reduce_sum3A_326 = arith.constant true
      %reduce_sum3A_327 = vector.broadcast %reduce_sum3A_326 : i1 to vector<16xi1>
      %reduce_sum3A_328 = tpu.scan <sum>, %add3A_322 masked %reduce_sum3A_327 : vector<16xf32>, vector<16xi1> -> vector<16xf32>
      %reduce_sum3A_329 = vector.extract %reduce_sum3A_328[15] : f32 from vector<16xf32>
      %broadcast_in_dim3A_330 = vector.broadcast %reduce_sum3A_329 : f32 to vector<16xf32>
      %select_n3A_331 = arith.select %eq3A_325, %broadcast_in_dim3A_330, %select_n3A_236 : vector<16xi1>, vector<16xf32>
      %mul3A_332 = arith.constant 16 : i32
      %mul3A_333 = arith.muli %scan3A_57, %mul3A_332 : i32
      %add3A_334 = arith.constant 3 : i32
      %add3A_335 = arith.addi %mul3A_333, %add3A_334 : i32
      %jit3A_336 = arith.constant 8 : i32
      %div3A_337 = arith.divsi %add3A_335, %jit3A_336 : i32
      %sign3A_338 = arith.constant 0 : i32
      %sign3A_339 = arith.cmpi sgt, %add3A_335, %sign3A_338 : i32
      %sign3A_340 = arith.extui %sign3A_339 : i1 to i32
      %sign3A_341 = arith.constant 0 : i32
      %sign3A_342 = arith.cmpi slt, %add3A_335, %sign3A_341 : i32
      %sign3A_343 = arith.extui %sign3A_342 : i1 to i32
      %sign3A_344 = arith.subi %sign3A_340, %sign3A_343 : i32
      %sign3A_345 = arith.constant 0 : i32
      %sign3A_346 = arith.cmpi sgt, %jit3A_336, %sign3A_345 : i32
      %sign3A_347 = arith.extui %sign3A_346 : i1 to i32
      %sign3A_348 = arith.constant 0 : i32
      %sign3A_349 = arith.cmpi slt, %jit3A_336, %sign3A_348 : i32
      %sign3A_350 = arith.extui %sign3A_349 : i1 to i32
      %sign3A_351 = arith.subi %sign3A_347, %sign3A_350 : i32
      %ne3A_352 = arith.cmpi ne, %sign3A_344, %sign3A_351 : i32
      %rem3A_353 = arith.remsi %add3A_335, %jit3A_336 : i32
      %ne3A_354 = arith.constant 0 : i32
      %ne3A_355 = arith.cmpi ne, %rem3A_353, %ne3A_354 : i32
      %and3A_356 = arith.andi %ne3A_352, %ne3A_355 : i1
      %sub3A_357 = arith.constant 1 : i32
      %sub3A_358 = arith.subi %div3A_337, %sub3A_357 : i32
      %select_n3A_359 = arith.select %and3A_356, %sub3A_358, %div3A_337 : i32
      %jit3A_360 = arith.constant 8 : i32
      %eq3A_361 = arith.constant 0 : i32
      %eq3A_362 = arith.cmpi eq, %jit3A_360, %eq3A_361 : i32
      %jit3A_363 = arith.constant 1 : i32
      %select_n3A_364 = arith.select %eq3A_362, %jit3A_363, %jit3A_360 : i32
      %rem3A_365 = arith.remsi %add3A_335, %select_n3A_364 : i32
      %ne3A_366 = arith.constant 0 : i32
      %ne3A_367 = arith.cmpi ne, %rem3A_365, %ne3A_366 : i32
      %lt3A_368 = arith.constant 0 : i32
      %lt3A_369 = arith.cmpi slt, %rem3A_365, %lt3A_368 : i32
      %lt3A_370 = arith.constant 0 : i32
      %lt3A_371 = arith.cmpi slt, %select_n3A_364, %lt3A_370 : i32
      %ne3A_372 = arith.xori %lt3A_369, %lt3A_371 : i1
      %and3A_373 = arith.andi %ne3A_372, %ne3A_367 : i1
      %add3A_374 = arith.addi %rem3A_365, %select_n3A_364 : i32
      %select_n3A_375 = arith.select %and3A_373, %add3A_374, %rem3A_365 : i32
      %broadcast_in_dim3A_376 = arith.constant 0.000000e+00 : f32
      %broadcast_in_dim3A_377 = vector.broadcast %broadcast_in_dim3A_376 : f32 to vector<16xf32>
      %get3A_378 = arith.index_cast %select_n3A_359 : i32 to index
      %get3A_379 = arith.index_cast %select_n3A_375 : i32 to index
      %get3A_380 = arith.constant 0 : index
      %get3A_381 = tpu.vector_load %arg8[%get3A_378, %get3A_379, %get3A_380] {strides = array<i32>} : memref<32x8x64xf32, #tpu.memory_space<vmem>>, vector<16xf32>,
      %get3A_382 = arith.index_cast %select_n3A_359 : i32 to index
      %get3A_383 = arith.index_cast %select_n3A_375 : i32 to index
      %get3A_384 = arith.constant 0 : index
      %get3A_385 = tpu.vector_load %arg9[%get3A_382, %get3A_383, %get3A_384] {strides = array<i32>} : memref<32x8x64xf32, #tpu.memory_space<vmem>>, vector<16xf32>,
      %mul3A_386 = arith.mulf %get3A_381, %get3A_385 : vector<16xf32>
      %add3A_387 = arith.addf %broadcast_in_dim3A_377, %mul3A_386 : vector<16xf32>
      %get3A_388 = arith.index_cast %select_n3A_359 : i32 to index
      %get3A_389 = arith.index_cast %select_n3A_375 : i32 to index
      %get3A_390 = arith.constant 16 : index
      %get3A_391 = tpu.vector_load %arg8[%get3A_388, %get3A_389, %get3A_390] {strides = array<i32>} : memref<32x8x64xf32, #tpu.memory_space<vmem>>, vector<16xf32>,
      %get3A_392 = arith.index_cast %select_n3A_359 : i32 to index
      %get3A_393 = arith.index_cast %select_n3A_375 : i32 to index
      %get3A_394 = arith.constant 16 : index
      %get3A_395 = tpu.vector_load %arg9[%get3A_392, %get3A_393, %get3A_394] {strides = array<i32>} : memref<32x8x64xf32, #tpu.memory_space<vmem>>, vector<16xf32>,
      %mul3A_396 = arith.mulf %get3A_391, %get3A_395 : vector<16xf32>
      %add3A_397 = arith.addf %add3A_387, %mul3A_396 : vector<16xf32>
      %get3A_398 = arith.index_cast %select_n3A_359 : i32 to index
      %get3A_399 = arith.index_cast %select_n3A_375 : i32 to index
      %get3A_400 = arith.constant 32 : index
      %get3A_401 = tpu.vector_load %arg8[%get3A_398, %get3A_399, %get3A_400] {strides = array<i32>} : memref<32x8x64xf32, #tpu.memory_space<vmem>>, vector<16xf32>,
      %get3A_402 = arith.index_cast %select_n3A_359 : i32 to index
      %get3A_403 = arith.index_cast %select_n3A_375 : i32 to index
      %get3A_404 = arith.constant 32 : index
      %get3A_405 = tpu.vector_load %arg9[%get3A_402, %get3A_403, %get3A_404] {strides = array<i32>} : memref<32x8x64xf32, #tpu.memory_space<vmem>>, vector<16xf32>,
      %mul3A_406 = arith.mulf %get3A_401, %get3A_405 : vector<16xf32>
      %add3A_407 = arith.addf %add3A_397, %mul3A_406 : vector<16xf32>
      %get3A_408 = arith.index_cast %select_n3A_359 : i32 to index
      %get3A_409 = arith.index_cast %select_n3A_375 : i32 to index
      %get3A_410 = arith.constant 48 : index
      %get3A_411 = tpu.vector_load %arg8[%get3A_408, %get3A_409, %get3A_410] {strides = array<i32>} : memref<32x8x64xf32, #tpu.memory_space<vmem>>, vector<16xf32>,
      %get3A_412 = arith.index_cast %select_n3A_359 : i32 to index
      %get3A_413 = arith.index_cast %select_n3A_375 : i32 to index
      %get3A_414 = arith.constant 48 : index
      %get3A_415 = tpu.vector_load %arg9[%get3A_412, %get3A_413, %get3A_414] {strides = array<i32>} : memref<32x8x64xf32, #tpu.memory_space<vmem>>, vector<16xf32>,
      %mul3A_416 = arith.mulf %get3A_411, %get3A_415 : vector<16xf32>
      %add3A_417 = arith.addf %add3A_407, %mul3A_416 : vector<16xf32>
      %eq3A_418 = arith.constant 3 : i32
      %eq3A_419 = vector.broadcast %eq3A_418 : i32 to vector<16xi32>
      %eq3A_420 = arith.cmpi eq, %iota3A, %eq3A_419 : vector<16xi32>
      %reduce_sum3A_421 = arith.constant true
      %reduce_sum3A_422 = vector.broadcast %reduce_sum3A_421 : i1 to vector<16xi1>
      %reduce_sum3A_423 = tpu.scan <sum>, %add3A_417 masked %reduce_sum3A_422 : vector<16xf32>, vector<16xi1> -> vector<16xf32>
      %reduce_sum3A_424 = vector.extract %reduce_sum3A_423[15] : f32 from vector<16xf32>
      %broadcast_in_dim3A_425 = vector.broadcast %reduce_sum3A_424 : f32 to vector<16xf32>
      %select_n3A_426 = arith.select %eq3A_420, %broadcast_in_dim3A_425, %select_n3A_331 : vector<16xi1>, vector<16xf32>
      %mul3A_427 = arith.constant 16 : i32
      %mul3A_428 = arith.muli %scan3A_57, %mul3A_427 : i32
      %add3A_429 = arith.constant 4 : i32
      %add3A_430 = arith.addi %mul3A_428, %add3A_429 : i32
      %jit3A_431 = arith.constant 8 : i32
      %div3A_432 = arith.divsi %add3A_430, %jit3A_431 : i32
      %sign3A_433 = arith.constant 0 : i32
      %sign3A_434 = arith.cmpi sgt, %add3A_430, %sign3A_433 : i32
      %sign3A_435 = arith.extui %sign3A_434 : i1 to i32
      %sign3A_436 = arith.constant 0 : i32
      %sign3A_437 = arith.cmpi slt, %add3A_430, %sign3A_436 : i32
      %sign3A_438 = arith.extui %sign3A_437 : i1 to i32
      %sign3A_439 = arith.subi %sign3A_435, %sign3A_438 : i32
      %sign3A_440 = arith.constant 0 : i32
      %sign3A_441 = arith.cmpi sgt, %jit3A_431, %sign3A_440 : i32
      %sign3A_442 = arith.extui %sign3A_441 : i1 to i32
      %sign3A_443 = arith.constant 0 : i32
      %sign3A_444 = arith.cmpi slt, %jit3A_431, %sign3A_443 : i32
      %sign3A_445 = arith.extui %sign3A_444 : i1 to i32
      %sign3A_446 = arith.subi %sign3A_442, %sign3A_445 : i32
      %ne3A_447 = arith.cmpi ne, %sign3A_439, %sign3A_446 : i32
      %rem3A_448 = arith.remsi %add3A_430, %jit3A_431 : i32
      %ne3A_449 = arith.constant 0 : i32
      %ne3A_450 = arith.cmpi ne, %rem3A_448, %ne3A_449 : i32
      %and3A_451 = arith.andi %ne3A_447, %ne3A_450 : i1
      %sub3A_452 = arith.constant 1 : i32
      %sub3A_453 = arith.subi %div3A_432, %sub3A_452 : i32
      %select_n3A_454 = arith.select %and3A_451, %sub3A_453, %div3A_432 : i32
      %jit3A_455 = arith.constant 8 : i32
      %eq3A_456 = arith.constant 0 : i32
      %eq3A_457 = arith.cmpi eq, %jit3A_455, %eq3A_456 : i32
      %jit3A_458 = arith.constant 1 : i32
      %select_n3A_459 = arith.select %eq3A_457, %jit3A_458, %jit3A_455 : i32
      %rem3A_460 = arith.remsi %add3A_430, %select_n3A_459 : i32
      %ne3A_461 = arith.constant 0 : i32
      %ne3A_462 = arith.cmpi ne, %rem3A_460, %ne3A_461 : i32
      %lt3A_463 = arith.constant 0 : i32
      %lt3A_464 = arith.cmpi slt, %rem3A_460, %lt3A_463 : i32
      %lt3A_465 = arith.constant 0 : i32
      %lt3A_466 = arith.cmpi slt, %select_n3A_459, %lt3A_465 : i32
      %ne3A_467 = arith.xori %lt3A_464, %lt3A_466 : i1
      %and3A_468 = arith.andi %ne3A_467, %ne3A_462 : i1
      %add3A_469 = arith.addi %rem3A_460, %select_n3A_459 : i32
      %select_n3A_470 = arith.select %and3A_468, %add3A_469, %rem3A_460 : i32
      %broadcast_in_dim3A_471 = arith.constant 0.000000e+00 : f32
      %broadcast_in_dim3A_472 = vector.broadcast %broadcast_in_dim3A_471 : f32 to vector<16xf32>
      %get3A_473 = arith.index_cast %select_n3A_454 : i32 to index
      %get3A_474 = arith.index_cast %select_n3A_470 : i32 to index
      %get3A_475 = arith.constant 0 : index
      %get3A_476 = tpu.vector_load %arg8[%get3A_473, %get3A_474, %get3A_475] {strides = array<i32>} : memref<32x8x64xf32, #tpu.memory_space<vmem>>, vector<16xf32>,
      %get3A_477 = arith.index_cast %select_n3A_454 : i32 to index
      %get3A_478 = arith.index_cast %select_n3A_470 : i32 to index
      %get3A_479 = arith.constant 0 : index
      %get3A_480 = tpu.vector_load %arg9[%get3A_477, %get3A_478, %get3A_479] {strides = array<i32>} : memref<32x8x64xf32, #tpu.memory_space<vmem>>, vector<16xf32>,
      %mul3A_481 = arith.mulf %get3A_476, %get3A_480 : vector<16xf32>
      %add3A_482 = arith.addf %broadcast_in_dim3A_472, %mul3A_481 : vector<16xf32>
      %get3A_483 = arith.index_cast %select_n3A_454 : i32 to index
      %get3A_484 = arith.index_cast %select_n3A_470 : i32 to index
      %get3A_485 = arith.constant 16 : index
      %get3A_486 = tpu.vector_load %arg8[%get3A_483, %get3A_484, %get3A_485] {strides = array<i32>} : memref<32x8x64xf32, #tpu.memory_space<vmem>>, vector<16xf32>,
      %get3A_487 = arith.index_cast %select_n3A_454 : i32 to index
      %get3A_488 = arith.index_cast %select_n3A_470 : i32 to index
      %get3A_489 = arith.constant 16 : index
      %get3A_490 = tpu.vector_load %arg9[%get3A_487, %get3A_488, %get3A_489] {strides = array<i32>} : memref<32x8x64xf32, #tpu.memory_space<vmem>>, vector<16xf32>,
      %mul3A_491 = arith.mulf %get3A_486, %get3A_490 : vector<16xf32>
      %add3A_492 = arith.addf %add3A_482, %mul3A_491 : vector<16xf32>
      %get3A_493 = arith.index_cast %select_n3A_454 : i32 to index
      %get3A_494 = arith.index_cast %select_n3A_470 : i32 to index
      %get3A_495 = arith.constant 32 : index
      %get3A_496 = tpu.vector_load %arg8[%get3A_493, %get3A_494, %get3A_495] {strides = array<i32>} : memref<32x8x64xf32, #tpu.memory_space<vmem>>, vector<16xf32>,
      %get3A_497 = arith.index_cast %select_n3A_454 : i32 to index
      %get3A_498 = arith.index_cast %select_n3A_470 : i32 to index
      %get3A_499 = arith.constant 32 : index
      %get3A_500 = tpu.vector_load %arg9[%get3A_497, %get3A_498, %get3A_499] {strides = array<i32>} : memref<32x8x64xf32, #tpu.memory_space<vmem>>, vector<16xf32>,
      %mul3A_501 = arith.mulf %get3A_496, %get3A_500 : vector<16xf32>
      %add3A_502 = arith.addf %add3A_492, %mul3A_501 : vector<16xf32>
      %get3A_503 = arith.index_cast %select_n3A_454 : i32 to index
      %get3A_504 = arith.index_cast %select_n3A_470 : i32 to index
      %get3A_505 = arith.constant 48 : index
      %get3A_506 = tpu.vector_load %arg8[%get3A_503, %get3A_504, %get3A_505] {strides = array<i32>} : memref<32x8x64xf32, #tpu.memory_space<vmem>>, vector<16xf32>,
      %get3A_507 = arith.index_cast %select_n3A_454 : i32 to index
      %get3A_508 = arith.index_cast %select_n3A_470 : i32 to index
      %get3A_509 = arith.constant 48 : index
      %get3A_510 = tpu.vector_load %arg9[%get3A_507, %get3A_508, %get3A_509] {strides = array<i32>} : memref<32x8x64xf32, #tpu.memory_space<vmem>>, vector<16xf32>,
      %mul3A_511 = arith.mulf %get3A_506, %get3A_510 : vector<16xf32>
      %add3A_512 = arith.addf %add3A_502, %mul3A_511 : vector<16xf32>
      %eq3A_513 = arith.constant 4 : i32
      %eq3A_514 = vector.broadcast %eq3A_513 : i32 to vector<16xi32>
      %eq3A_515 = arith.cmpi eq, %iota3A, %eq3A_514 : vector<16xi32>
      %reduce_sum3A_516 = arith.constant true
      %reduce_sum3A_517 = vector.broadcast %reduce_sum3A_516 : i1 to vector<16xi1>
      %reduce_sum3A_518 = tpu.scan <sum>, %add3A_512 masked %reduce_sum3A_517 : vector<16xf32>, vector<16xi1> -> vector<16xf32>
      %reduce_sum3A_519 = vector.extract %reduce_sum3A_518[15] : f32 from vector<16xf32>
      %broadcast_in_dim3A_520 = vector.broadcast %reduce_sum3A_519 : f32 to vector<16xf32>
      %select_n3A_521 = arith.select %eq3A_515, %broadcast_in_dim3A_520, %select_n3A_426 : vector<16xi1>, vector<16xf32>
      %mul3A_522 = arith.constant 16 : i32
      %mul3A_523 = arith.muli %scan3A_57, %mul3A_522 : i32
      %add3A_524 = arith.constant 5 : i32
      %add3A_525 = arith.addi %mul3A_523, %add3A_524 : i32
      %jit3A_526 = arith.constant 8 : i32
      %div3A_527 = arith.divsi %add3A_525, %jit3A_526 : i32
      %sign3A_528 = arith.constant 0 : i32
      %sign3A_529 = arith.cmpi sgt, %add3A_525, %sign3A_528 : i32
      %sign3A_530 = arith.extui %sign3A_529 : i1 to i32
      %sign3A_531 = arith.constant 0 : i32
      %sign3A_532 = arith.cmpi slt, %add3A_525, %sign3A_531 : i32
      %sign3A_533 = arith.extui %sign3A_532 : i1 to i32
      %sign3A_534 = arith.subi %sign3A_530, %sign3A_533 : i32
      %sign3A_535 = arith.constant 0 : i32
      %sign3A_536 = arith.cmpi sgt, %jit3A_526, %sign3A_535 : i32
      %sign3A_537 = arith.extui %sign3A_536 : i1 to i32
      %sign3A_538 = arith.constant 0 : i32
      %sign3A_539 = arith.cmpi slt, %jit3A_526, %sign3A_538 : i32
      %sign3A_540 = arith.extui %sign3A_539 : i1 to i32
      %sign3A_541 = arith.subi %sign3A_537, %sign3A_540 : i32
      %ne3A_542 = arith.cmpi ne, %sign3A_534, %sign3A_541 : i32
      %rem3A_543 = arith.remsi %add3A_525, %jit3A_526 : i32
      %ne3A_544 = arith.constant 0 : i32
      %ne3A_545 = arith.cmpi ne, %rem3A_543, %ne3A_544 : i32
      %and3A_546 = arith.andi %ne3A_542, %ne3A_545 : i1
      %sub3A_547 = arith.constant 1 : i32
      %sub3A_548 = arith.subi %div3A_527, %sub3A_547 : i32
      %select_n3A_549 = arith.select %and3A_546, %sub3A_548, %div3A_527 : i32
      %jit3A_550 = arith.constant 8 : i32
      %eq3A_551 = arith.constant 0 : i32
      %eq3A_552 = arith.cmpi eq, %jit3A_550, %eq3A_551 : i32
      %jit3A_553 = arith.constant 1 : i32
      %select_n3A_554 = arith.select %eq3A_552, %jit3A_553, %jit3A_550 : i32
      %rem3A_555 = arith.remsi %add3A_525, %select_n3A_554 : i32
      %ne3A_556 = arith.constant 0 : i32
      %ne3A_557 = arith.cmpi ne, %rem3A_555, %ne3A_556 : i32
      %lt3A_558 = arith.constant 0 : i32
      %lt3A_559 = arith.cmpi slt, %rem3A_555, %lt3A_558 : i32
      %lt3A_560 = arith.constant 0 : i32
      %lt3A_561 = arith.cmpi slt, %select_n3A_554, %lt3A_560 : i32
      %ne3A_562 = arith.xori %lt3A_559, %lt3A_561 : i1
      %and3A_563 = arith.andi %ne3A_562, %ne3A_557 : i1
      %add3A_564 = arith.addi %rem3A_555, %select_n3A_554 : i32
      %select_n3A_565 = arith.select %and3A_563, %add3A_564, %rem3A_555 : i32
      %broadcast_in_dim3A_566 = arith.constant 0.000000e+00 : f32
      %broadcast_in_dim3A_567 = vector.broadcast %broadcast_in_dim3A_566 : f32 to vector<16xf32>
      %get3A_568 = arith.index_cast %select_n3A_549 : i32 to index
      %get3A_569 = arith.index_cast %select_n3A_565 : i32 to index
      %get3A_570 = arith.constant 0 : index
      %get3A_571 = tpu.vector_load %arg8[%get3A_568, %get3A_569, %get3A_570] {strides = array<i32>} : memref<32x8x64xf32, #tpu.memory_space<vmem>>, vector<16xf32>,
      %get3A_572 = arith.index_cast %select_n3A_549 : i32 to index
      %get3A_573 = arith.index_cast %select_n3A_565 : i32 to index
      %get3A_574 = arith.constant 0 : index
      %get3A_575 = tpu.vector_load %arg9[%get3A_572, %get3A_573, %get3A_574] {strides = array<i32>} : memref<32x8x64xf32, #tpu.memory_space<vmem>>, vector<16xf32>,
      %mul3A_576 = arith.mulf %get3A_571, %get3A_575 : vector<16xf32>
      %add3A_577 = arith.addf %broadcast_in_dim3A_567, %mul3A_576 : vector<16xf32>
      %get3A_578 = arith.index_cast %select_n3A_549 : i32 to index
      %get3A_579 = arith.index_cast %select_n3A_565 : i32 to index
      %get3A_580 = arith.constant 16 : index
      %get3A_581 = tpu.vector_load %arg8[%get3A_578, %get3A_579, %get3A_580] {strides = array<i32>} : memref<32x8x64xf32, #tpu.memory_space<vmem>>, vector<16xf32>,
      %get3A_582 = arith.index_cast %select_n3A_549 : i32 to index
      %get3A_583 = arith.index_cast %select_n3A_565 : i32 to index
      %get3A_584 = arith.constant 16 : index
      %get3A_585 = tpu.vector_load %arg9[%get3A_582, %get3A_583, %get3A_584] {strides = array<i32>} : memref<32x8x64xf32, #tpu.memory_space<vmem>>, vector<16xf32>,
      %mul3A_586 = arith.mulf %get3A_581, %get3A_585 : vector<16xf32>
      %add3A_587 = arith.addf %add3A_577, %mul3A_586 : vector<16xf32>
      %get3A_588 = arith.index_cast %select_n3A_549 : i32 to index
      %get3A_589 = arith.index_cast %select_n3A_565 : i32 to index
      %get3A_590 = arith.constant 32 : index
      %get3A_591 = tpu.vector_load %arg8[%get3A_588, %get3A_589, %get3A_590] {strides = array<i32>} : memref<32x8x64xf32, #tpu.memory_space<vmem>>, vector<16xf32>,
      %get3A_592 = arith.index_cast %select_n3A_549 : i32 to index
      %get3A_593 = arith.index_cast %select_n3A_565 : i32 to index
      %get3A_594 = arith.constant 32 : index
      %get3A_595 = tpu.vector_load %arg9[%get3A_592, %get3A_593, %get3A_594] {strides = array<i32>} : memref<32x8x64xf32, #tpu.memory_space<vmem>>, vector<16xf32>,
      %mul3A_596 = arith.mulf %get3A_591, %get3A_595 : vector<16xf32>
      %add3A_597 = arith.addf %add3A_587, %mul3A_596 : vector<16xf32>
      %get3A_598 = arith.index_cast %select_n3A_549 : i32 to index
      %get3A_599 = arith.index_cast %select_n3A_565 : i32 to index
      %get3A_600 = arith.constant 48 : index
      %get3A_601 = tpu.vector_load %arg8[%get3A_598, %get3A_599, %get3A_600] {strides = array<i32>} : memref<32x8x64xf32, #tpu.memory_space<vmem>>, vector<16xf32>,
      %get3A_602 = arith.index_cast %select_n3A_549 : i32 to index
      %get3A_603 = arith.index_cast %select_n3A_565 : i32 to index
      %get3A_604 = arith.constant 48 : index
      %get3A_605 = tpu.vector_load %arg9[%get3A_602, %get3A_603, %get3A_604] {strides = array<i32>} : memref<32x8x64xf32, #tpu.memory_space<vmem>>, vector<16xf32>,
      %mul3A_606 = arith.mulf %get3A_601, %get3A_605 : vector<16xf32>
      %add3A_607 = arith.addf %add3A_597, %mul3A_606 : vector<16xf32>
      %eq3A_608 = arith.constant 5 : i32
      %eq3A_609 = vector.broadcast %eq3A_608 : i32 to vector<16xi32>
      %eq3A_610 = arith.cmpi eq, %iota3A, %eq3A_609 : vector<16xi32>
      %reduce_sum3A_611 = arith.constant true
      %reduce_sum3A_612 = vector.broadcast %reduce_sum3A_611 : i1 to vector<16xi1>
      %reduce_sum3A_613 = tpu.scan <sum>, %add3A_607 masked %reduce_sum3A_612 : vector<16xf32>, vector<16xi1> -> vector<16xf32>
      %reduce_sum3A_614 = vector.extract %reduce_sum3A_613[15] : f32 from vector<16xf32>
      %broadcast_in_dim3A_615 = vector.broadcast %reduce_sum3A_614 : f32 to vector<16xf32>
      %select_n3A_616 = arith.select %eq3A_610, %broadcast_in_dim3A_615, %select_n3A_521 : vector<16xi1>, vector<16xf32>
      %mul3A_617 = arith.constant 16 : i32
      %mul3A_618 = arith.muli %scan3A_57, %mul3A_617 : i32
      %add3A_619 = arith.constant 6 : i32
      %add3A_620 = arith.addi %mul3A_618, %add3A_619 : i32
      %jit3A_621 = arith.constant 8 : i32
      %div3A_622 = arith.divsi %add3A_620, %jit3A_621 : i32
      %sign3A_623 = arith.constant 0 : i32
      %sign3A_624 = arith.cmpi sgt, %add3A_620, %sign3A_623 : i32
      %sign3A_625 = arith.extui %sign3A_624 : i1 to i32
      %sign3A_626 = arith.constant 0 : i32
      %sign3A_627 = arith.cmpi slt, %add3A_620, %sign3A_626 : i32
      %sign3A_628 = arith.extui %sign3A_627 : i1 to i32
      %sign3A_629 = arith.subi %sign3A_625, %sign3A_628 : i32
      %sign3A_630 = arith.constant 0 : i32
      %sign3A_631 = arith.cmpi sgt, %jit3A_621, %sign3A_630 : i32
      %sign3A_632 = arith.extui %sign3A_631 : i1 to i32
      %sign3A_633 = arith.constant 0 : i32
      %sign3A_634 = arith.cmpi slt, %jit3A_621, %sign3A_633 : i32
      %sign3A_635 = arith.extui %sign3A_634 : i1 to i32
      %sign3A_636 = arith.subi %sign3A_632, %sign3A_635 : i32
      %ne3A_637 = arith.cmpi ne, %sign3A_629, %sign3A_636 : i32
      %rem3A_638 = arith.remsi %add3A_620, %jit3A_621 : i32
      %ne3A_639 = arith.constant 0 : i32
      %ne3A_640 = arith.cmpi ne, %rem3A_638, %ne3A_639 : i32
      %and3A_641 = arith.andi %ne3A_637, %ne3A_640 : i1
      %sub3A_642 = arith.constant 1 : i32
      %sub3A_643 = arith.subi %div3A_622, %sub3A_642 : i32
      %select_n3A_644 = arith.select %and3A_641, %sub3A_643, %div3A_622 : i32
      %jit3A_645 = arith.constant 8 : i32
      %eq3A_646 = arith.constant 0 : i32
      %eq3A_647 = arith.cmpi eq, %jit3A_645, %eq3A_646 : i32
      %jit3A_648 = arith.constant 1 : i32
      %select_n3A_649 = arith.select %eq3A_647, %jit3A_648, %jit3A_645 : i32
      %rem3A_650 = arith.remsi %add3A_620, %select_n3A_649 : i32
      %ne3A_651 = arith.constant 0 : i32
      %ne3A_652 = arith.cmpi ne, %rem3A_650, %ne3A_651 : i32
      %lt3A_653 = arith.constant 0 : i32
      %lt3A_654 = arith.cmpi slt, %rem3A_650, %lt3A_653 : i32
      %lt3A_655 = arith.constant 0 : i32
      %lt3A_656 = arith.cmpi slt, %select_n3A_649, %lt3A_655 : i32
      %ne3A_657 = arith.xori %lt3A_654, %lt3A_656 : i1
      %and3A_658 = arith.andi %ne3A_657, %ne3A_652 : i1
      %add3A_659 = arith.addi %rem3A_650, %select_n3A_649 : i32
      %select_n3A_660 = arith.select %and3A_658, %add3A_659, %rem3A_650 : i32
      %broadcast_in_dim3A_661 = arith.constant 0.000000e+00 : f32
      %broadcast_in_dim3A_662 = vector.broadcast %broadcast_in_dim3A_661 : f32 to vector<16xf32>
      %get3A_663 = arith.index_cast %select_n3A_644 : i32 to index
      %get3A_664 = arith.index_cast %select_n3A_660 : i32 to index
      %get3A_665 = arith.constant 0 : index
      %get3A_666 = tpu.vector_load %arg8[%get3A_663, %get3A_664, %get3A_665] {strides = array<i32>} : memref<32x8x64xf32, #tpu.memory_space<vmem>>, vector<16xf32>,
      %get3A_667 = arith.index_cast %select_n3A_644 : i32 to index
      %get3A_668 = arith.index_cast %select_n3A_660 : i32 to index
      %get3A_669 = arith.constant 0 : index
      %get3A_670 = tpu.vector_load %arg9[%get3A_667, %get3A_668, %get3A_669] {strides = array<i32>} : memref<32x8x64xf32, #tpu.memory_space<vmem>>, vector<16xf32>,
      %mul3A_671 = arith.mulf %get3A_666, %get3A_670 : vector<16xf32>
      %add3A_672 = arith.addf %broadcast_in_dim3A_662, %mul3A_671 : vector<16xf32>
      %get3A_673 = arith.index_cast %select_n3A_644 : i32 to index
      %get3A_674 = arith.index_cast %select_n3A_660 : i32 to index
      %get3A_675 = arith.constant 16 : index
      %get3A_676 = tpu.vector_load %arg8[%get3A_673, %get3A_674, %get3A_675] {strides = array<i32>} : memref<32x8x64xf32, #tpu.memory_space<vmem>>, vector<16xf32>,
      %get3A_677 = arith.index_cast %select_n3A_644 : i32 to index
      %get3A_678 = arith.index_cast %select_n3A_660 : i32 to index
      %get3A_679 = arith.constant 16 : index
      %get3A_680 = tpu.vector_load %arg9[%get3A_677, %get3A_678, %get3A_679] {strides = array<i32>} : memref<32x8x64xf32, #tpu.memory_space<vmem>>, vector<16xf32>,
      %mul3A_681 = arith.mulf %get3A_676, %get3A_680 : vector<16xf32>
      %add3A_682 = arith.addf %add3A_672, %mul3A_681 : vector<16xf32>
      %get3A_683 = arith.index_cast %select_n3A_644 : i32 to index
      %get3A_684 = arith.index_cast %select_n3A_660 : i32 to index
      %get3A_685 = arith.constant 32 : index
      %get3A_686 = tpu.vector_load %arg8[%get3A_683, %get3A_684, %get3A_685] {strides = array<i32>} : memref<32x8x64xf32, #tpu.memory_space<vmem>>, vector<16xf32>,
      %get3A_687 = arith.index_cast %select_n3A_644 : i32 to index
      %get3A_688 = arith.index_cast %select_n3A_660 : i32 to index
      %get3A_689 = arith.constant 32 : index
      %get3A_690 = tpu.vector_load %arg9[%get3A_687, %get3A_688, %get3A_689] {strides = array<i32>} : memref<32x8x64xf32, #tpu.memory_space<vmem>>, vector<16xf32>,
      %mul3A_691 = arith.mulf %get3A_686, %get3A_690 : vector<16xf32>
      %add3A_692 = arith.addf %add3A_682, %mul3A_691 : vector<16xf32>
      %get3A_693 = arith.index_cast %select_n3A_644 : i32 to index
      %get3A_694 = arith.index_cast %select_n3A_660 : i32 to index
      %get3A_695 = arith.constant 48 : index
      %get3A_696 = tpu.vector_load %arg8[%get3A_693, %get3A_694, %get3A_695] {strides = array<i32>} : memref<32x8x64xf32, #tpu.memory_space<vmem>>, vector<16xf32>,
      %get3A_697 = arith.index_cast %select_n3A_644 : i32 to index
      %get3A_698 = arith.index_cast %select_n3A_660 : i32 to index
      %get3A_699 = arith.constant 48 : index
      %get3A_700 = tpu.vector_load %arg9[%get3A_697, %get3A_698, %get3A_699] {strides = array<i32>} : memref<32x8x64xf32, #tpu.memory_space<vmem>>, vector<16xf32>,
      %mul3A_701 = arith.mulf %get3A_696, %get3A_700 : vector<16xf32>
      %add3A_702 = arith.addf %add3A_692, %mul3A_701 : vector<16xf32>
      %eq3A_703 = arith.constant 6 : i32
      %eq3A_704 = vector.broadcast %eq3A_703 : i32 to vector<16xi32>
      %eq3A_705 = arith.cmpi eq, %iota3A, %eq3A_704 : vector<16xi32>
      %reduce_sum3A_706 = arith.constant true
      %reduce_sum3A_707 = vector.broadcast %reduce_sum3A_706 : i1 to vector<16xi1>
      %reduce_sum3A_708 = tpu.scan <sum>, %add3A_702 masked %reduce_sum3A_707 : vector<16xf32>, vector<16xi1> -> vector<16xf32>
      %reduce_sum3A_709 = vector.extract %reduce_sum3A_708[15] : f32 from vector<16xf32>
      %broadcast_in_dim3A_710 = vector.broadcast %reduce_sum3A_709 : f32 to vector<16xf32>
      %select_n3A_711 = arith.select %eq3A_705, %broadcast_in_dim3A_710, %select_n3A_616 : vector<16xi1>, vector<16xf32>
      %mul3A_712 = arith.constant 16 : i32
      %mul3A_713 = arith.muli %scan3A_57, %mul3A_712 : i32
      %add3A_714 = arith.constant 7 : i32
      %add3A_715 = arith.addi %mul3A_713, %add3A_714 : i32
      %jit3A_716 = arith.constant 8 : i32
      %div3A_717 = arith.divsi %add3A_715, %jit3A_716 : i32
      %sign3A_718 = arith.constant 0 : i32
      %sign3A_719 = arith.cmpi sgt, %add3A_715, %sign3A_718 : i32
      %sign3A_720 = arith.extui %sign3A_719 : i1 to i32
      %sign3A_721 = arith.constant 0 : i32
      %sign3A_722 = arith.cmpi slt, %add3A_715, %sign3A_721 : i32
      %sign3A_723 = arith.extui %sign3A_722 : i1 to i32
      %sign3A_724 = arith.subi %sign3A_720, %sign3A_723 : i32
      %sign3A_725 = arith.constant 0 : i32
      %sign3A_726 = arith.cmpi sgt, %jit3A_716, %sign3A_725 : i32
      %sign3A_727 = arith.extui %sign3A_726 : i1 to i32
      %sign3A_728 = arith.constant 0 : i32
      %sign3A_729 = arith.cmpi slt, %jit3A_716, %sign3A_728 : i32
      %sign3A_730 = arith.extui %sign3A_729 : i1 to i32
      %sign3A_731 = arith.subi %sign3A_727, %sign3A_730 : i32
      %ne3A_732 = arith.cmpi ne, %sign3A_724, %sign3A_731 : i32
      %rem3A_733 = arith.remsi %add3A_715, %jit3A_716 : i32
      %ne3A_734 = arith.constant 0 : i32
      %ne3A_735 = arith.cmpi ne, %rem3A_733, %ne3A_734 : i32
      %and3A_736 = arith.andi %ne3A_732, %ne3A_735 : i1
      %sub3A_737 = arith.constant 1 : i32
      %sub3A_738 = arith.subi %div3A_717, %sub3A_737 : i32
      %select_n3A_739 = arith.select %and3A_736, %sub3A_738, %div3A_717 : i32
      %jit3A_740 = arith.constant 8 : i32
      %eq3A_741 = arith.constant 0 : i32
      %eq3A_742 = arith.cmpi eq, %jit3A_740, %eq3A_741 : i32
      %jit3A_743 = arith.constant 1 : i32
      %select_n3A_744 = arith.select %eq3A_742, %jit3A_743, %jit3A_740 : i32
      %rem3A_745 = arith.remsi %add3A_715, %select_n3A_744 : i32
      %ne3A_746 = arith.constant 0 : i32
      %ne3A_747 = arith.cmpi ne, %rem3A_745, %ne3A_746 : i32
      %lt3A_748 = arith.constant 0 : i32
      %lt3A_749 = arith.cmpi slt, %rem3A_745, %lt3A_748 : i32
      %lt3A_750 = arith.constant 0 : i32
      %lt3A_751 = arith.cmpi slt, %select_n3A_744, %lt3A_750 : i32
      %ne3A_752 = arith.xori %lt3A_749, %lt3A_751 : i1
      %and3A_753 = arith.andi %ne3A_752, %ne3A_747 : i1
      %add3A_754 = arith.addi %rem3A_745, %select_n3A_744 : i32
      %select_n3A_755 = arith.select %and3A_753, %add3A_754, %rem3A_745 : i32
      %broadcast_in_dim3A_756 = arith.constant 0.000000e+00 : f32
      %broadcast_in_dim3A_757 = vector.broadcast %broadcast_in_dim3A_756 : f32 to vector<16xf32>
      %get3A_758 = arith.index_cast %select_n3A_739 : i32 to index
      %get3A_759 = arith.index_cast %select_n3A_755 : i32 to index
      %get3A_760 = arith.constant 0 : index
      %get3A_761 = tpu.vector_load %arg8[%get3A_758, %get3A_759, %get3A_760] {strides = array<i32>} : memref<32x8x64xf32, #tpu.memory_space<vmem>>, vector<16xf32>,
      %get3A_762 = arith.index_cast %select_n3A_739 : i32 to index
      %get3A_763 = arith.index_cast %select_n3A_755 : i32 to index
      %get3A_764 = arith.constant 0 : index
      %get3A_765 = tpu.vector_load %arg9[%get3A_762, %get3A_763, %get3A_764] {strides = array<i32>} : memref<32x8x64xf32, #tpu.memory_space<vmem>>, vector<16xf32>,
      %mul3A_766 = arith.mulf %get3A_761, %get3A_765 : vector<16xf32>
      %add3A_767 = arith.addf %broadcast_in_dim3A_757, %mul3A_766 : vector<16xf32>
      %get3A_768 = arith.index_cast %select_n3A_739 : i32 to index
      %get3A_769 = arith.index_cast %select_n3A_755 : i32 to index
      %get3A_770 = arith.constant 16 : index
      %get3A_771 = tpu.vector_load %arg8[%get3A_768, %get3A_769, %get3A_770] {strides = array<i32>} : memref<32x8x64xf32, #tpu.memory_space<vmem>>, vector<16xf32>,
      %get3A_772 = arith.index_cast %select_n3A_739 : i32 to index
      %get3A_773 = arith.index_cast %select_n3A_755 : i32 to index
      %get3A_774 = arith.constant 16 : index
      %get3A_775 = tpu.vector_load %arg9[%get3A_772, %get3A_773, %get3A_774] {strides = array<i32>} : memref<32x8x64xf32, #tpu.memory_space<vmem>>, vector<16xf32>,
      %mul3A_776 = arith.mulf %get3A_771, %get3A_775 : vector<16xf32>
      %add3A_777 = arith.addf %add3A_767, %mul3A_776 : vector<16xf32>
      %get3A_778 = arith.index_cast %select_n3A_739 : i32 to index
      %get3A_779 = arith.index_cast %select_n3A_755 : i32 to index
      %get3A_780 = arith.constant 32 : index
      %get3A_781 = tpu.vector_load %arg8[%get3A_778, %get3A_779, %get3A_780] {strides = array<i32>} : memref<32x8x64xf32, #tpu.memory_space<vmem>>, vector<16xf32>,
      %get3A_782 = arith.index_cast %select_n3A_739 : i32 to index
      %get3A_783 = arith.index_cast %select_n3A_755 : i32 to index
      %get3A_784 = arith.constant 32 : index
      %get3A_785 = tpu.vector_load %arg9[%get3A_782, %get3A_783, %get3A_784] {strides = array<i32>} : memref<32x8x64xf32, #tpu.memory_space<vmem>>, vector<16xf32>,
      %mul3A_786 = arith.mulf %get3A_781, %get3A_785 : vector<16xf32>
      %add3A_787 = arith.addf %add3A_777, %mul3A_786 : vector<16xf32>
      %get3A_788 = arith.index_cast %select_n3A_739 : i32 to index
      %get3A_789 = arith.index_cast %select_n3A_755 : i32 to index
      %get3A_790 = arith.constant 48 : index
      %get3A_791 = tpu.vector_load %arg8[%get3A_788, %get3A_789, %get3A_790] {strides = array<i32>} : memref<32x8x64xf32, #tpu.memory_space<vmem>>, vector<16xf32>,
      %get3A_792 = arith.index_cast %select_n3A_739 : i32 to index
      %get3A_793 = arith.index_cast %select_n3A_755 : i32 to index
      %get3A_794 = arith.constant 48 : index
      %get3A_795 = tpu.vector_load %arg9[%get3A_792, %get3A_793, %get3A_794] {strides = array<i32>} : memref<32x8x64xf32, #tpu.memory_space<vmem>>, vector<16xf32>,
      %mul3A_796 = arith.mulf %get3A_791, %get3A_795 : vector<16xf32>
      %add3A_797 = arith.addf %add3A_787, %mul3A_796 : vector<16xf32>
      %eq3A_798 = arith.constant 7 : i32
      %eq3A_799 = vector.broadcast %eq3A_798 : i32 to vector<16xi32>
      %eq3A_800 = arith.cmpi eq, %iota3A, %eq3A_799 : vector<16xi32>
      %reduce_sum3A_801 = arith.constant true
      %reduce_sum3A_802 = vector.broadcast %reduce_sum3A_801 : i1 to vector<16xi1>
      %reduce_sum3A_803 = tpu.scan <sum>, %add3A_797 masked %reduce_sum3A_802 : vector<16xf32>, vector<16xi1> -> vector<16xf32>
      %reduce_sum3A_804 = vector.extract %reduce_sum3A_803[15] : f32 from vector<16xf32>
      %broadcast_in_dim3A_805 = vector.broadcast %reduce_sum3A_804 : f32 to vector<16xf32>
      %select_n3A_806 = arith.select %eq3A_800, %broadcast_in_dim3A_805, %select_n3A_711 : vector<16xi1>, vector<16xf32>
      %mul3A_807 = arith.constant 16 : i32
      %mul3A_808 = arith.muli %scan3A_57, %mul3A_807 : i32
      %add3A_809 = arith.constant 8 : i32
      %add3A_810 = arith.addi %mul3A_808, %add3A_809 : i32
      %jit3A_811 = arith.constant 8 : i32
      %div3A_812 = arith.divsi %add3A_810, %jit3A_811 : i32
      %sign3A_813 = arith.constant 0 : i32
      %sign3A_814 = arith.cmpi sgt, %add3A_810, %sign3A_813 : i32
      %sign3A_815 = arith.extui %sign3A_814 : i1 to i32
      %sign3A_816 = arith.constant 0 : i32
      %sign3A_817 = arith.cmpi slt, %add3A_810, %sign3A_816 : i32
      %sign3A_818 = arith.extui %sign3A_817 : i1 to i32
      %sign3A_819 = arith.subi %sign3A_815, %sign3A_818 : i32
      %sign3A_820 = arith.constant 0 : i32
      %sign3A_821 = arith.cmpi sgt, %jit3A_811, %sign3A_820 : i32
      %sign3A_822 = arith.extui %sign3A_821 : i1 to i32
      %sign3A_823 = arith.constant 0 : i32
      %sign3A_824 = arith.cmpi slt, %jit3A_811, %sign3A_823 : i32
      %sign3A_825 = arith.extui %sign3A_824 : i1 to i32
      %sign3A_826 = arith.subi %sign3A_822, %sign3A_825 : i32
      %ne3A_827 = arith.cmpi ne, %sign3A_819, %sign3A_826 : i32
      %rem3A_828 = arith.remsi %add3A_810, %jit3A_811 : i32
      %ne3A_829 = arith.constant 0 : i32
      %ne3A_830 = arith.cmpi ne, %rem3A_828, %ne3A_829 : i32
      %and3A_831 = arith.andi %ne3A_827, %ne3A_830 : i1
      %sub3A_832 = arith.constant 1 : i32
      %sub3A_833 = arith.subi %div3A_812, %sub3A_832 : i32
      %select_n3A_834 = arith.select %and3A_831, %sub3A_833, %div3A_812 : i32
      %jit3A_835 = arith.constant 8 : i32
      %eq3A_836 = arith.constant 0 : i32
      %eq3A_837 = arith.cmpi eq, %jit3A_835, %eq3A_836 : i32
      %jit3A_838 = arith.constant 1 : i32
      %select_n3A_839 = arith.select %eq3A_837, %jit3A_838, %jit3A_835 : i32
      %rem3A_840 = arith.remsi %add3A_810, %select_n3A_839 : i32
      %ne3A_841 = arith.constant 0 : i32
      %ne3A_842 = arith.cmpi ne, %rem3A_840, %ne3A_841 : i32
      %lt3A_843 = arith.constant 0 : i32
      %lt3A_844 = arith.cmpi slt, %rem3A_840, %lt3A_843 : i32
      %lt3A_845 = arith.constant 0 : i32
      %lt3A_846 = arith.cmpi slt, %select_n3A_839, %lt3A_845 : i32
      %ne3A_847 = arith.xori %lt3A_844, %lt3A_846 : i1
      %and3A_848 = arith.andi %ne3A_847, %ne3A_842 : i1
      %add3A_849 = arith.addi %rem3A_840, %select_n3A_839 : i32
      %select_n3A_850 = arith.select %and3A_848, %add3A_849, %rem3A_840 : i32
      %broadcast_in_dim3A_851 = arith.constant 0.000000e+00 : f32
      %broadcast_in_dim3A_852 = vector.broadcast %broadcast_in_dim3A_851 : f32 to vector<16xf32>
      %get3A_853 = arith.index_cast %select_n3A_834 : i32 to index
      %get3A_854 = arith.index_cast %select_n3A_850 : i32 to index
      %get3A_855 = arith.constant 0 : index
      %get3A_856 = tpu.vector_load %arg8[%get3A_853, %get3A_854, %get3A_855] {strides = array<i32>} : memref<32x8x64xf32, #tpu.memory_space<vmem>>, vector<16xf32>,
      %get3A_857 = arith.index_cast %select_n3A_834 : i32 to index
      %get3A_858 = arith.index_cast %select_n3A_850 : i32 to index
      %get3A_859 = arith.constant 0 : index
      %get3A_860 = tpu.vector_load %arg9[%get3A_857, %get3A_858, %get3A_859] {strides = array<i32>} : memref<32x8x64xf32, #tpu.memory_space<vmem>>, vector<16xf32>,
      %mul3A_861 = arith.mulf %get3A_856, %get3A_860 : vector<16xf32>
      %add3A_862 = arith.addf %broadcast_in_dim3A_852, %mul3A_861 : vector<16xf32>
      %get3A_863 = arith.index_cast %select_n3A_834 : i32 to index
      %get3A_864 = arith.index_cast %select_n3A_850 : i32 to index
      %get3A_865 = arith.constant 16 : index
      %get3A_866 = tpu.vector_load %arg8[%get3A_863, %get3A_864, %get3A_865] {strides = array<i32>} : memref<32x8x64xf32, #tpu.memory_space<vmem>>, vector<16xf32>,
      %get3A_867 = arith.index_cast %select_n3A_834 : i32 to index
      %get3A_868 = arith.index_cast %select_n3A_850 : i32 to index
      %get3A_869 = arith.constant 16 : index
      %get3A_870 = tpu.vector_load %arg9[%get3A_867, %get3A_868, %get3A_869] {strides = array<i32>} : memref<32x8x64xf32, #tpu.memory_space<vmem>>, vector<16xf32>,
      %mul3A_871 = arith.mulf %get3A_866, %get3A_870 : vector<16xf32>
      %add3A_872 = arith.addf %add3A_862, %mul3A_871 : vector<16xf32>
      %get3A_873 = arith.index_cast %select_n3A_834 : i32 to index
      %get3A_874 = arith.index_cast %select_n3A_850 : i32 to index
      %get3A_875 = arith.constant 32 : index
      %get3A_876 = tpu.vector_load %arg8[%get3A_873, %get3A_874, %get3A_875] {strides = array<i32>} : memref<32x8x64xf32, #tpu.memory_space<vmem>>, vector<16xf32>,
      %get3A_877 = arith.index_cast %select_n3A_834 : i32 to index
      %get3A_878 = arith.index_cast %select_n3A_850 : i32 to index
      %get3A_879 = arith.constant 32 : index
      %get3A_880 = tpu.vector_load %arg9[%get3A_877, %get3A_878, %get3A_879] {strides = array<i32>} : memref<32x8x64xf32, #tpu.memory_space<vmem>>, vector<16xf32>,
      %mul3A_881 = arith.mulf %get3A_876, %get3A_880 : vector<16xf32>
      %add3A_882 = arith.addf %add3A_872, %mul3A_881 : vector<16xf32>
      %get3A_883 = arith.index_cast %select_n3A_834 : i32 to index
      %get3A_884 = arith.index_cast %select_n3A_850 : i32 to index
      %get3A_885 = arith.constant 48 : index
      %get3A_886 = tpu.vector_load %arg8[%get3A_883, %get3A_884, %get3A_885] {strides = array<i32>} : memref<32x8x64xf32, #tpu.memory_space<vmem>>, vector<16xf32>,
      %get3A_887 = arith.index_cast %select_n3A_834 : i32 to index
      %get3A_888 = arith.index_cast %select_n3A_850 : i32 to index
      %get3A_889 = arith.constant 48 : index
      %get3A_890 = tpu.vector_load %arg9[%get3A_887, %get3A_888, %get3A_889] {strides = array<i32>} : memref<32x8x64xf32, #tpu.memory_space<vmem>>, vector<16xf32>,
      %mul3A_891 = arith.mulf %get3A_886, %get3A_890 : vector<16xf32>
      %add3A_892 = arith.addf %add3A_882, %mul3A_891 : vector<16xf32>
      %eq3A_893 = arith.constant 8 : i32
      %eq3A_894 = vector.broadcast %eq3A_893 : i32 to vector<16xi32>
      %eq3A_895 = arith.cmpi eq, %iota3A, %eq3A_894 : vector<16xi32>
      %reduce_sum3A_896 = arith.constant true
      %reduce_sum3A_897 = vector.broadcast %reduce_sum3A_896 : i1 to vector<16xi1>
      %reduce_sum3A_898 = tpu.scan <sum>, %add3A_892 masked %reduce_sum3A_897 : vector<16xf32>, vector<16xi1> -> vector<16xf32>
      %reduce_sum3A_899 = vector.extract %reduce_sum3A_898[15] : f32 from vector<16xf32>
      %broadcast_in_dim3A_900 = vector.broadcast %reduce_sum3A_899 : f32 to vector<16xf32>
      %select_n3A_901 = arith.select %eq3A_895, %broadcast_in_dim3A_900, %select_n3A_806 : vector<16xi1>, vector<16xf32>
      %mul3A_902 = arith.constant 16 : i32
      %mul3A_903 = arith.muli %scan3A_57, %mul3A_902 : i32
      %add3A_904 = arith.constant 9 : i32
      %add3A_905 = arith.addi %mul3A_903, %add3A_904 : i32
      %jit3A_906 = arith.constant 8 : i32
      %div3A_907 = arith.divsi %add3A_905, %jit3A_906 : i32
      %sign3A_908 = arith.constant 0 : i32
      %sign3A_909 = arith.cmpi sgt, %add3A_905, %sign3A_908 : i32
      %sign3A_910 = arith.extui %sign3A_909 : i1 to i32
      %sign3A_911 = arith.constant 0 : i32
      %sign3A_912 = arith.cmpi slt, %add3A_905, %sign3A_911 : i32
      %sign3A_913 = arith.extui %sign3A_912 : i1 to i32
      %sign3A_914 = arith.subi %sign3A_910, %sign3A_913 : i32
      %sign3A_915 = arith.constant 0 : i32
      %sign3A_916 = arith.cmpi sgt, %jit3A_906, %sign3A_915 : i32
      %sign3A_917 = arith.extui %sign3A_916 : i1 to i32
      %sign3A_918 = arith.constant 0 : i32
      %sign3A_919 = arith.cmpi slt, %jit3A_906, %sign3A_918 : i32
      %sign3A_920 = arith.extui %sign3A_919 : i1 to i32
      %sign3A_921 = arith.subi %sign3A_917, %sign3A_920 : i32
      %ne3A_922 = arith.cmpi ne, %sign3A_914, %sign3A_921 : i32
      %rem3A_923 = arith.remsi %add3A_905, %jit3A_906 : i32
      %ne3A_924 = arith.constant 0 : i32
      %ne3A_925 = arith.cmpi ne, %rem3A_923, %ne3A_924 : i32
      %and3A_926 = arith.andi %ne3A_922, %ne3A_925 : i1
      %sub3A_927 = arith.constant 1 : i32
      %sub3A_928 = arith.subi %div3A_907, %sub3A_927 : i32
      %select_n3A_929 = arith.select %and3A_926, %sub3A_928, %div3A_907 : i32
      %jit3A_930 = arith.constant 8 : i32
      %eq3A_931 = arith.constant 0 : i32
      %eq3A_932 = arith.cmpi eq, %jit3A_930, %eq3A_931 : i32
      %jit3A_933 = arith.constant 1 : i32
      %select_n3A_934 = arith.select %eq3A_932, %jit3A_933, %jit3A_930 : i32
      %rem3A_935 = arith.remsi %add3A_905, %select_n3A_934 : i32
      %ne3A_936 = arith.constant 0 : i32
      %ne3A_937 = arith.cmpi ne, %rem3A_935, %ne3A_936 : i32
      %lt3A_938 = arith.constant 0 : i32
      %lt3A_939 = arith.cmpi slt, %rem3A_935, %lt3A_938 : i32
      %lt3A_940 = arith.constant 0 : i32
      %lt3A_941 = arith.cmpi slt, %select_n3A_934, %lt3A_940 : i32
      %ne3A_942 = arith.xori %lt3A_939, %lt3A_941 : i1
      %and3A_943 = arith.andi %ne3A_942, %ne3A_937 : i1
      %add3A_944 = arith.addi %rem3A_935, %select_n3A_934 : i32
      %select_n3A_945 = arith.select %and3A_943, %add3A_944, %rem3A_935 : i32
      %broadcast_in_dim3A_946 = arith.constant 0.000000e+00 : f32
      %broadcast_in_dim3A_947 = vector.broadcast %broadcast_in_dim3A_946 : f32 to vector<16xf32>
      %get3A_948 = arith.index_cast %select_n3A_929 : i32 to index
      %get3A_949 = arith.index_cast %select_n3A_945 : i32 to index
      %get3A_950 = arith.constant 0 : index
      %get3A_951 = tpu.vector_load %arg8[%get3A_948, %get3A_949, %get3A_950] {strides = array<i32>} : memref<32x8x64xf32, #tpu.memory_space<vmem>>, vector<16xf32>,
      %get3A_952 = arith.index_cast %select_n3A_929 : i32 to index
      %get3A_953 = arith.index_cast %select_n3A_945 : i32 to index
      %get3A_954 = arith.constant 0 : index
      %get3A_955 = tpu.vector_load %arg9[%get3A_952, %get3A_953, %get3A_954] {strides = array<i32>} : memref<32x8x64xf32, #tpu.memory_space<vmem>>, vector<16xf32>,
      %mul3A_956 = arith.mulf %get3A_951, %get3A_955 : vector<16xf32>
      %add3A_957 = arith.addf %broadcast_in_dim3A_947, %mul3A_956 : vector<16xf32>
      %get3A_958 = arith.index_cast %select_n3A_929 : i32 to index
      %get3A_959 = arith.index_cast %select_n3A_945 : i32 to index
      %get3A_960 = arith.constant 16 : index
      %get3A_961 = tpu.vector_load %arg8[%get3A_958, %get3A_959, %get3A_960] {strides = array<i32>} : memref<32x8x64xf32, #tpu.memory_space<vmem>>, vector<16xf32>,
      %get3A_962 = arith.index_cast %select_n3A_929 : i32 to index
      %get3A_963 = arith.index_cast %select_n3A_945 : i32 to index
      %get3A_964 = arith.constant 16 : index
      %get3A_965 = tpu.vector_load %arg9[%get3A_962, %get3A_963, %get3A_964] {strides = array<i32>} : memref<32x8x64xf32, #tpu.memory_space<vmem>>, vector<16xf32>,
      %mul3A_966 = arith.mulf %get3A_961, %get3A_965 : vector<16xf32>
      %add3A_967 = arith.addf %add3A_957, %mul3A_966 : vector<16xf32>
      %get3A_968 = arith.index_cast %select_n3A_929 : i32 to index
      %get3A_969 = arith.index_cast %select_n3A_945 : i32 to index
      %get3A_970 = arith.constant 32 : index
      %get3A_971 = tpu.vector_load %arg8[%get3A_968, %get3A_969, %get3A_970] {strides = array<i32>} : memref<32x8x64xf32, #tpu.memory_space<vmem>>, vector<16xf32>,
      %get3A_972 = arith.index_cast %select_n3A_929 : i32 to index
      %get3A_973 = arith.index_cast %select_n3A_945 : i32 to index
      %get3A_974 = arith.constant 32 : index
      %get3A_975 = tpu.vector_load %arg9[%get3A_972, %get3A_973, %get3A_974] {strides = array<i32>} : memref<32x8x64xf32, #tpu.memory_space<vmem>>, vector<16xf32>,
      %mul3A_976 = arith.mulf %get3A_971, %get3A_975 : vector<16xf32>
      %add3A_977 = arith.addf %add3A_967, %mul3A_976 : vector<16xf32>
      %get3A_978 = arith.index_cast %select_n3A_929 : i32 to index
      %get3A_979 = arith.index_cast %select_n3A_945 : i32 to index
      %get3A_980 = arith.constant 48 : index
      %get3A_981 = tpu.vector_load %arg8[%get3A_978, %get3A_979, %get3A_980] {strides = array<i32>} : memref<32x8x64xf32, #tpu.memory_space<vmem>>, vector<16xf32>,
      %get3A_982 = arith.index_cast %select_n3A_929 : i32 to index
      %get3A_983 = arith.index_cast %select_n3A_945 : i32 to index
      %get3A_984 = arith.constant 48 : index
      %get3A_985 = tpu.vector_load %arg9[%get3A_982, %get3A_983, %get3A_984] {strides = array<i32>} : memref<32x8x64xf32, #tpu.memory_space<vmem>>, vector<16xf32>,
      %mul3A_986 = arith.mulf %get3A_981, %get3A_985 : vector<16xf32>
      %add3A_987 = arith.addf %add3A_977, %mul3A_986 : vector<16xf32>
      %eq3A_988 = arith.constant 9 : i32
      %eq3A_989 = vector.broadcast %eq3A_988 : i32 to vector<16xi32>
      %eq3A_990 = arith.cmpi eq, %iota3A, %eq3A_989 : vector<16xi32>
      %reduce_sum3A_991 = arith.constant true
      %reduce_sum3A_992 = vector.broadcast %reduce_sum3A_991 : i1 to vector<16xi1>
      %reduce_sum3A_993 = tpu.scan <sum>, %add3A_987 masked %reduce_sum3A_992 : vector<16xf32>, vector<16xi1> -> vector<16xf32>
      %reduce_sum3A_994 = vector.extract %reduce_sum3A_993[15] : f32 from vector<16xf32>
      %broadcast_in_dim3A_995 = vector.broadcast %reduce_sum3A_994 : f32 to vector<16xf32>
      %select_n3A_996 = arith.select %eq3A_990, %broadcast_in_dim3A_995, %select_n3A_901 : vector<16xi1>, vector<16xf32>
      %mul3A_997 = arith.constant 16 : i32
      %mul3A_998 = arith.muli %scan3A_57, %mul3A_997 : i32
      %add3A_999 = arith.constant 10 : i32
      %add3A_1000 = arith.addi %mul3A_998, %add3A_999 : i32
      %jit3A_1001 = arith.constant 8 : i32
      %div3A_1002 = arith.divsi %add3A_1000, %jit3A_1001 : i32
      %sign3A_1003 = arith.constant 0 : i32
      %sign3A_1004 = arith.cmpi sgt, %add3A_1000, %sign3A_1003 : i32
      %sign3A_1005 = arith.extui %sign3A_1004 : i1 to i32
      %sign3A_1006 = arith.constant 0 : i32
      %sign3A_1007 = arith.cmpi slt, %add3A_1000, %sign3A_1006 : i32
      %sign3A_1008 = arith.extui %sign3A_1007 : i1 to i32
      %sign3A_1009 = arith.subi %sign3A_1005, %sign3A_1008 : i32
      %sign3A_1010 = arith.constant 0 : i32
      %sign3A_1011 = arith.cmpi sgt, %jit3A_1001, %sign3A_1010 : i32
      %sign3A_1012 = arith.extui %sign3A_1011 : i1 to i32
      %sign3A_1013 = arith.constant 0 : i32
      %sign3A_1014 = arith.cmpi slt, %jit3A_1001, %sign3A_1013 : i32
      %sign3A_1015 = arith.extui %sign3A_1014 : i1 to i32
      %sign3A_1016 = arith.subi %sign3A_1012, %sign3A_1015 : i32
      %ne3A_1017 = arith.cmpi ne, %sign3A_1009, %sign3A_1016 : i32
      %rem3A_1018 = arith.remsi %add3A_1000, %jit3A_1001 : i32
      %ne3A_1019 = arith.constant 0 : i32
      %ne3A_1020 = arith.cmpi ne, %rem3A_1018, %ne3A_1019 : i32
      %and3A_1021 = arith.andi %ne3A_1017, %ne3A_1020 : i1
      %sub3A_1022 = arith.constant 1 : i32
      %sub3A_1023 = arith.subi %div3A_1002, %sub3A_1022 : i32
      %select_n3A_1024 = arith.select %and3A_1021, %sub3A_1023, %div3A_1002 : i32
      %jit3A_1025 = arith.constant 8 : i32
      %eq3A_1026 = arith.constant 0 : i32
      %eq3A_1027 = arith.cmpi eq, %jit3A_1025, %eq3A_1026 : i32
      %jit3A_1028 = arith.constant 1 : i32
      %select_n3A_1029 = arith.select %eq3A_1027, %jit3A_1028, %jit3A_1025 : i32
      %rem3A_1030 = arith.remsi %add3A_1000, %select_n3A_1029 : i32
      %ne3A_1031 = arith.constant 0 : i32
      %ne3A_1032 = arith.cmpi ne, %rem3A_1030, %ne3A_1031 : i32
      %lt3A_1033 = arith.constant 0 : i32
      %lt3A_1034 = arith.cmpi slt, %rem3A_1030, %lt3A_1033 : i32
      %lt3A_1035 = arith.constant 0 : i32
      %lt3A_1036 = arith.cmpi slt, %select_n3A_1029, %lt3A_1035 : i32
      %ne3A_1037 = arith.xori %lt3A_1034, %lt3A_1036 : i1
      %and3A_1038 = arith.andi %ne3A_1037, %ne3A_1032 : i1
      %add3A_1039 = arith.addi %rem3A_1030, %select_n3A_1029 : i32
      %select_n3A_1040 = arith.select %and3A_1038, %add3A_1039, %rem3A_1030 : i32
      %broadcast_in_dim3A_1041 = arith.constant 0.000000e+00 : f32
      %broadcast_in_dim3A_1042 = vector.broadcast %broadcast_in_dim3A_1041 : f32 to vector<16xf32>
      %get3A_1043 = arith.index_cast %select_n3A_1024 : i32 to index
      %get3A_1044 = arith.index_cast %select_n3A_1040 : i32 to index
      %get3A_1045 = arith.constant 0 : index
      %get3A_1046 = tpu.vector_load %arg8[%get3A_1043, %get3A_1044, %get3A_1045] {strides = array<i32>} : memref<32x8x64xf32, #tpu.memory_space<vmem>>, vector<16xf32>,
      %get3A_1047 = arith.index_cast %select_n3A_1024 : i32 to index
      %get3A_1048 = arith.index_cast %select_n3A_1040 : i32 to index
      %get3A_1049 = arith.constant 0 : index
      %get3A_1050 = tpu.vector_load %arg9[%get3A_1047, %get3A_1048, %get3A_1049] {strides = array<i32>} : memref<32x8x64xf32, #tpu.memory_space<vmem>>, vector<16xf32>,
      %mul3A_1051 = arith.mulf %get3A_1046, %get3A_1050 : vector<16xf32>
      %add3A_1052 = arith.addf %broadcast_in_dim3A_1042, %mul3A_1051 : vector<16xf32>
      %get3A_1053 = arith.index_cast %select_n3A_1024 : i32 to index
      %get3A_1054 = arith.index_cast %select_n3A_1040 : i32 to index
      %get3A_1055 = arith.constant 16 : index
      %get3A_1056 = tpu.vector_load %arg8[%get3A_1053, %get3A_1054, %get3A_1055] {strides = array<i32>} : memref<32x8x64xf32, #tpu.memory_space<vmem>>, vector<16xf32>,
      %get3A_1057 = arith.index_cast %select_n3A_1024 : i32 to index
      %get3A_1058 = arith.index_cast %select_n3A_1040 : i32 to index
      %get3A_1059 = arith.constant 16 : index
      %get3A_1060 = tpu.vector_load %arg9[%get3A_1057, %get3A_1058, %get3A_1059] {strides = array<i32>} : memref<32x8x64xf32, #tpu.memory_space<vmem>>, vector<16xf32>,
      %mul3A_1061 = arith.mulf %get3A_1056, %get3A_1060 : vector<16xf32>
      %add3A_1062 = arith.addf %add3A_1052, %mul3A_1061 : vector<16xf32>
      %get3A_1063 = arith.index_cast %select_n3A_1024 : i32 to index
      %get3A_1064 = arith.index_cast %select_n3A_1040 : i32 to index
      %get3A_1065 = arith.constant 32 : index
      %get3A_1066 = tpu.vector_load %arg8[%get3A_1063, %get3A_1064, %get3A_1065] {strides = array<i32>} : memref<32x8x64xf32, #tpu.memory_space<vmem>>, vector<16xf32>,
      %get3A_1067 = arith.index_cast %select_n3A_1024 : i32 to index
      %get3A_1068 = arith.index_cast %select_n3A_1040 : i32 to index
      %get3A_1069 = arith.constant 32 : index
      %get3A_1070 = tpu.vector_load %arg9[%get3A_1067, %get3A_1068, %get3A_1069] {strides = array<i32>} : memref<32x8x64xf32, #tpu.memory_space<vmem>>, vector<16xf32>,
      %mul3A_1071 = arith.mulf %get3A_1066, %get3A_1070 : vector<16xf32>
      %add3A_1072 = arith.addf %add3A_1062, %mul3A_1071 : vector<16xf32>
      %get3A_1073 = arith.index_cast %select_n3A_1024 : i32 to index
      %get3A_1074 = arith.index_cast %select_n3A_1040 : i32 to index
      %get3A_1075 = arith.constant 48 : index
      %get3A_1076 = tpu.vector_load %arg8[%get3A_1073, %get3A_1074, %get3A_1075] {strides = array<i32>} : memref<32x8x64xf32, #tpu.memory_space<vmem>>, vector<16xf32>,
      %get3A_1077 = arith.index_cast %select_n3A_1024 : i32 to index
      %get3A_1078 = arith.index_cast %select_n3A_1040 : i32 to index
      %get3A_1079 = arith.constant 48 : index
      %get3A_1080 = tpu.vector_load %arg9[%get3A_1077, %get3A_1078, %get3A_1079] {strides = array<i32>} : memref<32x8x64xf32, #tpu.memory_space<vmem>>, vector<16xf32>,
      %mul3A_1081 = arith.mulf %get3A_1076, %get3A_1080 : vector<16xf32>
      %add3A_1082 = arith.addf %add3A_1072, %mul3A_1081 : vector<16xf32>
      %eq3A_1083 = arith.constant 10 : i32
      %eq3A_1084 = vector.broadcast %eq3A_1083 : i32 to vector<16xi32>
      %eq3A_1085 = arith.cmpi eq, %iota3A, %eq3A_1084 : vector<16xi32>
      %reduce_sum3A_1086 = arith.constant true
      %reduce_sum3A_1087 = vector.broadcast %reduce_sum3A_1086 : i1 to vector<16xi1>
      %reduce_sum3A_1088 = tpu.scan <sum>, %add3A_1082 masked %reduce_sum3A_1087 : vector<16xf32>, vector<16xi1> -> vector<16xf32>
      %reduce_sum3A_1089 = vector.extract %reduce_sum3A_1088[15] : f32 from vector<16xf32>
      %broadcast_in_dim3A_1090 = vector.broadcast %reduce_sum3A_1089 : f32 to vector<16xf32>
      %select_n3A_1091 = arith.select %eq3A_1085, %broadcast_in_dim3A_1090, %select_n3A_996 : vector<16xi1>, vector<16xf32>
      %mul3A_1092 = arith.constant 16 : i32
      %mul3A_1093 = arith.muli %scan3A_57, %mul3A_1092 : i32
      %add3A_1094 = arith.constant 11 : i32
      %add3A_1095 = arith.addi %mul3A_1093, %add3A_1094 : i32
      %jit3A_1096 = arith.constant 8 : i32
      %div3A_1097 = arith.divsi %add3A_1095, %jit3A_1096 : i32
      %sign3A_1098 = arith.constant 0 : i32
      %sign3A_1099 = arith.cmpi sgt, %add3A_1095, %sign3A_1098 : i32
      %sign3A_1100 = arith.extui %sign3A_1099 : i1 to i32
      %sign3A_1101 = arith.constant 0 : i32
      %sign3A_1102 = arith.cmpi slt, %add3A_1095, %sign3A_1101 : i32
      %sign3A_1103 = arith.extui %sign3A_1102 : i1 to i32
      %sign3A_1104 = arith.subi %sign3A_1100, %sign3A_1103 : i32
      %sign3A_1105 = arith.constant 0 : i32
      %sign3A_1106 = arith.cmpi sgt, %jit3A_1096, %sign3A_1105 : i32
      %sign3A_1107 = arith.extui %sign3A_1106 : i1 to i32
      %sign3A_1108 = arith.constant 0 : i32
      %sign3A_1109 = arith.cmpi slt, %jit3A_1096, %sign3A_1108 : i32
      %sign3A_1110 = arith.extui %sign3A_1109 : i1 to i32
      %sign3A_1111 = arith.subi %sign3A_1107, %sign3A_1110 : i32
      %ne3A_1112 = arith.cmpi ne, %sign3A_1104, %sign3A_1111 : i32
      %rem3A_1113 = arith.remsi %add3A_1095, %jit3A_1096 : i32
      %ne3A_1114 = arith.constant 0 : i32
      %ne3A_1115 = arith.cmpi ne, %rem3A_1113, %ne3A_1114 : i32
      %and3A_1116 = arith.andi %ne3A_1112, %ne3A_1115 : i1
      %sub3A_1117 = arith.constant 1 : i32
      %sub3A_1118 = arith.subi %div3A_1097, %sub3A_1117 : i32
      %select_n3A_1119 = arith.select %and3A_1116, %sub3A_1118, %div3A_1097 : i32
      %jit3A_1120 = arith.constant 8 : i32
      %eq3A_1121 = arith.constant 0 : i32
      %eq3A_1122 = arith.cmpi eq, %jit3A_1120, %eq3A_1121 : i32
      %jit3A_1123 = arith.constant 1 : i32
      %select_n3A_1124 = arith.select %eq3A_1122, %jit3A_1123, %jit3A_1120 : i32
      %rem3A_1125 = arith.remsi %add3A_1095, %select_n3A_1124 : i32
      %ne3A_1126 = arith.constant 0 : i32
      %ne3A_1127 = arith.cmpi ne, %rem3A_1125, %ne3A_1126 : i32
      %lt3A_1128 = arith.constant 0 : i32
      %lt3A_1129 = arith.cmpi slt, %rem3A_1125, %lt3A_1128 : i32
      %lt3A_1130 = arith.constant 0 : i32
      %lt3A_1131 = arith.cmpi slt, %select_n3A_1124, %lt3A_1130 : i32
      %ne3A_1132 = arith.xori %lt3A_1129, %lt3A_1131 : i1
      %and3A_1133 = arith.andi %ne3A_1132, %ne3A_1127 : i1
      %add3A_1134 = arith.addi %rem3A_1125, %select_n3A_1124 : i32
      %select_n3A_1135 = arith.select %and3A_1133, %add3A_1134, %rem3A_1125 : i32
      %broadcast_in_dim3A_1136 = arith.constant 0.000000e+00 : f32
      %broadcast_in_dim3A_1137 = vector.broadcast %broadcast_in_dim3A_1136 : f32 to vector<16xf32>
      %get3A_1138 = arith.index_cast %select_n3A_1119 : i32 to index
      %get3A_1139 = arith.index_cast %select_n3A_1135 : i32 to index
      %get3A_1140 = arith.constant 0 : index
      %get3A_1141 = tpu.vector_load %arg8[%get3A_1138, %get3A_1139, %get3A_1140] {strides = array<i32>} : memref<32x8x64xf32, #tpu.memory_space<vmem>>, vector<16xf32>,
      %get3A_1142 = arith.index_cast %select_n3A_1119 : i32 to index
      %get3A_1143 = arith.index_cast %select_n3A_1135 : i32 to index
      %get3A_1144 = arith.constant 0 : index
      %get3A_1145 = tpu.vector_load %arg9[%get3A_1142, %get3A_1143, %get3A_1144] {strides = array<i32>} : memref<32x8x64xf32, #tpu.memory_space<vmem>>, vector<16xf32>,
      %mul3A_1146 = arith.mulf %get3A_1141, %get3A_1145 : vector<16xf32>
      %add3A_1147 = arith.addf %broadcast_in_dim3A_1137, %mul3A_1146 : vector<16xf32>
      %get3A_1148 = arith.index_cast %select_n3A_1119 : i32 to index
      %get3A_1149 = arith.index_cast %select_n3A_1135 : i32 to index
      %get3A_1150 = arith.constant 16 : index
      %get3A_1151 = tpu.vector_load %arg8[%get3A_1148, %get3A_1149, %get3A_1150] {strides = array<i32>} : memref<32x8x64xf32, #tpu.memory_space<vmem>>, vector<16xf32>,
      %get3A_1152 = arith.index_cast %select_n3A_1119 : i32 to index
      %get3A_1153 = arith.index_cast %select_n3A_1135 : i32 to index
      %get3A_1154 = arith.constant 16 : index
      %get3A_1155 = tpu.vector_load %arg9[%get3A_1152, %get3A_1153, %get3A_1154] {strides = array<i32>} : memref<32x8x64xf32, #tpu.memory_space<vmem>>, vector<16xf32>,
      %mul3A_1156 = arith.mulf %get3A_1151, %get3A_1155 : vector<16xf32>
      %add3A_1157 = arith.addf %add3A_1147, %mul3A_1156 : vector<16xf32>
      %get3A_1158 = arith.index_cast %select_n3A_1119 : i32 to index
      %get3A_1159 = arith.index_cast %select_n3A_1135 : i32 to index
      %get3A_1160 = arith.constant 32 : index
      %get3A_1161 = tpu.vector_load %arg8[%get3A_1158, %get3A_1159, %get3A_1160] {strides = array<i32>} : memref<32x8x64xf32, #tpu.memory_space<vmem>>, vector<16xf32>,
      %get3A_1162 = arith.index_cast %select_n3A_1119 : i32 to index
      %get3A_1163 = arith.index_cast %select_n3A_1135 : i32 to index
      %get3A_1164 = arith.constant 32 : index
      %get3A_1165 = tpu.vector_load %arg9[%get3A_1162, %get3A_1163, %get3A_1164] {strides = array<i32>} : memref<32x8x64xf32, #tpu.memory_space<vmem>>, vector<16xf32>,
      %mul3A_1166 = arith.mulf %get3A_1161, %get3A_1165 : vector<16xf32>
      %add3A_1167 = arith.addf %add3A_1157, %mul3A_1166 : vector<16xf32>
      %get3A_1168 = arith.index_cast %select_n3A_1119 : i32 to index
      %get3A_1169 = arith.index_cast %select_n3A_1135 : i32 to index
      %get3A_1170 = arith.constant 48 : index
      %get3A_1171 = tpu.vector_load %arg8[%get3A_1168, %get3A_1169, %get3A_1170] {strides = array<i32>} : memref<32x8x64xf32, #tpu.memory_space<vmem>>, vector<16xf32>,
      %get3A_1172 = arith.index_cast %select_n3A_1119 : i32 to index
      %get3A_1173 = arith.index_cast %select_n3A_1135 : i32 to index
      %get3A_1174 = arith.constant 48 : index
      %get3A_1175 = tpu.vector_load %arg9[%get3A_1172, %get3A_1173, %get3A_1174] {strides = array<i32>} : memref<32x8x64xf32, #tpu.memory_space<vmem>>, vector<16xf32>,
      %mul3A_1176 = arith.mulf %get3A_1171, %get3A_1175 : vector<16xf32>
      %add3A_1177 = arith.addf %add3A_1167, %mul3A_1176 : vector<16xf32>
      %eq3A_1178 = arith.constant 11 : i32
      %eq3A_1179 = vector.broadcast %eq3A_1178 : i32 to vector<16xi32>
      %eq3A_1180 = arith.cmpi eq, %iota3A, %eq3A_1179 : vector<16xi32>
      %reduce_sum3A_1181 = arith.constant true
      %reduce_sum3A_1182 = vector.broadcast %reduce_sum3A_1181 : i1 to vector<16xi1>
      %reduce_sum3A_1183 = tpu.scan <sum>, %add3A_1177 masked %reduce_sum3A_1182 : vector<16xf32>, vector<16xi1> -> vector<16xf32>
      %reduce_sum3A_1184 = vector.extract %reduce_sum3A_1183[15] : f32 from vector<16xf32>
      %broadcast_in_dim3A_1185 = vector.broadcast %reduce_sum3A_1184 : f32 to vector<16xf32>
      %select_n3A_1186 = arith.select %eq3A_1180, %broadcast_in_dim3A_1185, %select_n3A_1091 : vector<16xi1>, vector<16xf32>
      %mul3A_1187 = arith.constant 16 : i32
      %mul3A_1188 = arith.muli %scan3A_57, %mul3A_1187 : i32
      %add3A_1189 = arith.constant 12 : i32
      %add3A_1190 = arith.addi %mul3A_1188, %add3A_1189 : i32
      %jit3A_1191 = arith.constant 8 : i32
      %div3A_1192 = arith.divsi %add3A_1190, %jit3A_1191 : i32
      %sign3A_1193 = arith.constant 0 : i32
      %sign3A_1194 = arith.cmpi sgt, %add3A_1190, %sign3A_1193 : i32
      %sign3A_1195 = arith.extui %sign3A_1194 : i1 to i32
      %sign3A_1196 = arith.constant 0 : i32
      %sign3A_1197 = arith.cmpi slt, %add3A_1190, %sign3A_1196 : i32
      %sign3A_1198 = arith.extui %sign3A_1197 : i1 to i32
      %sign3A_1199 = arith.subi %sign3A_1195, %sign3A_1198 : i32
      %sign3A_1200 = arith.constant 0 : i32
      %sign3A_1201 = arith.cmpi sgt, %jit3A_1191, %sign3A_1200 : i32
      %sign3A_1202 = arith.extui %sign3A_1201 : i1 to i32
      %sign3A_1203 = arith.constant 0 : i32
      %sign3A_1204 = arith.cmpi slt, %jit3A_1191, %sign3A_1203 : i32
      %sign3A_1205 = arith.extui %sign3A_1204 : i1 to i32
      %sign3A_1206 = arith.subi %sign3A_1202, %sign3A_1205 : i32
      %ne3A_1207 = arith.cmpi ne, %sign3A_1199, %sign3A_1206 : i32
      %rem3A_1208 = arith.remsi %add3A_1190, %jit3A_1191 : i32
      %ne3A_1209 = arith.constant 0 : i32
      %ne3A_1210 = arith.cmpi ne, %rem3A_1208, %ne3A_1209 : i32
      %and3A_1211 = arith.andi %ne3A_1207, %ne3A_1210 : i1
      %sub3A_1212 = arith.constant 1 : i32
      %sub3A_1213 = arith.subi %div3A_1192, %sub3A_1212 : i32
      %select_n3A_1214 = arith.select %and3A_1211, %sub3A_1213, %div3A_1192 : i32
      %jit3A_1215 = arith.constant 8 : i32
      %eq3A_1216 = arith.constant 0 : i32
      %eq3A_1217 = arith.cmpi eq, %jit3A_1215, %eq3A_1216 : i32
      %jit3A_1218 = arith.constant 1 : i32
      %select_n3A_1219 = arith.select %eq3A_1217, %jit3A_1218, %jit3A_1215 : i32
      %rem3A_1220 = arith.remsi %add3A_1190, %select_n3A_1219 : i32
      %ne3A_1221 = arith.constant 0 : i32
      %ne3A_1222 = arith.cmpi ne, %rem3A_1220, %ne3A_1221 : i32
      %lt3A_1223 = arith.constant 0 : i32
      %lt3A_1224 = arith.cmpi slt, %rem3A_1220, %lt3A_1223 : i32
      %lt3A_1225 = arith.constant 0 : i32
      %lt3A_1226 = arith.cmpi slt, %select_n3A_1219, %lt3A_1225 : i32
      %ne3A_1227 = arith.xori %lt3A_1224, %lt3A_1226 : i1
      %and3A_1228 = arith.andi %ne3A_1227, %ne3A_1222 : i1
      %add3A_1229 = arith.addi %rem3A_1220, %select_n3A_1219 : i32
      %select_n3A_1230 = arith.select %and3A_1228, %add3A_1229, %rem3A_1220 : i32
      %broadcast_in_dim3A_1231 = arith.constant 0.000000e+00 : f32
      %broadcast_in_dim3A_1232 = vector.broadcast %broadcast_in_dim3A_1231 : f32 to vector<16xf32>
      %get3A_1233 = arith.index_cast %select_n3A_1214 : i32 to index
      %get3A_1234 = arith.index_cast %select_n3A_1230 : i32 to index
      %get3A_1235 = arith.constant 0 : index
      %get3A_1236 = tpu.vector_load %arg8[%get3A_1233, %get3A_1234, %get3A_1235] {strides = array<i32>} : memref<32x8x64xf32, #tpu.memory_space<vmem>>, vector<16xf32>,
      %get3A_1237 = arith.index_cast %select_n3A_1214 : i32 to index
      %get3A_1238 = arith.index_cast %select_n3A_1230 : i32 to index
      %get3A_1239 = arith.constant 0 : index
      %get3A_1240 = tpu.vector_load %arg9[%get3A_1237, %get3A_1238, %get3A_1239] {strides = array<i32>} : memref<32x8x64xf32, #tpu.memory_space<vmem>>, vector<16xf32>,
      %mul3A_1241 = arith.mulf %get3A_1236, %get3A_1240 : vector<16xf32>
      %add3A_1242 = arith.addf %broadcast_in_dim3A_1232, %mul3A_1241 : vector<16xf32>
      %get3A_1243 = arith.index_cast %select_n3A_1214 : i32 to index
      %get3A_1244 = arith.index_cast %select_n3A_1230 : i32 to index
      %get3A_1245 = arith.constant 16 : index
      %get3A_1246 = tpu.vector_load %arg8[%get3A_1243, %get3A_1244, %get3A_1245] {strides = array<i32>} : memref<32x8x64xf32, #tpu.memory_space<vmem>>, vector<16xf32>,
      %get3A_1247 = arith.index_cast %select_n3A_1214 : i32 to index
      %get3A_1248 = arith.index_cast %select_n3A_1230 : i32 to index
      %get3A_1249 = arith.constant 16 : index
      %get3A_1250 = tpu.vector_load %arg9[%get3A_1247, %get3A_1248, %get3A_1249] {strides = array<i32>} : memref<32x8x64xf32, #tpu.memory_space<vmem>>, vector<16xf32>,
      %mul3A_1251 = arith.mulf %get3A_1246, %get3A_1250 : vector<16xf32>
      %add3A_1252 = arith.addf %add3A_1242, %mul3A_1251 : vector<16xf32>
      %get3A_1253 = arith.index_cast %select_n3A_1214 : i32 to index
      %get3A_1254 = arith.index_cast %select_n3A_1230 : i32 to index
      %get3A_1255 = arith.constant 32 : index
      %get3A_1256 = tpu.vector_load %arg8[%get3A_1253, %get3A_1254, %get3A_1255] {strides = array<i32>} : memref<32x8x64xf32, #tpu.memory_space<vmem>>, vector<16xf32>,
      %get3A_1257 = arith.index_cast %select_n3A_1214 : i32 to index
      %get3A_1258 = arith.index_cast %select_n3A_1230 : i32 to index
      %get3A_1259 = arith.constant 32 : index
      %get3A_1260 = tpu.vector_load %arg9[%get3A_1257, %get3A_1258, %get3A_1259] {strides = array<i32>} : memref<32x8x64xf32, #tpu.memory_space<vmem>>, vector<16xf32>,
      %mul3A_1261 = arith.mulf %get3A_1256, %get3A_1260 : vector<16xf32>
      %add3A_1262 = arith.addf %add3A_1252, %mul3A_1261 : vector<16xf32>
      %get3A_1263 = arith.index_cast %select_n3A_1214 : i32 to index
      %get3A_1264 = arith.index_cast %select_n3A_1230 : i32 to index
      %get3A_1265 = arith.constant 48 : index
      %get3A_1266 = tpu.vector_load %arg8[%get3A_1263, %get3A_1264, %get3A_1265] {strides = array<i32>} : memref<32x8x64xf32, #tpu.memory_space<vmem>>, vector<16xf32>,
      %get3A_1267 = arith.index_cast %select_n3A_1214 : i32 to index
      %get3A_1268 = arith.index_cast %select_n3A_1230 : i32 to index
      %get3A_1269 = arith.constant 48 : index
      %get3A_1270 = tpu.vector_load %arg9[%get3A_1267, %get3A_1268, %get3A_1269] {strides = array<i32>} : memref<32x8x64xf32, #tpu.memory_space<vmem>>, vector<16xf32>,
      %mul3A_1271 = arith.mulf %get3A_1266, %get3A_1270 : vector<16xf32>
      %add3A_1272 = arith.addf %add3A_1262, %mul3A_1271 : vector<16xf32>
      %eq3A_1273 = arith.constant 12 : i32
      %eq3A_1274 = vector.broadcast %eq3A_1273 : i32 to vector<16xi32>
      %eq3A_1275 = arith.cmpi eq, %iota3A, %eq3A_1274 : vector<16xi32>
      %reduce_sum3A_1276 = arith.constant true
      %reduce_sum3A_1277 = vector.broadcast %reduce_sum3A_1276 : i1 to vector<16xi1>
      %reduce_sum3A_1278 = tpu.scan <sum>, %add3A_1272 masked %reduce_sum3A_1277 : vector<16xf32>, vector<16xi1> -> vector<16xf32>
      %reduce_sum3A_1279 = vector.extract %reduce_sum3A_1278[15] : f32 from vector<16xf32>
      %broadcast_in_dim3A_1280 = vector.broadcast %reduce_sum3A_1279 : f32 to vector<16xf32>
      %select_n3A_1281 = arith.select %eq3A_1275, %broadcast_in_dim3A_1280, %select_n3A_1186 : vector<16xi1>, vector<16xf32>
      %mul3A_1282 = arith.constant 16 : i32
      %mul3A_1283 = arith.muli %scan3A_57, %mul3A_1282 : i32
      %add3A_1284 = arith.constant 13 : i32
      %add3A_1285 = arith.addi %mul3A_1283, %add3A_1284 : i32
      %jit3A_1286 = arith.constant 8 : i32
      %div3A_1287 = arith.divsi %add3A_1285, %jit3A_1286 : i32
      %sign3A_1288 = arith.constant 0 : i32
      %sign3A_1289 = arith.cmpi sgt, %add3A_1285, %sign3A_1288 : i32
      %sign3A_1290 = arith.extui %sign3A_1289 : i1 to i32
      %sign3A_1291 = arith.constant 0 : i32
      %sign3A_1292 = arith.cmpi slt, %add3A_1285, %sign3A_1291 : i32
      %sign3A_1293 = arith.extui %sign3A_1292 : i1 to i32
      %sign3A_1294 = arith.subi %sign3A_1290, %sign3A_1293 : i32
      %sign3A_1295 = arith.constant 0 : i32
      %sign3A_1296 = arith.cmpi sgt, %jit3A_1286, %sign3A_1295 : i32
      %sign3A_1297 = arith.extui %sign3A_1296 : i1 to i32
      %sign3A_1298 = arith.constant 0 : i32
      %sign3A_1299 = arith.cmpi slt, %jit3A_1286, %sign3A_1298 : i32
      %sign3A_1300 = arith.extui %sign3A_1299 : i1 to i32
      %sign3A_1301 = arith.subi %sign3A_1297, %sign3A_1300 : i32
      %ne3A_1302 = arith.cmpi ne, %sign3A_1294, %sign3A_1301 : i32
      %rem3A_1303 = arith.remsi %add3A_1285, %jit3A_1286 : i32
      %ne3A_1304 = arith.constant 0 : i32
      %ne3A_1305 = arith.cmpi ne, %rem3A_1303, %ne3A_1304 : i32
      %and3A_1306 = arith.andi %ne3A_1302, %ne3A_1305 : i1
      %sub3A_1307 = arith.constant 1 : i32
      %sub3A_1308 = arith.subi %div3A_1287, %sub3A_1307 : i32
      %select_n3A_1309 = arith.select %and3A_1306, %sub3A_1308, %div3A_1287 : i32
      %jit3A_1310 = arith.constant 8 : i32
      %eq3A_1311 = arith.constant 0 : i32
      %eq3A_1312 = arith.cmpi eq, %jit3A_1310, %eq3A_1311 : i32
      %jit3A_1313 = arith.constant 1 : i32
      %select_n3A_1314 = arith.select %eq3A_1312, %jit3A_1313, %jit3A_1310 : i32
      %rem3A_1315 = arith.remsi %add3A_1285, %select_n3A_1314 : i32
      %ne3A_1316 = arith.constant 0 : i32
      %ne3A_1317 = arith.cmpi ne, %rem3A_1315, %ne3A_1316 : i32
      %lt3A_1318 = arith.constant 0 : i32
      %lt3A_1319 = arith.cmpi slt, %rem3A_1315, %lt3A_1318 : i32
      %lt3A_1320 = arith.constant 0 : i32
      %lt3A_1321 = arith.cmpi slt, %select_n3A_1314, %lt3A_1320 : i32
      %ne3A_1322 = arith.xori %lt3A_1319, %lt3A_1321 : i1
      %and3A_1323 = arith.andi %ne3A_1322, %ne3A_1317 : i1
      %add3A_1324 = arith.addi %rem3A_1315, %select_n3A_1314 : i32
      %select_n3A_1325 = arith.select %and3A_1323, %add3A_1324, %rem3A_1315 : i32
      %broadcast_in_dim3A_1326 = arith.constant 0.000000e+00 : f32
      %broadcast_in_dim3A_1327 = vector.broadcast %broadcast_in_dim3A_1326 : f32 to vector<16xf32>
      %get3A_1328 = arith.index_cast %select_n3A_1309 : i32 to index
      %get3A_1329 = arith.index_cast %select_n3A_1325 : i32 to index
      %get3A_1330 = arith.constant 0 : index
      %get3A_1331 = tpu.vector_load %arg8[%get3A_1328, %get3A_1329, %get3A_1330] {strides = array<i32>} : memref<32x8x64xf32, #tpu.memory_space<vmem>>, vector<16xf32>,
      %get3A_1332 = arith.index_cast %select_n3A_1309 : i32 to index
      %get3A_1333 = arith.index_cast %select_n3A_1325 : i32 to index
      %get3A_1334 = arith.constant 0 : index
      %get3A_1335 = tpu.vector_load %arg9[%get3A_1332, %get3A_1333, %get3A_1334] {strides = array<i32>} : memref<32x8x64xf32, #tpu.memory_space<vmem>>, vector<16xf32>,
      %mul3A_1336 = arith.mulf %get3A_1331, %get3A_1335 : vector<16xf32>
      %add3A_1337 = arith.addf %broadcast_in_dim3A_1327, %mul3A_1336 : vector<16xf32>
      %get3A_1338 = arith.index_cast %select_n3A_1309 : i32 to index
      %get3A_1339 = arith.index_cast %select_n3A_1325 : i32 to index
      %get3A_1340 = arith.constant 16 : index
      %get3A_1341 = tpu.vector_load %arg8[%get3A_1338, %get3A_1339, %get3A_1340] {strides = array<i32>} : memref<32x8x64xf32, #tpu.memory_space<vmem>>, vector<16xf32>,
      %get3A_1342 = arith.index_cast %select_n3A_1309 : i32 to index
      %get3A_1343 = arith.index_cast %select_n3A_1325 : i32 to index
      %get3A_1344 = arith.constant 16 : index
      %get3A_1345 = tpu.vector_load %arg9[%get3A_1342, %get3A_1343, %get3A_1344] {strides = array<i32>} : memref<32x8x64xf32, #tpu.memory_space<vmem>>, vector<16xf32>,
      %mul3A_1346 = arith.mulf %get3A_1341, %get3A_1345 : vector<16xf32>
      %add3A_1347 = arith.addf %add3A_1337, %mul3A_1346 : vector<16xf32>
      %get3A_1348 = arith.index_cast %select_n3A_1309 : i32 to index
      %get3A_1349 = arith.index_cast %select_n3A_1325 : i32 to index
      %get3A_1350 = arith.constant 32 : index
      %get3A_1351 = tpu.vector_load %arg8[%get3A_1348, %get3A_1349, %get3A_1350] {strides = array<i32>} : memref<32x8x64xf32, #tpu.memory_space<vmem>>, vector<16xf32>,
      %get3A_1352 = arith.index_cast %select_n3A_1309 : i32 to index
      %get3A_1353 = arith.index_cast %select_n3A_1325 : i32 to index
      %get3A_1354 = arith.constant 32 : index
      %get3A_1355 = tpu.vector_load %arg9[%get3A_1352, %get3A_1353, %get3A_1354] {strides = array<i32>} : memref<32x8x64xf32, #tpu.memory_space<vmem>>, vector<16xf32>,
      %mul3A_1356 = arith.mulf %get3A_1351, %get3A_1355 : vector<16xf32>
      %add3A_1357 = arith.addf %add3A_1347, %mul3A_1356 : vector<16xf32>
      %get3A_1358 = arith.index_cast %select_n3A_1309 : i32 to index
      %get3A_1359 = arith.index_cast %select_n3A_1325 : i32 to index
      %get3A_1360 = arith.constant 48 : index
      %get3A_1361 = tpu.vector_load %arg8[%get3A_1358, %get3A_1359, %get3A_1360] {strides = array<i32>} : memref<32x8x64xf32, #tpu.memory_space<vmem>>, vector<16xf32>,
      %get3A_1362 = arith.index_cast %select_n3A_1309 : i32 to index
      %get3A_1363 = arith.index_cast %select_n3A_1325 : i32 to index
      %get3A_1364 = arith.constant 48 : index
      %get3A_1365 = tpu.vector_load %arg9[%get3A_1362, %get3A_1363, %get3A_1364] {strides = array<i32>} : memref<32x8x64xf32, #tpu.memory_space<vmem>>, vector<16xf32>,
      %mul3A_1366 = arith.mulf %get3A_1361, %get3A_1365 : vector<16xf32>
      %add3A_1367 = arith.addf %add3A_1357, %mul3A_1366 : vector<16xf32>
      %eq3A_1368 = arith.constant 13 : i32
      %eq3A_1369 = vector.broadcast %eq3A_1368 : i32 to vector<16xi32>
      %eq3A_1370 = arith.cmpi eq, %iota3A, %eq3A_1369 : vector<16xi32>
      %reduce_sum3A_1371 = arith.constant true
      %reduce_sum3A_1372 = vector.broadcast %reduce_sum3A_1371 : i1 to vector<16xi1>
      %reduce_sum3A_1373 = tpu.scan <sum>, %add3A_1367 masked %reduce_sum3A_1372 : vector<16xf32>, vector<16xi1> -> vector<16xf32>
      %reduce_sum3A_1374 = vector.extract %reduce_sum3A_1373[15] : f32 from vector<16xf32>
      %broadcast_in_dim3A_1375 = vector.broadcast %reduce_sum3A_1374 : f32 to vector<16xf32>
      %select_n3A_1376 = arith.select %eq3A_1370, %broadcast_in_dim3A_1375, %select_n3A_1281 : vector<16xi1>, vector<16xf32>
      %mul3A_1377 = arith.constant 16 : i32
      %mul3A_1378 = arith.muli %scan3A_57, %mul3A_1377 : i32
      %add3A_1379 = arith.constant 14 : i32
      %add3A_1380 = arith.addi %mul3A_1378, %add3A_1379 : i32
      %jit3A_1381 = arith.constant 8 : i32
      %div3A_1382 = arith.divsi %add3A_1380, %jit3A_1381 : i32
      %sign3A_1383 = arith.constant 0 : i32
      %sign3A_1384 = arith.cmpi sgt, %add3A_1380, %sign3A_1383 : i32
      %sign3A_1385 = arith.extui %sign3A_1384 : i1 to i32
      %sign3A_1386 = arith.constant 0 : i32
      %sign3A_1387 = arith.cmpi slt, %add3A_1380, %sign3A_1386 : i32
      %sign3A_1388 = arith.extui %sign3A_1387 : i1 to i32
      %sign3A_1389 = arith.subi %sign3A_1385, %sign3A_1388 : i32
      %sign3A_1390 = arith.constant 0 : i32
      %sign3A_1391 = arith.cmpi sgt, %jit3A_1381, %sign3A_1390 : i32
      %sign3A_1392 = arith.extui %sign3A_1391 : i1 to i32
      %sign3A_1393 = arith.constant 0 : i32
      %sign3A_1394 = arith.cmpi slt, %jit3A_1381, %sign3A_1393 : i32
      %sign3A_1395 = arith.extui %sign3A_1394 : i1 to i32
      %sign3A_1396 = arith.subi %sign3A_1392, %sign3A_1395 : i32
      %ne3A_1397 = arith.cmpi ne, %sign3A_1389, %sign3A_1396 : i32
      %rem3A_1398 = arith.remsi %add3A_1380, %jit3A_1381 : i32
      %ne3A_1399 = arith.constant 0 : i32
      %ne3A_1400 = arith.cmpi ne, %rem3A_1398, %ne3A_1399 : i32
      %and3A_1401 = arith.andi %ne3A_1397, %ne3A_1400 : i1
      %sub3A_1402 = arith.constant 1 : i32
      %sub3A_1403 = arith.subi %div3A_1382, %sub3A_1402 : i32
      %select_n3A_1404 = arith.select %and3A_1401, %sub3A_1403, %div3A_1382 : i32
      %jit3A_1405 = arith.constant 8 : i32
      %eq3A_1406 = arith.constant 0 : i32
      %eq3A_1407 = arith.cmpi eq, %jit3A_1405, %eq3A_1406 : i32
      %jit3A_1408 = arith.constant 1 : i32
      %select_n3A_1409 = arith.select %eq3A_1407, %jit3A_1408, %jit3A_1405 : i32
      %rem3A_1410 = arith.remsi %add3A_1380, %select_n3A_1409 : i32
      %ne3A_1411 = arith.constant 0 : i32
      %ne3A_1412 = arith.cmpi ne, %rem3A_1410, %ne3A_1411 : i32
      %lt3A_1413 = arith.constant 0 : i32
      %lt3A_1414 = arith.cmpi slt, %rem3A_1410, %lt3A_1413 : i32
      %lt3A_1415 = arith.constant 0 : i32
      %lt3A_1416 = arith.cmpi slt, %select_n3A_1409, %lt3A_1415 : i32
      %ne3A_1417 = arith.xori %lt3A_1414, %lt3A_1416 : i1
      %and3A_1418 = arith.andi %ne3A_1417, %ne3A_1412 : i1
      %add3A_1419 = arith.addi %rem3A_1410, %select_n3A_1409 : i32
      %select_n3A_1420 = arith.select %and3A_1418, %add3A_1419, %rem3A_1410 : i32
      %broadcast_in_dim3A_1421 = arith.constant 0.000000e+00 : f32
      %broadcast_in_dim3A_1422 = vector.broadcast %broadcast_in_dim3A_1421 : f32 to vector<16xf32>
      %get3A_1423 = arith.index_cast %select_n3A_1404 : i32 to index
      %get3A_1424 = arith.index_cast %select_n3A_1420 : i32 to index
      %get3A_1425 = arith.constant 0 : index
      %get3A_1426 = tpu.vector_load %arg8[%get3A_1423, %get3A_1424, %get3A_1425] {strides = array<i32>} : memref<32x8x64xf32, #tpu.memory_space<vmem>>, vector<16xf32>,
      %get3A_1427 = arith.index_cast %select_n3A_1404 : i32 to index
      %get3A_1428 = arith.index_cast %select_n3A_1420 : i32 to index
      %get3A_1429 = arith.constant 0 : index
      %get3A_1430 = tpu.vector_load %arg9[%get3A_1427, %get3A_1428, %get3A_1429] {strides = array<i32>} : memref<32x8x64xf32, #tpu.memory_space<vmem>>, vector<16xf32>,
      %mul3A_1431 = arith.mulf %get3A_1426, %get3A_1430 : vector<16xf32>
      %add3A_1432 = arith.addf %broadcast_in_dim3A_1422, %mul3A_1431 : vector<16xf32>
      %get3A_1433 = arith.index_cast %select_n3A_1404 : i32 to index
      %get3A_1434 = arith.index_cast %select_n3A_1420 : i32 to index
      %get3A_1435 = arith.constant 16 : index
      %get3A_1436 = tpu.vector_load %arg8[%get3A_1433, %get3A_1434, %get3A_1435] {strides = array<i32>} : memref<32x8x64xf32, #tpu.memory_space<vmem>>, vector<16xf32>,
      %get3A_1437 = arith.index_cast %select_n3A_1404 : i32 to index
      %get3A_1438 = arith.index_cast %select_n3A_1420 : i32 to index
      %get3A_1439 = arith.constant 16 : index
      %get3A_1440 = tpu.vector_load %arg9[%get3A_1437, %get3A_1438, %get3A_1439] {strides = array<i32>} : memref<32x8x64xf32, #tpu.memory_space<vmem>>, vector<16xf32>,
      %mul3A_1441 = arith.mulf %get3A_1436, %get3A_1440 : vector<16xf32>
      %add3A_1442 = arith.addf %add3A_1432, %mul3A_1441 : vector<16xf32>
      %get3A_1443 = arith.index_cast %select_n3A_1404 : i32 to index
      %get3A_1444 = arith.index_cast %select_n3A_1420 : i32 to index
      %get3A_1445 = arith.constant 32 : index
      %get3A_1446 = tpu.vector_load %arg8[%get3A_1443, %get3A_1444, %get3A_1445] {strides = array<i32>} : memref<32x8x64xf32, #tpu.memory_space<vmem>>, vector<16xf32>,
      %get3A_1447 = arith.index_cast %select_n3A_1404 : i32 to index
      %get3A_1448 = arith.index_cast %select_n3A_1420 : i32 to index
      %get3A_1449 = arith.constant 32 : index
      %get3A_1450 = tpu.vector_load %arg9[%get3A_1447, %get3A_1448, %get3A_1449] {strides = array<i32>} : memref<32x8x64xf32, #tpu.memory_space<vmem>>, vector<16xf32>,
      %mul3A_1451 = arith.mulf %get3A_1446, %get3A_1450 : vector<16xf32>
      %add3A_1452 = arith.addf %add3A_1442, %mul3A_1451 : vector<16xf32>
      %get3A_1453 = arith.index_cast %select_n3A_1404 : i32 to index
      %get3A_1454 = arith.index_cast %select_n3A_1420 : i32 to index
      %get3A_1455 = arith.constant 48 : index
      %get3A_1456 = tpu.vector_load %arg8[%get3A_1453, %get3A_1454, %get3A_1455] {strides = array<i32>} : memref<32x8x64xf32, #tpu.memory_space<vmem>>, vector<16xf32>,
      %get3A_1457 = arith.index_cast %select_n3A_1404 : i32 to index
      %get3A_1458 = arith.index_cast %select_n3A_1420 : i32 to index
      %get3A_1459 = arith.constant 48 : index
      %get3A_1460 = tpu.vector_load %arg9[%get3A_1457, %get3A_1458, %get3A_1459] {strides = array<i32>} : memref<32x8x64xf32, #tpu.memory_space<vmem>>, vector<16xf32>,
      %mul3A_1461 = arith.mulf %get3A_1456, %get3A_1460 : vector<16xf32>
      %add3A_1462 = arith.addf %add3A_1452, %mul3A_1461 : vector<16xf32>
      %eq3A_1463 = arith.constant 14 : i32
      %eq3A_1464 = vector.broadcast %eq3A_1463 : i32 to vector<16xi32>
      %eq3A_1465 = arith.cmpi eq, %iota3A, %eq3A_1464 : vector<16xi32>
      %reduce_sum3A_1466 = arith.constant true
      %reduce_sum3A_1467 = vector.broadcast %reduce_sum3A_1466 : i1 to vector<16xi1>
      %reduce_sum3A_1468 = tpu.scan <sum>, %add3A_1462 masked %reduce_sum3A_1467 : vector<16xf32>, vector<16xi1> -> vector<16xf32>
      %reduce_sum3A_1469 = vector.extract %reduce_sum3A_1468[15] : f32 from vector<16xf32>
      %broadcast_in_dim3A_1470 = vector.broadcast %reduce_sum3A_1469 : f32 to vector<16xf32>
      %select_n3A_1471 = arith.select %eq3A_1465, %broadcast_in_dim3A_1470, %select_n3A_1376 : vector<16xi1>, vector<16xf32>
      %mul3A_1472 = arith.constant 16 : i32
      %mul3A_1473 = arith.muli %scan3A_57, %mul3A_1472 : i32
      %add3A_1474 = arith.constant 15 : i32
      %add3A_1475 = arith.addi %mul3A_1473, %add3A_1474 : i32
      %jit3A_1476 = arith.constant 8 : i32
      %div3A_1477 = arith.divsi %add3A_1475, %jit3A_1476 : i32
      %sign3A_1478 = arith.constant 0 : i32
      %sign3A_1479 = arith.cmpi sgt, %add3A_1475, %sign3A_1478 : i32
      %sign3A_1480 = arith.extui %sign3A_1479 : i1 to i32
      %sign3A_1481 = arith.constant 0 : i32
      %sign3A_1482 = arith.cmpi slt, %add3A_1475, %sign3A_1481 : i32
      %sign3A_1483 = arith.extui %sign3A_1482 : i1 to i32
      %sign3A_1484 = arith.subi %sign3A_1480, %sign3A_1483 : i32
      %sign3A_1485 = arith.constant 0 : i32
      %sign3A_1486 = arith.cmpi sgt, %jit3A_1476, %sign3A_1485 : i32
      %sign3A_1487 = arith.extui %sign3A_1486 : i1 to i32
      %sign3A_1488 = arith.constant 0 : i32
      %sign3A_1489 = arith.cmpi slt, %jit3A_1476, %sign3A_1488 : i32
      %sign3A_1490 = arith.extui %sign3A_1489 : i1 to i32
      %sign3A_1491 = arith.subi %sign3A_1487, %sign3A_1490 : i32
      %ne3A_1492 = arith.cmpi ne, %sign3A_1484, %sign3A_1491 : i32
      %rem3A_1493 = arith.remsi %add3A_1475, %jit3A_1476 : i32
      %ne3A_1494 = arith.constant 0 : i32
      %ne3A_1495 = arith.cmpi ne, %rem3A_1493, %ne3A_1494 : i32
      %and3A_1496 = arith.andi %ne3A_1492, %ne3A_1495 : i1
      %sub3A_1497 = arith.constant 1 : i32
      %sub3A_1498 = arith.subi %div3A_1477, %sub3A_1497 : i32
      %select_n3A_1499 = arith.select %and3A_1496, %sub3A_1498, %div3A_1477 : i32
      %jit3A_1500 = arith.constant 8 : i32
      %eq3A_1501 = arith.constant 0 : i32
      %eq3A_1502 = arith.cmpi eq, %jit3A_1500, %eq3A_1501 : i32
      %jit3A_1503 = arith.constant 1 : i32
      %select_n3A_1504 = arith.select %eq3A_1502, %jit3A_1503, %jit3A_1500 : i32
      %rem3A_1505 = arith.remsi %add3A_1475, %select_n3A_1504 : i32
      %ne3A_1506 = arith.constant 0 : i32
      %ne3A_1507 = arith.cmpi ne, %rem3A_1505, %ne3A_1506 : i32
      %lt3A_1508 = arith.constant 0 : i32
      %lt3A_1509 = arith.cmpi slt, %rem3A_1505, %lt3A_1508 : i32
      %lt3A_1510 = arith.constant 0 : i32
      %lt3A_1511 = arith.cmpi slt, %select_n3A_1504, %lt3A_1510 : i32
      %ne3A_1512 = arith.xori %lt3A_1509, %lt3A_1511 : i1
      %and3A_1513 = arith.andi %ne3A_1512, %ne3A_1507 : i1
      %add3A_1514 = arith.addi %rem3A_1505, %select_n3A_1504 : i32
      %select_n3A_1515 = arith.select %and3A_1513, %add3A_1514, %rem3A_1505 : i32
      %broadcast_in_dim3A_1516 = arith.constant 0.000000e+00 : f32
      %broadcast_in_dim3A_1517 = vector.broadcast %broadcast_in_dim3A_1516 : f32 to vector<16xf32>
      %get3A_1518 = arith.index_cast %select_n3A_1499 : i32 to index
      %get3A_1519 = arith.index_cast %select_n3A_1515 : i32 to index
      %get3A_1520 = arith.constant 0 : index
      %get3A_1521 = tpu.vector_load %arg8[%get3A_1518, %get3A_1519, %get3A_1520] {strides = array<i32>} : memref<32x8x64xf32, #tpu.memory_space<vmem>>, vector<16xf32>,
      %get3A_1522 = arith.index_cast %select_n3A_1499 : i32 to index
      %get3A_1523 = arith.index_cast %select_n3A_1515 : i32 to index
      %get3A_1524 = arith.constant 0 : index
      %get3A_1525 = tpu.vector_load %arg9[%get3A_1522, %get3A_1523, %get3A_1524] {strides = array<i32>} : memref<32x8x64xf32, #tpu.memory_space<vmem>>, vector<16xf32>,
      %mul3A_1526 = arith.mulf %get3A_1521, %get3A_1525 : vector<16xf32>
      %add3A_1527 = arith.addf %broadcast_in_dim3A_1517, %mul3A_1526 : vector<16xf32>
      %get3A_1528 = arith.index_cast %select_n3A_1499 : i32 to index
      %get3A_1529 = arith.index_cast %select_n3A_1515 : i32 to index
      %get3A_1530 = arith.constant 16 : index
      %get3A_1531 = tpu.vector_load %arg8[%get3A_1528, %get3A_1529, %get3A_1530] {strides = array<i32>} : memref<32x8x64xf32, #tpu.memory_space<vmem>>, vector<16xf32>,
      %get3A_1532 = arith.index_cast %select_n3A_1499 : i32 to index
      %get3A_1533 = arith.index_cast %select_n3A_1515 : i32 to index
      %get3A_1534 = arith.constant 16 : index
      %get3A_1535 = tpu.vector_load %arg9[%get3A_1532, %get3A_1533, %get3A_1534] {strides = array<i32>} : memref<32x8x64xf32, #tpu.memory_space<vmem>>, vector<16xf32>,
      %mul3A_1536 = arith.mulf %get3A_1531, %get3A_1535 : vector<16xf32>
      %add3A_1537 = arith.addf %add3A_1527, %mul3A_1536 : vector<16xf32>
      %get3A_1538 = arith.index_cast %select_n3A_1499 : i32 to index
      %get3A_1539 = arith.index_cast %select_n3A_1515 : i32 to index
      %get3A_1540 = arith.constant 32 : index
      %get3A_1541 = tpu.vector_load %arg8[%get3A_1538, %get3A_1539, %get3A_1540] {strides = array<i32>} : memref<32x8x64xf32, #tpu.memory_space<vmem>>, vector<16xf32>,
      %get3A_1542 = arith.index_cast %select_n3A_1499 : i32 to index
      %get3A_1543 = arith.index_cast %select_n3A_1515 : i32 to index
      %get3A_1544 = arith.constant 32 : index
      %get3A_1545 = tpu.vector_load %arg9[%get3A_1542, %get3A_1543, %get3A_1544] {strides = array<i32>} : memref<32x8x64xf32, #tpu.memory_space<vmem>>, vector<16xf32>,
      %mul3A_1546 = arith.mulf %get3A_1541, %get3A_1545 : vector<16xf32>
      %add3A_1547 = arith.addf %add3A_1537, %mul3A_1546 : vector<16xf32>
      %get3A_1548 = arith.index_cast %select_n3A_1499 : i32 to index
      %get3A_1549 = arith.index_cast %select_n3A_1515 : i32 to index
      %get3A_1550 = arith.constant 48 : index
      %get3A_1551 = tpu.vector_load %arg8[%get3A_1548, %get3A_1549, %get3A_1550] {strides = array<i32>} : memref<32x8x64xf32, #tpu.memory_space<vmem>>, vector<16xf32>,
      %get3A_1552 = arith.index_cast %select_n3A_1499 : i32 to index
      %get3A_1553 = arith.index_cast %select_n3A_1515 : i32 to index
      %get3A_1554 = arith.constant 48 : index
      %get3A_1555 = tpu.vector_load %arg9[%get3A_1552, %get3A_1553, %get3A_1554] {strides = array<i32>} : memref<32x8x64xf32, #tpu.memory_space<vmem>>, vector<16xf32>,
      %mul3A_1556 = arith.mulf %get3A_1551, %get3A_1555 : vector<16xf32>
      %add3A_1557 = arith.addf %add3A_1547, %mul3A_1556 : vector<16xf32>
      %eq3A_1558 = arith.constant 15 : i32
      %eq3A_1559 = vector.broadcast %eq3A_1558 : i32 to vector<16xi32>
      %eq3A_1560 = arith.cmpi eq, %iota3A, %eq3A_1559 : vector<16xi32>
      %reduce_sum3A_1561 = arith.constant true
      %reduce_sum3A_1562 = vector.broadcast %reduce_sum3A_1561 : i1 to vector<16xi1>
      %reduce_sum3A_1563 = tpu.scan <sum>, %add3A_1557 masked %reduce_sum3A_1562 : vector<16xf32>, vector<16xi1> -> vector<16xf32>
      %reduce_sum3A_1564 = vector.extract %reduce_sum3A_1563[15] : f32 from vector<16xf32>
      %broadcast_in_dim3A_1565 = vector.broadcast %reduce_sum3A_1564 : f32 to vector<16xf32>
      %select_n3A_1566 = arith.select %eq3A_1560, %broadcast_in_dim3A_1565, %select_n3A_1471 : vector<16xi1>, vector<16xf32>
      %neg3A = arith.constant 0.000000e+00 : f32
      %neg3A_1567 = vector.broadcast %neg3A : f32 to vector<16xf32>
      %neg3A_1568 = arith.subf %neg3A_1567, %select_n3A_1566 : vector<16xf32>
      %exp3A = math.exp %neg3A_1568 : vector<16xf32>
      %add3A_1569 = arith.constant 1.000000e+00 : f32
      %add3A_1570 = vector.broadcast %add3A_1569 : f32 to vector<16xf32>
      %add3A_1571 = arith.addf %add3A_1570, %exp3A : vector<16xf32>
      %div3A_1572 = arith.constant 1.000000e+00 : f32
      %div3A_1573 = vector.broadcast %div3A_1572 : f32 to vector<16xf32>
      %div3A_1574 = arith.divf %div3A_1573, %add3A_1571 : vector<16xf32>
      %mul3A_1575 = arith.constant 16 : i32
      %mul3A_1576 = arith.muli %scan3A_57, %mul3A_1575 : i32
      %add3A_1577 = arith.constant 256 : i32
      %add3A_1578 = arith.addi %add3A_1577, %mul3A_1576 : i32
      %swap3A = arith.index_cast %add3A_1578 : i32 to index
      %swap3A_1579 = tpu.vector_load %arg10[%swap3A] {strides = array<i32>} : memref<512xf32, #tpu.memory_space<vmem>>, vector<16xf32>,
      tpu.vector_store %arg10[%swap3A], %div3A_1574 {strides = array<i32>} : memref<512xf32, #tpu.memory_space<vmem>>, vector<16xf32>,
    }
    %scan3A_56 = arith.constant 16 : i32
    "tpu.region"() ({
      %run_scoped3A = tpu.sem_alloc : memref<!tpu.dma_semaphore, #tpu.memory_space<semaphore_mem>>
      %dma_start3A = tpu.memref_slice %arg5[%mul3A_2] : memref<16384xf32, #tpu.memory_space<hbm>> -> memref<512xf32, #tpu.memory_space<hbm>>
      %dma_start3A_57 = tpu.memref_slice %arg5[%mul3A_2] : memref<16384xf32, #tpu.memory_space<hbm>> -> memref<512xf32, #tpu.memory_space<hbm>>
      tpu.enqueue_dma source(%arg10 : memref<512xf32, #tpu.memory_space<vmem>>) target(%dma_start3A_57 : memref<512xf32, #tpu.memory_space<hbm>>) target_semaphore(%run_scoped3A : memref<!tpu.dma_semaphore, #tpu.memory_space<semaphore_mem>>)
      %dma_wait3A_58 = tpu.memref_slice %arg5[%mul3A_2] : memref<16384xf32, #tpu.memory_space<hbm>> -> memref<512xf32, #tpu.memory_space<hbm>>
      %dma_wait3A_59 = tpu.memref_slice %arg5[%mul3A_2] : memref<16384xf32, #tpu.memory_space<hbm>> -> memref<512xf32, #tpu.memory_space<hbm>>
      tpu.wait_dma2 semaphore(%run_scoped3A : memref<!tpu.dma_semaphore, #tpu.memory_space<semaphore_mem>>) src(%arg10 : memref<512xf32, #tpu.memory_space<vmem>>) dst(%dma_wait3A_59 : memref<512xf32, #tpu.memory_space<hbm>>)
      tpu.yield
    }) : () -> ()
    return
  }
}

</mosaic_0001>

<sc_bundles>
// kernel: _cooc_dssm.3.cloned.1.call-start
scs
__scs_entry_jumppad:
0x0: {  	(pc) =	sbr.rel $0x88, $3  }
0x1: {  	(tag) =	ssettag $0x0;
	lr =	simm.s32 $0x1  }
0x2: {  	[smem:$0x3F9E] =	sst lr;
	_ =	strace $0xD0000000  }
0x3: {  	_ = 	snop  }
0x4: {  	_ = 	snop  }
0x5: {  	_ = 	snop  }
0x6: {  	_ = 	snop  }
0x7: {  	_ = 	snop  }
__scs_overlays_trampoline_lowered:
0x8: {  	[smem:$0x3FAD] =	sst s0  }
0x9: {  	[smem:$0x3FAE] =	sst s1  }
0xa: {  	[smem:$0x3FAF] =	sst s2  }
0xb: {  	[smem:$0x3FB0] =	sst s3  }
0xc: {  	[smem:$0x3FB1] =	sst s4  }
0xd: {  	[smem:$0x3FB2] =	sst s5  }
0xe: {  	[smem:$0x3FB3] =	sst s6  }
0xf: {  	[smem:$0x3FB4] =	sst s7  }
0x10: {  	[smem:$0x3FB5] =	sst s8  }
0x11: {  	[smem:$0x3FB6] =	sst s9;
	s0 =	simm.s32 @!p0 $0x0  }
0x12: {  	s1 =	sld [smem:$0x3F9C];
	s0 =	simm.s32 @p0 $0x1  }
0x13: {  	[smem:$0x3FB7] =	sst s0;
	s0 =	simm.s32 @!p1 $0x0  }
0x14: {  	s2 =	sld [smem:$0x3F9B];
	s0 =	simm.s32 @p1 $0x1  }
0x15: {  	[smem:$0x3FB8] =	sst s0;
	s0 =	simm.s32 @!p2 $0x0  }
0x16: {  	s3 =	sld [smem:$0x3FDB];
	s0 =	simm.s32 @p2 $0x1  }
0x17: {  	s4 =	simm.s32 $0x1BF5;
	[smem:$0x3FBA] =	sst s0  }
0x18: {  	s0 =	sld [smem:$0x3F9D];
	_ =	swait.ge [sflag:s4], $0x0  }
0x19: {  	s7 =	sld [smem:$0x3F9E]  }
0x1a: {  	s8 =	sadd.s32 $0xFFFFE003, lr  }
0x1b: {  	s9 =	sadd.s32 $0xFFFFFEF7, lr;
	s5 =	simm.s32 $0xFFFFFFFF;
	p2 =	slt.u32 s8, $0xFFFFF086  }
0x1c: {  	p1 =	slt.u32 s9, $0xF7A;
	s5 =	simm.s32 @!p2 $0x0  }
0x1d: {  	s5 =	simm.s32 @p1 $0x1;
	p0 =	seq.s32 s7, s2  }
0x1e: {  	s7 =	smul.u32 @!p0 $0xF7A, s2;
	p2 =	seq.s32 @!p0 s5, $0x0  }
0x1f: {  	s9 =	smul.u32 $0xF7A, s1;
	s8 =	simm.s32 @!p0 $0x1BF5;
	p2 =	por !p2, p0  }
0x20: {  	[sflag:s8] =	ssyncset.s32 @!p0 $0xFFFFF086;
	s6 =	sadd.s32 @!p0 s3, s7;
	s7 =	simm.s32 @!p0 $0x108  }
0x21: {  	s3 =	sadd.s32 s3, s9;
	s6 =	sadd.s32 @!p0 $0x88, s6;
	s7 =	simm.s32 @p2 $0x1082  }
0x22: {  	[simem:s7], [sflag:s8] =	dma.local @!p0 [hbm:s6], $0xF7A  }
0x23: {  	s9 =	sor.u32 $0xD0000000, s2;
	s6 =	simm.s32 $0x108;
	_ =	swait.ge @!p0 [sflag:s8], $0x0  }
0x24: {  	s3 =	sadd.s32 $0x88, s3;
	s6 =	simm.s32 @!p1 $0x1082;
	[sflag:s4] =	ssyncset.s32 $0xFFFFF086  }
0x25: {  	[simem:s6], [sflag:s4] =	dma.local [hbm:s3], $0xF7A  }
0x26: {  	[smem:$0x3F9E] =	sst s1;
	(tag) =	ssettag s2;
	_ =	strace s9  }
0x27: {  	s1 =	sld [smem:$0x3FAE]  }
0x28: {  	s2 =	sld [smem:$0x3FAF]  }
0x29: {  	s4 =	sld [smem:$0x3FB1]  }
0x2a: {  	p0 =	seq.s32 s5, $0x0;
	s5 =	sld [smem:$0x3FB2]  }
0x2b: {  	s6 =	sld [smem:$0x3FB3]  }
0x2c: {  	s7 =	sld [smem:$0x3FB4]  }
0x2d: {  	s3 =	simm.s32 $0x108;
	s8 =	sld [smem:$0x3FB5]  }
0x2e: {  	s3 =	simm.s32 @!p0 $0x1082;
	s9 =	sld [smem:$0x3FB6]  }
0x2f: {  	lr =	sadd.s32 s0, s3;
	s0 =	sld [smem:$0x3FAD]  }
0x30: {  	s3 =	sld [smem:$0x3FB0]  }
0x31: {  	[smem:$0x3FB9] =	sst s10  }
0x32: {  	s10 =	sld [smem:$0x3FB7];
	_ =	sdelay $0x3  }
0x33: {  	p0 =	seq.s32 s10, $0x1;
	s10 =	sld [smem:$0x3FB9];
	_ =	sdelay $0x3  }
0x34: {  	[smem:$0x3FB9] =	sst s10  }
0x35: {  	s10 =	sld [smem:$0x3FB8];
	_ =	sdelay $0x3  }
0x36: {  	p1 =	seq.s32 s10, $0x1;
	s10 =	sld [smem:$0x3FB9];
	_ =	sdelay $0x3  }
0x37: {  	[smem:$0x3FB9] =	sst s10  }
0x38: {  	s10 =	sld [smem:$0x3FBA]  }
0x39: {  	_ = 	snop;
	(pc) =	sbr.ind lr, $3  }
0x3a: {  	_ = 	snop  }
0x3b: {  	_ = 	snop  }
0x3c: {  	p2 =	seq.s32 s10, $0x1;
	s10 =	sld [smem:$0x3FB9]  }
0x3d: {  	_ =	shalt  }
0x3e: {  	_ =	shalt  }
0x3f: {  	_ =	shalt  }
0x40: {  	_ =	shalt  }
0x41: {  	_ =	shalt  }
0x42: {  	_ =	shalt  }
0x43: {  	_ =	shalt  }
0x44: {  	_ =	shalt  }
0x45: {  	_ =	shalt  }
0x46: {  	_ =	shalt  }
0x47: {  	_ =	shalt  }
0x48: {  	_ =	shalt  }
0x49: {  	_ =	shalt  }
0x4a: {  	_ =	shalt  }
0x4b: {  	_ =	shalt  }
0x4c: {  	_ =	shalt  }
0x4d: {  	_ =	shalt  }
0x4e: {  	_ =	shalt  }
0x4f: {  	_ =	shalt  }
0x50: {  	_ =	shalt  }
0x51: {  	_ =	shalt  }
0x52: {  	_ =	shalt  }
0x53: {  	_ =	shalt  }
0x54: {  	_ =	shalt  }
0x55: {  	_ =	shalt  }
0x56: {  	_ =	shalt  }
0x57: {  	_ =	shalt  }
0x58: {  	_ =	shalt  }
0x59: {  	_ =	shalt  }
0x5a: {  	_ =	shalt  }
0x5b: {  	_ =	shalt  }
0x5c: {  	_ =	shalt  }
0x5d: {  	_ =	shalt  }
0x5e: {  	_ =	shalt  }
0x5f: {  	_ =	shalt  }
0x60: {  	_ =	shalt  }
0x61: {  	_ =	shalt  }
0x62: {  	_ =	shalt  }
0x63: {  	_ =	shalt  }
0x64: {  	_ =	shalt  }
0x65: {  	_ =	shalt  }
0x66: {  	_ =	shalt  }
0x67: {  	_ =	shalt  }
0x68: {  	_ =	shalt  }
0x69: {  	_ =	shalt  }
0x6a: {  	_ =	shalt  }
0x6b: {  	_ =	shalt  }
0x6c: {  	_ =	shalt  }
0x6d: {  	_ =	shalt  }
0x6e: {  	_ =	shalt  }
0x6f: {  	_ =	shalt  }
0x70: {  	_ =	shalt  }
0x71: {  	_ =	shalt  }
0x72: {  	_ =	shalt  }
0x73: {  	_ =	shalt  }
0x74: {  	_ =	shalt  }
0x75: {  	_ =	shalt  }
0x76: {  	_ =	shalt  }
0x77: {  	_ =	shalt  }
0x78: {  	_ =	shalt  }
0x79: {  	_ =	shalt  }
0x7a: {  	_ =	shalt  }
0x7b: {  	_ =	shalt  }
0x7c: {  	_ =	shalt  }
0x7d: {  	_ =	shalt  }
0x7e: {  	_ =	shalt  }
0x7f: {  	_ =	shalt  }
0x80: {  	_ =	shalt  }
0x81: {  	_ =	shalt  }
0x82: {  	_ =	shalt  }
0x83: {  	_ =	shalt  }
0x84: {  	_ =	shalt  }
0x85: {  	_ =	shalt  }
0x86: {  	_ =	shalt  }
0x87: {  	_ =	shalt  }
.Lfunc_end0:
.L_simem_size_0:
called_computation_lowered:
.L_overlay_start_0:
0x88: {  	s2 =	sld [smem:$0x3FD9]  }
0x89: {  	s3 =	sld [smem:$0x3FFE];
	_ =	sdelay $0x1  }
0x8a: {  	s1 =	srdreg.scid  }
0x8b: {  	s0 =	sand.u32 $0x1, s1  }
0x8c: {  	s17 =	sshll.u32 s0, $0xA;
	s2 =	sadd.s32 s3, s2  }
0x8d: {  	s2 =	sadd.s32 s2, s17  }
0x8e: {  	[smem:$0x3FC5] =	sst s2  }
0x8f: {  	_ = 	snop  }
0x90: {  	s2 =	sld [smem:$0x3FC9]  }
0x91: {  	s18 =	sld [smem:$0x3FC8]  }
0x92: {  	s4 =	sld [smem:$0x3FD0];
	(tm) =	ssettm $0x1  }
0x93: {  	s5 =	sld [smem:$0x3FFB];
	_ =	sdelay $0x3  }
0x94: {  	_ =	strace s5  }
0x95: {  	s5 =	sld [smem:$0x3FFC];
	_ =	sdelay $0x3  }
0x96: {  	_ =	strace s5  }
0x97: {  	s5 =	sld [smem:$0x3FFD];
	_ =	sdelay $0x3  }
0x98: {  	_ =	strace s5  }
0x99: {  	_ =	strace $0x8FFFFFFF  }
0x9a: {  	s19 =	sld [smem:$0x3FDB];
	_ =	sdelay $0x1  }
0x9b: {  	s6 =	simm.s32 $_scs_section_size  }
0x9c: {  	s7 =	simm.s32 $_size__tile_overlayer_lowered;
	s8 =	simm.s32 $_tile_overlayer_lowered  }
0x9d: {  	s22 =	simm.s32 $0x1BFF;
	s21 =	sshll.u32 s8, $0x1;
	s5 =	sadd.s32 s6, s19  }
0x9e: {  	s9 =	simm.s32 $0x0;
	s20 =	sshll.u32 s7, $0x1;
	s7 =	sadd.s32 s21, s5  }
0x9f: {  	[timem:s9], [sflag:s22] =	dma.local [hbm:s7], s20  }
0xa0: {  	_ =	swait.ge [sflag:s22], s20  }
0xa1: {  	s6 =	ssub.s32 $0x0, s20;
	[sflag:s22] =	ssyncset.done $0x0  }
0xa2: {  	[sflag:s22] =	ssyncadd.s32 s6;
	_ =	sdelay $0x1  }
0xa3: {  	s23 =	simm.s32 $0x1B8B  }
0xa4: {  	_ =	swait.ge [sflag:s23], $0x1  }
0xa5: {  	[sflag:s23] =	ssyncset.done $0x0  }
0xa6: {  	s25 =	simm.s32 $0x1B8E;
	s24 =	sld [smem:$0x3FFE];
	[sflag:s23] =	ssyncadd.s32 $0xFFFFFFFF  }
0xa7: {  	s26 =	simm.s32 $execute0_lowered;
	[smem:$0x3FD2] =	sst s25  }
0xa8: {  	s7 =	sshll.u32 s26, $0x1;
	_ =	strace $0x80000046;
	[dreg:$0x1] =	wrdreg $0xFFFFFFFF  }
0xa9: {  	s28 =	simm.s32 $_size_execute0_lowered;
	s5 =	sadd.s32 s5, s7;
	[dreg:$0x0] =	wrdreg $0x0  }
0xaa: {  	s7 =	sshll.u32 s28, $0x1;
	[dreg:$0x2] =	wrdreg s5  }
0xab: {  	[dreg:$0x3] =	wrdreg s7  }
0xac: {  	[dreg:$0x4] =	wrdreg $0xC0  }
0xad: {  	_ =	task [dreg:s9], $0x5FFFF  }
0xae: {  	[dreg:$0x1] =	wrdreg $0xFFFFFFFF  }
0xaf: {  	[dreg:$0x0] =	wrdreg $0x60  }
0xb0: {  	[dreg:$0x2] =	wrdreg s2  }
0xb1: {  	[dreg:$0x3] =	wrdreg s18  }
0xb2: {  	[dreg:$0x4] =	wrdreg s24  }
0xb3: {  	[dreg:$0x5] =	wrdreg s4  }
0xb4: {  	[dreg:$0x6] =	wrdreg $0x9  }
0xb5: {  	_ =	task.clear_ibuf [dreg:s9], $0x7FFFF;
	_ =	strace $0x90000046  }
0xb6: {  	s29 =	simm.s32 $0x9;
	_ =	strace $0x80000048  }
0xb7: {  	_ =	swait.ge [sflag:s29], $0x1  }
0xb8: {  	[sflag:s29] =	ssyncadd.s32 $0xFFFFFFFF  }
0xb9: {  	_ =	strace $0x90000048  }
0xba: {  	_ =	sfence  }
0xbb: {  	s30 =	sld [smem:$0x0];
	_ =	sdelay $0x2  }
0xbc: {  	s31 =	sshll.u32 s1, $0xD;
	s1 =	sshrl.u32 s1, $0x2  }
0xbd: {  	s3 =	sand.u32 $0x4000, s31;
	s1 =	sadd.s32 s1, s30  }
0xbe: {  	s0 =	sor.u32 s3, s0;
	s1 =	sshll.u32 s1, $0x11  }
0xbf: {  	s0 =	sor.u32 s1, s0  }
0xc0: {  	s0 =	sadd.s32 $0x8F2B, s0  }
0xc1: {  	[sflag:s0] =	ssyncadd.remote.s32 $0x1  }
0xc2: {  	_ =	sfence.sel $0xFFFF  }
0xc3: {  	[dreg:$0x0] =	wrdreg $0xFFFFFFFF;
	(pc) =	sbr.abs _section_cstart, $3  }
0xc4: {  	[dreg:$0x1] =	wrdreg $0xFFFFFFFF  }
0xc5: {  	_ =	task.clear_ibuf [dreg:s9], $0x2FFFF;
	_ =	strace $0x9FFFFFFF  }
0xc6: {  	(tm) =	ssettm $0x7FFFFFFF  }
0xc7: {  	_ =	shalt  }
tec
execute0_lowered:
.L_overlay_start_1:
0x0: {  	(tag) =	ssettag $0x1  }
0x1: {  	s4 =	rddreg [dreg:$0x0]  }
0x2: {  	s5 =	rddreg [dreg:$0x1]  }
0x3: {  	s3 =	rddreg [dreg:$0x2]  }
0x4: {  	s6 =	rddreg [dreg:$0x3]  }
0x5: {  	s0 =	rddreg [dreg:$0x4]  }
0x6: {  	s2 =	simm.s32 $0x0;
	s7 =	srdreg.scid;
	s1 =	stileid.u32  }
0x7: {  	v0 =	vimm.s32 $0x0;
	vm0 =	vmmov $0x1;
	vm1 =	vmmov $0x3;
	s11 =	simm.s32 $0x0;
	[smem:$0x7FF] =	sst s2;
	s7 =	sand.u32 $0x1, s7  }
0x8: {  	vm2 =	vmmov $0x7;
	vm3 =	vmmov $0xf;
	vm4 =	vmmov $0x1f;
	s9 =	sshll.u32 s1, $0x7;
	s3 =	sadd.s32 $0x400, s3;
	s8 =	ssub.s32 $0x2, s7  }
0x9: {  	vm5 =	vmmov $0x3f;
	vm6 =	vmmov $0x7f;
	vm7 =	vmmov $0xff;
	_ =	strace $0x80000047;
	s7 =	sshll.u32 s7, $0x6;
	s10 =	sshrl.u32 s8, $0x1  }
0xa: {  	vm8 =	vmmov $0x1ff;
	vm9 =	vmmov $0x3ff;
	v1 =	vimm.s32 $0x0;
	s7 =	sor.u32 s7, s9;
	s9 =	simm.s32 $0x1;
	s8 =	ssub.s32 s8, s10  }
0xb: {  	vm10 =	vmmov $0x7ff;
	vm11 =	vmmov $0xfff;
	v1 =	vsel vm0, $0xFFFFFFFF, v1;
	s4 =	sadd.s32 s4, s7;
	s5 =	sadd.s32 s5, s7;
	s6 =	sadd.s32 s6, s7  }
0xc: {  	vm12 =	vmmov $0x1fff;
	vm13 =	vmmov $0x3fff;
	vm14 =	vmmov $0x7fff;
	[tilespmem:$0x1FFF0] =	vst v1;
	s10 =	simm.s32 $0x10400;
	s7 =	smax.u32 s8, $0x1;
	s8 =	simm.s32 $0x2  }
.LBB2_1:
0xd: {  	[tilespmem:s2], [sflag:$0x2] =	stream.linear.gather [hbm4b:s4+s2], $0x200, $0x38;
	[tilespmem:$0x10600] =	vst v63  }
0xe: {  	_ =	swait.ge [sflag:s8], $0x200  }
0xf: {  	[sflag:s8] =	ssyncset.done $0x0  }
0x10: {  	s12 =	simm.s32 $0x200;
	[sflag:s8] =	ssyncadd.s32 $0xFFFFFE00  }
0x11: {  	[tilespmem:s12], [sflag:$0x2] =	stream.linear.gather [hbm4b:s5+s2], $0x200, $0x38;
	[tilespmem:$0x10600] =	vst v63  }
0x12: {  	_ =	swait.ge [sflag:s8], $0x200  }
0x13: {  	[sflag:s8] =	ssyncset.done $0x0  }
0x14: {  	s13 =	simm.s32 $0x0;
	s14 =	simm.s32 $0x0;
	[sflag:s8] =	ssyncadd.s32 $0xFFFFFE00  }
.LBB2_2:
0x15: {  	v1 =	vld [tilespmem:s13+$0x0];
	_ =	sdelay $0x4  }
0x16: {  	v3 =	vld [tilespmem:s12+$0x0];
	v2 =	vshra.s32 v1, $0x1F  }
0x17: {  	v2 =	vshrl.u32 v2, $0x1D  }
0x18: {  	v2 =	vadd.s32 v2, v1  }
0x19: {  	v2 =	vshra.s32 v2, $0x3  }
0x1a: {  	v4 =	vshll.u32 v2, $0x3  }
0x1b: {  	vm15 =	vlt.s32 v1, $0x1;
	v5 =	vshra.s32 v3, $0x1F;
	vm0 =	vne.s32 v1, v4  }
0x1c: {  	v61 =	vshrl.u32 v5, $0x1D;
	vm0 =	vmand vm15, vm0  }
0x1d: {  	v4 =	vadd.s32 v61, v3;
	v60 =	vsel vm0, $0xFFFFFFFF, v0  }
0x1e: {  	v62 =	vand.u32 $0x7, v1;
	v6 =	vand.u32 $0xFFFFFFF8, v4;
	v2 =	vadd.s32 v60, v2  }
0x1f: {  	vm0 =	vlt.s32 v3, $0x1;
	vm15 =	vne.s32 v3, v6;
	v1 =	vshll.u32 v2, $0xA  }
0x20: {  	vm0 =	vmand vm0, vm15;
	v2 =	vshll.u32 v62, $0x7;
	(v2sf) =	vpush v1, $0x0  }
0x21: {  	v4 =	vshrl.u32 v4, $0x3;
	v63 =	vsel vm0, $0xFFFFFFFF, v0;
	(v2sf) =	vpush v2, $0x0  }
0x22: {  	v4 =	vadd.s32 v63, v4  }
0x23: {  	v3 =	vand.u32 $0x7, v3;
	v4 =	vshll.u32 v4, $0xA  }
0x24: {  	v3 =	vshll.u32 v3, $0x7;
	(v2sf) =	vpush v4, $0x0  }
0x25: {  	(v2sf) =	vpush v3, $0x0;
	_ =	sdelay $0x1  }
0x26: {  	(v2sf) =	vpush v1, $0x1;
	_ =	sdelay $0x1  }
0x27: {  	(v2sf) =	vpush v2, $0x1;
	_ =	sdelay $0x5  }
0x28: {  	s15 =	spop (v2sf);
	(v2sf) =	vpush v4, $0x1  }
0x29: {  	s16 =	spop (v2sf);
	(v2sf) =	vpush v3, $0x1;
	_ =	sdelay $0x2  }
0x2a: {  	s20 =	spop (v2sf);
	(v2sf) =	vpush v1, $0x2  }
0x2b: {  	s21 =	spop (v2sf);
	(v2sf) =	vpush v2, $0x2;
	_ =	sdelay $0x1  }
0x2c: {  	s23 =	spop (v2sf);
	(v2sf) =	vpush v4, $0x2;
	_ =	sdelay $0x1  }
0x2d: {  	s24 =	spop (v2sf);
	(v2sf) =	vpush v3, $0x2;
	_ =	sdelay $0x5  }
0x2e: {  	s26 =	spop (v2sf);
	(v2sf) =	vpush v1, $0x3  }
0x2f: {  	s28 =	spop (v2sf);
	(v2sf) =	vpush v2, $0x3;
	_ =	sdelay $0x2  }
0x30: {  	s30 =	spop (v2sf);
	(v2sf) =	vpush v4, $0x3  }
0x31: {  	s16 =	sor.u32 s16, s15;
	s31 =	spop (v2sf);
	(v2sf) =	vpush v3, $0x3  }
0x32: {  	s15 =	sshra.s32 s14, $0x2;
	s16 =	sshrl.u32 s16, $0x3  }
0x33: {  	s17 =	sadd.s32 $0x400, s15;
	s16 =	sadd.s32 s3, s16;
	s19 =	spop (v2sf);
	(v2sf) =	vpush v1, $0x4  }
0x34: {  	[tilespmem:s17], [sflag:$0x1] =	stream.linear.gather [hbm4b:s16+s2], $0x80, $0x38;
	[tilespmem:$0x10600] =	vst v63  }
0x35: {  	s16 =	sor.u32 s21, s20;
	s20 =	spop (v2sf);
	(v2sf) =	vpush v2, $0x4;
	_ =	sdelay $0x1  }
0x36: {  	s16 =	sshrl.u32 s16, $0x3  }
0x37: {  	s22 =	sadd.s32 $0x8400, s15;
	s16 =	sadd.s32 s3, s16  }
0x38: {  	[tilespmem:s22], [sflag:$0x1] =	stream.linear.gather [hbm4b:s16+s2], $0x80, $0x38;
	[tilespmem:$0x10600] =	vst v63  }
0x39: {  	s16 =	sor.u32 s24, s23  }
0x3a: {  	s16 =	sshrl.u32 s16, $0x3;
	s22 =	spop (v2sf);
	(v2sf) =	vpush v4, $0x4  }
0x3b: {  	s25 =	sadd.s32 $0x480, s15;
	s16 =	sadd.s32 s3, s16;
	s23 =	spop (v2sf);
	(v2sf) =	vpush v3, $0x4  }
0x3c: {  	[tilespmem:s25], [sflag:$0x1] =	stream.linear.gather [hbm4b:s16+s2], $0x80, $0x38;
	[tilespmem:$0x10600] =	vst v63  }
0x3d: {  	s16 =	sor.u32 s28, s26  }
0x3e: {  	s16 =	sshrl.u32 s16, $0x3;
	s25 =	spop (v2sf);
	(v2sf) =	vpush v1, $0x5  }
0x3f: {  	s29 =	sadd.s32 $0x8480, s15;
	s16 =	sadd.s32 s3, s16;
	s26 =	spop (v2sf);
	(v2sf) =	vpush v2, $0x5  }
0x40: {  	[tilespmem:s29], [sflag:$0x1] =	stream.linear.gather [hbm4b:s16+s2], $0x80, $0x38;
	[tilespmem:$0x10600] =	vst v63  }
0x41: {  	s29 =	spop (v2sf);
	(v2sf) =	vpush v4, $0x5;
	_ =	sdelay $0x1  }
0x42: {  	s16 =	sor.u32 s31, s30;
	s30 =	spop (v2sf);
	(v2sf) =	vpush v3, $0x5;
	_ =	sdelay $0x1  }
0x43: {  	s16 =	sshrl.u32 s16, $0x3  }
0x44: {  	s18 =	sadd.s32 $0x500, s15;
	s16 =	sadd.s32 s3, s16  }
0x45: {  	[tilespmem:s18], [sflag:$0x1] =	stream.linear.gather [hbm4b:s16+s2], $0x80, $0x38;
	[tilespmem:$0x10600] =	vst v63  }
0x46: {  	s16 =	sor.u32 s20, s19  }
0x47: {  	s16 =	sshrl.u32 s16, $0x3;
	s17 =	spop (v2sf);
	(v2sf) =	vpush v1, $0x6  }
0x48: {  	s21 =	sadd.s32 $0x8500, s15;
	s16 =	sadd.s32 s3, s16;
	s18 =	spop (v2sf);
	(v2sf) =	vpush v2, $0x6  }
0x49: {  	[tilespmem:s21], [sflag:$0x1] =	stream.linear.gather [hbm4b:s16+s2], $0x80, $0x38;
	[tilespmem:$0x10600] =	vst v63  }
0x4a: {  	s16 =	sor.u32 s23, s22  }
0x4b: {  	s16 =	sshrl.u32 s16, $0x3;
	s20 =	spop (v2sf);
	(v2sf) =	vpush v4, $0x6  }
0x4c: {  	s24 =	sadd.s32 $0x580, s15;
	s16 =	sadd.s32 s3, s16;
	s21 =	spop (v2sf);
	(v2sf) =	vpush v3, $0x6  }
0x4d: {  	[tilespmem:s24], [sflag:$0x1] =	stream.linear.gather [hbm4b:s16+s2], $0x80, $0x38;
	[tilespmem:$0x10600] =	vst v63  }
0x4e: {  	s16 =	sor.u32 s26, s25;
	s23 =	spop (v2sf);
	(v2sf) =	vpush v1, $0x7  }
0x4f: {  	s16 =	sshrl.u32 s16, $0x3  }
0x50: {  	s28 =	sadd.s32 $0x8580, s15;
	s16 =	sadd.s32 s3, s16;
	s24 =	spop (v2sf);
	(v2sf) =	vpush v2, $0x7  }
0x51: {  	[tilespmem:s28], [sflag:$0x1] =	stream.linear.gather [hbm4b:s16+s2], $0x80, $0x38;
	[tilespmem:$0x10600] =	vst v63  }
0x52: {  	s16 =	sor.u32 s30, s29  }
0x53: {  	s16 =	sshrl.u32 s16, $0x3  }
0x54: {  	s31 =	sadd.s32 $0x600, s15;
	s16 =	sadd.s32 s3, s16  }
0x55: {  	[tilespmem:s31], [sflag:$0x1] =	stream.linear.gather [hbm4b:s16+s2], $0x80, $0x38;
	[tilespmem:$0x10600] =	vst v63  }
0x56: {  	s16 =	sor.u32 s18, s17;
	s26 =	spop (v2sf);
	(v2sf) =	vpush v4, $0x7  }
0x57: {  	s16 =	sshrl.u32 s16, $0x3;
	s28 =	spop (v2sf);
	(v2sf) =	vpush v3, $0x7  }
0x58: {  	s19 =	sadd.s32 $0x8600, s15;
	s16 =	sadd.s32 s3, s16  }
0x59: {  	[tilespmem:s19], [sflag:$0x1] =	stream.linear.gather [hbm4b:s16+s2], $0x80, $0x38;
	[tilespmem:$0x10600] =	vst v63  }
0x5a: {  	s30 =	spop (v2sf);
	(v2sf) =	vpush v1, $0x8  }
0x5b: {  	s16 =	sor.u32 s21, s20;
	s31 =	spop (v2sf);
	(v2sf) =	vpush v2, $0x8  }
0x5c: {  	s16 =	sshrl.u32 s16, $0x3  }
0x5d: {  	s22 =	sadd.s32 $0x680, s15;
	s16 =	sadd.s32 s3, s16;
	s19 =	spop (v2sf);
	(v2sf) =	vpush v4, $0x8  }
0x5e: {  	[tilespmem:s22], [sflag:$0x1] =	stream.linear.gather [hbm4b:s16+s2], $0x80, $0x38;
	[tilespmem:$0x10600] =	vst v63  }
0x5f: {  	s20 =	spop (v2sf);
	(v2sf) =	vpush v3, $0x8  }
0x60: {  	s16 =	sor.u32 s24, s23  }
0x61: {  	s16 =	sshrl.u32 s16, $0x3  }
0x62: {  	s25 =	sadd.s32 $0x8680, s15;
	s16 =	sadd.s32 s3, s16  }
0x63: {  	[tilespmem:s25], [sflag:$0x1] =	stream.linear.gather [hbm4b:s16+s2], $0x80, $0x38;
	[tilespmem:$0x10600] =	vst v63  }
0x64: {  	s16 =	sor.u32 s28, s26  }
0x65: {  	s16 =	sshrl.u32 s16, $0x3;
	s22 =	spop (v2sf);
	(v2sf) =	vpush v1, $0x9  }
0x66: {  	s29 =	sadd.s32 $0x700, s15;
	s16 =	sadd.s32 s3, s16;
	s23 =	spop (v2sf);
	(v2sf) =	vpush v2, $0x9  }
0x67: {  	[tilespmem:s29], [sflag:$0x1] =	stream.linear.gather [hbm4b:s16+s2], $0x80, $0x38;
	[tilespmem:$0x10600] =	vst v63  }
0x68: {  	s16 =	sor.u32 s31, s30  }
0x69: {  	s16 =	sshrl.u32 s16, $0x3;
	s25 =	spop (v2sf);
	(v2sf) =	vpush v4, $0x9  }
0x6a: {  	s18 =	sadd.s32 $0x8700, s15;
	s16 =	sadd.s32 s3, s16;
	s26 =	spop (v2sf);
	(v2sf) =	vpush v3, $0x9  }
0x6b: {  	[tilespmem:s18], [sflag:$0x1] =	stream.linear.gather [hbm4b:s16+s2], $0x80, $0x38;
	[tilespmem:$0x10600] =	vst v63  }
0x6c: {  	s16 =	sor.u32 s20, s19;
	s29 =	spop (v2sf);
	(v2sf) =	vpush v1, $0xA  }
0x6d: {  	s16 =	sshrl.u32 s16, $0x3  }
0x6e: {  	s21 =	sadd.s32 $0x780, s15;
	s16 =	sadd.s32 s3, s16;
	s30 =	spop (v2sf);
	(v2sf) =	vpush v2, $0xA  }
0x6f: {  	[tilespmem:s21], [sflag:$0x1] =	stream.linear.gather [hbm4b:s16+s2], $0x80, $0x38;
	[tilespmem:$0x10600] =	vst v63  }
0x70: {  	s16 =	sor.u32 s23, s22  }
0x71: {  	s16 =	sshrl.u32 s16, $0x3  }
0x72: {  	s24 =	sadd.s32 $0x8780, s15;
	s16 =	sadd.s32 s3, s16  }
0x73: {  	[tilespmem:s24], [sflag:$0x1] =	stream.linear.gather [hbm4b:s16+s2], $0x80, $0x38;
	[tilespmem:$0x10600] =	vst v63  }
0x74: {  	s16 =	sor.u32 s26, s25;
	s17 =	spop (v2sf);
	(v2sf) =	vpush v4, $0xA  }
0x75: {  	s16 =	sshrl.u32 s16, $0x3;
	s18 =	spop (v2sf);
	(v2sf) =	vpush v3, $0xA  }
0x76: {  	s28 =	sadd.s32 $0x800, s15;
	s16 =	sadd.s32 s3, s16  }
0x77: {  	[tilespmem:s28], [sflag:$0x1] =	stream.linear.gather [hbm4b:s16+s2], $0x80, $0x38;
	[tilespmem:$0x10600] =	vst v63  }
0x78: {  	s20 =	spop (v2sf);
	(v2sf) =	vpush v1, $0xB  }
0x79: {  	s16 =	sor.u32 s30, s29;
	s21 =	spop (v2sf);
	(v2sf) =	vpush v2, $0xB  }
0x7a: {  	s16 =	sshrl.u32 s16, $0x3  }
0x7b: {  	s31 =	sadd.s32 $0x8800, s15;
	s16 =	sadd.s32 s3, s16;
	s23 =	spop (v2sf);
	(v2sf) =	vpush v4, $0xB  }
0x7c: {  	[tilespmem:s31], [sflag:$0x1] =	stream.linear.gather [hbm4b:s16+s2], $0x80, $0x38;
	[tilespmem:$0x10600] =	vst v63  }
0x7d: {  	s24 =	spop (v2sf);
	(v2sf) =	vpush v3, $0xB  }
0x7e: {  	s16 =	sor.u32 s18, s17  }
0x7f: {  	s16 =	sshrl.u32 s16, $0x3  }
0x80: {  	s19 =	sadd.s32 $0x880, s15;
	s16 =	sadd.s32 s3, s16  }
0x81: {  	[tilespmem:s19], [sflag:$0x1] =	stream.linear.gather [hbm4b:s16+s2], $0x80, $0x38;
	[tilespmem:$0x10600] =	vst v63  }
0x82: {  	s16 =	sor.u32 s21, s20  }
0x83: {  	s16 =	sshrl.u32 s16, $0x3;
	s26 =	spop (v2sf);
	(v2sf) =	vpush v1, $0xC  }
0x84: {  	s22 =	sadd.s32 $0x8880, s15;
	s16 =	sadd.s32 s3, s16;
	s28 =	spop (v2sf);
	(v2sf) =	vpush v2, $0xC  }
0x85: {  	[tilespmem:s22], [sflag:$0x1] =	stream.linear.gather [hbm4b:s16+s2], $0x80, $0x38;
	[tilespmem:$0x10600] =	vst v63  }
0x86: {  	s16 =	sor.u32 s24, s23  }
0x87: {  	s16 =	sshrl.u32 s16, $0x3;
	s30 =	spop (v2sf);
	(v2sf) =	vpush v4, $0xC  }
0x88: {  	s25 =	sadd.s32 $0x900, s15;
	s16 =	sadd.s32 s3, s16;
	s31 =	spop (v2sf);
	(v2sf) =	vpush v3, $0xC  }
0x89: {  	[tilespmem:s25], [sflag:$0x1] =	stream.linear.gather [hbm4b:s16+s2], $0x80, $0x38;
	[tilespmem:$0x10600] =	vst v63  }
0x8a: {  	s16 =	sor.u32 s28, s26;
	s19 =	spop (v2sf);
	(v2sf) =	vpush v1, $0xD  }
0x8b: {  	s16 =	sshrl.u32 s16, $0x3  }
0x8c: {  	s29 =	sadd.s32 $0x8900, s15;
	s16 =	sadd.s32 s3, s16;
	s20 =	spop (v2sf);
	(v2sf) =	vpush v2, $0xD  }
0x8d: {  	[tilespmem:s29], [sflag:$0x1] =	stream.linear.gather [hbm4b:s16+s2], $0x80, $0x38;
	[tilespmem:$0x10600] =	vst v63  }
0x8e: {  	s16 =	sor.u32 s31, s30  }
0x8f: {  	s16 =	sshrl.u32 s16, $0x3  }
0x90: {  	s18 =	sadd.s32 $0x980, s15;
	s16 =	sadd.s32 s3, s16  }
0x91: {  	[tilespmem:s18], [sflag:$0x1] =	stream.linear.gather [hbm4b:s16+s2], $0x80, $0x38;
	[tilespmem:$0x10600] =	vst v63  }
0x92: {  	s16 =	sor.u32 s20, s19;
	s22 =	spop (v2sf);
	(v2sf) =	vpush v4, $0xD  }
0x93: {  	s16 =	sshrl.u32 s16, $0x3;
	s23 =	spop (v2sf);
	(v2sf) =	vpush v3, $0xD  }
0x94: {  	s21 =	sadd.s32 $0x8980, s15;
	s16 =	sadd.s32 s3, s16  }
0x95: {  	[tilespmem:s21], [sflag:$0x1] =	stream.linear.gather [hbm4b:s16+s2], $0x80, $0x38;
	[tilespmem:$0x10600] =	vst v63  }
0x96: {  	s25 =	spop (v2sf);
	(v2sf) =	vpush v1, $0xE  }
0x97: {  	s16 =	sor.u32 s23, s22;
	s26 =	spop (v2sf);
	(v2sf) =	vpush v2, $0xE  }
0x98: {  	s16 =	sshrl.u32 s16, $0x3  }
0x99: {  	s24 =	sadd.s32 $0xA00, s15;
	s16 =	sadd.s32 s3, s16;
	s29 =	spop (v2sf)  }
0x9a: {  	(v2sf) =	vpush v4, $0xE;
	[tilespmem:s24], [sflag:$0x1] =	stream.linear.gather [hbm4b:s16+s2], $0x80, $0x38;
	[tilespmem:$0x10600] =	vst v63  }
0x9b: {  	s30 =	spop (v2sf);
	(v2sf) =	vpush v3, $0xE  }
0x9c: {  	s16 =	sor.u32 s26, s25  }
0x9d: {  	s16 =	sshrl.u32 s16, $0x3  }
0x9e: {  	s28 =	sadd.s32 $0x8A00, s15;
	s16 =	sadd.s32 s3, s16  }
0x9f: {  	[tilespmem:s28], [sflag:$0x1] =	stream.linear.gather [hbm4b:s16+s2], $0x80, $0x38;
	[tilespmem:$0x10600] =	vst v63  }
0xa0: {  	s16 =	sor.u32 s30, s29  }
0xa1: {  	s16 =	sshrl.u32 s16, $0x3;
	s17 =	spop (v2sf);
	(v2sf) =	vpush v1, $0xF  }
0xa2: {  	s31 =	sadd.s32 $0xA80, s15;
	s16 =	sadd.s32 s3, s16;
	s18 =	spop (v2sf);
	(v2sf) =	vpush v2, $0xF  }
0xa3: {  	[tilespmem:s31], [sflag:$0x1] =	stream.linear.gather [hbm4b:s16+s2], $0x80, $0x38;
	[tilespmem:$0x10600] =	vst v63  }
0xa4: {  	s16 =	sor.u32 s18, s17  }
0xa5: {  	s20 =	spop (v2sf);
	(v2sf) =	vpush v4, $0xF;
	s16 =	sshrl.u32 s16, $0x3  }
0xa6: {  	s19 =	sadd.s32 $0x8A80, s15;
	s21 =	spop (v2sf);
	s16 =	sadd.s32 s3, s16  }
0xa7: {  	(v2sf) =	vpush v3, $0xF;
	[tilespmem:s19], [sflag:$0x1] =	stream.linear.gather [hbm4b:s16+s2], $0x80, $0x38;
	[tilespmem:$0x10600] =	vst v63  }
0xa8: {  	s16 =	sor.u32 s21, s20  }
0xa9: {  	s23 =	spop (v2sf);
	s16 =	sshrl.u32 s16, $0x3  }
0xaa: {  	s22 =	sadd.s32 $0xB00, s15;
	s24 =	spop (v2sf);
	s16 =	sadd.s32 s3, s16  }
0xab: {  	[tilespmem:s22], [sflag:$0x1] =	stream.linear.gather [hbm4b:s16+s2], $0x80, $0x38;
	[tilespmem:$0x10600] =	vst v63  }
0xac: {  	s16 =	sor.u32 s24, s23  }
0xad: {  	s16 =	sshrl.u32 s16, $0x3  }
0xae: {  	s25 =	sadd.s32 $0x8B00, s15;
	s16 =	sadd.s32 s3, s16  }
0xaf: {  	[tilespmem:s25], [sflag:$0x1] =	stream.linear.gather [hbm4b:s16+s2], $0x80, $0x38;
	[tilespmem:$0x10600] =	vst v63  }
0xb0: {  	s26 =	spop (v2sf)  }
0xb1: {  	s28 =	spop (v2sf)  }
0xb2: {  	s16 =	sor.u32 s28, s26  }
0xb3: {  	p0 =	sne.s32 s14, $0x1E000;
	s16 =	sshrl.u32 s16, $0x3  }
0xb4: {  	s29 =	sadd.s32 $0xB80, s15;
	s30 =	spop (v2sf);
	s16 =	sadd.s32 s3, s16  }
0xb5: {  	[tilespmem:s29], [sflag:$0x1] =	stream.linear.gather [hbm4b:s16+s2], $0x80, $0x38;
	[tilespmem:$0x10600] =	vst v63  }
.Ltmp0:
0xb6: {  	s31 =	spop (v2sf);
	(pc) =	sbr.rel @p0 .LBB2_2-.Ltmp0, $4  }
0xb7: {  	s16 =	sor.u32 s31, s30  }
0xb8: {  	s13 =	sadd.s32 $0x10, s13;
	s12 =	sadd.s32 $0x10, s12;
	s16 =	sshrl.u32 s16, $0x3  }
0xb9: {  	s14 =	sadd.s32 $0x2000, s14;
	s15 =	sadd.s32 $0x8B80, s15;
	s16 =	sadd.s32 s3, s16  }
0xba: {  	[tilespmem:s15], [sflag:$0x1] =	stream.linear.gather [hbm4b:s16+s2], $0x80, $0x38;
	[tilespmem:$0x10600] =	vst v63  }
0xbb: {  	_ =	swait.ge [sflag:s9], $0x8000  }
0xbc: {  	[sflag:s9] =	ssyncset.done $0x0  }
0xbd: {  	[sflag:s9] =	ssyncadd.s32 $0xFFFF8000  }
0xbe: {  	_ =	swait.ge [sflag:s9], $0x8000  }
0xbf: {  	[sflag:s9] =	ssyncset.done $0x0  }
0xc0: {  	s12 =	simm.s32 $0x0;
	[sflag:s9] =	ssyncadd.s32 $0xFFFF8000  }
0xc1: {  	v21 =	vld [tilespmem:s12+$0xB30]  }
0xc2: {  	v22 =	vld [tilespmem:s12+$0x8B30]  }
0xc3: {  	v0 =	vld [tilespmem:s12+$0xB90]  }
0xc4: {  	v51 =	vld [tilespmem:s12+$0x8B90]  }
0xc5: {  	v23 =	vld [tilespmem:s12+$0xB20]  }
0xc6: {  	v24 =	vld [tilespmem:s12+$0x8B20]  }
0xc7: {  	v52 =	vld [tilespmem:s12+$0xB80]  }
0xc8: {  	v53 =	vld [tilespmem:s12+$0x8B80]  }
0xc9: {  	v25 =	vld [tilespmem:s12+$0xA30]  }
0xca: {  	v26 =	vld [tilespmem:s12+$0x8A30]  }
0xcb: {  	v54 =	vld [tilespmem:s12+$0xAA0]  }
0xcc: {  	v27 =	vld [tilespmem:s12+$0xB10]  }
0xcd: {  	v28 =	vld [tilespmem:s12+$0x8B10]  }
0xce: {  	v29 =	vld [tilespmem:s12+$0x9B0]  }
0xcf: {  	v30 =	vld [tilespmem:s12+$0x89B0]  }
0xd0: {  	v31 =	vld [tilespmem:s12+$0xA20]  }
0xd1: {  	v32 =	vld [tilespmem:s12+$0x8A20]  }
0xd2: {  	v55 =	vld [tilespmem:s12+$0xA90]  }
0xd3: {  	v56 =	vld [tilespmem:s12+$0x8A90]  }
0xd4: {  	v33 =	vld [tilespmem:s12+$0xB00]  }
0xd5: {  	v34 =	vld [tilespmem:s12+$0x8B00]  }
0xd6: {  	v35 =	vld [tilespmem:s12+$0x9A0]  }
0xd7: {  	v36 =	vld [tilespmem:s12+$0x89A0]  }
0xd8: {  	v37 =	vld [tilespmem:s12+$0xA10]  }
0xd9: {  	v38 =	vld [tilespmem:s12+$0x8A10]  }
0xda: {  	v57 =	vld [tilespmem:s12+$0xA80]  }
0xdb: {  	v58 =	vld [tilespmem:s12+$0x8A80]  }
0xdc: {  	v39 =	vld [tilespmem:s12+$0x8B0]  }
0xdd: {  	v40 =	vld [tilespmem:s12+$0x88B0]  }
0xde: {  	v59 =	vld [tilespmem:s12+$0x920]  }
0xdf: {  	v41 =	vld [tilespmem:s12+$0x990]  }
0xe0: {  	v42 =	vld [tilespmem:s12+$0x8990]  }
0xe1: {  	v43 =	vld [tilespmem:s12+$0xA00]  }
0xe2: {  	v44 =	vld [tilespmem:s12+$0x8A00]  }
0xe3: {  	v45 =	vld [tilespmem:s12+$0x830]  }
0xe4: {  	v46 =	vld [tilespmem:s12+$0x8830]  }
0xe5: {  	v47 =	vld [tilespmem:s12+$0x8A0]  }
0xe6: {  	v48 =	vld [tilespmem:s12+$0x88A0]  }
0xe7: {  	v60 =	vld [tilespmem:s12+$0x910]  }
0xe8: {  	v61 =	vld [tilespmem:s12+$0x8910]  }
0xe9: {  	v49 =	vld [tilespmem:s12+$0x980]  }
0xea: {  	v50 =	vld [tilespmem:s12+$0x8980]  }
0xeb: {  	v62 =	vld [tilespmem:s12+$0x900]  }
0xec: {  	v63 =	vld [tilespmem:s12+$0x8900]  }
0xed: {  	v4 =	vld [tilespmem:s12+$0x7A0]  }
0xee: {  	v11 =	vld [tilespmem:s12+$0x720]  }
0xef: {  	v9 =	vld [tilespmem:s12+$0x8720]  }
0xf0: {  	v5 =	vld [tilespmem:s12+$0x790]  }
0xf1: {  	v6 =	vld [tilespmem:s12+$0x8790]  }
0xf2: {  	v2 =	vld [tilespmem:s12+$0x800]  }
0xf3: {  	v10 =	vld [tilespmem:s12+$0x6A0]  }
0xf4: {  	v8 =	vld [tilespmem:s12+$0x86A0]  }
0xf5: {  	v7 =	vld [tilespmem:s12+$0x780]  }
0xf6: {  	v17 =	vld [tilespmem:s12+$0x5B0]  }
0xf7: {  	v16 =	vld [tilespmem:s12+$0x85B0]  }
0xf8: {  	v1 =	vld [tilespmem:s12+$0x700]  }
0xf9: {  	v15 =	vld [tilespmem:s12+$0x530]  }
0xfa: {  	v14 =	vld [tilespmem:s12+$0x8530]  }
0xfb: {  	v13 =	vld [tilespmem:s12+$0x5A0]  }
0xfc: {  	v12 =	vld [tilespmem:s12+$0x85A0]  }
0xfd: {  	v20 =	vld [tilespmem:s12+$0x610]  }
0xfe: {  	v19 =	vld [tilespmem:s12+$0x8610]  }
0xff: {  	v3 =	vld [tilespmem:s12+$0x680]  }
0x100: {  	v18 =	vld [tilespmem:s12+$0x430]  }
0x101: {  	[tilespmem:$0x1FEB0] =	vst v51;
	v51 =	vld [tilespmem:s12+$0x820]  }
0x102: {  	[tilespmem:$0x1FE80] =	vst v52;
	v52 =	vld [tilespmem:s12+$0x8820]  }
0x103: {  	[tilespmem:$0x1FE90] =	vst v53;
	v53 =	vld [tilespmem:s12+$0x890]  }
0x104: {  	[tilespmem:$0x1FE70] =	vst v54;
	v54 =	vld [tilespmem:s12+$0x8890]  }
0x105: {  	[tilespmem:$0x1FE50] =	vst v55;
	v55 =	vld [tilespmem:s12+$0x730]  }
0x106: {  	[tilespmem:$0x1FE60] =	vst v56;
	v56 =	vld [tilespmem:s12+$0x8730]  }
0x107: {  	[tilespmem:$0x1FE20] =	vst v57;
	v57 =	vld [tilespmem:s12+$0x810]  }
0x108: {  	[tilespmem:$0x1FE30] =	vst v58;
	v58 =	vld [tilespmem:s12+$0x8810]  }
0x109: {  	[tilespmem:$0x1FE40] =	vst v59;
	v59 =	vld [tilespmem:s12+$0x880]  }
0x10a: {  	[tilespmem:$0x1FE00] =	vst v60;
	v60 =	vld [tilespmem:s12+$0x8880]  }
0x10b: {  	[tilespmem:$0x1FE10] =	vst v61;
	v61 =	vld [tilespmem:s12+$0x6B0]  }
0x10c: {  	[tilespmem:$0x1FDD0] =	vst v62;
	v62 =	vld [tilespmem:s12+$0x86B0]  }
0x10d: {  	[tilespmem:$0x1FDE0] =	vst v63;
	v63 =	vld [tilespmem:s12+$0x8800]  }
0x10e: {  	[tilespmem:$0x1FDB0] =	vst v5;
	v5 =	vld [tilespmem:s12+$0x710]  }
0x10f: {  	[tilespmem:$0x1FDF0] =	vst v4;
	v4 =	vld [tilespmem:s12+$0x8710]  }
0x110: {  	[tilespmem:$0x1FDC0] =	vst v6;
	v6 =	vld [tilespmem:s12+$0x8780]  }
0x111: {  	[tilespmem:$0x1FD80] =	vst v7;
	v7 =	vld [tilespmem:s12+$0x620]  }
0x112: {  	[tilespmem:$0x1FEA0] =	vst v0;
	v0 =	vld [tilespmem:s12+$0x8700]  }
0x113: {  	v33 =	vmul.f32 v34, v33;
	v34 =	vld [tilespmem:s12+$0x8680]  }
0x114: {  	v43 =	vmul.f32 v44, v43;
	v44 =	vld [tilespmem:s12+$0x520]  }
0x115: {  	v23 =	vmul.f32 v24, v23;
	v24 =	vld [tilespmem:s12+$0x8520]  }
0x116: {  	v49 =	vmul.f32 v50, v49;
	v50 =	vmul.f32 v42, v41;
	v41 =	vld [tilespmem:s12+$0x8600]  }
0x117: {  	v27 =	vmul.f32 v28, v27;
	v42 =	vld [tilespmem:s12+$0x8500];
	v28 =	vadd.f32 $0.0e+00, v33  }
0x118: {  	v33 =	vld [tilespmem:s12+$0x8430];
	v49 =	vadd.f32 $0.0e+00, v49  }
0x119: {  	v27 =	vadd.f32 v27, v28;
	v28 =	vmul.f32 v38, v37;
	v38 =	vld [tilespmem:s12+$0x590]  }
0x11a: {  	v25 =	vmul.f32 v26, v25;
	v26 =	vadd.f32 v50, v49;
	v50 =	vmul.f32 v36, v35;
	v35 =	vld [tilespmem:s12+$0x8420]  }
0x11b: {  	v37 =	vadd.f32 $0.0e+00, v43;
	v43 =	vld [tilespmem:s12+$0x410]  }
0x11c: {  	[tilespmem:$0x1FDA0] =	vst v7;
	v7 =	vld [tilespmem:s12+$0x690]  }
0x11d: {  	[tilespmem:$0x1FD90] =	vst v6;
	v6 =	vld [tilespmem:s12+$0x8690]  }
0x11e: {  	v53 =	vmul.f32 v54, v53;
	v54 =	vld [tilespmem:s12+$0x510]  }
0x11f: {  	v2 =	vmul.f32 v63, v2;
	v63 =	vld [tilespmem:s12+$0x500]  }
0x120: {  	v23 =	vadd.f32 v23, v27;
	v27 =	vld [tilespmem:s12+$0x8590]  }
0x121: {  	v21 =	vmul.f32 v22, v21;
	v22 =	vadd.f32 v28, v37;
	v28 =	vmul.f32 v32, v31;
	v31 =	vld [tilespmem:s12+$0x600]  }
0x122: {  	v36 =	vmul.f32 v33, v18;
	v18 =	vld [tilespmem:$0x1FEB0]  }
0x123: {  	v22 =	vadd.f32 v28, v22;
	v28 =	vld [tilespmem:s12+$0x420]  }
0x124: {  	v21 =	vadd.f32 v21, v23;
	v23 =	vmul.f32 v60, v59;
	v60 =	vld [tilespmem:s12+$0x8510]  }
0x125: {  	v59 =	vmul.f32 v48, v47;
	v47 =	vld [tilespmem:s12+$0x400]  }
0x126: {  	v22 =	vadd.f32 v25, v22;
	v25 =	vadd.f32 v50, v26;
	v26 =	vmul.f32 v30, v29;
	v29 =	vld [tilespmem:s12+$0x580]  }
0x127: {  	v30 =	vmul.f32 v58, v57;
	v58 =	vld [tilespmem:s12+$0x8580]  }
0x128: {  	v50 =	vld [tilespmem:s12+$0x8410]  }
0x129: {  	v4 =	vmul.f32 v4, v5;
	v2 =	vadd.f32 $0.0e+00, v2;
	v5 =	vmul.f32 v42, v63;
	v63 =	vld [tilespmem:s12+$0x630]  }
0x12a: {  	v23 =	vadd.f32 $0.0e+00, v23;
	v57 =	vmul.f32 v24, v44;
	v44 =	vld [tilespmem:s12+$0x87B0]  }
0x12b: {  	v2 =	vadd.f32 v30, v2;
	v30 =	vmul.f32 v52, v51;
	v52 =	vld [tilespmem:s12+$0x480]  }
0x12c: {  	v23 =	vadd.f32 v53, v23;
	v53 =	vld [tilespmem:s12+$0x8480]  }
0x12d: {  	v51 =	vmul.f32 v56, v55;
	v55 =	vld [tilespmem:s12+$0x8490]  }
0x12e: {  	v56 =	vmul.f32 v12, v13;
	v12 =	vld [tilespmem:s12+$0x4A0]  }
0x12f: {  	v13 =	vld [tilespmem:s12+$0x84A0]  }
0x130: {  	v3 =	vmul.f32 v34, v3;
	v25 =	vadd.f32 v26, v25;
	v26 =	vmul.f32 v40, v39;
	v39 =	vld [tilespmem:$0x1FD80]  }
0x131: {  	v0 =	vmul.f32 v0, v1;
	v6 =	vmul.f32 v6, v7;
	v40 =	vld [tilespmem:$0x1FD90]  }
0x132: {  	v3 =	vadd.f32 $0.0e+00, v3;
	v1 =	vmul.f32 v60, v54;
	v60 =	vmul.f32 v14, v15;
	v15 =	vld [tilespmem:s12+$0x8620]  }
0x133: {  	v49 =	vmul.f32 v8, v10;
	v14 =	vmul.f32 v35, v28;
	v35 =	vld [tilespmem:s12+$0x8630]  }
0x134: {  	v3 =	vadd.f32 v6, v3;
	v2 =	vadd.f32 v30, v2;
	v30 =	vmul.f32 v46, v45;
	v45 =	vld [tilespmem:s12+$0x8400]  }
0x135: {  	v23 =	vadd.f32 v59, v23;
	v59 =	vld [tilespmem:s12+$0x4B0]  }
0x136: {  	v3 =	vadd.f32 v49, v3;
	v49 =	vld [tilespmem:s12+$0x8920]  }
0x137: {  	v48 =	vmul.f32 v58, v29;
	v29 =	vld [tilespmem:s12+$0x490]  }
0x138: {  	v8 =	vmul.f32 v50, v43;
	v43 =	vld [tilespmem:$0x1FDA0]  }
0x139: {  	v0 =	vadd.f32 $0.0e+00, v0;
	v5 =	vadd.f32 $0.0e+00, v5;
	v58 =	vmul.f32 v16, v17;
	v17 =	vld [tilespmem:$0x1FE90]  }
0x13a: {  	v23 =	vadd.f32 v26, v23;
	v26 =	vmul.f32 v27, v38;
	v27 =	vmul.f32 v62, v61;
	v61 =	vld [tilespmem:s12+$0x84B0]  }
0x13b: {  	v0 =	vadd.f32 v4, v0;
	v46 =	vmul.f32 v9, v11;
	v62 =	vmul.f32 v41, v31;
	v41 =	vld [tilespmem:s12+$0x7B0]  }
0x13c: {  	v1 =	vadd.f32 v1, v5;
	v34 =	vmul.f32 v13, v12;
	v13 =	vld [tilespmem:s12+$0x87A0]  }
0x13d: {  	v0 =	vadd.f32 v46, v0;
	v11 =	vadd.f32 $0.0e+00, v48;
	v48 =	vld [tilespmem:$0x1FDC0]  }
0x13e: {  	v2 =	vadd.f32 v30, v2;
	v6 =	vmul.f32 v53, v52;
	v52 =	vld [tilespmem:$0x1FDD0]  }
0x13f: {  	(xrf2) =	vadd.scan.msk.f32 $0xffff, v21;
	v1 =	vadd.f32 v57, v1;
	v53 =	vld [tilespmem:$0x1FDE0];
	v0 =	vadd.f32 v51, v0;
	v7 =	vmul.f32 v45, v47  }
0x140: {  	(xrf2) =	vadd.scan.msk.f32 $0xffff, v22;
	v5 =	vadd.f32 $0.0e+00, v62;
	v62 =	vld [tilespmem:$0x1FE40];
	v54 =	vadd.f32 v26, v11  }
0x141: {  	(xrf2) =	vadd.scan.msk.f32 $0xffff, v25;
	v3 =	vadd.f32 v27, v3;
	v47 =	vld [tilespmem:$0x1FDB0];
	v7 =	vadd.f32 $0.0e+00, v7  }
0x142: {  	v12 =	vmul.f32 v19, v20;
	(xrf2) =	vadd.scan.msk.f32 $0xffff, v23;
	v1 =	vadd.f32 v60, v1;
	v60 =	vld [tilespmem:$0x1FE30];
	v4 =	vadd.f32 v56, v54  }
0x143: {  	v6 =	vadd.f32 $0.0e+00, v6;
	(xrf2) =	vadd.scan.msk.f32 $0xffff, v2;
	v9 =	vmul.f32 v55, v29;
	v55 =	vld [tilespmem:$0x1FDF0];
	v7 =	vadd.f32 v8, v7  }
0x144: {  	(xrf2) =	vadd.scan.msk.f32 $0xffff, v0;
	v42 =	vadd.f32 v12, v5;
	v12 =	vld [tilespmem:$0x1FE10];
	v4 =	vadd.f32 v58, v4  }
0x145: {  	(xrf2) =	vadd.scan.msk.f32 $0xffff, v3;
	v6 =	vadd.f32 v9, v6;
	v58 =	vld [tilespmem:$0x1FE00];
	v32 =	vadd.f32 v14, v7;
	v7 =	vmul.f32 v40, v39  }
0x146: {  	v38 =	vmul.f32 v61, v59;
	v59 =	vld [tilespmem:$0x1FE20];
	(xrf2) =	vadd.scan.msk.f32 $0xffff, v4;
	v4 =	vmul.f32 v15, v43  }
0x147: {  	v37 =	vadd.f32 v34, v6;
	v6 =	vmul.f32 v48, v47;
	v34 =	vld [tilespmem:$0x1FE50];
	v46 =	vadd.f32 $0.0e+00, v7  }
0x148: {  	v15 =	vld [tilespmem:$0x1FE60];
	v50 =	vadd.f32 v4, v42;
	v4 =	vmul.f32 v53, v52  }
0x149: {  	v45 =	vadd.f32 v38, v37;
	v38 =	vld [tilespmem:$0x1FE70];
	v3 =	vadd.f32 v6, v46;
	v6 =	vmul.f32 v13, v55  }
0x14a: {  	v51 =	vmul.f32 v35, v63;
	v57 =	vadd.f32 $0.0e+00, v4;
	v4 =	vmul.f32 v12, v58;
	v12 =	vld [tilespmem:s12+$0x8AA0]  }
0x14b: {  	v63 =	vld [tilespmem:s12+$0x8AB0];
	v0 =	vadd.f32 v36, v32;
	v3 =	vadd.f32 v6, v3;
	v6 =	vmul.f32 v60, v59  }
0x14c: {  	v54 =	vld [tilespmem:s12+$0x930];
	(xrf2) =	vadd.scan.msk.f32 $0xffff, v1  }
0x14d: {  	v56 =	vld [tilespmem:s12+$0x8930];
	v5 =	vmul.f32 v44, v41;
	(xrf2) =	vadd.scan.msk.f32 $0xffff, v0;
	v33 =	vadd.f32 $0.0e+00, v6;
	v6 =	vmul.f32 v15, v34  }
0x14e: {  	v10, _, _ =	vpop (xrf2);
	v40 =	vld [tilespmem:$0x1FEA0];
	v0 =	vadd.f32 v51, v50;
	(xrf2) =	vadd.scan.msk.f32 $0xffff, v45  }
0x14f: {  	v1, _, _ =	vpop (xrf2);
	v3 =	vadd.f32 v5, v3;
	v5 =	vadd.f32 v6, v33;
	v6 =	vmul.f32 v12, v38;
	v12 =	vld [tilespmem:$0x1FE80]  }
0x150: {  	v61 =	vld [tilespmem:s12+$0xAB0];
	v13, _, _ =	vpop (xrf2)  }
0x151: {  	v36 =	vld [tilespmem:s12+$0x8BA0];
	v14, _, _ =	vpop (xrf2);
	v2 =	vadd.f32 v4, v57;
	v4 =	vmul.f32 v49, v62;
	(xrf2) =	vadd.scan.msk.f32 $0xffff, v0  }
0x152: {  	v50 =	vld [tilespmem:$0x1FFF0];
	v32, _, _ =	vpop (xrf2)  }
0x153: {  	v35 =	vmul.f32 v56, v54;
	v16, _, _ =	vpop (xrf2);
	v15 =	vld [tilespmem:s12+$0xBA0];
	v2 =	vadd.f32 v4, v2  }
0x154: {  	v37, _, _ =	vpop (xrf2);
	v4 =	vmul.f32 v18, v40;
	v18 =	vld [tilespmem:s12+$0x8BB0];
	(xrf2) =	vadd.scan.msk.f32 $0xffff, v3;
	v12 =	vmul.f32 v17, v12  }
0x155: {  	v39, _, _ =	vpop (xrf2);
	v2 =	vadd.f32 v35, v2;
	v17 =	vld [tilespmem:s12+$0xBB0]  }
0x156: {  	v41 =	vmul.f32 v63, v61;
	v19, _, _ =	vpop (xrf2);
	v5 =	vadd.f32 v6, v5;
	v42 =	vadd.f32 $0.0e+00, v12  }
0x157: {  	(xrf2) =	vadd.scan.msk.f32 $0xffff, v2;
	v43, _, _ =	vpop (xrf2)  }
0x158: {  	v45 =	vmul.f32 v36, v15;
	v44 =	vadd.f32 v41, v5;
	v46, _, _ =	vpop (xrf2);
	v4 =	vadd.f32 v4, v42  }
0x159: {  	vm0 =	vnez.u8 v50;
	v47 =	vbroadcast v43, $0xF;
	v6 =	vbroadcast v46, $0xF  }
0x15a: {  	v48 =	vbroadcast v19, $0xF;
	(xrf2) =	vadd.scan.msk.f32 $0xffff, v44;
	v49 =	vmul.f32 v18, v17;
	v4 =	vadd.f32 v45, v4  }
0x15b: {  	v3 =	vbroadcast v39, $0xF;
	v51, _, _ =	vpop (xrf2);
	v2 =	vsel vm0, v47, v6  }
0x15c: {  	v6 =	vbroadcast v51, $0xF;
	v2 =	vsel vm1, v2, v48;
	v4 =	vadd.f32 v49, v4  }
0x15d: {  	v52 =	vbroadcast v37, $0xF;
	v2 =	vsel vm2, v2, v3  }
0x15e: {  	v53 =	vbroadcast v16, $0xF;
	v54, _, _ =	vpop (xrf2);
	v2 =	vsel vm3, v2, v6;
	(xrf2) =	vadd.scan.msk.f32 $0xffff, v4  }
0x15f: {  	v55 =	vbroadcast v54, $0xF;
	v2 =	vsel vm4, v2, v52  }
0x160: {  	v0 =	vbroadcast v32, $0xF;
	v2 =	vsel vm5, v2, v53  }
0x161: {  	v56 =	vbroadcast v14, $0xF;
	v57, _, _ =	vpop (xrf2);
	v2 =	vsel vm6, v2, v55  }
0x162: {  	v58 =	vbroadcast v57, $0xF;
	v0 =	vsel vm7, v2, v0  }
0x163: {  	v59 =	vbroadcast v13, $0xF;
	v0 =	vsel vm8, v0, v56  }
0x164: {  	v1 =	vbroadcast v1, $0xF;
	v60, _, _ =	vpop (xrf2);
	v0 =	vsel vm9, v0, v58  }
0x165: {  	v2 =	vbroadcast v60, $0xF;
	v0 =	vsel vm10, v0, v59  }
0x166: {  	v61 =	vbroadcast v10, $0xF;
	v0 =	vsel vm11, v0, v1  }
0x167: {  	v0 =	vsel vm12, v0, v2  }
0x168: {  	v0 =	vsel vm13, v0, v61;
	v62, _, _ =	vpop (xrf2)  }
0x169: {  	v0 =	vsel vm14, v0, v62  }
0x16a: {  	v0 =	vsub.f32 $0.0e+00, v0;
	_ =	sdelay $0x1  }
0x16b: {  	v0 =	vmul.f32 $1.442695020e+00, v0;
	_ =	sdelay $0x1  }
0x16c: {  	(erf) = vpow2.f32 v0;
	_ =	sdelay $0x8  }
0x16d: {  	v0 =	vpop (erf)  }
0x16e: {  	v0 =	vadd.f32 $1.000000000e+00, v0;
	_ =	sdelay $0x1  }
0x16f: {  	(erf) = vrcp.f32 v0;
	_ =	sdelay $0x8  }
0x170: {  	s13 =	simm.s32 $0x10400;
	v0 =	vpop (erf)  }
0x171: {  	s14 =	simm.s32 $0x800;
	[tilespmem:s13+$0x0] =	vst v0  }
0x172: {  	v25 =	vld [tilespmem:s14+$0xB30]  }
0x173: {  	v0 =	vld [tilespmem:s14+$0x8B30]  }
0x174: {  	v18 =	vld [tilespmem:s14+$0xB90]  }
0x175: {  	v63 =	vld [tilespmem:s14+$0x8B90]  }
0x176: {  	v53 =	vld [tilespmem:s14+$0xB20]  }
0x177: {  	v30 =	vld [tilespmem:s14+$0x8B20]  }
0x178: {  	v4 =	vld [tilespmem:s14+$0xB80]  }
0x179: {  	v5 =	vld [tilespmem:s14+$0x8B80]  }
0x17a: {  	v23 =	vld [tilespmem:s14+$0xA30]  }
0x17b: {  	v54 =	vld [tilespmem:s14+$0x8A30]  }
0x17c: {  	v6 =	vld [tilespmem:s14+$0xAA0]  }
0x17d: {  	v28 =	vld [tilespmem:s14+$0xB10]  }
0x17e: {  	v35 =	vld [tilespmem:s14+$0x8B10]  }
0x17f: {  	v9 =	vld [tilespmem:s14+$0x9B0]  }
0x180: {  	v11 =	vld [tilespmem:s14+$0x89B0]  }
0x181: {  	v33 =	vld [tilespmem:s14+$0xA20]  }
0x182: {  	v38 =	vld [tilespmem:s14+$0x8A20]  }
0x183: {  	v7 =	vld [tilespmem:s14+$0xA90]  }
0x184: {  	v8 =	vld [tilespmem:s14+$0x8A90]  }
0x185: {  	v24 =	vld [tilespmem:s14+$0xB00]  }
0x186: {  	v36 =	vld [tilespmem:s14+$0x8B00]  }
0x187: {  	v10 =	vld [tilespmem:s14+$0x9A0]  }
0x188: {  	v61 =	vld [tilespmem:s14+$0x89A0]  }
0x189: {  	v43 =	vld [tilespmem:s14+$0xA10]  }
0x18a: {  	v44 =	vld [tilespmem:s14+$0x8A10]  }
0x18b: {  	v32 =	vld [tilespmem:s14+$0xA80]  }
0x18c: {  	v34 =	vld [tilespmem:s14+$0x8A80]  }
0x18d: {  	v37 =	vld [tilespmem:s14+$0x920]  }
0x18e: {  	v47 =	vld [tilespmem:s14+$0x990]  }
0x18f: {  	v48 =	vld [tilespmem:s14+$0x8990]  }
0x190: {  	v49 =	vld [tilespmem:s14+$0xA00]  }
0x191: {  	v50 =	vld [tilespmem:s14+$0x8A00]  }
0x192: {  	v12 =	vld [tilespmem:s14+$0x8830]  }
0x193: {  	v39 =	vld [tilespmem:s14+$0x8A0]  }
0x194: {  	v62 =	vld [tilespmem:s14+$0x88A0]  }
0x195: {  	v40 =	vld [tilespmem:s14+$0x910]  }
0x196: {  	v41 =	vld [tilespmem:s14+$0x8910]  }
0x197: {  	v56 =	vld [tilespmem:s14+$0x8980]  }
0x198: {  	v42 =	vld [tilespmem:s14+$0x820]  }
0x199: {  	v58 =	vld [tilespmem:s14+$0x8820]  }
0x19a: {  	v59 =	vld [tilespmem:s14+$0x890]  }
0x19b: {  	v60 =	vld [tilespmem:s14+$0x8890]  }
0x19c: {  	v15 =	vld [tilespmem:s14+$0x900]  }
0x19d: {  	v45 =	vld [tilespmem:s14+$0x8900]  }
0x19e: {  	v13 =	vld [tilespmem:s14+$0x730]  }
0x19f: {  	v22 =	vld [tilespmem:s14+$0x8730]  }
0x1a0: {  	v46 =	vld [tilespmem:s14+$0x7A0]  }
0x1a1: {  	v57 =	vld [tilespmem:s14+$0x720]  }
0x1a2: {  	v3 =	vld [tilespmem:s14+$0x8720]  }
0x1a3: {  	v16 =	vld [tilespmem:s14+$0x790]  }
0x1a4: {  	v17 =	vld [tilespmem:s14+$0x8790]  }
0x1a5: {  	v1 =	vld [tilespmem:s14+$0x800]  }
0x1a6: {  	v51 =	vld [tilespmem:s14+$0x6A0]  }
0x1a7: {  	v52 =	vld [tilespmem:s14+$0x86A0]  }
0x1a8: {  	v19 =	vld [tilespmem:s14+$0x780]  }
0x1a9: {  	v20 =	vld [tilespmem:s14+$0x8780]  }
0x1aa: {  	v55 =	vld [tilespmem:s14+$0x5B0]  }
0x1ab: {  	v27 =	vld [tilespmem:s14+$0x85B0]  }
0x1ac: {  	v21 =	vld [tilespmem:s14+$0x620]  }
0x1ad: {  	v2 =	vld [tilespmem:s14+$0x8700]  }
0x1ae: {  	v26 =	vld [tilespmem:s14+$0x530]  }
0x1af: {  	v29 =	vld [tilespmem:s14+$0x8530]  }
0x1b0: {  	v31 =	vld [tilespmem:s14+$0x5A0]  }
0x1b1: {  	v14 =	vld [tilespmem:s14+$0x610]  }
0x1b2: {  	[tilespmem:$0x1FF00] =	vst v7;
	v7 =	vld [tilespmem:s14+$0x8B0]  }
0x1b3: {  	[tilespmem:$0x1FF10] =	vst v8;
	v8 =	vld [tilespmem:s14+$0x88B0]  }
0x1b4: {  	[tilespmem:$0x1FFA0] =	vst v10;
	v10 =	vld [tilespmem:s14+$0x830]  }
0x1b5: {  	[tilespmem:$0x1FED0] =	vst v4;
	v4 =	vld [tilespmem:s14+$0x980]  }
0x1b6: {  	[tilespmem:$0x1FEC0] =	vst v63;
	v63 =	vld [tilespmem:s14+$0x810]  }
0x1b7: {  	[tilespmem:$0x1FF70] =	vst v45;
	v45 =	vld [tilespmem:s14+$0x8810]  }
0x1b8: {  	[tilespmem:$0x1FF40] =	vst v37;
	v37 =	vld [tilespmem:s14+$0x880]  }
0x1b9: {  	[tilespmem:$0x1FF30] =	vst v34;
	v34 =	vld [tilespmem:s14+$0x8880]  }
0x1ba: {  	[tilespmem:$0x1FEE0] =	vst v5;
	v5 =	vld [tilespmem:s14+$0x6B0]  }
0x1bb: {  	[tilespmem:$0x1FEF0] =	vst v6;
	v6 =	vld [tilespmem:s14+$0x86B0]  }
0x1bc: {  	[tilespmem:$0x1FF90] =	vst v0;
	v0 =	vld [tilespmem:s14+$0x8800];
	v36 =	vmul.f32 v36, v24  }
0x1bd: {  	[tilespmem:$0x1FF80] =	vst v46;
	v46 =	vld [tilespmem:s14+$0x710]  }
0x1be: {  	[tilespmem:$0x1FFC0] =	vst v42;
	v42 =	vld [tilespmem:s14+$0x8710];
	v35 =	vmul.f32 v35, v28;
	v36 =	vadd.f32 $0.0e+00, v36  }
0x1bf: {  	[tilespmem:$0x1FFE0] =	vst v52;
	v52 =	vld [tilespmem:s14+$0x690]  }
0x1c0: {  	[tilespmem:$0x1FFD0] =	vst v51;
	v51 =	vld [tilespmem:s14+$0x8690];
	v53 =	vmul.f32 v30, v53;
	v36 =	vadd.f32 v35, v36  }
0x1c1: {  	[tilespmem:$0x1FF50] =	vst v40;
	v40 =	vld [tilespmem:s14+$0x700]  }
0x1c2: {  	v49 =	vmul.f32 v50, v49;
	v50 =	vadd.f32 v53, v36;
	v53 =	vld [tilespmem:$0x1FF90]  }
0x1c3: {  	[tilespmem:$0x1FF20] =	vst v32;
	v32 =	vld [tilespmem:s14+$0x85A0]  }
0x1c4: {  	v24 =	vld [tilespmem:s14+$0x8610]  }
0x1c5: {  	[tilespmem:$0x1FF60] =	vst v41;
	v41 =	vld [tilespmem:s14+$0x680]  }
0x1c6: {  	[tilespmem:$0x1FFB0] =	vst v39;
	v39 =	vld [tilespmem:s14+$0x8680]  }
0x1c7: {  	v28 =	vld [tilespmem:s14+$0x430];
	v53 =	vmul.f32 v53, v25  }
0x1c8: {  	v30 =	vld [tilespmem:s14+$0x8430];
	v43 =	vmul.f32 v44, v43;
	v44 =	vadd.f32 $0.0e+00, v49;
	v49 =	vmul.f32 v56, v4  }
0x1c9: {  	v56 =	vmul.f32 v48, v47;
	v48 =	vadd.f32 v53, v50;
	v50 =	vmul.f32 v54, v23;
	v54 =	vld [tilespmem:$0x1FFA0]  }
0x1ca: {  	v60 =	vmul.f32 v60, v59;
	v59 =	vld [tilespmem:$0x1FFB0]  }
0x1cb: {  	v35 =	vld [tilespmem:s14+$0x520]  }
0x1cc: {  	v43 =	vadd.f32 v43, v44;
	v44 =	vld [tilespmem:s14+$0x590];
	v4 =	vadd.f32 $0.0e+00, v49  }
0x1cd: {  	v33 =	vmul.f32 v38, v33;
	v47 =	vld [tilespmem:s14+$0x510]  }
0x1ce: {  	v2 =	vmul.f32 v2, v40;
	v40 =	vld [tilespmem:s14+$0x8510];
	v38 =	vadd.f32 v56, v4;
	v56 =	vmul.f32 v61, v54  }
0x1cf: {  	v41 =	vmul.f32 v39, v41;
	v39 =	vld [tilespmem:s14+$0x410]  }
0x1d0: {  	v11 =	vmul.f32 v11, v9;
	v36 =	vld [tilespmem:s14+$0x8520];
	v61 =	vadd.f32 v56, v38  }
0x1d1: {  	v42 =	vmul.f32 v42, v46;
	v43 =	vadd.f32 v33, v43;
	v33 =	vld [tilespmem:s14+$0x600];
	v2 =	vadd.f32 $0.0e+00, v2  }
0x1d2: {  	v53 =	vmul.f32 v34, v37;
	(xrf2) =	vadd.scan.msk.f32 $0xffff, v48;
	v48 =	vadd.f32 v11, v61;
	v61 =	vld [tilespmem:$0x1FFC0]  }
0x1d3: {  	v0 =	vmul.f32 v0, v1;
	v49 =	vld [tilespmem:s14+$0x8590];
	v2 =	vadd.f32 v42, v2  }
0x1d4: {  	v42 =	vld [tilespmem:s14+$0x8400];
	v43 =	vadd.f32 v50, v43;
	v4 =	vadd.f32 $0.0e+00, v53  }
0x1d5: {  	v0 =	vadd.f32 $0.0e+00, v0;
	v50 =	vld [tilespmem:s14+$0x580];
	v56 =	vmul.f32 v45, v63  }
0x1d6: {  	(xrf2) =	vadd.scan.msk.f32 $0xffff, v43;
	v1 =	vadd.f32 v60, v4;
	v63 =	vld [tilespmem:s14+$0x8580]  }
0x1d7: {  	v60 =	vmul.f32 v62, v59;
	v45 =	vld [tilespmem:s14+$0x500];
	v0 =	vadd.f32 v56, v0;
	v62 =	vmul.f32 v58, v61  }
0x1d8: {  	v61 =	vld [tilespmem:$0x1FFD0]  }
0x1d9: {  	v0 =	vadd.f32 v62, v0;
	v62 =	vld [tilespmem:$0x1FFE0]  }
0x1da: {  	v9 =	vmul.f32 v8, v7;
	v41 =	vadd.f32 $0.0e+00, v41;
	v11 =	vld [tilespmem:s14+$0x8500]  }
0x1db: {  	v34 =	vld [tilespmem:s14+$0x8600];
	v59 =	vmul.f32 v51, v52;
	v1 =	vadd.f32 v60, v1;
	v60 =	vmul.f32 v22, v13  }
0x1dc: {  	v37 =	vld [tilespmem:s14+$0x420];
	v56 =	vmul.f32 v12, v10;
	v58 =	vmul.f32 v3, v57  }
0x1dd: {  	v46 =	vadd.f32 v59, v41;
	v38 =	vld [tilespmem:s14+$0x8420];
	v1 =	vadd.f32 v9, v1;
	v43 =	vmul.f32 v63, v50  }
0x1de: {  	(xrf2) =	vadd.scan.msk.f32 $0xffff, v48;
	v48 =	vld [tilespmem:s14+$0x400];
	v2 =	vadd.f32 v58, v2;
	v0 =	vadd.f32 v56, v0;
	v63 =	vmul.f32 v62, v61  }
0x1df: {  	v49 =	vmul.f32 v49, v44;
	(xrf2) =	vadd.scan.msk.f32 $0xffff, v1;
	v22, _, _ =	vpop (xrf2);
	v51 =	vmul.f32 v11, v45;
	v45 =	vld [tilespmem:s14+$0x8410];
	v52 =	vadd.f32 $0.0e+00, v43  }
0x1e0: {  	s15 =	simm.s32 $0x4000;
	s12 =	simm.s32 $0x0;
	v53, _, _ =	vpop (xrf2);
	v43 =	vmul.f32 v6, v5;
	v41 =	vadd.f32 v60, v2;
	(xrf2) =	vadd.scan.msk.f32 $0xffff, v0;
	v50 =	vadd.f32 v63, v46;
	v46 =	vld [tilespmem:s14+$0x480]  }
.LBB2_4:
0x1e1: {  	v0 =	vld [tilespmem:s14+$0x8480]  }
0x1e2: {  	v10 =	vld [tilespmem:s14+$0x490]  }
0x1e3: {  	v57 =	vld [tilespmem:s14+$0x8620]  }
0x1e4: {  	v59 =	vld [tilespmem:s14+$0x630]  }
0x1e5: {  	v60 =	vld [tilespmem:s14+$0x8630]  }
0x1e6: {  	v16 =	vmul.f32 v17, v16;
	v17 =	vld [tilespmem:s14+$0x8920]  }
0x1e7: {  	v61 =	vld [tilespmem:$0x1FF70]  }
0x1e8: {  	v62 =	vld [tilespmem:$0x1FF80]  }
0x1e9: {  	v2 =	vld [tilespmem:$0x1FF60]  }
0x1ea: {  	v12 =	vld [tilespmem:s14+$0x8AA0]  }
0x1eb: {  	v9 =	vld [tilespmem:s14+$0xAB0]  }
0x1ec: {  	v11 =	vadd.f32 $0.0e+00, v51;
	v51 =	vld [tilespmem:s14+$0x84A0]  }
0x1ed: {  	v44 =	vadd.f32 v49, v52;
	v52 =	vld [tilespmem:s14+$0x4B0];
	v32 =	vmul.f32 v32, v31  }
0x1ee: {  	(xrf2) =	vadd.scan.msk.f32 $0xffff, v41;
	v41 =	vld [tilespmem:$0x1FEF0];
	v40 =	vmul.f32 v40, v47;
	v42 =	vmul.f32 v42, v48  }
0x1ef: {  	v48 =	vld [tilespmem:s14+$0x8490];
	v1 =	vmul.f32 v27, v55;
	v35 =	vmul.f32 v36, v35  }
0x1f0: {  	v27 =	vld [tilespmem:s14+$0x4A0];
	v39 =	vmul.f32 v45, v39;
	v26 =	vmul.f32 v29, v26  }
0x1f1: {  	v43 =	vadd.f32 v43, v50;
	v54 =	vmul.f32 v38, v37;
	v55 =	vld [tilespmem:s14+$0x84B0];
	v28 =	vmul.f32 v30, v28  }
0x1f2: {  	v23 =	vmul.f32 v24, v14;
	v24 =	vld [tilespmem:s14+$0x87A0];
	v32 =	vadd.f32 v32, v44;
	v50 =	vadd.f32 $0.0e+00, v42  }
0x1f3: {  	v19 =	vmul.f32 v20, v19;
	v20 =	vld [tilespmem:s14+$0x7B0];
	v31, _, _ =	vpop (xrf2);
	(xrf2) =	vadd.scan.msk.f32 $0xffff, v43;
	v0 =	vmul.f32 v0, v46;
	v40 =	vadd.f32 v40, v11  }
0x1f4: {  	v30 =	vmul.f32 v34, v33;
	v14 =	vld [tilespmem:s14+$0x930];
	v32 =	vadd.f32 v1, v32;
	v29 =	vadd.f32 v39, v50  }
0x1f5: {  	v33 =	vld [tilespmem:$0x1FF20];
	v0 =	vadd.f32 $0.0e+00, v0;
	v35 =	vadd.f32 v35, v40;
	v56 =	vmul.f32 v48, v10  }
0x1f6: {  	v34 =	vld [tilespmem:$0x1FF30];
	v25, _, _ =	vpop (xrf2);
	(xrf2) =	vadd.scan.msk.f32 $0xffff, v32;
	v58 =	vadd.f32 v54, v29  }
0x1f7: {  	v37 =	vld [tilespmem:$0x1FF00];
	v27 =	vmul.f32 v51, v27;
	v26 =	vadd.f32 v26, v35;
	v0 =	vadd.f32 v56, v0  }
0x1f8: {  	v43 =	vld [tilespmem:$0x1FEE0];
	v1 =	vadd.f32 v28, v58;
	v28 =	vadd.f32 $0.0e+00, v30  }
0x1f9: {  	v11 =	vld [tilespmem:$0x1FF50];
	v38, _, _ =	vpop (xrf2);
	(xrf2) =	vadd.scan.msk.f32 $0xffff, v26;
	v0 =	vadd.f32 v27, v0;
	v27 =	vmul.f32 v55, v52  }
0x1fa: {  	v21 =	vmul.f32 v57, v21;
	v23 =	vadd.f32 v23, v28;
	v28 =	vld [tilespmem:s14+$0x87B0]  }
0x1fb: {  	v19 =	vadd.f32 $0.0e+00, v19;
	v35 =	vld [tilespmem:$0x1FF40];
	v0 =	vadd.f32 v27, v0  }
0x1fc: {  	v13 =	vmul.f32 v61, v15;
	v39 =	vld [tilespmem:$0x1FF10];
	v29, _, _ =	vpop (xrf2);
	(xrf2) =	vadd.scan.msk.f32 $0xffff, v1;
	v3 =	vadd.f32 v21, v23;
	v23 =	vmul.f32 v60, v59  }
0x1fd: {  	v16 =	vadd.f32 v16, v19;
	v19 =	vld [tilespmem:s14+$0x8930];
	v15 =	vmul.f32 v24, v62;
	v26, _, _ =	vpop (xrf2);
	(xrf2) =	vadd.scan.msk.f32 $0xffff, v0  }
0x1fe: {  	v42 =	vld [tilespmem:$0x1FED0];
	v13 =	vadd.f32 $0.0e+00, v13;
	v11 =	vmul.f32 v2, v11;
	v63 =	vadd.f32 v23, v3  }
0x1ff: {  	v46 =	vld [tilespmem:$0x1FEC0];
	v8 =	vmul.f32 v34, v33;
	v32 =	vadd.f32 v15, v16;
	v16 =	vmul.f32 v28, v20  }
0x200: {  	v11 =	vadd.f32 v11, v13;
	v13 =	vld [tilespmem:s14+$0x8AB0];
	v10 =	vmul.f32 v17, v35;
	v21, _, _ =	vpop (xrf2);
	(xrf2) =	vadd.scan.msk.f32 $0xffff, v63  }
0x201: {  	v7 =	vld [tilespmem:s14+$0xBA0];
	v6 =	vmul.f32 v39, v37;
	v36 =	vadd.f32 v16, v32;
	v16 =	vadd.f32 $0.0e+00, v8  }
0x202: {  	v40 =	vmul.f32 v19, v14;
	v14 =	vld [tilespmem:s14+$0x8BA0];
	v10 =	vadd.f32 v10, v11  }
0x203: {  	v4 =	vld [tilespmem:s14+$0xBB0];
	v5 =	vmul.f32 v12, v41;
	v44 =	vmul.f32 v43, v42;
	v15, _, _ =	vpop (xrf2);
	v6 =	vadd.f32 v6, v16;
	(xrf2) =	vadd.scan.msk.f32 $0xffff, v36  }
0x204: {  	v47 =	vld [tilespmem:s14+$0x8BB0];
	v1 =	vmul.f32 v46, v18;
	v45 =	vadd.f32 v40, v10  }
0x205: {  	v50 =	vmul.f32 v13, v9;
	v3 =	vadd.f32 $0.0e+00, v44;
	v49 =	vadd.f32 v5, v6  }
0x206: {  	v48, _, _ =	vpop (xrf2);
	(xrf2) =	vadd.scan.msk.f32 $0xffff, v45  }
0x207: {  	v52 =	vmul.f32 v14, v7;
	v1 =	vadd.f32 v1, v3;
	v51 =	vadd.f32 v50, v49;
	v54, _, _ =	vpop (xrf2)  }
0x208: {  	v55 =	vbroadcast v48, $0xF;
	v5 =	vbroadcast v54, $0xF  }
0x209: {  	v2 =	vmul.f32 v47, v4;
	v1 =	vadd.f32 v52, v1;
	v56 =	vbroadcast v15, $0xF;
	(xrf2) =	vadd.scan.msk.f32 $0xffff, v51  }
0x20a: {  	v58 =	vbroadcast v21, $0xF;
	v57 =	vsel vm0, v55, v5;
	v59, _, _ =	vpop (xrf2)  }
0x20b: {  	v1 =	vadd.f32 v2, v1;
	v0 =	vsel vm1, v57, v56;
	v60 =	vbroadcast v59, $0xF  }
0x20c: {  	v61 =	vbroadcast v26, $0xF;
	v0 =	vsel vm2, v0, v58  }
0x20d: {  	v62 =	vbroadcast v29, $0xF;
	v0 =	vsel vm3, v0, v60;
	v63, _, _ =	vpop (xrf2);
	(xrf2) =	vadd.scan.msk.f32 $0xffff, v1  }
0x20e: {  	v0 =	vsel vm4, v0, v61;
	v7 =	vbroadcast v63, $0xF  }
0x20f: {  	v8 =	vbroadcast v38, $0xF;
	v0 =	vsel vm5, v0, v62  }
0x210: {  	v9 =	vbroadcast v25, $0xF;
	v10, _, _ =	vpop (xrf2);
	v0 =	vsel vm6, v0, v7  }
0x211: {  	v11 =	vbroadcast v10, $0xF;
	v0 =	vsel vm7, v0, v8  }
0x212: {  	v32 =	vbroadcast v31, $0xF;
	v0 =	vsel vm8, v0, v9  }
0x213: {  	v33 =	vbroadcast v53, $0xF;
	v0 =	vsel vm9, v0, v11;
	v34, _, _ =	vpop (xrf2)  }
0x214: {  	v0 =	vsel vm10, v0, v32;
	v3 =	vbroadcast v34, $0xF  }
0x215: {  	v35 =	vbroadcast v22, $0xF;
	v0 =	vsel vm11, v0, v33  }
0x216: {  	v0 =	vsel vm12, v0, v3  }
0x217: {  	v0 =	vsel vm13, v0, v35;
	v36, _, _ =	vpop (xrf2)  }
0x218: {  	v0 =	vsel vm14, v0, v36  }
0x219: {  	v0 =	vsub.f32 $0.0e+00, v0;
	_ =	sdelay $0x1  }
0x21a: {  	v0 =	vmul.f32 $1.442695020e+00, v0;
	_ =	sdelay $0x1  }
0x21b: {  	(erf) = vpow2.f32 v0;
	_ =	sdelay $0x8  }
0x21c: {  	v0 =	vpop (erf)  }
0x21d: {  	v0 =	vadd.f32 $1.000000000e+00, v0;
	_ =	sdelay $0x1  }
0x21e: {  	(erf) = vrcp.f32 v0;
	_ =	sdelay $0x8  }
0x21f: {  	s13 =	sadd.s32 $0x10, s13;
	v0 =	vpop (erf)  }
0x220: {  	s14 =	sshra.s32 s15, $0x2;
	[tilespmem:s13+$0x0] =	vst v0  }
0x221: {  	v33 =	vld [tilespmem:s14+$0xB30]  }
0x222: {  	v36 =	vld [tilespmem:s14+$0x8B30]  }
0x223: {  	v0 =	vld [tilespmem:s14+$0xB90]  }
0x224: {  	v37 =	vld [tilespmem:s14+$0x8B90]  }
0x225: {  	v30 =	vld [tilespmem:s14+$0xB20]  }
0x226: {  	v35 =	vld [tilespmem:s14+$0x8B20]  }
0x227: {  	v38 =	vld [tilespmem:s14+$0xB80]  }
0x228: {  	v39 =	vld [tilespmem:s14+$0x8B80]  }
0x229: {  	v34 =	vld [tilespmem:s14+$0xA30]  }
0x22a: {  	v40 =	vld [tilespmem:s14+$0xAA0]  }
0x22b: {  	v28 =	vld [tilespmem:s14+$0xB10]  }
0x22c: {  	v53 =	vld [tilespmem:s14+$0x8B10]  }
0x22d: {  	v41 =	vld [tilespmem:s14+$0x9B0]  }
0x22e: {  	v42 =	vld [tilespmem:s14+$0x89B0]  }
0x22f: {  	v48 =	vld [tilespmem:s14+$0xA20]  }
0x230: {  	v49 =	vld [tilespmem:s14+$0x8A20]  }
0x231: {  	v43 =	vld [tilespmem:s14+$0xA90]  }
0x232: {  	v44 =	vld [tilespmem:s14+$0x8A90]  }
0x233: {  	v24 =	vld [tilespmem:s14+$0x8B00]  }
0x234: {  	v47 =	vld [tilespmem:s14+$0x89A0]  }
0x235: {  	v58 =	vld [tilespmem:s14+$0xA10]  }
0x236: {  	v61 =	vld [tilespmem:s14+$0x8A10]  }
0x237: {  	v45 =	vld [tilespmem:s14+$0xA80]  }
0x238: {  	v46 =	vld [tilespmem:s14+$0x8A80]  }
0x239: {  	v50 =	vld [tilespmem:s14+$0x8B0]  }
0x23a: {  	v51 =	vld [tilespmem:s14+$0x920]  }
0x23b: {  	v59 =	vld [tilespmem:s14+$0x990]  }
0x23c: {  	v62 =	vld [tilespmem:s14+$0x8990]  }
0x23d: {  	v63 =	vld [tilespmem:s14+$0xA00]  }
0x23e: {  	v1 =	vld [tilespmem:s14+$0x8A00]  }
0x23f: {  	v52 =	vld [tilespmem:s14+$0x830]  }
0x240: {  	v54 =	vld [tilespmem:s14+$0x8830]  }
0x241: {  	v55 =	vld [tilespmem:s14+$0x910]  }
0x242: {  	v56 =	vld [tilespmem:s14+$0x8910]  }
0x243: {  	v2 =	vld [tilespmem:s14+$0x980]  }
0x244: {  	v3 =	vld [tilespmem:s14+$0x8980]  }
0x245: {  	v4 =	vld [tilespmem:s14+$0x890]  }
0x246: {  	v5 =	vld [tilespmem:s14+$0x8890]  }
0x247: {  	v57 =	vld [tilespmem:s14+$0x8900]  }
0x248: {  	v60 =	vld [tilespmem:s14+$0x7A0]  }
0x249: {  	v6 =	vld [tilespmem:s14+$0x810]  }
0x24a: {  	v7 =	vld [tilespmem:s14+$0x8810]  }
0x24b: {  	v8 =	vld [tilespmem:s14+$0x880]  }
0x24c: {  	v9 =	vld [tilespmem:s14+$0x8880]  }
0x24d: {  	v23 =	vld [tilespmem:s14+$0x8790]  }
0x24e: {  	v10 =	vld [tilespmem:s14+$0x800]  }
0x24f: {  	v11 =	vld [tilespmem:s14+$0x8800]  }
0x250: {  	v12 =	vld [tilespmem:s14+$0x710]  }
0x251: {  	v13 =	vld [tilespmem:s14+$0x8710]  }
0x252: {  	v22 =	vld [tilespmem:s14+$0x780]  }
0x253: {  	v20 =	vld [tilespmem:s14+$0x8780]  }
0x254: {  	v27 =	vld [tilespmem:s14+$0x85B0]  }
0x255: {  	v21 =	vld [tilespmem:s14+$0x620]  }
0x256: {  	v25 =	vld [tilespmem:s14+$0x690]  }
0x257: {  	v15 =	vld [tilespmem:s14+$0x8690]  }
0x258: {  	v16 =	vld [tilespmem:s14+$0x700]  }
0x259: {  	v17 =	vld [tilespmem:s14+$0x8700]  }
0x25a: {  	v26 =	vld [tilespmem:s14+$0x530]  }
0x25b: {  	v29 =	vld [tilespmem:s14+$0x8530]  }
0x25c: {  	v31 =	vld [tilespmem:s14+$0x5A0]  }
0x25d: {  	v32 =	vld [tilespmem:s14+$0x85A0]  }
0x25e: {  	v14 =	vld [tilespmem:s14+$0x610]  }
0x25f: {  	v19 =	vld [tilespmem:s14+$0x680]  }
0x260: {  	v18 =	vld [tilespmem:s14+$0x8680]  }
0x261: {  	[tilespmem:$0x1FEC0] =	vst v37;
	v37 =	vld [tilespmem:s14+$0x8A30]  }
0x262: {  	[tilespmem:$0x1FD50] =	vst v0;
	v0 =	vld [tilespmem:s14+$0xB00]  }
0x263: {  	[tilespmem:$0x1FED0] =	vst v38;
	v38 =	vld [tilespmem:s14+$0x9A0]  }
0x264: {  	[tilespmem:$0x1FEF0] =	vst v40;
	v40 =	vld [tilespmem:s14+$0x88B0]  }
0x265: {  	[tilespmem:$0x1FD60] =	vst v52;
	v52 =	vld [tilespmem:s14+$0x8A0]  }
0x266: {  	[tilespmem:$0x1FEE0] =	vst v39;
	v39 =	vld [tilespmem:s14+$0x88A0]  }
0x267: {  	[tilespmem:$0x1FD40] =	vst v50;
	v50 =	vld [tilespmem:s14+$0x820]  }
0x268: {  	[tilespmem:$0x1FF40] =	vst v51;
	v51 =	vld [tilespmem:s14+$0x8820]  }
0x269: {  	[tilespmem:$0x1FD30] =	vst v42;
	v42 =	vld [tilespmem:s14+$0x900]  }
0x26a: {  	[tilespmem:$0x1FF20] =	vst v45;
	v45 =	vld [tilespmem:s14+$0x730]  }
0x26b: {  	[tilespmem:$0x1FF30] =	vst v46;
	v46 =	vld [tilespmem:s14+$0x8730]  }
0x26c: {  	[tilespmem:$0x1FF00] =	vst v43;
	v43 =	vld [tilespmem:s14+$0x6B0]  }
0x26d: {  	[tilespmem:$0x1FF10] =	vst v44;
	v44 =	vld [tilespmem:s14+$0x86B0]  }
0x26e: {  	[tilespmem:$0x1FF70] =	vst v57;
	v57 =	vld [tilespmem:s14+$0x720]  }
0x26f: {  	[tilespmem:$0x1FF80] =	vst v60;
	v60 =	vld [tilespmem:s14+$0x8720]  }
0x270: {  	[tilespmem:$0x1FD70] =	vst v54;
	v54 =	vld [tilespmem:s14+$0x790]  }
0x271: {  	[tilespmem:$0x1FD20] =	vst v41;
	v41 =	vld [tilespmem:s14+$0x6A0]  }
0x272: {  	[tilespmem:$0x1FF60] =	vst v56;
	v56 =	vld [tilespmem:s14+$0x86A0]  }
0x273: {  	[tilespmem:$0x1FF50] =	vst v55;
	v55 =	vld [tilespmem:s14+$0x5B0]  }
0x274: {  	v53 =	vmul.f32 v53, v28;
	v1 =	vmul.f32 v1, v63;
	v28 =	vld [tilespmem:s14+$0x430]  }
0x275: {  	v63 =	vmul.f32 v35, v30;
	v30 =	vld [tilespmem:s14+$0x8430]  }
0x276: {  	v58 =	vmul.f32 v61, v58;
	v35 =	vld [tilespmem:s14+$0x520];
	v2 =	vmul.f32 v3, v2;
	v1 =	vadd.f32 $0.0e+00, v1  }
0x277: {  	v59 =	vmul.f32 v62, v59;
	v3 =	vld [tilespmem:s14+$0x8590]  }
0x278: {  	v2 =	vadd.f32 $0.0e+00, v2;
	v1 =	vadd.f32 v58, v1;
	v58 =	vmul.f32 v49, v48;
	v49 =	vld [tilespmem:s14+$0x590]  }
0x279: {  	v48 =	vld [tilespmem:$0x1FD30];
	v0 =	vmul.f32 v24, v0  }
0x27a: {  	v2 =	vadd.f32 v59, v2;
	v59 =	vmul.f32 v7, v6;
	v6 =	vld [tilespmem:s14+$0x580]  }
0x27b: {  	v24 =	vld [tilespmem:s14+$0x8610];
	v0 =	vadd.f32 $0.0e+00, v0  }
0x27c: {  	v61 =	vmul.f32 v37, v34;
	v34 =	vld [tilespmem:s14+$0x8600]  }
0x27d: {  	v38 =	vmul.f32 v47, v38;
	v37 =	vld [tilespmem:s14+$0x420];
	v0 =	vadd.f32 v53, v0  }
0x27e: {  	v8 =	vmul.f32 v9, v8;
	v47 =	vld [tilespmem:$0x1FD20];
	v1 =	vadd.f32 v58, v1  }
0x27f: {  	v2 =	vadd.f32 v38, v2;
	v38 =	vld [tilespmem:s14+$0x8420];
	v53 =	vmul.f32 v36, v33;
	v0 =	vadd.f32 v63, v0  }
0x280: {  	v1 =	vadd.f32 v61, v1;
	v61 =	vmul.f32 v17, v16;
	v16 =	vmov v54;
	v54 =	vld [tilespmem:$0x1FD70]  }
0x281: {  	v4 =	vmul.f32 v5, v4;
	v62 =	vadd.f32 $0.0e+00, v8;
	v36 =	vld [tilespmem:s14+$0x8520];
	v0 =	vadd.f32 v53, v0  }
0x282: {  	v33 =	vld [tilespmem:s14+$0x600]  }
0x283: {  	(xrf2) =	vadd.scan.msk.f32 $0xffff, v0;
	v0 =	vadd.f32 v4, v62;
	v62 =	vld [tilespmem:$0x1FD40]  }
0x284: {  	v8 =	vmul.f32 v48, v47;
	v47 =	vld [tilespmem:s14+$0x510];
	v53 =	vmul.f32 v39, v52  }
0x285: {  	v63 =	vmul.f32 v11, v10;
	v10 =	vld [tilespmem:s14+$0x8500];
	(xrf2) =	vadd.scan.msk.f32 $0xffff, v1  }
0x286: {  	v48 =	vmul.f32 v51, v50;
	v0 =	vadd.f32 v53, v0;
	v53 =	vld [tilespmem:$0x1FD60]  }
0x287: {  	v50 =	vadd.f32 $0.0e+00, v61;
	v58 =	vadd.f32 $0.0e+00, v63;
	v63 =	vld [tilespmem:s14+$0x8580];
	v52 =	vmul.f32 v18, v19  }
0x288: {  	v51 =	vmul.f32 v13, v12;
	v2 =	vadd.f32 v8, v2;
	v18 =	vld [tilespmem:$0x1FD50];
	v4 =	vmul.f32 v40, v62  }
0x289: {  	v43 =	vmul.f32 v44, v43;
	v39 =	vld [tilespmem:s14+$0x410];
	v1 =	vadd.f32 v59, v58;
	v59 =	vadd.f32 $0.0e+00, v52  }
0x28a: {  	p0 =	sne.s32 s15, $0x1E000;
	v58 =	vmul.f32 v60, v57;
	(xrf2) =	vadd.scan.msk.f32 $0xffff, v2;
	v2 =	vadd.f32 v51, v50;
	v0 =	vadd.f32 v4, v0;
	v4 =	vld [tilespmem:s14+$0x500]  }
.Ltmp1:
0x28b: {  	v60 =	vmul.f32 v15, v25;
	v15 =	vmovc v42;
	v42 =	vld [tilespmem:s14+$0x8400];
	v1 =	vadd.f32 v48, v1;
	v5 =	vmul.f32 v54, v53;
	(pc) =	sbr.rel @p0 .LBB2_4-.Ltmp1, $4  }
0x28c: {  	v17 =	vmovc v23;
	v61 =	vmul.f32 v63, v6;
	v48 =	vld [tilespmem:s14+$0x400];
	v63 =	vmul.f32 v56, v41;
	v2 =	vadd.f32 v58, v2  }
0x28d: {  	v40 =	vld [tilespmem:s14+$0x8510];
	v62 =	vmul.f32 v46, v45;
	(xrf2) =	vadd.scan.msk.f32 $0xffff, v0;
	v1 =	vadd.f32 v5, v1;
	v0 =	vadd.f32 v60, v59  }
0x28e: {  	v49 =	vmul.f32 v3, v49;
	v19 =	vmov v22;
	v45 =	vld [tilespmem:s14+$0x8410];
	v52 =	vadd.f32 $0.0e+00, v61;
	v22, _, _ =	vpop (xrf2)  }
0x28f: {  	s15 =	sadd.s32 $0x2000, s15;
	v46 =	vld [tilespmem:s14+$0x480];
	v41 =	vadd.f32 v62, v2;
	(xrf2) =	vadd.scan.msk.f32 $0xffff, v1;
	v53, _, _ =	vpop (xrf2);
	v50 =	vadd.f32 v63, v0;
	v51 =	vmul.f32 v10, v4  }
0x290: {  	v2 =	vld [tilespmem:s14+$0x490]  }
0x291: {  	v6 =	vld [tilespmem:s14+$0x8490];
	_ =	sdelay $0x1  }
0x292: {  	v4 =	vadd.f32 v49, v52;
	v5 =	vmul.f32 v42, v48  }
0x293: {  	v7 =	vmul.f32 v32, v31;
	v13 =	vmul.f32 v38, v37;
	v3 =	vadd.f32 $0.0e+00, v51  }
0x294: {  	v0 =	vld [tilespmem:s14+$0x8480];
	v1 =	vmul.f32 v40, v47;
	v5 =	vadd.f32 $0.0e+00, v5;
	v10 =	vmul.f32 v45, v39  }
0x295: {  	v4 =	vadd.f32 v7, v4;
	v7 =	vmul.f32 v27, v55;
	v2 =	vmul.f32 v6, v2;
	v6 =	vld [tilespmem:s14+$0x8620]  }
0x296: {  	v9 =	vld [tilespmem:s14+$0x4A0];
	v61 =	vmul.f32 v34, v33;
	v8 =	vadd.f32 v43, v50;
	v5 =	vadd.f32 v10, v5  }
0x297: {  	v11 =	vld [tilespmem:s14+$0x84A0];
	v23 =	vmul.f32 v30, v28;
	v1 =	vadd.f32 v1, v3;
	v4 =	vadd.f32 v7, v4  }
0x298: {  	v63 =	vld [tilespmem:s14+$0x8630];
	v24 =	vmul.f32 v24, v14;
	(xrf2) =	vadd.scan.msk.f32 $0xffff, v41;
	v3 =	vadd.f32 $0.0e+00, v61;
	v5 =	vadd.f32 v13, v5  }
0x299: {  	v58 =	vmul.f32 v36, v35;
	v27 =	vld [tilespmem:s14+$0x7B0];
	(xrf2) =	vadd.scan.msk.f32 $0xffff, v8  }
0x29a: {  	(xrf2) =	vadd.scan.msk.f32 $0xffff, v4;
	v3 =	vadd.f32 v24, v3;
	v4 =	vadd.f32 v23, v5;
	v5 =	vmul.f32 v6, v21;
	v6 =	vld [tilespmem:s14+$0x87B0]  }
0x29b: {  	v59 =	vmul.f32 v29, v26;
	v7 =	vld [tilespmem:s14+$0x630];
	v1 =	vadd.f32 v58, v1  }
0x29c: {  	v3 =	vadd.f32 v5, v3;
	v5 =	vld [tilespmem:$0x1FF70]  }
0x29d: {  	v12 =	vld [tilespmem:s14+$0x4B0];
	v1 =	vadd.f32 v59, v1  }
0x29e: {  	v36 =	vld [tilespmem:$0x1FF30]  }
0x29f: {  	(xrf2) =	vadd.scan.msk.f32 $0xffff, v1;
	v35 =	vmul.f32 v6, v27;
	v6 =	vld [tilespmem:$0x1FF20]  }
0x2a0: {  	v60 =	vld [tilespmem:s14+$0x84B0];
	(xrf2) =	vadd.scan.msk.f32 $0xffff, v4;
	v4 =	vmul.f32 v63, v7  }
0x2a1: {  	v25 =	vld [tilespmem:s14+$0x87A0];
	v5 =	vmul.f32 v5, v15  }
0x2a2: {  	v32 =	vadd.f32 v4, v3;
	v4 =	vld [tilespmem:$0x1FF50]  }
0x2a3: {  	v33 =	vadd.f32 $0.0e+00, v5;
	v5 =	vld [tilespmem:$0x1FF60]  }
0x2a4: {  	v30 =	vld [tilespmem:$0x1FF80];
	v0 =	vmul.f32 v0, v46;
	v6 =	vmul.f32 v36, v6  }
0x2a5: {  	v41 =	vld [tilespmem:$0x1FF10]  }
0x2a6: {  	v0 =	vadd.f32 $0.0e+00, v0;
	v40 =	vadd.f32 $0.0e+00, v6;
	v6 =	vld [tilespmem:$0x1FF00]  }
0x2a7: {  	v8 =	vmul.f32 v20, v19  }
0x2a8: {  	v31 =	vld [tilespmem:s14+$0x8930];
	v62 =	vmul.f32 v11, v9;
	v0 =	vadd.f32 v2, v0;
	v4 =	vmul.f32 v5, v4  }
0x2a9: {  	v29 =	vmul.f32 v17, v16;
	v28 =	vadd.f32 $0.0e+00, v8;
	v8 =	vld [tilespmem:s14+$0x8920]  }
0x2aa: {  	v26 =	vmul.f32 v60, v12;
	v0 =	vadd.f32 v62, v0;
	v3 =	vadd.f32 v4, v33;
	v4 =	vld [tilespmem:$0x1FF40]  }
0x2ab: {  	v2 =	vmul.f32 v25, v30;
	v1 =	vadd.f32 v29, v28;
	v7 =	vld [tilespmem:s14+$0x930];
	v6 =	vmul.f32 v41, v6  }
0x2ac: {  	v0 =	vadd.f32 v26, v0;
	v5 =	vld [tilespmem:s14+$0x8AA0]  }
0x2ad: {  	v1 =	vadd.f32 v2, v1;
	v2 =	vadd.f32 v6, v40;
	v6 =	vld [tilespmem:$0x1FEF0]  }
0x2ae: {  	v37 =	vld [tilespmem:s14+$0xAB0];
	(xrf2) =	vadd.scan.msk.f32 $0xffff, v0  }
0x2af: {  	v4 =	vmul.f32 v8, v4;
	v8 =	vld [tilespmem:s14+$0x8AB0]  }
0x2b0: {  	v34, _, _ =	vpop (xrf2)  }
0x2b1: {  	v45 =	vld [tilespmem:$0x1FEE0];
	v38, _, _ =	vpop (xrf2)  }
0x2b2: {  	v39, _, _ =	vpop (xrf2);
	v3 =	vadd.f32 v4, v3;
	v4 =	vmul.f32 v31, v7;
	v5 =	vmul.f32 v5, v6;
	v6 =	vld [tilespmem:$0x1FED0]  }
0x2b3: {  	v43, _, _ =	vpop (xrf2);
	(xrf2) =	vadd.scan.msk.f32 $0xffff, v32  }
0x2b4: {  	v44, _, _ =	vpop (xrf2);
	v3 =	vadd.f32 v4, v3;
	v4 =	vld [tilespmem:$0x1FEC0];
	v2 =	vadd.f32 v5, v2;
	v5 =	vmul.f32 v8, v37  }
0x2b5: {  	v47, _, _ =	vpop (xrf2)  }
0x2b6: {  	v42 =	vld [tilespmem:s14+$0xBA0];
	v1 =	vadd.f32 v35, v1;
	v49, _, _ =	vpop (xrf2)  }
0x2b7: {  	v7 =	vld [tilespmem:s14+$0x8BA0];
	v8, _, _ =	vpop (xrf2);
	v6 =	vmul.f32 v45, v6  }
0x2b8: {  	v48 =	vld [tilespmem:s14+$0x8BB0];
	(xrf2) =	vadd.scan.msk.f32 $0xffff, v1;
	v2 =	vadd.f32 v5, v2;
	v5, _, _ =	vpop (xrf2)  }
0x2b9: {  	v46 =	vld [tilespmem:s14+$0xBB0];
	v4 =	vmul.f32 v4, v18;
	v6 =	vadd.f32 $0.0e+00, v6;
	v5 =	vbroadcast v5, $0xF;
	_ =	sdelay $0x1  }
0x2ba: {  	(xrf2) =	vadd.scan.msk.f32 $0xffff, v3;
	v50 =	vadd.f32 v4, v6;
	v6 =	vbroadcast v8, $0xF  }
0x2bb: {  	v4 =	vmul.f32 v7, v42  }
0x2bc: {  	v7 =	vbroadcast v49, $0xF;
	v51 =	vsel vm0, v6, v5;
	v5, _, _ =	vpop (xrf2)  }
0x2bd: {  	(xrf2) =	vadd.scan.msk.f32 $0xffff, v2;
	v3 =	vadd.f32 v4, v50;
	v4 =	vmul.f32 v48, v46;
	v5 =	vbroadcast v5, $0xF  }
0x2be: {  	v1 =	vbroadcast v47, $0xF  }
0x2bf: {  	v2 =	vsel vm1, v51, v7;
	v3 =	vadd.f32 v4, v3  }
0x2c0: {  	v52 =	vbroadcast v44, $0xF;
	v1 =	vsel vm2, v2, v1  }
0x2c1: {  	v4 =	vbroadcast v43, $0xF;
	v1 =	vsel vm3, v1, v5;
	(xrf2) =	vadd.scan.msk.f32 $0xffff, v3;
	v5, _, _ =	vpop (xrf2)  }
0x2c2: {  	v1 =	vsel vm4, v1, v52;
	v54 =	vbroadcast v5, $0xF  }
0x2c3: {  	v0 =	vbroadcast v39, $0xF;
	v1 =	vsel vm5, v1, v4  }
0x2c4: {  	v55 =	vbroadcast v38, $0xF;
	v56, _, _ =	vpop (xrf2);
	v1 =	vsel vm6, v1, v54  }
0x2c5: {  	v57 =	vbroadcast v56, $0xF;
	v0 =	vsel vm7, v1, v0  }
0x2c6: {  	v58 =	vbroadcast v34, $0xF;
	v0 =	vsel vm8, v0, v55  }
0x2c7: {  	v59 =	vbroadcast v53, $0xF;
	v60, _, _ =	vpop (xrf2);
	v0 =	vsel vm9, v0, v57  }
0x2c8: {  	v61 =	vbroadcast v60, $0xF;
	v0 =	vsel vm10, v0, v58  }
0x2c9: {  	v62 =	vbroadcast v22, $0xF;
	v0 =	vsel vm11, v0, v59  }
0x2ca: {  	v0 =	vsel vm12, v0, v61  }
0x2cb: {  	v63, _, _ =	vpop (xrf2);
	v0 =	vsel vm13, v0, v62  }
0x2cc: {  	v0 =	vsel vm14, v0, v63  }
0x2cd: {  	v0 =	vsub.f32 $0.0e+00, v0;
	_ =	sdelay $0x1  }
0x2ce: {  	v0 =	vmul.f32 $1.442695020e+00, v0;
	_ =	sdelay $0x1  }
0x2cf: {  	(erf) = vpow2.f32 v0;
	_ =	sdelay $0x8  }
0x2d0: {  	v0 =	vpop (erf)  }
0x2d1: {  	v0 =	vadd.f32 $1.000000000e+00, v0;
	_ =	sdelay $0x1  }
0x2d2: {  	(erf) = vrcp.f32 v0;
	_ =	sdelay $0x8  }
0x2d3: {  	s13 =	sadd.s32 $0x10, s13;
	v0 =	vpop (erf)  }
0x2d4: {  	s14 =	simm.s32 $0x300;
	v6 =	vimm.s32 $0x0;
	[tilespmem:s13+$0x0] =	vst v0;
	s13 =	simm.s32 $0x100  }
.LBB2_6:
0x2d5: {  	v0 =	vld [tilespmem:s13+$0x0];
	_ =	sdelay $0x4  }
0x2d6: {  	v3 =	vld [tilespmem:s14+$0x0];
	v1 =	vshra.s32 v0, $0x1F  }
0x2d7: {  	v1 =	vshrl.u32 v1, $0x1D  }
0x2d8: {  	v1 =	vadd.s32 v1, v0  }
0x2d9: {  	v1 =	vshra.s32 v1, $0x3  }
0x2da: {  	v2 =	vshll.u32 v1, $0x3  }
0x2db: {  	vm0 =	vlt.s32 v0, $0x1;
	v4 =	vshra.s32 v3, $0x1F;
	vm15 =	vne.s32 v0, v2  }
0x2dc: {  	v61 =	vshrl.u32 v4, $0x1D;
	vm0 =	vmand vm0, vm15  }
0x2dd: {  	v4 =	vadd.s32 v61, v3;
	v60 =	vsel vm0, $0xFFFFFFFF, v6  }
0x2de: {  	v5 =	vand.u32 $0xFFFFFFF8, v4;
	v0 =	vand.u32 $0x7, v0;
	v1 =	vadd.s32 v60, v1  }
0x2df: {  	vm15 =	vne.s32 v3, v5;
	vm0 =	vlt.s32 v3, $0x1;
	v1 =	vshll.u32 v1, $0xA  }
0x2e0: {  	v62 =	vshll.u32 v0, $0x7;
	vm0 =	vmand vm0, vm15;
	(v2sf) =	vpush v1, $0x0  }
0x2e1: {  	v63 =	vshrl.u32 v4, $0x3;
	v4 =	vsel vm0, $0xFFFFFFFF, v6;
	(v2sf) =	vpush v62, $0x0  }
0x2e2: {  	v0 =	vadd.s32 v4, v63  }
0x2e3: {  	v3 =	vand.u32 $0x7, v3;
	v4 =	vshll.u32 v0, $0xA  }
0x2e4: {  	v3 =	vshll.u32 v3, $0x7;
	(v2sf) =	vpush v4, $0x0  }
0x2e5: {  	(v2sf) =	vpush v3, $0x0;
	_ =	sdelay $0x1  }
0x2e6: {  	(v2sf) =	vpush v1, $0x1;
	_ =	sdelay $0x1  }
0x2e7: {  	(v2sf) =	vpush v62, $0x1;
	_ =	sdelay $0x5  }
0x2e8: {  	s15 =	spop (v2sf);
	(v2sf) =	vpush v4, $0x1  }
0x2e9: {  	s16 =	spop (v2sf);
	(v2sf) =	vpush v3, $0x1;
	_ =	sdelay $0x2  }
0x2ea: {  	s20 =	spop (v2sf);
	(v2sf) =	vpush v1, $0x2  }
0x2eb: {  	s21 =	spop (v2sf);
	(v2sf) =	vpush v62, $0x2;
	_ =	sdelay $0x1  }
0x2ec: {  	s23 =	spop (v2sf);
	(v2sf) =	vpush v4, $0x2;
	_ =	sdelay $0x1  }
0x2ed: {  	s24 =	spop (v2sf);
	(v2sf) =	vpush v3, $0x2;
	_ =	sdelay $0x5  }
0x2ee: {  	s26 =	spop (v2sf);
	(v2sf) =	vpush v1, $0x3  }
0x2ef: {  	s28 =	spop (v2sf);
	(v2sf) =	vpush v62, $0x3;
	_ =	sdelay $0x2  }
0x2f0: {  	s30 =	spop (v2sf);
	(v2sf) =	vpush v4, $0x3  }
0x2f1: {  	s16 =	sor.u32 s16, s15;
	s31 =	spop (v2sf);
	(v2sf) =	vpush v3, $0x3  }
0x2f2: {  	s15 =	sshra.s32 s12, $0x2;
	s16 =	sshrl.u32 s16, $0x3  }
0x2f3: {  	s17 =	sadd.s32 $0x400, s15;
	s16 =	sadd.s32 s3, s16;
	s19 =	spop (v2sf);
	(v2sf) =	vpush v1, $0x4  }
0x2f4: {  	[tilespmem:s17], [sflag:$0x1] =	stream.linear.gather [hbm4b:s16+s2], $0x80, $0x38;
	[tilespmem:$0x10600] =	vst v63  }
0x2f5: {  	s16 =	sor.u32 s21, s20;
	s20 =	spop (v2sf);
	(v2sf) =	vpush v62, $0x4;
	_ =	sdelay $0x1  }
0x2f6: {  	s16 =	sshrl.u32 s16, $0x3  }
0x2f7: {  	s22 =	sadd.s32 $0x8400, s15;
	s16 =	sadd.s32 s3, s16  }
0x2f8: {  	[tilespmem:s22], [sflag:$0x1] =	stream.linear.gather [hbm4b:s16+s2], $0x80, $0x38;
	[tilespmem:$0x10600] =	vst v63  }
0x2f9: {  	s16 =	sor.u32 s24, s23  }
0x2fa: {  	s16 =	sshrl.u32 s16, $0x3;
	s22 =	spop (v2sf);
	(v2sf) =	vpush v4, $0x4  }
0x2fb: {  	s25 =	sadd.s32 $0x480, s15;
	s16 =	sadd.s32 s3, s16;
	s23 =	spop (v2sf);
	(v2sf) =	vpush v3, $0x4  }
0x2fc: {  	[tilespmem:s25], [sflag:$0x1] =	stream.linear.gather [hbm4b:s16+s2], $0x80, $0x38;
	[tilespmem:$0x10600] =	vst v63  }
0x2fd: {  	s16 =	sor.u32 s28, s26  }
0x2fe: {  	s16 =	sshrl.u32 s16, $0x3;
	s25 =	spop (v2sf);
	(v2sf) =	vpush v1, $0x5  }
0x2ff: {  	s29 =	sadd.s32 $0x8480, s15;
	s16 =	sadd.s32 s3, s16;
	s26 =	spop (v2sf);
	(v2sf) =	vpush v62, $0x5  }
0x300: {  	[tilespmem:s29], [sflag:$0x1] =	stream.linear.gather [hbm4b:s16+s2], $0x80, $0x38;
	[tilespmem:$0x10600] =	vst v63  }
0x301: {  	s29 =	spop (v2sf);
	(v2sf) =	vpush v4, $0x5;
	_ =	sdelay $0x1  }
0x302: {  	s16 =	sor.u32 s31, s30;
	s30 =	spop (v2sf);
	(v2sf) =	vpush v3, $0x5;
	_ =	sdelay $0x1  }
0x303: {  	s16 =	sshrl.u32 s16, $0x3  }
0x304: {  	s18 =	sadd.s32 $0x500, s15;
	s16 =	sadd.s32 s3, s16  }
0x305: {  	[tilespmem:s18], [sflag:$0x1] =	stream.linear.gather [hbm4b:s16+s2], $0x80, $0x38;
	[tilespmem:$0x10600] =	vst v63  }
0x306: {  	s16 =	sor.u32 s20, s19  }
0x307: {  	s16 =	sshrl.u32 s16, $0x3;
	s17 =	spop (v2sf);
	(v2sf) =	vpush v1, $0x6  }
0x308: {  	s21 =	sadd.s32 $0x8500, s15;
	s16 =	sadd.s32 s3, s16;
	s18 =	spop (v2sf);
	(v2sf) =	vpush v62, $0x6  }
0x309: {  	[tilespmem:s21], [sflag:$0x1] =	stream.linear.gather [hbm4b:s16+s2], $0x80, $0x38;
	[tilespmem:$0x10600] =	vst v63  }
0x30a: {  	s16 =	sor.u32 s23, s22  }
0x30b: {  	s16 =	sshrl.u32 s16, $0x3;
	s20 =	spop (v2sf);
	(v2sf) =	vpush v4, $0x6  }
0x30c: {  	s24 =	sadd.s32 $0x580, s15;
	s16 =	sadd.s32 s3, s16;
	s21 =	spop (v2sf);
	(v2sf) =	vpush v3, $0x6  }
0x30d: {  	[tilespmem:s24], [sflag:$0x1] =	stream.linear.gather [hbm4b:s16+s2], $0x80, $0x38;
	[tilespmem:$0x10600] =	vst v63  }
0x30e: {  	s16 =	sor.u32 s26, s25;
	s23 =	spop (v2sf);
	(v2sf) =	vpush v1, $0x7  }
0x30f: {  	s16 =	sshrl.u32 s16, $0x3  }
0x310: {  	s28 =	sadd.s32 $0x8580, s15;
	s16 =	sadd.s32 s3, s16;
	s24 =	spop (v2sf);
	(v2sf) =	vpush v62, $0x7  }
0x311: {  	[tilespmem:s28], [sflag:$0x1] =	stream.linear.gather [hbm4b:s16+s2], $0x80, $0x38;
	[tilespmem:$0x10600] =	vst v63  }
0x312: {  	s16 =	sor.u32 s30, s29  }
0x313: {  	s16 =	sshrl.u32 s16, $0x3  }
0x314: {  	s31 =	sadd.s32 $0x600, s15;
	s16 =	sadd.s32 s3, s16  }
0x315: {  	[tilespmem:s31], [sflag:$0x1] =	stream.linear.gather [hbm4b:s16+s2], $0x80, $0x38;
	[tilespmem:$0x10600] =	vst v63  }
0x316: {  	s16 =	sor.u32 s18, s17;
	s26 =	spop (v2sf);
	(v2sf) =	vpush v4, $0x7  }
0x317: {  	s16 =	sshrl.u32 s16, $0x3;
	s28 =	spop (v2sf);
	(v2sf) =	vpush v3, $0x7  }
0x318: {  	s19 =	sadd.s32 $0x8600, s15;
	s16 =	sadd.s32 s3, s16  }
0x319: {  	[tilespmem:s19], [sflag:$0x1] =	stream.linear.gather [hbm4b:s16+s2], $0x80, $0x38;
	[tilespmem:$0x10600] =	vst v63  }
0x31a: {  	s30 =	spop (v2sf);
	(v2sf) =	vpush v1, $0x8  }
0x31b: {  	s16 =	sor.u32 s21, s20;
	s31 =	spop (v2sf);
	(v2sf) =	vpush v62, $0x8  }
0x31c: {  	s16 =	sshrl.u32 s16, $0x3  }
0x31d: {  	s22 =	sadd.s32 $0x680, s15;
	s16 =	sadd.s32 s3, s16;
	s19 =	spop (v2sf);
	(v2sf) =	vpush v4, $0x8  }
0x31e: {  	[tilespmem:s22], [sflag:$0x1] =	stream.linear.gather [hbm4b:s16+s2], $0x80, $0x38;
	[tilespmem:$0x10600] =	vst v63  }
0x31f: {  	s20 =	spop (v2sf);
	(v2sf) =	vpush v3, $0x8  }
0x320: {  	s16 =	sor.u32 s24, s23  }
0x321: {  	s16 =	sshrl.u32 s16, $0x3  }
0x322: {  	s25 =	sadd.s32 $0x8680, s15;
	s16 =	sadd.s32 s3, s16  }
0x323: {  	[tilespmem:s25], [sflag:$0x1] =	stream.linear.gather [hbm4b:s16+s2], $0x80, $0x38;
	[tilespmem:$0x10600] =	vst v63  }
0x324: {  	s16 =	sor.u32 s28, s26  }
0x325: {  	s16 =	sshrl.u32 s16, $0x3;
	s22 =	spop (v2sf);
	(v2sf) =	vpush v1, $0x9  }
0x326: {  	s29 =	sadd.s32 $0x700, s15;
	s16 =	sadd.s32 s3, s16;
	s23 =	spop (v2sf);
	(v2sf) =	vpush v62, $0x9  }
0x327: {  	[tilespmem:s29], [sflag:$0x1] =	stream.linear.gather [hbm4b:s16+s2], $0x80, $0x38;
	[tilespmem:$0x10600] =	vst v63  }
0x328: {  	s16 =	sor.u32 s31, s30  }
0x329: {  	s16 =	sshrl.u32 s16, $0x3;
	s25 =	spop (v2sf);
	(v2sf) =	vpush v4, $0x9  }
0x32a: {  	s18 =	sadd.s32 $0x8700, s15;
	s16 =	sadd.s32 s3, s16;
	s26 =	spop (v2sf);
	(v2sf) =	vpush v3, $0x9  }
0x32b: {  	[tilespmem:s18], [sflag:$0x1] =	stream.linear.gather [hbm4b:s16+s2], $0x80, $0x38;
	[tilespmem:$0x10600] =	vst v63  }
0x32c: {  	s16 =	sor.u32 s20, s19;
	s29 =	spop (v2sf);
	(v2sf) =	vpush v1, $0xA  }
0x32d: {  	s16 =	sshrl.u32 s16, $0x3  }
0x32e: {  	s21 =	sadd.s32 $0x780, s15;
	s16 =	sadd.s32 s3, s16;
	s30 =	spop (v2sf);
	(v2sf) =	vpush v62, $0xA  }
0x32f: {  	[tilespmem:s21], [sflag:$0x1] =	stream.linear.gather [hbm4b:s16+s2], $0x80, $0x38;
	[tilespmem:$0x10600] =	vst v63  }
0x330: {  	s16 =	sor.u32 s23, s22  }
0x331: {  	s16 =	sshrl.u32 s16, $0x3  }
0x332: {  	s24 =	sadd.s32 $0x8780, s15;
	s16 =	sadd.s32 s3, s16  }
0x333: {  	[tilespmem:s24], [sflag:$0x1] =	stream.linear.gather [hbm4b:s16+s2], $0x80, $0x38;
	[tilespmem:$0x10600] =	vst v63  }
0x334: {  	s16 =	sor.u32 s26, s25;
	s17 =	spop (v2sf);
	(v2sf) =	vpush v4, $0xA  }
0x335: {  	s16 =	sshrl.u32 s16, $0x3;
	s18 =	spop (v2sf);
	(v2sf) =	vpush v3, $0xA  }
0x336: {  	s28 =	sadd.s32 $0x800, s15;
	s16 =	sadd.s32 s3, s16  }
0x337: {  	[tilespmem:s28], [sflag:$0x1] =	stream.linear.gather [hbm4b:s16+s2], $0x80, $0x38;
	[tilespmem:$0x10600] =	vst v63  }
0x338: {  	s20 =	spop (v2sf);
	(v2sf) =	vpush v1, $0xB  }
0x339: {  	s16 =	sor.u32 s30, s29;
	s21 =	spop (v2sf);
	(v2sf) =	vpush v62, $0xB  }
0x33a: {  	s16 =	sshrl.u32 s16, $0x3  }
0x33b: {  	s31 =	sadd.s32 $0x8800, s15;
	s16 =	sadd.s32 s3, s16;
	s23 =	spop (v2sf);
	(v2sf) =	vpush v4, $0xB  }
0x33c: {  	[tilespmem:s31], [sflag:$0x1] =	stream.linear.gather [hbm4b:s16+s2], $0x80, $0x38;
	[tilespmem:$0x10600] =	vst v63  }
0x33d: {  	s24 =	spop (v2sf);
	(v2sf) =	vpush v3, $0xB  }
0x33e: {  	s16 =	sor.u32 s18, s17  }
0x33f: {  	s16 =	sshrl.u32 s16, $0x3  }
0x340: {  	s19 =	sadd.s32 $0x880, s15;
	s16 =	sadd.s32 s3, s16  }
0x341: {  	[tilespmem:s19], [sflag:$0x1] =	stream.linear.gather [hbm4b:s16+s2], $0x80, $0x38;
	[tilespmem:$0x10600] =	vst v63  }
0x342: {  	s16 =	sor.u32 s21, s20  }
0x343: {  	s16 =	sshrl.u32 s16, $0x3;
	s26 =	spop (v2sf);
	(v2sf) =	vpush v1, $0xC  }
0x344: {  	s22 =	sadd.s32 $0x8880, s15;
	s16 =	sadd.s32 s3, s16;
	s28 =	spop (v2sf);
	(v2sf) =	vpush v62, $0xC  }
0x345: {  	[tilespmem:s22], [sflag:$0x1] =	stream.linear.gather [hbm4b:s16+s2], $0x80, $0x38;
	[tilespmem:$0x10600] =	vst v63  }
0x346: {  	s16 =	sor.u32 s24, s23  }
0x347: {  	s16 =	sshrl.u32 s16, $0x3;
	s30 =	spop (v2sf);
	(v2sf) =	vpush v4, $0xC  }
0x348: {  	s25 =	sadd.s32 $0x900, s15;
	s16 =	sadd.s32 s3, s16;
	s31 =	spop (v2sf);
	(v2sf) =	vpush v3, $0xC  }
0x349: {  	[tilespmem:s25], [sflag:$0x1] =	stream.linear.gather [hbm4b:s16+s2], $0x80, $0x38;
	[tilespmem:$0x10600] =	vst v63  }
0x34a: {  	s16 =	sor.u32 s28, s26;
	s19 =	spop (v2sf);
	(v2sf) =	vpush v1, $0xD  }
0x34b: {  	s16 =	sshrl.u32 s16, $0x3  }
0x34c: {  	s29 =	sadd.s32 $0x8900, s15;
	s16 =	sadd.s32 s3, s16;
	s20 =	spop (v2sf);
	(v2sf) =	vpush v62, $0xD  }
0x34d: {  	[tilespmem:s29], [sflag:$0x1] =	stream.linear.gather [hbm4b:s16+s2], $0x80, $0x38;
	[tilespmem:$0x10600] =	vst v63  }
0x34e: {  	s16 =	sor.u32 s31, s30  }
0x34f: {  	s16 =	sshrl.u32 s16, $0x3  }
0x350: {  	s18 =	sadd.s32 $0x980, s15;
	s16 =	sadd.s32 s3, s16  }
0x351: {  	[tilespmem:s18], [sflag:$0x1] =	stream.linear.gather [hbm4b:s16+s2], $0x80, $0x38;
	[tilespmem:$0x10600] =	vst v63  }
0x352: {  	s16 =	sor.u32 s20, s19;
	s22 =	spop (v2sf);
	(v2sf) =	vpush v4, $0xD  }
0x353: {  	s16 =	sshrl.u32 s16, $0x3;
	s23 =	spop (v2sf);
	(v2sf) =	vpush v3, $0xD  }
0x354: {  	s21 =	sadd.s32 $0x8980, s15;
	s16 =	sadd.s32 s3, s16  }
0x355: {  	[tilespmem:s21], [sflag:$0x1] =	stream.linear.gather [hbm4b:s16+s2], $0x80, $0x38;
	[tilespmem:$0x10600] =	vst v63  }
0x356: {  	s25 =	spop (v2sf);
	(v2sf) =	vpush v1, $0xE  }
0x357: {  	s16 =	sor.u32 s23, s22;
	s26 =	spop (v2sf);
	(v2sf) =	vpush v62, $0xE  }
0x358: {  	s16 =	sshrl.u32 s16, $0x3  }
0x359: {  	s24 =	sadd.s32 $0xA00, s15;
	s16 =	sadd.s32 s3, s16;
	s29 =	spop (v2sf)  }
0x35a: {  	(v2sf) =	vpush v4, $0xE;
	[tilespmem:s24], [sflag:$0x1] =	stream.linear.gather [hbm4b:s16+s2], $0x80, $0x38;
	[tilespmem:$0x10600] =	vst v63  }
0x35b: {  	s30 =	spop (v2sf);
	(v2sf) =	vpush v3, $0xE  }
0x35c: {  	s16 =	sor.u32 s26, s25  }
0x35d: {  	s16 =	sshrl.u32 s16, $0x3  }
0x35e: {  	s28 =	sadd.s32 $0x8A00, s15;
	s16 =	sadd.s32 s3, s16  }
0x35f: {  	[tilespmem:s28], [sflag:$0x1] =	stream.linear.gather [hbm4b:s16+s2], $0x80, $0x38;
	[tilespmem:$0x10600] =	vst v63  }
0x360: {  	s16 =	sor.u32 s30, s29  }
0x361: {  	s16 =	sshrl.u32 s16, $0x3;
	s17 =	spop (v2sf);
	(v2sf) =	vpush v1, $0xF  }
0x362: {  	s31 =	sadd.s32 $0xA80, s15;
	s16 =	sadd.s32 s3, s16;
	s18 =	spop (v2sf);
	(v2sf) =	vpush v62, $0xF  }
0x363: {  	[tilespmem:s31], [sflag:$0x1] =	stream.linear.gather [hbm4b:s16+s2], $0x80, $0x38;
	[tilespmem:$0x10600] =	vst v63  }
0x364: {  	s16 =	sor.u32 s18, s17  }
0x365: {  	s20 =	spop (v2sf);
	(v2sf) =	vpush v4, $0xF;
	s16 =	sshrl.u32 s16, $0x3  }
0x366: {  	s19 =	sadd.s32 $0x8A80, s15;
	s21 =	spop (v2sf);
	s16 =	sadd.s32 s3, s16  }
0x367: {  	(v2sf) =	vpush v3, $0xF;
	[tilespmem:s19], [sflag:$0x1] =	stream.linear.gather [hbm4b:s16+s2], $0x80, $0x38;
	[tilespmem:$0x10600] =	vst v63  }
0x368: {  	s16 =	sor.u32 s21, s20  }
0x369: {  	s23 =	spop (v2sf);
	s16 =	sshrl.u32 s16, $0x3  }
0x36a: {  	s22 =	sadd.s32 $0xB00, s15;
	s24 =	spop (v2sf);
	s16 =	sadd.s32 s3, s16  }
0x36b: {  	[tilespmem:s22], [sflag:$0x1] =	stream.linear.gather [hbm4b:s16+s2], $0x80, $0x38;
	[tilespmem:$0x10600] =	vst v63  }
0x36c: {  	s16 =	sor.u32 s24, s23  }
0x36d: {  	s16 =	sshrl.u32 s16, $0x3  }
0x36e: {  	s25 =	sadd.s32 $0x8B00, s15;
	s16 =	sadd.s32 s3, s16  }
0x36f: {  	[tilespmem:s25], [sflag:$0x1] =	stream.linear.gather [hbm4b:s16+s2], $0x80, $0x38;
	[tilespmem:$0x10600] =	vst v63  }
0x370: {  	s26 =	spop (v2sf)  }
0x371: {  	s28 =	spop (v2sf)  }
0x372: {  	s16 =	sor.u32 s28, s26  }
0x373: {  	p0 =	sne.s32 s12, $0x1E000;
	s16 =	sshrl.u32 s16, $0x3  }
0x374: {  	s29 =	sadd.s32 $0xB80, s15;
	s30 =	spop (v2sf);
	s16 =	sadd.s32 s3, s16  }
0x375: {  	[tilespmem:s29], [sflag:$0x1] =	stream.linear.gather [hbm4b:s16+s2], $0x80, $0x38;
	[tilespmem:$0x10600] =	vst v63  }
.Ltmp2:
0x376: {  	s31 =	spop (v2sf);
	(pc) =	sbr.rel @p0 .LBB2_6-.Ltmp2, $4  }
0x377: {  	s16 =	sor.u32 s31, s30  }
0x378: {  	s13 =	sadd.s32 $0x10, s13;
	s14 =	sadd.s32 $0x10, s14;
	s16 =	sshrl.u32 s16, $0x3  }
0x379: {  	s12 =	sadd.s32 $0x2000, s12;
	s15 =	sadd.s32 $0x8B80, s15;
	s16 =	sadd.s32 s3, s16  }
0x37a: {  	[tilespmem:s15], [sflag:$0x1] =	stream.linear.gather [hbm4b:s16+s2], $0x80, $0x38;
	[tilespmem:$0x10600] =	vst v63  }
0x37b: {  	_ =	swait.ge [sflag:s9], $0x8000  }
0x37c: {  	[sflag:s9] =	ssyncset.done $0x0  }
0x37d: {  	[sflag:s9] =	ssyncadd.s32 $0xFFFF8000  }
0x37e: {  	_ =	swait.ge [sflag:s9], $0x8000  }
0x37f: {  	[sflag:s9] =	ssyncset.done $0x0  }
0x380: {  	s13 =	simm.s32 $0x800;
	[sflag:s9] =	ssyncadd.s32 $0xFFFF8000  }
0x381: {  	s12 =	simm.s32 $0x8800;
	v14 =	vld [tilespmem:s13+$0x330]  }
0x382: {  	v22 =	vld [tilespmem:s12+$0x330]  }
0x383: {  	v18 =	vld [tilespmem:s13+$0x390]  }
0x384: {  	v0 =	vld [tilespmem:s12+$0x390]  }
0x385: {  	v57 =	vld [tilespmem:s13+$0x320]  }
0x386: {  	v32 =	vld [tilespmem:s12+$0x320]  }
0x387: {  	v5 =	vld [tilespmem:s13+$0x380]  }
0x388: {  	v6 =	vld [tilespmem:s12+$0x380]  }
0x389: {  	v23 =	vld [tilespmem:s13+$0x230]  }
0x38a: {  	v7 =	vld [tilespmem:s12+$0x230]  }
0x38b: {  	v8 =	vld [tilespmem:s13+$0x2A0]  }
0x38c: {  	v30 =	vld [tilespmem:s13+$0x310]  }
0x38d: {  	v33 =	vld [tilespmem:s12+$0x310]  }
0x38e: {  	v36 =	vld [tilespmem:s13+$0x220]  }
0x38f: {  	v31 =	vld [tilespmem:s12+$0x220]  }
0x390: {  	v9 =	vld [tilespmem:s13+$0x290]  }
0x391: {  	v10 =	vld [tilespmem:s12+$0x290]  }
0x392: {  	v27 =	vld [tilespmem:s13+$0x300]  }
0x393: {  	v34 =	vld [tilespmem:s12+$0x300]  }
0x394: {  	v11 =	vld [tilespmem:s13+$0x1A0]  }
0x395: {  	v35 =	vld [tilespmem:s12+$0x1A0]  }
0x396: {  	v42 =	vld [tilespmem:s13+$0x210]  }
0x397: {  	v43 =	vld [tilespmem:s12+$0x210]  }
0x398: {  	v37 =	vld [tilespmem:s13+$0x280]  }
0x399: {  	v38 =	vld [tilespmem:s12+$0x280]  }
0x39a: {  	v12 =	vld [tilespmem:s12+$0xB0]  }
0x39b: {  	v39 =	vld [tilespmem:s13+$0x120]  }
0x39c: {  	v45 =	vld [tilespmem:s13+$0x190]  }
0x39d: {  	v47 =	vld [tilespmem:s12+$0x190]  }
0x39e: {  	v48 =	vld [tilespmem:s13+$0x200]  }
0x39f: {  	v49 =	vld [tilespmem:s12+$0x200]  }
0x3a0: {  	v52 =	vld [tilespmem:s13+$0xA0]  }
0x3a1: {  	v53 =	vld [tilespmem:s12+$0xA0]  }
0x3a2: {  	v40 =	vld [tilespmem:s13+$0x110]  }
0x3a3: {  	v41 =	vld [tilespmem:s12+$0x110]  }
0x3a4: {  	v54 =	vld [tilespmem:s13+$0x180]  }
0x3a5: {  	v55 =	vld [tilespmem:s12+$0x180]  }
0x3a6: {  	v61 =	vld [tilespmem:s13+$0x20]  }
0x3a7: {  	v60 =	vld [tilespmem:s12+$0x20]  }
0x3a8: {  	v58 =	vld [tilespmem:s13+$0x90]  }
0x3a9: {  	v59 =	vld [tilespmem:s12+$0x90]  }
0x3aa: {  	v15 =	vld [tilespmem:s13+$0x100]  }
0x3ab: {  	v44 =	vld [tilespmem:s12+$0x100]  }
0x3ac: {  	v13 =	vld [tilespmem:s12+$0xFFFFFF30]  }
0x3ad: {  	v46 =	vld [tilespmem:s13+$0xFFFFFFA0]  }
0x3ae: {  	v62 =	vld [tilespmem:s13+$0x10]  }
0x3af: {  	v63 =	vld [tilespmem:s12+$0x10]  }
0x3b0: {  	v1 =	vld [tilespmem:s13+$0x80]  }
0x3b1: {  	v4 =	vld [tilespmem:s13+$0xFFFFFEB0]  }
0x3b2: {  	v56 =	vld [tilespmem:s13+$0xFFFFFF20]  }
0x3b3: {  	v51 =	vld [tilespmem:s12+$0xFFFFFF20]  }
0x3b4: {  	v16 =	vld [tilespmem:s13+$0xFFFFFF90]  }
0x3b5: {  	v17 =	vld [tilespmem:s12+$0xFFFFFF90]  }
0x3b6: {  	v2 =	vld [tilespmem:s12+$0x0]  }
0x3b7: {  	v3 =	vld [tilespmem:s13+$0xFFFFFEA0]  }
0x3b8: {  	v50 =	vld [tilespmem:s12+$0xFFFFFEA0]  }
0x3b9: {  	v19 =	vld [tilespmem:s13+$0xFFFFFF80]  }
0x3ba: {  	v20 =	vld [tilespmem:s12+$0xFFFFFF80]  }
0x3bb: {  	v25 =	vld [tilespmem:s13+$0xFFFFFDB0]  }
0x3bc: {  	v28 =	vld [tilespmem:s12+$0xFFFFFDB0]  }
0x3bd: {  	v21 =	vld [tilespmem:s13+$0xFFFFFE20]  }
0x3be: {  	v26 =	vld [tilespmem:s13+$0xFFFFFD30]  }
0x3bf: {  	v29 =	vld [tilespmem:s12+$0xFFFFFD30]  }
0x3c0: {  	v24 =	vld [tilespmem:s13+$0xFFFFFDA0]  }
0x3c1: {  	[tilespmem:$0x1FBF0] =	vst v5;
	v5 =	vld [tilespmem:s13+$0x1B0]  }
0x3c2: {  	[tilespmem:$0x1FCB0] =	vst v7;
	v7 =	vld [tilespmem:s12+$0x1B0]  }
0x3c3: {  	[tilespmem:$0x1FC30] =	vst v10;
	v10 =	vld [tilespmem:s13+$0xB0]  }
0x3c4: {  	[tilespmem:$0x1FC10] =	vst v8;
	v8 =	vld [tilespmem:s13+$0x30]  }
0x3c5: {  	[tilespmem:$0x1FC20] =	vst v9;
	v9 =	vld [tilespmem:s12+$0x30]  }
0x3c6: {  	[tilespmem:$0x1FCC0] =	vst v11;
	v11 =	vld [tilespmem:s13+$0xFFFFFF30]  }
0x3c7: {  	[tilespmem:$0x1FBE0] =	vst v0;
	v0 =	vld [tilespmem:s12+$0x80]  }
0x3c8: {  	[tilespmem:$0x1FC00] =	vst v6;
	v6 =	vld [tilespmem:s12+$0xFFFFFEB0]  }
0x3c9: {  	[tilespmem:$0x1FCD0] =	vst v35;
	v35 =	vld [tilespmem:s13+$0x0]  }
0x3ca: {  	[tilespmem:$0x1FC90] =	vst v44;
	v44 =	vld [tilespmem:s13+$0xFFFFFF10]  }
0x3cb: {  	[tilespmem:$0x1FC80] =	vst v41;
	v41 =	vld [tilespmem:s12+$0xFFFFFF10]  }
0x3cc: {  	[tilespmem:$0x1FCE0] =	vst v3;
	v3 =	vld [tilespmem:s13+$0xFFFFFE90]  }
0x3cd: {  	[tilespmem:$0x1FCA0] =	vst v46;
	v46 =	vld [tilespmem:s12+$0xFFFFFE90]  }
0x3ce: {  	[tilespmem:$0x1FC50] =	vst v38;
	v38 =	vld [tilespmem:s13+$0xFFFFFF00]  }
0x3cf: {  	[tilespmem:$0x1FC40] =	vst v37;
	v37 =	vld [tilespmem:s12+$0xFFFFFF00]  }
0x3d0: {  	[tilespmem:$0x1FD00] =	vst v24;
	v24 =	vld [tilespmem:s12+$0xFFFFFDA0]  }
0x3d1: {  	[tilespmem:$0x1FCF0] =	vst v50;
	v50 =	vld [tilespmem:s13+$0xFFFFFE10]  }
0x3d2: {  	[tilespmem:$0x1FC70] =	vst v40;
	v40 =	vld [tilespmem:s13+$0xFFFFFE80]  }
0x3d3: {  	[tilespmem:$0x1FC60] =	vst v39;
	v34 =	vmul.f32 v34, v27;
	v39 =	vld [tilespmem:s12+$0xFFFFFE80]  }
0x3d4: {  	v48 =	vmul.f32 v49, v48;
	v27 =	vld [tilespmem:s13+$0xFFFFFC30]  }
0x3d5: {  	v49 =	vmul.f32 v33, v30;
	v30 =	vld [tilespmem:s12+$0xFFFFFC30];
	v55 =	vmul.f32 v55, v54;
	v34 =	vadd.f32 $0.0e+00, v34  }
0x3d6: {  	v42 =	vmul.f32 v43, v42;
	v33 =	vld [tilespmem:s13+$0xFFFFFD20];
	v43 =	vadd.f32 $0.0e+00, v48  }
0x3d7: {  	v45 =	vmul.f32 v47, v45;
	v47 =	vadd.f32 $0.0e+00, v55;
	v48 =	vadd.f32 v49, v34;
	v34 =	vld [tilespmem:s12+$0xFFFFFD20]  }
0x3d8: {  	v32 =	vmul.f32 v32, v57;
	v42 =	vadd.f32 v42, v43;
	v43 =	vld [tilespmem:s13+$0xFFFFFD90]  }
0x3d9: {  	v47 =	vadd.f32 v45, v47;
	v45 =	vld [tilespmem:s13+$0xFFFFFD10]  }
0x3da: {  	v31 =	vmul.f32 v31, v36;
	v36 =	vadd.f32 v32, v48;
	v48 =	vmul.f32 v22, v14;
	v14 =	vld [tilespmem:$0x1FCB0]  }
0x3db: {  	[tilespmem:$0x1FD10] =	vst v24;
	v24 =	vld [tilespmem:s12+$0xFFFFFE10]  }
0x3dc: {  	v0 =	vmul.f32 v0, v1;
	v1 =	vld [tilespmem:s12+$0xFFFFFD90]  }
0x3dd: {  	v2 =	vmul.f32 v2, v35;
	v35 =	vld [tilespmem:s13+$0xFFFFFC20]  }
0x3de: {  	v22 =	vld [tilespmem:$0x1FCD0]  }
0x3df: {  	v49 =	vmul.f32 v14, v23;
	v14 =	vld [tilespmem:$0x1FCC0]  }
0x3e0: {  	v5 =	vmul.f32 v7, v5;
	v7 =	vld [tilespmem:s13+$0xFFFFFD80]  }
0x3e1: {  	v57 =	vmul.f32 v59, v58;
	v37 =	vmul.f32 v37, v38;
	v38 =	vld [tilespmem:s12+$0xFFFFFD10]  }
0x3e2: {  	v63 =	vmul.f32 v63, v62;
	v40 =	vmul.f32 v39, v40;
	v39 =	vld [tilespmem:s13+$0xFFFFFC10];
	v42 =	vadd.f32 v31, v42  }
0x3e3: {  	v41 =	vmul.f32 v41, v44;
	v44 =	vld [tilespmem:s13+$0xFFFFFC80];
	v0 =	vadd.f32 $0.0e+00, v0;
	v2 =	vadd.f32 $0.0e+00, v2  }
0x3e4: {  	v31 =	vld [tilespmem:s13+$0xFFFFFE00];
	v37 =	vadd.f32 $0.0e+00, v37;
	v48 =	vadd.f32 v48, v36;
	v58 =	vmul.f32 v22, v14  }
0x3e5: {  	v59 =	vmul.f32 v53, v52;
	v0 =	vadd.f32 v57, v0;
	v2 =	vadd.f32 v63, v2;
	v63 =	vld [tilespmem:s12+$0xFFFFFD00]  }
0x3e6: {  	v62 =	vmul.f32 v51, v56;
	v42 =	vadd.f32 v49, v42;
	v47 =	vadd.f32 v58, v47;
	v58 =	vld [tilespmem:s12+$0xFFFFFD80]  }
0x3e7: {  	v37 =	vadd.f32 v41, v37;
	(xrf2) =	vadd.scan.msk.f32 $0xffff, v48;
	v0 =	vadd.f32 v59, v0;
	v59 =	vmul.f32 v60, v61;
	v61 =	vld [tilespmem:s13+$0xFFFFFD00]  }
0x3e8: {  	v32 =	vld [tilespmem:s12+$0xFFFFFE00];
	v57 =	vmul.f32 v12, v10;
	(xrf2) =	vadd.scan.msk.f32 $0xffff, v42  }
0x3e9: {  	v37 =	vadd.f32 v62, v37;
	v62 =	vld [tilespmem:$0x1FD10]  }
0x3ea: {  	v0 =	vadd.f32 v57, v0;
	v57 =	vld [tilespmem:$0x1FCE0]  }
0x3eb: {  	v46 =	vmul.f32 v46, v3;
	v42 =	vmul.f32 v58, v7;
	v58 =	vld [tilespmem:$0x1FCF0]  }
0x3ec: {  	v55 =	vmul.f32 v13, v11;
	v54 =	vadd.f32 $0.0e+00, v40;
	v48 =	vmul.f32 v63, v61;
	v61 =	vld [tilespmem:$0x1FD00]  }
0x3ed: {  	v10 =	vmul.f32 v9, v8;
	v2 =	vadd.f32 v59, v2;
	v63 =	vld [tilespmem:$0x1FFF0];
	v60 =	vadd.f32 v5, v47  }
0x3ee: {  	v40 =	vld [tilespmem:s12+$0xFFFFFC00];
	v56 =	vadd.f32 v46, v54  }
0x3ef: {  	v36 =	vld [tilespmem:s12+$0xFFFFFC20];
	v41 =	vadd.f32 v55, v37;
	v2 =	vadd.f32 v10, v2;
	(xrf2) =	vadd.scan.msk.f32 $0xffff, v60  }
0x3f0: {  	v46 =	vld [tilespmem:s13+$0xFFFFFC00];
	v60 =	vmul.f32 v1, v43;
	(xrf2) =	vadd.scan.msk.f32 $0xffff, v0;
	v42 =	vadd.f32 $0.0e+00, v42;
	v59 =	vmul.f32 v58, v57  }
0x3f1: {  	v49 =	vmul.f32 v6, v4;
	v22, _, _ =	vpop (xrf2);
	v47 =	vmul.f32 v62, v61;
	v43 =	vld [tilespmem:s12+$0xFFFFFC10];
	(xrf2) =	vadd.scan.msk.f32 $0xffff, v2  }
0x3f2: {  	s14 =	simm.s32 $0x0;
	s15 =	simm.s32 $0x10;
	vm0 =	vnez.u8 v63;
	v51, _, _ =	vpop (xrf2);
	(xrf2) =	vadd.scan.msk.f32 $0xffff, v41;
	v41 =	vld [tilespmem:s12+$0xFFFFFC80];
	v42 =	vadd.f32 v60, v42;
	v37 =	vadd.f32 v59, v56  }
.LBB2_8:
0x3f3: {  	v0 =	vld [tilespmem:s13+$0xFFFFFC90]  }
0x3f4: {  	v7 =	vld [tilespmem:s12+$0xFFFFFC90]  }
0x3f5: {  	v9 =	vld [tilespmem:s12+$0xFFFFFCA0]  }
0x3f6: {  	v10 =	vld [tilespmem:s13+$0xFFFFFCB0]  }
0x3f7: {  	v52 =	vld [tilespmem:$0x1FC90]  }
0x3f8: {  	v14 =	vld [tilespmem:s13+$0x130]  }
0x3f9: {  	v53 =	vld [tilespmem:$0x1FCA0]  }
0x3fa: {  	v55 =	vld [tilespmem:$0x1FC70]  }
0x3fb: {  	v2 =	vld [tilespmem:$0x1FC80]  }
0x3fc: {  	v12 =	vld [tilespmem:s12+$0x2A0]  }
0x3fd: {  	v57 =	vld [tilespmem:$0x1FC40]  }
0x3fe: {  	v58 =	vld [tilespmem:$0x1FC50];
	v40 =	vmul.f32 v40, v46  }
0x3ff: {  	v59 =	vld [tilespmem:$0x1FC60];
	v48 =	vadd.f32 $0.0e+00, v48;
	v6 =	vadd.f32 v49, v37  }
0x400: {  	v61 =	vld [tilespmem:$0x1FC20];
	v38 =	vmul.f32 v38, v45;
	v39 =	vmul.f32 v43, v39;
	v8 =	vadd.f32 $0.0e+00, v40  }
0x401: {  	v42 =	vadd.f32 v47, v42;
	v47 =	vld [tilespmem:s12+$0xFFFFFE20];
	v1 =	vmul.f32 v28, v25;
	v33 =	vmul.f32 v34, v33  }
0x402: {  	v49 =	vld [tilespmem:s12+$0xFFFFFE30];
	v26 =	vmul.f32 v29, v26;
	v11 =	vmul.f32 v36, v35;
	v29 =	vadd.f32 v39, v8  }
0x403: {  	v28 =	vld [tilespmem:s13+$0xFFFFFCA0];
	v41 =	vmul.f32 v41, v44;
	v27 =	vmul.f32 v30, v27;
	v38 =	vadd.f32 v38, v48  }
0x404: {  	v37, _, _ =	vpop (xrf2);
	(xrf2) =	vadd.scan.msk.f32 $0xffff, v6;
	v44 =	vld [tilespmem:s12+$0xFFFFFCB0];
	v30 =	vmul.f32 v32, v31;
	v42 =	vadd.f32 v1, v42;
	v48 =	vadd.f32 v11, v29  }
0x405: {  	v31 =	vld [tilespmem:s13+$0xFFFFFE30];
	v0 =	vmul.f32 v7, v0;
	v45 =	vadd.f32 $0.0e+00, v41;
	v33 =	vadd.f32 v33, v38  }
0x406: {  	v23 =	vmul.f32 v24, v50;
	v24 =	vld [tilespmem:s12+$0xFFFFFFA0];
	v1 =	vadd.f32 v27, v48;
	v27 =	vadd.f32 $0.0e+00, v30  }
0x407: {  	v19 =	vmul.f32 v20, v19;
	v20 =	vld [tilespmem:s13+$0xFFFFFFB0];
	v25, _, _ =	vpop (xrf2);
	(xrf2) =	vadd.scan.msk.f32 $0xffff, v42;
	v0 =	vadd.f32 v0, v45  }
0x408: {  	v28 =	vmul.f32 v9, v28;
	v26 =	vadd.f32 v26, v33;
	v23 =	vadd.f32 v23, v27;
	v27 =	vld [tilespmem:s12+$0xFFFFFFB0]  }
0x409: {  	v62 =	vld [tilespmem:$0x1FC30];
	v16 =	vmul.f32 v17, v16;
	v19 =	vadd.f32 $0.0e+00, v19  }
0x40a: {  	v5 =	vld [tilespmem:$0x1FC10];
	v21 =	vmul.f32 v47, v21;
	v38, _, _ =	vpop (xrf2);
	v0 =	vadd.f32 v28, v0;
	v28 =	vmul.f32 v44, v10;
	(xrf2) =	vadd.scan.msk.f32 $0xffff, v26  }
0x40b: {  	v17 =	vld [tilespmem:s12+$0x120];
	v13 =	vmul.f32 v52, v15;
	v16 =	vadd.f32 v16, v19;
	v15 =	vmul.f32 v24, v53  }
0x40c: {  	v32 =	vld [tilespmem:$0x1FC00];
	v0 =	vadd.f32 v28, v0;
	v3 =	vadd.f32 v21, v23;
	v23 =	vmul.f32 v49, v31  }
0x40d: {  	v35 =	vld [tilespmem:$0x1FBE0];
	v8 =	vmul.f32 v58, v57;
	v56 =	vadd.f32 v15, v16;
	v29, _, _ =	vpop (xrf2);
	(xrf2) =	vadd.scan.msk.f32 $0xffff, v1;
	v16 =	vmul.f32 v27, v20  }
0x40e: {  	v13 =	vadd.f32 $0.0e+00, v13;
	v19 =	vld [tilespmem:s12+$0x130];
	v26, _, _ =	vpop (xrf2);
	(xrf2) =	vadd.scan.msk.f32 $0xffff, v0;
	v54 =	vadd.f32 v23, v3  }
0x40f: {  	v11 =	vmul.f32 v2, v55;
	v60 =	vadd.f32 v16, v56;
	v16 =	vadd.f32 $0.0e+00, v8;
	v8 =	vld [tilespmem:$0x1FBF0]  }
0x410: {  	v9 =	vld [tilespmem:s13+$0x2B0]  }
0x411: {  	v10 =	vmul.f32 v17, v59;
	v11 =	vadd.f32 v11, v13;
	v13 =	vld [tilespmem:s12+$0x2B0];
	v21, _, _ =	vpop (xrf2);
	(xrf2) =	vadd.scan.msk.f32 $0xffff, v54  }
0x412: {  	v6 =	vmul.f32 v62, v61;
	v7 =	vld [tilespmem:s13+$0x3A0]  }
0x413: {  	v63 =	vmul.f32 v19, v14;
	v14 =	vld [tilespmem:s12+$0x3A0];
	v10 =	vadd.f32 v10, v11  }
0x414: {  	v4 =	vld [tilespmem:s13+$0x3B0];
	v5 =	vmul.f32 v12, v5;
	v15, _, _ =	vpop (xrf2);
	v6 =	vadd.f32 v6, v16;
	(xrf2) =	vadd.scan.msk.f32 $0xffff, v60;
	v33 =	vmul.f32 v32, v8  }
0x415: {  	v36 =	vld [tilespmem:s12+$0x3B0];
	v1 =	vmul.f32 v35, v18;
	v34 =	vadd.f32 v63, v10  }
0x416: {  	v41 =	vmul.f32 v13, v9;
	v40 =	vadd.f32 v5, v6;
	v3 =	vadd.f32 $0.0e+00, v33  }
0x417: {  	v39, _, _ =	vpop (xrf2);
	(xrf2) =	vadd.scan.msk.f32 $0xffff, v34  }
0x418: {  	v43 =	vmul.f32 v14, v7;
	v44, _, _ =	vpop (xrf2);
	v42 =	vadd.f32 v41, v40;
	v1 =	vadd.f32 v1, v3  }
0x419: {  	v45 =	vbroadcast v39, $0xF;
	v5 =	vbroadcast v44, $0xF  }
0x41a: {  	v2 =	vmul.f32 v36, v4;
	v46 =	vbroadcast v15, $0xF;
	(xrf2) =	vadd.scan.msk.f32 $0xffff, v42;
	v1 =	vadd.f32 v43, v1  }
0x41b: {  	v48 =	vbroadcast v21, $0xF;
	v47 =	vsel vm0, v45, v5;
	v49, _, _ =	vpop (xrf2)  }
0x41c: {  	v0 =	vsel vm1, v47, v46;
	v50 =	vbroadcast v49, $0xF;
	v1 =	vadd.f32 v2, v1  }
0x41d: {  	v52 =	vbroadcast v26, $0xF;
	v0 =	vsel vm2, v0, v48  }
0x41e: {  	v53 =	vbroadcast v29, $0xF;
	v0 =	vsel vm3, v0, v50;
	v54, _, _ =	vpop (xrf2);
	(xrf2) =	vadd.scan.msk.f32 $0xffff, v1  }
0x41f: {  	v0 =	vsel vm4, v0, v52;
	v55 =	vbroadcast v54, $0xF  }
0x420: {  	v56 =	vbroadcast v38, $0xF;
	v0 =	vsel vm5, v0, v53  }
0x421: {  	v57 =	vbroadcast v25, $0xF;
	v58, _, _ =	vpop (xrf2);
	v0 =	vsel vm6, v0, v55  }
0x422: {  	v59 =	vbroadcast v58, $0xF;
	v0 =	vsel vm7, v0, v56  }
0x423: {  	v60 =	vbroadcast v37, $0xF;
	v0 =	vsel vm8, v0, v57  }
0x424: {  	v61 =	vbroadcast v51, $0xF;
	v0 =	vsel vm9, v0, v59;
	v62, _, _ =	vpop (xrf2)  }
0x425: {  	v0 =	vsel vm10, v0, v60;
	v3 =	vbroadcast v62, $0xF  }
0x426: {  	v63 =	vbroadcast v22, $0xF;
	v0 =	vsel vm11, v0, v61  }
0x427: {  	v0 =	vsel vm12, v0, v3  }
0x428: {  	v0 =	vsel vm13, v0, v63;
	v4, _, _ =	vpop (xrf2)  }
0x429: {  	v0 =	vsel vm14, v0, v4  }
0x42a: {  	v0 =	vsub.f32 $0.0e+00, v0;
	_ =	sdelay $0x1  }
0x42b: {  	v0 =	vmul.f32 $1.442695020e+00, v0;
	_ =	sdelay $0x1  }
0x42c: {  	(erf) = vpow2.f32 v0;
	_ =	sdelay $0x8  }
0x42d: {  	v0 =	vpop (erf)  }
0x42e: {  	v0 =	vadd.f32 $1.000000000e+00, v0;
	_ =	sdelay $0x1  }
0x42f: {  	(erf) = vrcp.f32 v0;
	_ =	sdelay $0x8  }
0x430: {  	s16 =	sand.u32 $0xF0, s14;
	v0 =	vpop (erf)  }
0x431: {  	s13 =	sadd.s32 $0x800, s13;
	[tilespmem:s16+$0x10500] =	vst v0  }
0x432: {  	s12 =	sadd.s32 $0x800, s12;
	v31 =	vld [tilespmem:s13+$0x330]  }
0x433: {  	v34 =	vld [tilespmem:s12+$0x330]  }
0x434: {  	v0 =	vld [tilespmem:s13+$0x390]  }
0x435: {  	v5 =	vld [tilespmem:s12+$0x390]  }
0x436: {  	v30 =	vld [tilespmem:s13+$0x320]  }
0x437: {  	v33 =	vld [tilespmem:s12+$0x320]  }
0x438: {  	v6 =	vld [tilespmem:s13+$0x380]  }
0x439: {  	v7 =	vld [tilespmem:s12+$0x380]  }
0x43a: {  	v32 =	vld [tilespmem:s13+$0x230]  }
0x43b: {  	v35 =	vld [tilespmem:s12+$0x230]  }
0x43c: {  	v8 =	vld [tilespmem:s13+$0x2A0]  }
0x43d: {  	v27 =	vld [tilespmem:s13+$0x310]  }
0x43e: {  	v51 =	vld [tilespmem:s12+$0x310]  }
0x43f: {  	v9 =	vld [tilespmem:s13+$0x1B0]  }
0x440: {  	v10 =	vld [tilespmem:s12+$0x1B0]  }
0x441: {  	v46 =	vld [tilespmem:s13+$0x220]  }
0x442: {  	v47 =	vld [tilespmem:s12+$0x220]  }
0x443: {  	v11 =	vld [tilespmem:s13+$0x290]  }
0x444: {  	v36 =	vld [tilespmem:s12+$0x290]  }
0x445: {  	v24 =	vld [tilespmem:s12+$0x300]  }
0x446: {  	v45 =	vld [tilespmem:s12+$0x1A0]  }
0x447: {  	v56 =	vld [tilespmem:s13+$0x210]  }
0x448: {  	v59 =	vld [tilespmem:s12+$0x210]  }
0x449: {  	v37 =	vld [tilespmem:s13+$0x280]  }
0x44a: {  	v38 =	vld [tilespmem:s12+$0x280]  }
0x44b: {  	v40 =	vld [tilespmem:s12+$0xB0]  }
0x44c: {  	v39 =	vld [tilespmem:s13+$0x120]  }
0x44d: {  	v57 =	vld [tilespmem:s13+$0x190]  }
0x44e: {  	v60 =	vld [tilespmem:s12+$0x190]  }
0x44f: {  	v61 =	vld [tilespmem:s13+$0x200]  }
0x450: {  	v62 =	vld [tilespmem:s12+$0x200]  }
0x451: {  	v41 =	vld [tilespmem:s13+$0x30]  }
0x452: {  	v52 =	vld [tilespmem:s12+$0xA0]  }
0x453: {  	v42 =	vld [tilespmem:s13+$0x110]  }
0x454: {  	v43 =	vld [tilespmem:s12+$0x110]  }
0x455: {  	v63 =	vld [tilespmem:s13+$0x180]  }
0x456: {  	v1 =	vld [tilespmem:s12+$0x180]  }
0x457: {  	v48 =	vld [tilespmem:s13+$0x20]  }
0x458: {  	v49 =	vld [tilespmem:s12+$0x20]  }
0x459: {  	v2 =	vld [tilespmem:s13+$0x90]  }
0x45a: {  	v3 =	vld [tilespmem:s12+$0x90]  }
0x45b: {  	v22 =	vld [tilespmem:s13+$0x100]  }
0x45c: {  	v44 =	vld [tilespmem:s12+$0x100]  }
0x45d: {  	v50 =	vld [tilespmem:s13+$0xFFFFFFA0]  }
0x45e: {  	v4 =	vld [tilespmem:s13+$0x10]  }
0x45f: {  	v55 =	vld [tilespmem:s13+$0xFFFFFF20]  }
0x460: {  	v58 =	vld [tilespmem:s12+$0xFFFFFF20]  }
0x461: {  	v53 =	vld [tilespmem:s13+$0xFFFFFF90]  }
0x462: {  	v54 =	vld [tilespmem:s12+$0xFFFFFF90]  }
0x463: {  	v23 =	vld [tilespmem:s13+$0xFFFFFF80]  }
0x464: {  	v20 =	vld [tilespmem:s12+$0xFFFFFF80]  }
0x465: {  	v25 =	vld [tilespmem:s13+$0xFFFFFDB0]  }
0x466: {  	v28 =	vld [tilespmem:s12+$0xFFFFFDB0]  }
0x467: {  	v21 =	vld [tilespmem:s13+$0xFFFFFE20]  }
0x468: {  	v12 =	vld [tilespmem:s13+$0xFFFFFE90]  }
0x469: {  	v13 =	vld [tilespmem:s12+$0xFFFFFE90]  }
0x46a: {  	v14 =	vld [tilespmem:s13+$0xFFFFFF00]  }
0x46b: {  	v15 =	vld [tilespmem:s12+$0xFFFFFF00]  }
0x46c: {  	v26 =	vld [tilespmem:s13+$0xFFFFFD30]  }
0x46d: {  	v29 =	vld [tilespmem:s12+$0xFFFFFD30]  }
0x46e: {  	v16 =	vld [tilespmem:s13+$0xFFFFFDA0]  }
0x46f: {  	v17 =	vld [tilespmem:s12+$0xFFFFFDA0]  }
0x470: {  	v19 =	vld [tilespmem:s13+$0xFFFFFE80]  }
0x471: {  	v18 =	vld [tilespmem:s12+$0xFFFFFE80]  }
0x472: {  	[tilespmem:$0x1FBA0] =	vst v0;
	v0 =	vld [tilespmem:s13+$0x300]  }
0x473: {  	[tilespmem:$0x1FC30] =	vst v36;
	v36 =	vld [tilespmem:s13+$0x1A0]  }
0x474: {  	[tilespmem:$0x1FC50] =	vst v38;
	v38 =	vld [tilespmem:s13+$0xB0]  }
0x475: {  	[tilespmem:$0x1FC60] =	vst v39;
	v39 =	vld [tilespmem:s12+$0x30]  }
0x476: {  	[tilespmem:$0x1FC40] =	vst v37;
	v37 =	vld [tilespmem:s13+$0xA0]  }
0x477: {  	[tilespmem:$0x1FC80] =	vst v43;
	v43 =	vld [tilespmem:s13+$0xFFFFFF30]  }
0x478: {  	[tilespmem:$0x1FC90] =	vst v44;
	v44 =	vld [tilespmem:s12+$0xFFFFFF30]  }
0x479: {  	[tilespmem:$0x1FBE0] =	vst v5;
	v5 =	vld [tilespmem:s12+$0x10]  }
0x47a: {  	[tilespmem:$0x1FBF0] =	vst v6;
	v6 =	vld [tilespmem:s13+$0x80]  }
0x47b: {  	[tilespmem:$0x1FC00] =	vst v7;
	v7 =	vld [tilespmem:s12+$0x80]  }
0x47c: {  	[tilespmem:$0x1FBB0] =	vst v41;
	v41 =	vld [tilespmem:s13+$0xFFFFFEB0]  }
0x47d: {  	[tilespmem:$0x1FC70] =	vst v42;
	v42 =	vld [tilespmem:s12+$0xFFFFFEB0]  }
0x47e: {  	[tilespmem:$0x1FC10] =	vst v8;
	v8 =	vld [tilespmem:s13+$0x0]  }
0x47f: {  	[tilespmem:$0x1FB80] =	vst v9;
	v9 =	vld [tilespmem:s12+$0x0]  }
0x480: {  	[tilespmem:$0x1FBD0] =	vst v53;
	v53 =	vld [tilespmem:s13+$0xFFFFFEA0]  }
0x481: {  	[tilespmem:$0x1FBC0] =	vst v54;
	v54 =	vld [tilespmem:s12+$0xFFFFFEA0]  }
0x482: {  	[tilespmem:$0x1FB90] =	vst v10;
	v10 =	vld [tilespmem:s13+$0xFFFFFF10]  }
0x483: {  	[tilespmem:$0x1FC20] =	vst v11;
	v11 =	vld [tilespmem:s12+$0xFFFFFF10]  }
0x484: {  	[tilespmem:$0x1FCA0] =	vst v50;
	v50 =	vld [tilespmem:s13+$0xFFFFFE10]  }
0x485: {  	v51 =	vmul.f32 v51, v27;
	v27 =	vld [tilespmem:s13+$0xFFFFFC30]  }
0x486: {  	v31 =	vmul.f32 v34, v31;
	v34 =	vld [tilespmem:s12+$0xFFFFFD20]  }
0x487: {  	v61 =	vmul.f32 v62, v61;
	v46 =	vmul.f32 v47, v46;
	v47 =	vld [tilespmem:s13+$0xFFFFFD90]  }
0x488: {  	v1 =	vmul.f32 v1, v63;
	v63 =	vmul.f32 v60, v57;
	v57 =	vld [tilespmem:s12+$0xFFFFFD90]  }
0x489: {  	v35 =	vmul.f32 v35, v32;
	v32 =	vld [tilespmem:s12+$0xFFFFFE00]  }
0x48a: {  	v56 =	vmul.f32 v59, v56;
	v61 =	vadd.f32 $0.0e+00, v61;
	v0 =	vmul.f32 v24, v0;
	v24 =	vld [tilespmem:s12+$0xFFFFFE10]  }
0x48b: {  	v1 =	vadd.f32 $0.0e+00, v1;
	v36 =	vmul.f32 v45, v36;
	v45 =	vld [tilespmem:s13+$0xFFFFFD10]  }
0x48c: {  	v62 =	vadd.f32 v56, v61;
	v56 =	vmul.f32 v52, v37;
	v52 =	vld [tilespmem:$0x1FBB0]  }
0x48d: {  	v1 =	vadd.f32 v63, v1;
	v63 =	vmul.f32 v9, v8;
	v9 =	vld [tilespmem:s12+$0xFFFFFD00]  }
0x48e: {  	v60 =	vadd.f32 v46, v62;
	v46 =	vld [tilespmem:$0x1FB80];
	v0 =	vadd.f32 $0.0e+00, v0  }
0x48f: {  	v1 =	vadd.f32 v36, v1;
	v36 =	vld [tilespmem:s12+$0xFFFFFC20]  }
0x490: {  	v59 =	vadd.f32 $0.0e+00, v63;
	v63 =	vld [tilespmem:s12+$0xFFFFFD80];
	v0 =	vadd.f32 v51, v0;
	v51 =	vmul.f32 v33, v30  }
0x491: {  	v62 =	vadd.f32 v35, v60;
	v60 =	vld [tilespmem:s13+$0xFFFFFD80]  }
0x492: {  	v0 =	vadd.f32 v51, v0;
	v51 =	vld [tilespmem:$0x1FB90]  }
0x493: {  	v6 =	vmul.f32 v7, v6;
	v4 =	vmul.f32 v5, v4;
	v35 =	vld [tilespmem:s13+$0xFFFFFC20]  }
0x494: {  	v2 =	vmul.f32 v3, v2;
	v55 =	vmul.f32 v58, v55;
	v30 =	vld [tilespmem:s12+$0xFFFFFC30];
	v0 =	vadd.f32 v31, v0  }
0x495: {  	v61 =	vadd.f32 $0.0e+00, v6;
	v33 =	vld [tilespmem:s13+$0xFFFFFD20];
	v3 =	vadd.f32 v4, v59;
	v4 =	vmul.f32 v39, v52  }
0x496: {  	v39 =	vld [tilespmem:s13+$0xFFFFFC10];
	v59 =	vmul.f32 v63, v60;
	v60 =	vmul.f32 v44, v43;
	(xrf2) =	vadd.scan.msk.f32 $0xffff, v0  }
0x497: {  	v31 =	vld [tilespmem:s13+$0xFFFFFE00];
	v0 =	vadd.f32 v2, v61;
	v61 =	vmul.f32 v15, v14;
	v7 =	vmul.f32 v51, v46;
	(xrf2) =	vadd.scan.msk.f32 $0xffff, v62  }
0x498: {  	v43 =	vld [tilespmem:s12+$0xFFFFFC10];
	v63 =	vmul.f32 v57, v47;
	v46 =	vmul.f32 v49, v48  }
0x499: {  	v44 =	vld [tilespmem:s13+$0xFFFFFC80];
	v49 =	vmul.f32 v11, v10;
	v48 =	vadd.f32 $0.0e+00, v61;
	v1 =	vadd.f32 v7, v1  }
0x49a: {  	v47 =	vmul.f32 v17, v16;
	v17 =	vld [tilespmem:$0x1FBC0];
	v51 =	vmul.f32 v18, v19  }
0x49b: {  	v2 =	vld [tilespmem:s13+$0xFFFFFD00];
	v62 =	vmul.f32 v40, v38;
	v0 =	vadd.f32 v56, v0;
	(xrf2) =	vadd.scan.msk.f32 $0xffff, v1;
	v1 =	vadd.f32 v49, v48  }
0x49c: {  	p0 =	sne.s32 s15, $0xF0;
	v16 =	vld [tilespmem:$0x1FBD0];
	v3 =	vadd.f32 v46, v3;
	v56 =	vadd.f32 $0.0e+00, v51  }
.Ltmp3:
0x49d: {  	v58 =	vmul.f32 v13, v12;
	v38 =	vld [tilespmem:s12+$0xFFFFFD10];
	v0 =	vadd.f32 v62, v0;
	v1 =	vadd.f32 v55, v1;
	(pc) =	sbr.rel @p0 .LBB2_8-.Ltmp3, $4  }
0x49e: {  	v18 =	vld [tilespmem:$0x1FBA0];
	v62 =	vadd.f32 $0.0e+00, v59;
	v3 =	vadd.f32 v4, v3  }
0x49f: {  	v40 =	vld [tilespmem:s12+$0xFFFFFC00];
	v61 =	vmul.f32 v54, v53;
	(xrf2) =	vadd.scan.msk.f32 $0xffff, v0;
	v0 =	vadd.f32 v58, v56;
	v1 =	vadd.f32 v60, v1  }
0x4a0: {  	v15 =	vmov v22;
	v19 =	vmov v23;
	v46 =	vld [tilespmem:s13+$0xFFFFFC00];
	v48 =	vmul.f32 v9, v2;
	v22, _, _ =	vpop (xrf2);
	(xrf2) =	vadd.scan.msk.f32 $0xffff, v3  }
0x4a1: {  	s14 =	smov.u32 s15;
	s15 =	sadd.s32 $0x10, s15;
	v49 =	vmul.f32 v42, v41;
	v41 =	vld [tilespmem:s12+$0xFFFFFC80];
	v42 =	vadd.f32 v63, v62;
	v37 =	vadd.f32 v61, v0;
	v51, _, _ =	vpop (xrf2);
	(xrf2) =	vadd.scan.msk.f32 $0xffff, v1  }
0x4a2: {  	v0 =	vld [tilespmem:s13+$0xFFFFFC90]  }
0x4a3: {  	v1 =	vadd.f32 $0.0e+00, v48;
	v2 =	vmul.f32 v38, v45;
	v4 =	vld [tilespmem:s12+$0xFFFFFC90];
	v7 =	vmul.f32 v43, v39  }
0x4a4: {  	v6 =	vld [tilespmem:s13+$0xFFFFFCA0];
	v10 =	vmul.f32 v28, v25;
	v13 =	vmul.f32 v36, v35  }
0x4a5: {  	v8 =	vld [tilespmem:s12+$0xFFFFFCA0];
	v1 =	vadd.f32 v2, v1;
	v2 =	vmul.f32 v34, v33;
	v3 =	vmul.f32 v40, v46  }
0x4a6: {  	v12 =	vld [tilespmem:s13+$0xFFFFFCB0];
	v62 =	vmul.f32 v30, v27;
	v5 =	vadd.f32 v49, v37;
	v11 =	vmul.f32 v41, v44  }
0x4a7: {  	v58 =	vld [tilespmem:s12+$0xFFFFFCB0];
	v1 =	vadd.f32 v2, v1;
	v2 =	vmul.f32 v29, v26;
	v3 =	vadd.f32 $0.0e+00, v3  }
0x4a8: {  	v59 =	vld [tilespmem:s12+$0xFFFFFE20];
	v9 =	vadd.f32 v47, v42;
	v0 =	vmul.f32 v4, v0;
	v11 =	vadd.f32 $0.0e+00, v11  }
0x4a9: {  	v60 =	vld [tilespmem:s13+$0xFFFFFE30];
	v1 =	vadd.f32 v2, v1;
	v2 =	vmul.f32 v32, v31;
	v3 =	vadd.f32 v7, v3  }
0x4aa: {  	v61 =	vld [tilespmem:s12+$0xFFFFFE30];
	v9 =	vadd.f32 v10, v9;
	v6 =	vmul.f32 v8, v6;
	v0 =	vadd.f32 v0, v11  }
0x4ab: {  	v63 =	vmul.f32 v24, v50;
	v14 =	vld [tilespmem:s12+$0xFFFFFFA0];
	v2 =	vadd.f32 $0.0e+00, v2;
	v3 =	vadd.f32 v13, v3  }
0x4ac: {  	v19 =	vmul.f32 v20, v19;
	v20 =	vld [tilespmem:s13+$0xFFFFFFB0];
	(xrf2) =	vadd.scan.msk.f32 $0xffff, v5;
	v12 =	vmul.f32 v58, v12;
	v0 =	vadd.f32 v6, v0  }
0x4ad: {  	v23 =	vld [tilespmem:s12+$0xFFFFFFB0];
	(xrf2) =	vadd.scan.msk.f32 $0xffff, v9;
	v4 =	vmul.f32 v59, v21;
	v2 =	vadd.f32 v63, v2;
	v3 =	vadd.f32 v62, v3  }
0x4ae: {  	v25 =	vld [tilespmem:s12+$0x120];
	(xrf2) =	vadd.scan.msk.f32 $0xffff, v1  }
0x4af: {  	v26 =	vld [tilespmem:$0x1FC90];
	v0 =	vadd.f32 v12, v0;
	v2 =	vadd.f32 v4, v2;
	(xrf2) =	vadd.scan.msk.f32 $0xffff, v3;
	v3 =	vmul.f32 v61, v60  }
0x4b0: {  	v30 =	vld [tilespmem:$0x1FC80]  }
0x4b1: {  	(xrf2) =	vadd.scan.msk.f32 $0xffff, v0;
	v0 =	vadd.f32 v3, v2;
	v3 =	vld [tilespmem:$0x1FC70]  }
0x4b2: {  	v27 =	vld [tilespmem:s13+$0x130]  }
0x4b3: {  	v28 =	vld [tilespmem:$0x1FCA0]  }
0x4b4: {  	v35 =	vld [tilespmem:$0x1FC50];
	v4 =	vmul.f32 v26, v15  }
0x4b5: {  	v36 =	vld [tilespmem:s13+$0x2B0]  }
0x4b6: {  	v38 =	vld [tilespmem:s12+$0x2B0];
	v2 =	vadd.f32 $0.0e+00, v4;
	v3 =	vmul.f32 v30, v3  }
0x4b7: {  	v48 =	vld [tilespmem:$0x1FC00]  }
0x4b8: {  	v2 =	vadd.f32 v3, v2;
	v3 =	vld [tilespmem:$0x1FC60]  }
0x4b9: {  	v47 =	vld [tilespmem:$0x1FBF0]  }
0x4ba: {  	v24 =	vmul.f32 v17, v16;
	v29 =	vld [tilespmem:s12+$0x130];
	v1 =	vadd.f32 $0.0e+00, v19  }
0x4bb: {  	v34 =	vld [tilespmem:$0x1FC40]  }
0x4bc: {  	v40 =	vld [tilespmem:$0x1FC20];
	v5 =	vmul.f32 v14, v28;
	v1 =	vadd.f32 v24, v1  }
0x4bd: {  	v41 =	vld [tilespmem:$0x1FC30];
	v3 =	vmul.f32 v25, v3  }
0x4be: {  	v46 =	vld [tilespmem:$0x1FC10];
	v33 =	vmul.f32 v23, v20;
	v1 =	vadd.f32 v5, v1  }
0x4bf: {  	v31 =	vld [tilespmem:s12+$0x2A0];
	v32, _, _ =	vpop (xrf2);
	v2 =	vadd.f32 v3, v2;
	v3 =	vmul.f32 v29, v27  }
0x4c0: {  	v42 =	vld [tilespmem:s13+$0x3A0];
	v7 =	vmul.f32 v35, v34;
	v37, _, _ =	vpop (xrf2);
	v1 =	vadd.f32 v33, v1;
	(xrf2) =	vadd.scan.msk.f32 $0xffff, v0  }
0x4c1: {  	v0, _, _ =	vpop (xrf2);
	v2 =	vadd.f32 v3, v2;
	v3 =	vld [tilespmem:$0x1FBE0]  }
0x4c2: {  	v44 =	vld [tilespmem:s12+$0x3A0];
	v39 =	vadd.f32 $0.0e+00, v7;
	v7 =	vmul.f32 v41, v40;
	v43, _, _ =	vpop (xrf2)  }
0x4c3: {  	v50 =	vld [tilespmem:s12+$0x3B0];
	(xrf2) =	vadd.scan.msk.f32 $0xffff, v1;
	v45, _, _ =	vpop (xrf2)  }
0x4c4: {  	v49 =	vld [tilespmem:s13+$0x3B0];
	v5 =	vadd.f32 v7, v39;
	v7 =	vmul.f32 v48, v47;
	v4 =	vmul.f32 v31, v46;
	v1, _, _ =	vpop (xrf2)  }
0x4c5: {  	v53 =	vmul.f32 v38, v36;
	v52, _, _ =	vpop (xrf2)  }
0x4c6: {  	v54 =	vadd.f32 $0.0e+00, v7;
	v4 =	vadd.f32 v4, v5;
	v55, _, _ =	vpop (xrf2);
	(xrf2) =	vadd.scan.msk.f32 $0xffff, v2;
	v3 =	vmul.f32 v3, v18  }
0x4c7: {  	v56 =	vmul.f32 v44, v42;
	v57, _, _ =	vpop (xrf2);
	v58 =	vbroadcast v55, $0xF  }
0x4c8: {  	v5 =	vbroadcast v57, $0xF;
	v2 =	vadd.f32 v53, v4;
	v3 =	vadd.f32 v3, v54  }
0x4c9: {  	v60 =	vmul.f32 v50, v49;
	v59 =	vbroadcast v52, $0xF  }
0x4ca: {  	v1 =	vbroadcast v1, $0xF;
	v61, _, _ =	vpop (xrf2);
	(xrf2) =	vadd.scan.msk.f32 $0xffff, v2;
	v2 =	vsel vm0, v58, v5;
	v3 =	vadd.f32 v56, v3  }
0x4cb: {  	v5 =	vbroadcast v61, $0xF;
	v2 =	vsel vm1, v2, v59  }
0x4cc: {  	v1 =	vsel vm2, v2, v1;
	v2 =	vbroadcast v45, $0xF;
	v3 =	vadd.f32 v60, v3  }
0x4cd: {  	v62 =	vbroadcast v43, $0xF;
	v63, _, _ =	vpop (xrf2);
	v1 =	vsel vm3, v1, v5  }
0x4ce: {  	v1 =	vsel vm4, v1, v2;
	v2 =	vbroadcast v63, $0xF  }
0x4cf: {  	v0 =	vbroadcast v0, $0xF;
	v1 =	vsel vm5, v1, v62;
	(xrf2) =	vadd.scan.msk.f32 $0xffff, v3  }
0x4d0: {  	v1 =	vsel vm6, v1, v2;
	v2 =	vbroadcast v37, $0xF;
	v3, _, _ =	vpop (xrf2)  }
0x4d1: {  	v0 =	vsel vm7, v1, v0;
	v1 =	vbroadcast v3, $0xF  }
0x4d2: {  	v0 =	vsel vm8, v0, v2;
	v2 =	vbroadcast v32, $0xF  }
0x4d3: {  	v0 =	vsel vm9, v0, v1;
	v1 =	vbroadcast v51, $0xF  }
0x4d4: {  	v0 =	vsel vm10, v0, v2  }
0x4d5: {  	v3, _, _ =	vpop (xrf2);
	v0 =	vsel vm11, v0, v1;
	v1 =	vbroadcast v22, $0xF  }
0x4d6: {  	v2 =	vbroadcast v3, $0xF;
	_ =	sdelay $0x1  }
0x4d7: {  	v0 =	vsel vm12, v0, v2  }
0x4d8: {  	v0 =	vsel vm13, v0, v1;
	v1, _, _ =	vpop (xrf2)  }
0x4d9: {  	v0 =	vsel vm14, v0, v1  }
0x4da: {  	v0 =	vsub.f32 $0.0e+00, v0;
	_ =	sdelay $0x1  }
0x4db: {  	v0 =	vmul.f32 $1.442695020e+00, v0;
	_ =	sdelay $0x1  }
0x4dc: {  	(erf) = vpow2.f32 v0;
	_ =	sdelay $0x8  }
0x4dd: {  	v0 =	vpop (erf)  }
0x4de: {  	v0 =	vadd.f32 $1.000000000e+00, v0;
	_ =	sdelay $0x1  }
0x4df: {  	(erf) = vrcp.f32 v0;
	_ =	sdelay $0x7  }
0x4e0: {  	s11 =	sadd.s32 $0x1, s11  }
0x4e1: {  	s31 =	sand.u32 $0xF0, s14;
	p0 =	sne.s32 s11, s7;
	v0 =	vpop (erf)  }
.Ltmp4:
0x4e2: {  	[tilespmem:s31+$0x10500] =	vst v0;
	(pc) =	sbr.rel @p0 .LBB2_1-.Ltmp4, $4  }
0x4e3: {  	[hbm4b:s6+s2] =	stream.linear.scatter [tilespmem:s10], [sflag:$0x2], $0x200, $0x38;
	[tilespmem:$0x10600] =	vst v63  }
0x4e4: {  	_ =	swait.ge [sflag:s8], $0x200  }
0x4e5: {  	[sflag:s8] =	ssyncset.done $0x0  }
0x4e6: {  	v0 =	vimm.s32 $0x0;
	[sflag:s8] =	ssyncadd.s32 $0xFFFFFE00  }
0x4e7: {  	_ =	sfence.sel $0x180000  }
0x4e8: {  	[bflag:$0x0] =	sbarrier.arrive $0xFFFF  }
0x4e9: {  	p0 =	sne.s32 s1, $0x0;
	_ =	strace $0x90000047  }
0x4ea: {  	s0 =	sadd.s32 @!p0 $0x100000, s0;
	[bflag:$0x2] =	sbarrier.arrive $0xFFFF  }
0x4eb: {  	[sflag:s0] =	ssyncadd.tile.s32 @!p0 $0x1;
	_ =	shalt  }
.Lfunc_end2:
_tile_overlayer_lowered:
.L_overlay_start_2:
0x4ec: {  	(tag) =	ssettag $0x2  }
0x4ed: {  	s0 =	rddreg [dreg:$0x0];
	s2 =	stileid.u32  }
0x4ee: {  	s1 =	rddreg [dreg:$0x1];
	p0 =	sne.s32 s2, $0x0  }
0x4ef: {  	s3 =	rddreg [dreg:$0x2];
	[bflag:$0x3] =	sbarrier.arrive $0xFFFF;
	s2 =	simm.s32 @!p0 $0x1C02  }
0x4f0: {  	[timem:s3], [sflag:s2] =	dma.local @!p0 [hbm:s0], s1  }
0x4f1: {  	s0 =	simm.s32 @!p0 $0x2  }
0x4f2: {  	_ =	swait.ge @!p0 [sflag:s0], s1  }
0x4f3: {  	s1 =	ssub.s32 @!p0 $0x0, s1;
	[sflag:s0] =	ssyncset.done @!p0 $0x0  }
0x4f4: {  	[sflag:s0] =	ssyncadd.s32 @!p0 s1  }
0x4f5: {  	[bflag:$0x3] =	sbarrier.arrive $0xFFFF  }
0x4f6: {  	_ =	shalt  }

</sc_bundles>
